<compile_context>
chip_gen: v7x
topology: tpu7x:2x2x1
jax: 0.10.2.dev20260603
libtpu: 0.0.44.dev20260713+nightly
codegen_flags: <defaults>
</compile_context>

<pallas_src>
import functools

import jax
import jax.numpy as jnp
from jax import lax
from jax.experimental import pallas as pl
from jax.experimental.pallas import tpu as pltpu
from jax.experimental.pallas import tpu_sc as plsc

IN_FEAT = 128
FEATURES = 512
HIDDEN = 512
N_TIME = 32
N_PLAYERS = 16
TOTAL = 32768
NUM_SEG = N_TIME * N_PLAYERS


_BLK = 2048


def _embed_body(x_ref, w1_ref, g1_ref, b1_ref, w2_ref, g2_ref, b2_ref, o_ref):
    x = x_ref[...]
    h = jnp.dot(x, w1_ref[...], preferred_element_type=jnp.float32)
    h = jnp.where(h >= 0, h, 0.1 * h)
    mu = jnp.mean(h, axis=-1, keepdims=True)
    var = jnp.mean((h - mu) ** 2, axis=-1, keepdims=True)
    h = (h - mu) / jnp.sqrt(var + 1e-5) * g1_ref[...] + b1_ref[...]
    e = jnp.dot(h, w2_ref[...], preferred_element_type=jnp.float32)
    e = jnp.where(e >= 0, e, 0.1 * e)
    mu2 = jnp.mean(e, axis=-1, keepdims=True)
    var2 = jnp.mean((e - mu2) ** 2, axis=-1, keepdims=True)
    o_ref[...] = (e - mu2) / jnp.sqrt(var2 + 1e-5) * g2_ref[...] + b2_ref[...]


def _embed(flat_obs, W1, g1, b1, W2, g2, b2):
    grid = (TOTAL // _BLK,)
    return pl.pallas_call(
        _embed_body,
        grid=grid,
        in_specs=[
            pl.BlockSpec((_BLK, IN_FEAT), lambda i: (i, 0)),
            pl.BlockSpec((IN_FEAT, FEATURES // 2), lambda i: (0, 0)),
            pl.BlockSpec((1, FEATURES // 2), lambda i: (0, 0)),
            pl.BlockSpec((1, FEATURES // 2), lambda i: (0, 0)),
            pl.BlockSpec((FEATURES // 2, FEATURES), lambda i: (0, 0)),
            pl.BlockSpec((1, FEATURES), lambda i: (0, 0)),
            pl.BlockSpec((1, FEATURES), lambda i: (0, 0)),
        ],
        out_specs=pl.BlockSpec((_BLK, FEATURES), lambda i: (i, 0)),
        out_shape=jax.ShapeDtypeStruct((TOTAL, FEATURES), jnp.float32),
    )(flat_obs, W1, g1, b1, W2, g2, b2)



_NC = 2
_NS = 16
_NW = _NC * _NS
_NCG = 4
_NRG = _NW // _NCG
_CW = FEATURES // _NCG
_RPW = TOTAL // _NRG
_CHUNK = 128


def _segsum_body(
    emb_hbm, ids_hbm, out_hbm,
    idx0, idx1, rows0, rows1, acc_v,
    semi0, semi1, semd0, semd1,
):
    c = lax.axis_index("c")
    s = lax.axis_index("s")
    wid = s * _NC + c
    cg = wid % _NCG
    rg = wid // _NCG
    col0 = cg * _CW
    zero16 = jnp.zeros((16,), jnp.float32)
    idx = (idx0, idx1)
    rows = (rows0, rows1)
    semi = (semi0, semi1)
    semd = (semd0, semd1)
    nch = _RPW // _CHUNK

    def start(k, b):
        base = rg * _RPW + k * _CHUNK
        pltpu.make_async_copy(ids_hbm.at[pl.ds(base, _CHUNK)], idx[b], semi[b]).start()
        pltpu.make_async_copy(
            emb_hbm.at[pl.ds(base, _CHUNK), pl.ds(col0, _CW)], rows[b], semd[b]
        ).start()

    def wait(k, b):
        base = rg * _RPW + k * _CHUNK
        pltpu.make_async_copy(ids_hbm.at[pl.ds(base, _CHUNK)], idx[b], semi[b]).wait()
        pltpu.make_async_copy(
            emb_hbm.at[pl.ds(base, _CHUNK), pl.ds(col0, _CW)], rows[b], semd[b]
        ).wait()

    start(0, 0)

    def zbody(i, carry):
        for j in range(_CW // 16):
            acc_v[i, pl.ds(j * 16, 16)] = zero16
        return carry

    lax.fori_loop(0, NUM_SEG, zbody, 0)

    def accumulate(idx_v, rows_v):
        def grp_body(g, carry2):
            ids16 = idx_v[pl.ds(g * 16, 16)]
            r0 = g * 16
            segs = [ids16[rr] for rr in range(16)]
            for rr in range(16):
                seg = segs[rr]
                for j in range(_CW // 16):
                    plsc.addupdate(
                        acc_v.at[seg, pl.ds(j * 16, 16)],
                        rows_v[r0 + rr, pl.ds(j * 16, 16)],
                    )
            return carry2

        lax.fori_loop(0, _CHUNK // 16, grp_body, 0)

    def chunk_body(k2, carry):
        for b in range(2):
            k = k2 * 2 + b

            @pl.when(k + 1 < nch)
            def _():
                start(k + 1, 1 - b)

            wait(k, b)
            accumulate(idx[b], rows[b])
        return carry

    lax.fori_loop(0, nch // 2, chunk_body, 0)
    pltpu.sync_copy(acc_v, out_hbm.at[rg, :, pl.ds(col0, _CW)])


def _segsum(emb, ids):
    mesh = plsc.VectorSubcoreMesh(core_axis_name="c", subcore_axis_name="s")
    return pl.kernel(
        _segsum_body,
        mesh=mesh,
        out_type=jax.ShapeDtypeStruct((_NRG, NUM_SEG, FEATURES), jnp.float32),
        scratch_types=[
            pltpu.VMEM((_CHUNK,), jnp.int32),
            pltpu.VMEM((_CHUNK,), jnp.int32),
            pltpu.VMEM((_CHUNK, _CW), jnp.float32),
            pltpu.VMEM((_CHUNK, _CW), jnp.float32),
            pltpu.VMEM((NUM_SEG, _CW), jnp.float32),
            pltpu.SemaphoreType.DMA,
            pltpu.SemaphoreType.DMA,
            pltpu.SemaphoreType.DMA,
            pltpu.SemaphoreType.DMA,
        ],
    )(emb, ids)




def _lstm_body(p_ref, wih_ref, whh_ref, b_ref, o_ref, xw_s, h_s, c_s):
    t = pl.program_id(0)

    @pl.when(t == 0)
    def _():
        seq = jnp.sum(p_ref[...], axis=0)
        xw_s[...] = jnp.dot(
            seq,
            wih_ref[...],
            preferred_element_type=jnp.float32,
            precision=jax.lax.Precision.HIGHEST,
        )
        h_s[...] = jnp.zeros((N_PLAYERS, HIDDEN), jnp.float32)
        c_s[...] = jnp.zeros((N_PLAYERS, HIDDEN), jnp.float32)

    h = h_s[...]
    gates = (
        xw_s[pl.ds(t * N_PLAYERS, N_PLAYERS), :]
        + jnp.dot(
            h,
            whh_ref[...],
            preferred_element_type=jnp.float32,
            precision=jax.lax.Precision.HIGHEST,
        )
    ) + b_ref[...]
    i = jax.nn.sigmoid(gates[:, :HIDDEN])
    f = jax.nn.sigmoid(gates[:, HIDDEN : 2 * HIDDEN])
    g = jnp.tanh(gates[:, 2 * HIDDEN : 3 * HIDDEN])
    o = jax.nn.sigmoid(gates[:, 3 * HIDDEN :])
    c_new = f * c_s[...] + i * g
    h_new = o * jnp.tanh(c_new)
    h_s[...] = h_new
    c_s[...] = c_new
    o_ref[...] = h_new[None]


def _lstm(pooled, W_ih, W_hh, b):
    return pl.pallas_call(
        _lstm_body,
        grid=(N_TIME,),
        in_specs=[
            pl.BlockSpec((_NRG, NUM_SEG, FEATURES), lambda t: (0, 0, 0)),
            pl.BlockSpec((FEATURES, 4 * HIDDEN), lambda t: (0, 0)),
            pl.BlockSpec((HIDDEN, 4 * HIDDEN), lambda t: (0, 0)),
            pl.BlockSpec((1, 4 * HIDDEN), lambda t: (0, 0)),
        ],
        out_specs=pl.BlockSpec((1, N_PLAYERS, HIDDEN), lambda t: (t, 0, 0)),
        out_shape=jax.ShapeDtypeStruct((N_TIME, N_PLAYERS, HIDDEN), jnp.float32),
        scratch_shapes=[
            pltpu.VMEM((NUM_SEG, 4 * HIDDEN), jnp.float32),
            pltpu.VMEM((N_PLAYERS, HIDDEN), jnp.float32),
            pltpu.VMEM((N_PLAYERS, HIDDEN), jnp.float32),
        ],
    )(pooled, W_ih, W_hh, b)


def kernel(flat_obs, segment_ids, W1, ln1_g, ln1_b, W2, ln2_g, ln2_b, W_ih, W_hh, b):
    ids = segment_ids.astype(jnp.int32)
    emb = _embed(
        flat_obs,
        W1,
        ln1_g.reshape(1, -1),
        ln1_b.reshape(1, -1),
        W2,
        ln2_g.reshape(1, -1),
        ln2_b.reshape(1, -1),
    )
    pooled = _segsum(emb, ids)
    return _lstm(pooled, W_ih, W_hh, b.reshape(1, -1))

# --- scband reference (transcript-rebuilt; emitter-appended) ---
"""Pipeline reference for scband-dyn-evn-encoder-30545807409966 (READ-ONLY COPY).

The authoritative reference and input builder live on the scoring server;
editing this copy changes nothing except your own understanding.
"""

import jax, jax.numpy as jnp
import numpy as np

IN_FEAT = 128
FEATURES = 512
HIDDEN = 512
N_TIME = 32
N_PLAYERS = 16
TOTAL = 32768
NUM_SEG = N_TIME * N_PLAYERS


def leaky_relu(x):
    return jnp.where(x >= 0, x, 0.1 * x)


def layernorm(x, g, b):
    mu = jnp.mean(x, axis=-1, keepdims=True)
    var = jnp.var(x, axis=-1, keepdims=True)
    return (x - mu) / jnp.sqrt(var + 1e-5) * g + b


def setup_inputs(seed: int = 0) -> dict:
    key = jax.random.key(seed)
    ks = jax.random.split(key, 8)
    inp = {}
    inp['flat_obs'] = jax.random.normal(ks[0], (TOTAL, IN_FEAT), dtype=jnp.float32)
    inp['segment_ids'] = jnp.sort(jax.random.randint(ks[1], (TOTAL,), 0, NUM_SEG)).astype(jnp.int64)
    # EmbedBlock params (Linear(no bias) -> LeakyReLU -> LN -> Linear(no bias) -> LeakyReLU -> LN)
    inp['W1'] = jax.random.normal(ks[2], (IN_FEAT, FEATURES // 2), dtype=jnp.float32) * 0.05
    inp['ln1_g'] = jnp.ones((FEATURES // 2,), dtype=jnp.float32)
    inp['ln1_b'] = jnp.zeros((FEATURES // 2,), dtype=jnp.float32)
    inp['W2'] = jax.random.normal(ks[3], (FEATURES // 2, FEATURES), dtype=jnp.float32) * 0.05
    inp['ln2_g'] = jnp.ones((FEATURES,), dtype=jnp.float32)
    inp['ln2_b'] = jnp.zeros((FEATURES,), dtype=jnp.float32)
    # LSTMCell params
    inp['W_ih'] = jax.random.normal(ks[4], (FEATURES, 4 * HIDDEN), dtype=jnp.float32) * 0.05
    inp['W_hh'] = jax.random.normal(ks[5], (HIDDEN, 4 * HIDDEN), dtype=jnp.float32) * 0.05
    inp['b'] = jnp.zeros((4 * HIDDEN,), dtype=jnp.float32)
    return inp


def reference(flat_obs, segment_ids, W1, ln1_g, ln1_b, W2, ln2_g, ln2_b, W_ih, W_hh, b):
    # EmbedBlock on the flattened ragged observations (all object sightings)
    h1 = layernorm(leaky_relu(flat_obs @ W1), ln1_g, ln1_b)
    emb = layernorm(leaky_relu(h1 @ W2), ln2_g, ln2_b)
    # rearrange_outputs equivalent: pool sightings into (time, player) slots
    pooled = jax.ops.segment_sum(emb, segment_ids, num_segments=NUM_SEG)
    seq = pooled.reshape(N_TIME, N_PLAYERS, FEATURES)
    # LSTMCell rollout over time (LSTMLayer)
    def step(carry, x_t):
        h, c = carry
        gates = x_t @ W_ih + h @ W_hh + b
        i, f, g, o = jnp.split(gates, 4, axis=-1)
        i = jax.nn.sigmoid(i)
        f = jax.nn.sigmoid(f)
        g = jnp.tanh(g)
        o = jax.nn.sigmoid(o)
        c_new = f * c + i * g
        h_new = o * jnp.tanh(c_new)
        return (h_new, c_new), h_new
    h0 = jnp.zeros((N_PLAYERS, HIDDEN), dtype=jnp.float32)
    c0 = jnp.zeros((N_PLAYERS, HIDDEN), dtype=jnp.float32)
    (_, _), hs = jax.lax.scan(step, (h0, c0), seq)
    return hs

if __name__ == "__main__":
    import jax
    _d = setup_inputs()
    print(jax.jit(kernel)(*tuple(_d.values())))

</pallas_src>

<mosaic_0001>
#map = affine_map<(d0, d1) -> (0, 0)>
#map1 = affine_map<(d0, d1) -> (0)>
#map2 = affine_map<(d0, d1) -> (0, 0, 0)>
module attributes {stable_mosaic.version = 14 : i64} {
  func.func @_segsum_body(%arg0: i32, %arg1: i32, %arg2: memref<32768x512xf32, #tpu.memory_space<hbm>>, %arg3: memref<32768xi32, #tpu.memory_space<hbm>>, %arg4: memref<8x512x512xf32, #tpu.memory_space<hbm>>, %arg5: memref<128xi32, #tpu.memory_space<vmem>>, %arg6: memref<128xi32, #tpu.memory_space<vmem>>, %arg7: memref<128x128xf32, #tpu.memory_space<vmem>>, %arg8: memref<128x128xf32, #tpu.memory_space<vmem>>, %arg9: memref<512x128xf32, #tpu.memory_space<vmem>>, %arg10: memref<!tpu.dma_semaphore, #tpu.memory_space<semaphore_mem>>, %arg11: memref<!tpu.dma_semaphore, #tpu.memory_space<semaphore_mem>>, %arg12: memref<!tpu.dma_semaphore, #tpu.memory_space<semaphore_mem>>, %arg13: memref<!tpu.dma_semaphore, #tpu.memory_space<semaphore_mem>>) attributes {dimension_semantics = [#tpu.dimension_semantics<core_parallel>, #tpu.dimension_semantics<subcore_parallel>], iteration_bounds = array<i64: 2, 16>, scalar_prefetch = 0 : i64, scratch_operands = 9 : i64, tpu.core_type = #tpu.core_type<sc_vector_subcore>, window_params = [{transform_indices = #map}, {transform_indices = #map1}, {transform_indices = #map2}]} {
    %mul3A = arith.constant 2 : i32
    %mul3A_0 = arith.muli %arg1, %mul3A : i32
    %add3A = arith.addi %mul3A_0, %arg0 : i32
    %jit3A = arith.constant 4 : i32
    %eq3A = arith.constant 0 : i32
    %eq3A_1 = arith.cmpi eq, %jit3A, %eq3A : i32
    %jit3A_2 = arith.constant 1 : i32
    %select_n3A = arith.select %eq3A_1, %jit3A_2, %jit3A : i32
    %rem3A = arith.remsi %add3A, %select_n3A : i32
    %ne3A = arith.constant 0 : i32
    %ne3A_3 = arith.cmpi ne, %rem3A, %ne3A : i32
    %lt3A = arith.constant 0 : i32
    %lt3A_4 = arith.cmpi slt, %rem3A, %lt3A : i32
    %lt3A_5 = arith.constant 0 : i32
    %lt3A_6 = arith.cmpi slt, %select_n3A, %lt3A_5 : i32
    %ne3A_7 = arith.xori %lt3A_4, %lt3A_6 : i1
    %and3A = arith.andi %ne3A_7, %ne3A_3 : i1
    %add3A_8 = arith.addi %rem3A, %select_n3A : i32
    %select_n3A_9 = arith.select %and3A, %add3A_8, %rem3A : i32
    %jit3A_10 = arith.constant 4 : i32
    %div3A = arith.divsi %add3A, %jit3A_10 : i32
    %sign3A = arith.constant 0 : i32
    %sign3A_11 = arith.cmpi sgt, %add3A, %sign3A : i32
    %sign3A_12 = arith.extui %sign3A_11 : i1 to i32
    %sign3A_13 = arith.constant 0 : i32
    %sign3A_14 = arith.cmpi slt, %add3A, %sign3A_13 : i32
    %sign3A_15 = arith.extui %sign3A_14 : i1 to i32
    %sign3A_16 = arith.subi %sign3A_12, %sign3A_15 : i32
    %sign3A_17 = arith.constant 0 : i32
    %sign3A_18 = arith.cmpi sgt, %jit3A_10, %sign3A_17 : i32
    %sign3A_19 = arith.extui %sign3A_18 : i1 to i32
    %sign3A_20 = arith.constant 0 : i32
    %sign3A_21 = arith.cmpi slt, %jit3A_10, %sign3A_20 : i32
    %sign3A_22 = arith.extui %sign3A_21 : i1 to i32
    %sign3A_23 = arith.subi %sign3A_19, %sign3A_22 : i32
    %ne3A_24 = arith.cmpi ne, %sign3A_16, %sign3A_23 : i32
    %rem3A_25 = arith.remsi %add3A, %jit3A_10 : i32
    %ne3A_26 = arith.constant 0 : i32
    %ne3A_27 = arith.cmpi ne, %rem3A_25, %ne3A_26 : i32
    %and3A_28 = arith.andi %ne3A_24, %ne3A_27 : i1
    %sub3A = arith.constant 1 : i32
    %sub3A_29 = arith.subi %div3A, %sub3A : i32
    %select_n3A_30 = arith.select %and3A_28, %sub3A_29, %div3A : i32
    %mul3A_31 = arith.constant 128 : i32
    %mul3A_32 = arith.muli %select_n3A_9, %mul3A_31 : i32
    %broadcast_in_dim3A = arith.constant 0.000000e+00 : f32
    %broadcast_in_dim3A_33 = vector.broadcast %broadcast_in_dim3A : f32 to vector<16xf32>
    %mul3A_34 = arith.constant 4096 : i32
    %mul3A_35 = arith.muli %select_n3A_30, %mul3A_34 : i32
    %add3A_36 = arith.constant 0 : i32
    %add3A_37 = arith.addi %mul3A_35, %add3A_36 : i32
    %dma_start3A = tpu.memref_slice %arg3[%add3A_37] : memref<32768xi32, #tpu.memory_space<hbm>> -> memref<128xi32, #tpu.memory_space<hbm>>
    %dma_start3A_38 = tpu.memref_slice %arg3[%add3A_37] : memref<32768xi32, #tpu.memory_space<hbm>> -> memref<128xi32, #tpu.memory_space<hbm>>
    tpu.enqueue_dma source(%dma_start3A_38 : memref<128xi32, #tpu.memory_space<hbm>>) target(%arg5 : memref<128xi32, #tpu.memory_space<vmem>>) target_semaphore(%arg10 : memref<!tpu.dma_semaphore, #tpu.memory_space<semaphore_mem>>)
    %dma_start3A_39 = tpu.memref_slice %arg2[%add3A_37, %mul3A_32] : memref<32768x512xf32, #tpu.memory_space<hbm>> -> memref<128x128xf32, #tpu.memory_space<hbm>>
    %dma_start3A_40 = tpu.memref_slice %arg2[%add3A_37, %mul3A_32] : memref<32768x512xf32, #tpu.memory_space<hbm>> -> memref<128x128xf32, #tpu.memory_space<hbm>>
    tpu.enqueue_dma source(%dma_start3A_40 : memref<128x128xf32, #tpu.memory_space<hbm>>) target(%arg7 : memref<128x128xf32, #tpu.memory_space<vmem>>) target_semaphore(%arg12 : memref<!tpu.dma_semaphore, #tpu.memory_space<semaphore_mem>>)
    %scan3A = arith.constant 0 : i32
    %scan3A_41 = arith.constant 0 : i32
    %scan3A_42 = arith.constant 512 : i32
    %scan3A_43 = arith.addi %scan3A_41, %scan3A_42 : i32
    %scan3A_44 = arith.constant 1 : i32
    scf.for %scan3A_52 = %scan3A_41 to %scan3A_43 step %scan3A_44  : i32 {
      %swap3A = arith.index_cast %scan3A_52 : i32 to index
      %swap3A_53 = arith.constant 0 : index
      %swap3A_54 = tpu.vector_load %arg9[%swap3A, %swap3A_53] {strides = array<i32>} : memref<512x128xf32, #tpu.memory_space<vmem>>, vector<1x16xf32>,
      %swap3A_55 = vector.shape_cast %swap3A_54 : vector<1x16xf32> to vector<16xf32>
      %swap3A_56 = vector.shape_cast %broadcast_in_dim3A_33 : vector<16xf32> to vector<1x16xf32>
      tpu.vector_store %arg9[%swap3A, %swap3A_53], %swap3A_56 {strides = array<i32>} : memref<512x128xf32, #tpu.memory_space<vmem>>, vector<1x16xf32>,
      %swap3A_57 = arith.index_cast %scan3A_52 : i32 to index
      %swap3A_58 = arith.constant 16 : index
      %swap3A_59 = tpu.vector_load %arg9[%swap3A_57, %swap3A_58] {strides = array<i32>} : memref<512x128xf32, #tpu.memory_space<vmem>>, vector<1x16xf32>,
      %swap3A_60 = vector.shape_cast %swap3A_59 : vector<1x16xf32> to vector<16xf32>
      %swap3A_61 = vector.shape_cast %broadcast_in_dim3A_33 : vector<16xf32> to vector<1x16xf32>
      tpu.vector_store %arg9[%swap3A_57, %swap3A_58], %swap3A_61 {strides = array<i32>} : memref<512x128xf32, #tpu.memory_space<vmem>>, vector<1x16xf32>,
      %swap3A_62 = arith.index_cast %scan3A_52 : i32 to index
      %swap3A_63 = arith.constant 32 : index
      %swap3A_64 = tpu.vector_load %arg9[%swap3A_62, %swap3A_63] {strides = array<i32>} : memref<512x128xf32, #tpu.memory_space<vmem>>, vector<1x16xf32>,
      %swap3A_65 = vector.shape_cast %swap3A_64 : vector<1x16xf32> to vector<16xf32>
      %swap3A_66 = vector.shape_cast %broadcast_in_dim3A_33 : vector<16xf32> to vector<1x16xf32>
      tpu.vector_store %arg9[%swap3A_62, %swap3A_63], %swap3A_66 {strides = array<i32>} : memref<512x128xf32, #tpu.memory_space<vmem>>, vector<1x16xf32>,
      %swap3A_67 = arith.index_cast %scan3A_52 : i32 to index
      %swap3A_68 = arith.constant 48 : index
      %swap3A_69 = tpu.vector_load %arg9[%swap3A_67, %swap3A_68] {strides = array<i32>} : memref<512x128xf32, #tpu.memory_space<vmem>>, vector<1x16xf32>,
      %swap3A_70 = vector.shape_cast %swap3A_69 : vector<1x16xf32> to vector<16xf32>
      %swap3A_71 = vector.shape_cast %broadcast_in_dim3A_33 : vector<16xf32> to vector<1x16xf32>
      tpu.vector_store %arg9[%swap3A_67, %swap3A_68], %swap3A_71 {strides = array<i32>} : memref<512x128xf32, #tpu.memory_space<vmem>>, vector<1x16xf32>,
      %swap3A_72 = arith.index_cast %scan3A_52 : i32 to index
      %swap3A_73 = arith.constant 64 : index
      %swap3A_74 = tpu.vector_load %arg9[%swap3A_72, %swap3A_73] {strides = array<i32>} : memref<512x128xf32, #tpu.memory_space<vmem>>, vector<1x16xf32>,
      %swap3A_75 = vector.shape_cast %swap3A_74 : vector<1x16xf32> to vector<16xf32>
      %swap3A_76 = vector.shape_cast %broadcast_in_dim3A_33 : vector<16xf32> to vector<1x16xf32>
      tpu.vector_store %arg9[%swap3A_72, %swap3A_73], %swap3A_76 {strides = array<i32>} : memref<512x128xf32, #tpu.memory_space<vmem>>, vector<1x16xf32>,
      %swap3A_77 = arith.index_cast %scan3A_52 : i32 to index
      %swap3A_78 = arith.constant 80 : index
      %swap3A_79 = tpu.vector_load %arg9[%swap3A_77, %swap3A_78] {strides = array<i32>} : memref<512x128xf32, #tpu.memory_space<vmem>>, vector<1x16xf32>,
      %swap3A_80 = vector.shape_cast %swap3A_79 : vector<1x16xf32> to vector<16xf32>
      %swap3A_81 = vector.shape_cast %broadcast_in_dim3A_33 : vector<16xf32> to vector<1x16xf32>
      tpu.vector_store %arg9[%swap3A_77, %swap3A_78], %swap3A_81 {strides = array<i32>} : memref<512x128xf32, #tpu.memory_space<vmem>>, vector<1x16xf32>,
      %swap3A_82 = arith.index_cast %scan3A_52 : i32 to index
      %swap3A_83 = arith.constant 96 : index
      %swap3A_84 = tpu.vector_load %arg9[%swap3A_82, %swap3A_83] {strides = array<i32>} : memref<512x128xf32, #tpu.memory_space<vmem>>, vector<1x16xf32>,
      %swap3A_85 = vector.shape_cast %swap3A_84 : vector<1x16xf32> to vector<16xf32>
      %swap3A_86 = vector.shape_cast %broadcast_in_dim3A_33 : vector<16xf32> to vector<1x16xf32>
      tpu.vector_store %arg9[%swap3A_82, %swap3A_83], %swap3A_86 {strides = array<i32>} : memref<512x128xf32, #tpu.memory_space<vmem>>, vector<1x16xf32>,
      %swap3A_87 = arith.index_cast %scan3A_52 : i32 to index
      %swap3A_88 = arith.constant 112 : index
      %swap3A_89 = tpu.vector_load %arg9[%swap3A_87, %swap3A_88] {strides = array<i32>} : memref<512x128xf32, #tpu.memory_space<vmem>>, vector<1x16xf32>,
      %swap3A_90 = vector.shape_cast %swap3A_89 : vector<1x16xf32> to vector<16xf32>
      %swap3A_91 = vector.shape_cast %broadcast_in_dim3A_33 : vector<16xf32> to vector<1x16xf32>
      tpu.vector_store %arg9[%swap3A_87, %swap3A_88], %swap3A_91 {strides = array<i32>} : memref<512x128xf32, #tpu.memory_space<vmem>>, vector<1x16xf32>,
    }
    %scan3A_45 = arith.constant 512 : i32
    %scan3A_46 = arith.constant 0 : i32
    %scan3A_47 = arith.constant 0 : i32
    %scan3A_48 = arith.constant 16 : i32
    %scan3A_49 = arith.addi %scan3A_47, %scan3A_48 : i32
    %scan3A_50 = arith.constant 1 : i32
    scf.for %scan3A_52 = %scan3A_47 to %scan3A_49 step %scan3A_50  : i32 {
      %mul3A_53 = arith.constant 2 : i32
      %mul3A_54 = arith.muli %scan3A_52, %mul3A_53 : i32
      %add3A_55 = arith.constant 0 : i32
      %add3A_56 = arith.addi %mul3A_54, %add3A_55 : i32
      %add3A_57 = arith.constant 1 : i32
      %add3A_58 = arith.addi %add3A_56, %add3A_57 : i32
      %lt3A_59 = arith.constant 32 : i32
      %lt3A_60 = arith.cmpi slt, %add3A_58, %lt3A_59 : i32
      %convert_element_type3A = arith.extui %lt3A_60 : i1 to i32
      %cond3A = arith.constant 0 : i32
      %cond3A_61 = arith.cmpi ne, %convert_element_type3A, %cond3A : i32
      scf.if %cond3A_61 {
        %add3A_102 = arith.constant 1 : i32
        %add3A_103 = arith.addi %add3A_56, %add3A_102 : i32
        %mul3A_104 = arith.constant 4096 : i32
        %mul3A_105 = arith.muli %select_n3A_30, %mul3A_104 : i32
        %mul3A_106 = arith.constant 128 : i32
        %mul3A_107 = arith.muli %add3A_103, %mul3A_106 : i32
        %add3A_108 = arith.addi %mul3A_105, %mul3A_107 : i32
        %dma_start3A_109 = tpu.memref_slice %arg3[%add3A_108] : memref<32768xi32, #tpu.memory_space<hbm>> -> memref<128xi32, #tpu.memory_space<hbm>>
        %dma_start3A_110 = tpu.memref_slice %arg3[%add3A_108] : memref<32768xi32, #tpu.memory_space<hbm>> -> memref<128xi32, #tpu.memory_space<hbm>>
        tpu.enqueue_dma source(%dma_start3A_110 : memref<128xi32, #tpu.memory_space<hbm>>) target(%arg6 : memref<128xi32, #tpu.memory_space<vmem>>) target_semaphore(%arg11 : memref<!tpu.dma_semaphore, #tpu.memory_space<semaphore_mem>>)
        %dma_start3A_111 = tpu.memref_slice %arg2[%add3A_108, %mul3A_32] : memref<32768x512xf32, #tpu.memory_space<hbm>> -> memref<128x128xf32, #tpu.memory_space<hbm>>
        %dma_start3A_112 = tpu.memref_slice %arg2[%add3A_108, %mul3A_32] : memref<32768x512xf32, #tpu.memory_space<hbm>> -> memref<128x128xf32, #tpu.memory_space<hbm>>
        tpu.enqueue_dma source(%dma_start3A_112 : memref<128x128xf32, #tpu.memory_space<hbm>>) target(%arg8 : memref<128x128xf32, #tpu.memory_space<vmem>>) target_semaphore(%arg13 : memref<!tpu.dma_semaphore, #tpu.memory_space<semaphore_mem>>)
      } else {
      }
      %mul3A_62 = arith.constant 4096 : i32
      %mul3A_63 = arith.muli %select_n3A_30, %mul3A_62 : i32
      %mul3A_64 = arith.constant 128 : i32
      %mul3A_65 = arith.muli %add3A_56, %mul3A_64 : i32
      %add3A_66 = arith.addi %mul3A_63, %mul3A_65 : i32
      %dma_wait3A = tpu.memref_slice %arg3[%add3A_66] : memref<32768xi32, #tpu.memory_space<hbm>> -> memref<128xi32, #tpu.memory_space<hbm>>
      %dma_wait3A_67 = tpu.memref_slice %arg3[%add3A_66] : memref<32768xi32, #tpu.memory_space<hbm>> -> memref<128xi32, #tpu.memory_space<hbm>>
      tpu.wait_dma2 semaphore(%arg10 : memref<!tpu.dma_semaphore, #tpu.memory_space<semaphore_mem>>) src(%dma_wait3A_67 : memref<128xi32, #tpu.memory_space<hbm>>) dst(%arg5 : memref<128xi32, #tpu.memory_space<vmem>>)
      %dma_wait3A_68 = tpu.memref_slice %arg2[%add3A_66, %mul3A_32] : memref<32768x512xf32, #tpu.memory_space<hbm>> -> memref<128x128xf32, #tpu.memory_space<hbm>>
      %dma_wait3A_69 = tpu.memref_slice %arg2[%add3A_66, %mul3A_32] : memref<32768x512xf32, #tpu.memory_space<hbm>> -> memref<128x128xf32, #tpu.memory_space<hbm>>
      tpu.wait_dma2 semaphore(%arg12 : memref<!tpu.dma_semaphore, #tpu.memory_space<semaphore_mem>>) src(%dma_wait3A_69 : memref<128x128xf32, #tpu.memory_space<hbm>>) dst(%arg7 : memref<128x128xf32, #tpu.memory_space<vmem>>)
      %scan3A_70 = arith.constant 0 : i32
      %scan3A_71 = arith.constant 0 : i32
      %scan3A_72 = arith.constant 8 : i32
      %scan3A_73 = arith.addi %scan3A_71, %scan3A_72 : i32
      %scan3A_74 = arith.constant 1 : i32
      scf.for %scan3A_102 = %scan3A_71 to %scan3A_73 step %scan3A_74  : i32 {
        %mul3A_103 = arith.constant 16 : i32
        %mul3A_104 = arith.muli %scan3A_102, %mul3A_103 : i32
        %get3A = arith.index_cast %mul3A_104 : i32 to index
        %get3A_105 = tpu.vector_load %arg5[%get3A] {strides = array<i32>} : memref<128xi32, #tpu.memory_space<vmem>>, vector<16xi32>,
        %get3A_106 = vector.shape_cast %get3A_105 : vector<16xi32> to vector<16xi32>
        %mul3A_107 = arith.constant 16 : i32
        %mul3A_108 = arith.muli %scan3A_102, %mul3A_107 : i32
        %slice3A = vector.extract_strided_slice %get3A_106 {offsets = [0], sizes = [1], strides = [1]} : vector<16xi32> to vector<1xi32>
        %squeeze3A = vector.extract %slice3A[0] : i32 from vector<1xi32>
        %slice3A_109 = vector.extract_strided_slice %get3A_106 {offsets = [1], sizes = [1], strides = [1]} : vector<16xi32> to vector<1xi32>
        %squeeze3A_110 = vector.extract %slice3A_109[0] : i32 from vector<1xi32>
        %slice3A_111 = vector.extract_strided_slice %get3A_106 {offsets = [2], sizes = [1], strides = [1]} : vector<16xi32> to vector<1xi32>
        %squeeze3A_112 = vector.extract %slice3A_111[0] : i32 from vector<1xi32>
        %slice3A_113 = vector.extract_strided_slice %get3A_106 {offsets = [3], sizes = [1], strides = [1]} : vector<16xi32> to vector<1xi32>
        %squeeze3A_114 = vector.extract %slice3A_113[0] : i32 from vector<1xi32>
        %slice3A_115 = vector.extract_strided_slice %get3A_106 {offsets = [4], sizes = [1], strides = [1]} : vector<16xi32> to vector<1xi32>
        %squeeze3A_116 = vector.extract %slice3A_115[0] : i32 from vector<1xi32>
        %slice3A_117 = vector.extract_strided_slice %get3A_106 {offsets = [5], sizes = [1], strides = [1]} : vector<16xi32> to vector<1xi32>
        %squeeze3A_118 = vector.extract %slice3A_117[0] : i32 from vector<1xi32>
        %slice3A_119 = vector.extract_strided_slice %get3A_106 {offsets = [6], sizes = [1], strides = [1]} : vector<16xi32> to vector<1xi32>
        %squeeze3A_120 = vector.extract %slice3A_119[0] : i32 from vector<1xi32>
        %slice3A_121 = vector.extract_strided_slice %get3A_106 {offsets = [7], sizes = [1], strides = [1]} : vector<16xi32> to vector<1xi32>
        %squeeze3A_122 = vector.extract %slice3A_121[0] : i32 from vector<1xi32>
        %slice3A_123 = vector.extract_strided_slice %get3A_106 {offsets = [8], sizes = [1], strides = [1]} : vector<16xi32> to vector<1xi32>
        %squeeze3A_124 = vector.extract %slice3A_123[0] : i32 from vector<1xi32>
        %slice3A_125 = vector.extract_strided_slice %get3A_106 {offsets = [9], sizes = [1], strides = [1]} : vector<16xi32> to vector<1xi32>
        %squeeze3A_126 = vector.extract %slice3A_125[0] : i32 from vector<1xi32>
        %slice3A_127 = vector.extract_strided_slice %get3A_106 {offsets = [10], sizes = [1], strides = [1]} : vector<16xi32> to vector<1xi32>
        %squeeze3A_128 = vector.extract %slice3A_127[0] : i32 from vector<1xi32>
        %slice3A_129 = vector.extract_strided_slice %get3A_106 {offsets = [11], sizes = [1], strides = [1]} : vector<16xi32> to vector<1xi32>
        %squeeze3A_130 = vector.extract %slice3A_129[0] : i32 from vector<1xi32>
        %slice3A_131 = vector.extract_strided_slice %get3A_106 {offsets = [12], sizes = [1], strides = [1]} : vector<16xi32> to vector<1xi32>
        %squeeze3A_132 = vector.extract %slice3A_131[0] : i32 from vector<1xi32>
        %slice3A_133 = vector.extract_strided_slice %get3A_106 {offsets = [13], sizes = [1], strides = [1]} : vector<16xi32> to vector<1xi32>
        %squeeze3A_134 = vector.extract %slice3A_133[0] : i32 from vector<1xi32>
        %slice3A_135 = vector.extract_strided_slice %get3A_106 {offsets = [14], sizes = [1], strides = [1]} : vector<16xi32> to vector<1xi32>
        %squeeze3A_136 = vector.extract %slice3A_135[0] : i32 from vector<1xi32>
        %slice3A_137 = vector.extract_strided_slice %get3A_106 {offsets = [15], sizes = [1], strides = [1]} : vector<16xi32> to vector<1xi32>
        %squeeze3A_138 = vector.extract %slice3A_137[0] : i32 from vector<1xi32>
        %add3A_139 = arith.constant 0 : i32
        %add3A_140 = arith.addi %mul3A_108, %add3A_139 : i32
        %get3A_141 = arith.index_cast %add3A_140 : i32 to index
        %get3A_142 = arith.constant 0 : index
        %get3A_143 = tpu.vector_load %arg7[%get3A_141, %get3A_142] {strides = array<i32>} : memref<128x128xf32, #tpu.memory_space<vmem>>, vector<1x16xf32>,
        %get3A_144 = vector.shape_cast %get3A_143 : vector<1x16xf32> to vector<16xf32>
        %swap3A = arith.index_cast %squeeze3A : i32 to index
        %swap3A_145 = arith.constant 0 : index
        %swap3A_146 = tpu.vector_load %arg9[%swap3A, %swap3A_145] {strides = array<i32>} : memref<512x128xf32, #tpu.memory_space<vmem>>, vector<1x16xf32>,
        %swap3A_147 = vector.shape_cast %swap3A_146 : vector<1x16xf32> to vector<16xf32>
        %swap3A_148 = vector.shape_cast %get3A_144 : vector<16xf32> to vector<1x16xf32>
        tpu.vector_store %arg9[%swap3A, %swap3A_145], %swap3A_148 {add = true, strides = array<i32>} : memref<512x128xf32, #tpu.memory_space<vmem>>, vector<1x16xf32>,
        %add3A_149 = arith.constant 0 : i32
        %add3A_150 = arith.addi %mul3A_108, %add3A_149 : i32
        %get3A_151 = arith.index_cast %add3A_150 : i32 to index
        %get3A_152 = arith.constant 16 : index
        %get3A_153 = tpu.vector_load %arg7[%get3A_151, %get3A_152] {strides = array<i32>} : memref<128x128xf32, #tpu.memory_space<vmem>>, vector<1x16xf32>,
        %get3A_154 = vector.shape_cast %get3A_153 : vector<1x16xf32> to vector<16xf32>
        %swap3A_155 = arith.index_cast %squeeze3A : i32 to index
        %swap3A_156 = arith.constant 16 : index
        %swap3A_157 = tpu.vector_load %arg9[%swap3A_155, %swap3A_156] {strides = array<i32>} : memref<512x128xf32, #tpu.memory_space<vmem>>, vector<1x16xf32>,
        %swap3A_158 = vector.shape_cast %swap3A_157 : vector<1x16xf32> to vector<16xf32>
        %swap3A_159 = vector.shape_cast %get3A_154 : vector<16xf32> to vector<1x16xf32>
        tpu.vector_store %arg9[%swap3A_155, %swap3A_156], %swap3A_159 {add = true, strides = array<i32>} : memref<512x128xf32, #tpu.memory_space<vmem>>, vector<1x16xf32>,
        %add3A_160 = arith.constant 0 : i32
        %add3A_161 = arith.addi %mul3A_108, %add3A_160 : i32
        %get3A_162 = arith.index_cast %add3A_161 : i32 to index
        %get3A_163 = arith.constant 32 : index
        %get3A_164 = tpu.vector_load %arg7[%get3A_162, %get3A_163] {strides = array<i32>} : memref<128x128xf32, #tpu.memory_space<vmem>>, vector<1x16xf32>,
        %get3A_165 = vector.shape_cast %get3A_164 : vector<1x16xf32> to vector<16xf32>
        %swap3A_166 = arith.index_cast %squeeze3A : i32 to index
        %swap3A_167 = arith.constant 32 : index
        %swap3A_168 = tpu.vector_load %arg9[%swap3A_166, %swap3A_167] {strides = array<i32>} : memref<512x128xf32, #tpu.memory_space<vmem>>, vector<1x16xf32>,
        %swap3A_169 = vector.shape_cast %swap3A_168 : vector<1x16xf32> to vector<16xf32>
        %swap3A_170 = vector.shape_cast %get3A_165 : vector<16xf32> to vector<1x16xf32>
        tpu.vector_store %arg9[%swap3A_166, %swap3A_167], %swap3A_170 {add = true, strides = array<i32>} : memref<512x128xf32, #tpu.memory_space<vmem>>, vector<1x16xf32>,
        %add3A_171 = arith.constant 0 : i32
        %add3A_172 = arith.addi %mul3A_108, %add3A_171 : i32
        %get3A_173 = arith.index_cast %add3A_172 : i32 to index
        %get3A_174 = arith.constant 48 : index
        %get3A_175 = tpu.vector_load %arg7[%get3A_173, %get3A_174] {strides = array<i32>} : memref<128x128xf32, #tpu.memory_space<vmem>>, vector<1x16xf32>,
        %get3A_176 = vector.shape_cast %get3A_175 : vector<1x16xf32> to vector<16xf32>
        %swap3A_177 = arith.index_cast %squeeze3A : i32 to index
        %swap3A_178 = arith.constant 48 : index
        %swap3A_179 = tpu.vector_load %arg9[%swap3A_177, %swap3A_178] {strides = array<i32>} : memref<512x128xf32, #tpu.memory_space<vmem>>, vector<1x16xf32>,
        %swap3A_180 = vector.shape_cast %swap3A_179 : vector<1x16xf32> to vector<16xf32>
        %swap3A_181 = vector.shape_cast %get3A_176 : vector<16xf32> to vector<1x16xf32>
        tpu.vector_store %arg9[%swap3A_177, %swap3A_178], %swap3A_181 {add = true, strides = array<i32>} : memref<512x128xf32, #tpu.memory_space<vmem>>, vector<1x16xf32>,
        %add3A_182 = arith.constant 0 : i32
        %add3A_183 = arith.addi %mul3A_108, %add3A_182 : i32
        %get3A_184 = arith.index_cast %add3A_183 : i32 to index
        %get3A_185 = arith.constant 64 : index
        %get3A_186 = tpu.vector_load %arg7[%get3A_184, %get3A_185] {strides = array<i32>} : memref<128x128xf32, #tpu.memory_space<vmem>>, vector<1x16xf32>,
        %get3A_187 = vector.shape_cast %get3A_186 : vector<1x16xf32> to vector<16xf32>
        %swap3A_188 = arith.index_cast %squeeze3A : i32 to index
        %swap3A_189 = arith.constant 64 : index
        %swap3A_190 = tpu.vector_load %arg9[%swap3A_188, %swap3A_189] {strides = array<i32>} : memref<512x128xf32, #tpu.memory_space<vmem>>, vector<1x16xf32>,
        %swap3A_191 = vector.shape_cast %swap3A_190 : vector<1x16xf32> to vector<16xf32>
        %swap3A_192 = vector.shape_cast %get3A_187 : vector<16xf32> to vector<1x16xf32>
        tpu.vector_store %arg9[%swap3A_188, %swap3A_189], %swap3A_192 {add = true, strides = array<i32>} : memref<512x128xf32, #tpu.memory_space<vmem>>, vector<1x16xf32>,
        %add3A_193 = arith.constant 0 : i32
        %add3A_194 = arith.addi %mul3A_108, %add3A_193 : i32
        %get3A_195 = arith.index_cast %add3A_194 : i32 to index
        %get3A_196 = arith.constant 80 : index
        %get3A_197 = tpu.vector_load %arg7[%get3A_195, %get3A_196] {strides = array<i32>} : memref<128x128xf32, #tpu.memory_space<vmem>>, vector<1x16xf32>,
        %get3A_198 = vector.shape_cast %get3A_197 : vector<1x16xf32> to vector<16xf32>
        %swap3A_199 = arith.index_cast %squeeze3A : i32 to index
        %swap3A_200 = arith.constant 80 : index
        %swap3A_201 = tpu.vector_load %arg9[%swap3A_199, %swap3A_200] {strides = array<i32>} : memref<512x128xf32, #tpu.memory_space<vmem>>, vector<1x16xf32>,
        %swap3A_202 = vector.shape_cast %swap3A_201 : vector<1x16xf32> to vector<16xf32>
        %swap3A_203 = vector.shape_cast %get3A_198 : vector<16xf32> to vector<1x16xf32>
        tpu.vector_store %arg9[%swap3A_199, %swap3A_200], %swap3A_203 {add = true, strides = array<i32>} : memref<512x128xf32, #tpu.memory_space<vmem>>, vector<1x16xf32>,
        %add3A_204 = arith.constant 0 : i32
        %add3A_205 = arith.addi %mul3A_108, %add3A_204 : i32
        %get3A_206 = arith.index_cast %add3A_205 : i32 to index
        %get3A_207 = arith.constant 96 : index
        %get3A_208 = tpu.vector_load %arg7[%get3A_206, %get3A_207] {strides = array<i32>} : memref<128x128xf32, #tpu.memory_space<vmem>>, vector<1x16xf32>,
        %get3A_209 = vector.shape_cast %get3A_208 : vector<1x16xf32> to vector<16xf32>
        %swap3A_210 = arith.index_cast %squeeze3A : i32 to index
        %swap3A_211 = arith.constant 96 : index
        %swap3A_212 = tpu.vector_load %arg9[%swap3A_210, %swap3A_211] {strides = array<i32>} : memref<512x128xf32, #tpu.memory_space<vmem>>, vector<1x16xf32>,
        %swap3A_213 = vector.shape_cast %swap3A_212 : vector<1x16xf32> to vector<16xf32>
        %swap3A_214 = vector.shape_cast %get3A_209 : vector<16xf32> to vector<1x16xf32>
        tpu.vector_store %arg9[%swap3A_210, %swap3A_211], %swap3A_214 {add = true, strides = array<i32>} : memref<512x128xf32, #tpu.memory_space<vmem>>, vector<1x16xf32>,
        %add3A_215 = arith.constant 0 : i32
        %add3A_216 = arith.addi %mul3A_108, %add3A_215 : i32
        %get3A_217 = arith.index_cast %add3A_216 : i32 to index
        %get3A_218 = arith.constant 112 : index
        %get3A_219 = tpu.vector_load %arg7[%get3A_217, %get3A_218] {strides = array<i32>} : memref<128x128xf32, #tpu.memory_space<vmem>>, vector<1x16xf32>,
        %get3A_220 = vector.shape_cast %get3A_219 : vector<1x16xf32> to vector<16xf32>
        %swap3A_221 = arith.index_cast %squeeze3A : i32 to index
        %swap3A_222 = arith.constant 112 : index
        %swap3A_223 = tpu.vector_load %arg9[%swap3A_221, %swap3A_222] {strides = array<i32>} : memref<512x128xf32, #tpu.memory_space<vmem>>, vector<1x16xf32>,
        %swap3A_224 = vector.shape_cast %swap3A_223 : vector<1x16xf32> to vector<16xf32>
        %swap3A_225 = vector.shape_cast %get3A_220 : vector<16xf32> to vector<1x16xf32>
        tpu.vector_store %arg9[%swap3A_221, %swap3A_222], %swap3A_225 {add = true, strides = array<i32>} : memref<512x128xf32, #tpu.memory_space<vmem>>, vector<1x16xf32>,
        %add3A_226 = arith.constant 1 : i32
        %add3A_227 = arith.addi %mul3A_108, %add3A_226 : i32
        %get3A_228 = arith.index_cast %add3A_227 : i32 to index
        %get3A_229 = arith.constant 0 : index
        %get3A_230 = tpu.vector_load %arg7[%get3A_228, %get3A_229] {strides = array<i32>} : memref<128x128xf32, #tpu.memory_space<vmem>>, vector<1x16xf32>,
        %get3A_231 = vector.shape_cast %get3A_230 : vector<1x16xf32> to vector<16xf32>
        %swap3A_232 = arith.index_cast %squeeze3A_110 : i32 to index
        %swap3A_233 = arith.constant 0 : index
        %swap3A_234 = tpu.vector_load %arg9[%swap3A_232, %swap3A_233] {strides = array<i32>} : memref<512x128xf32, #tpu.memory_space<vmem>>, vector<1x16xf32>,
        %swap3A_235 = vector.shape_cast %swap3A_234 : vector<1x16xf32> to vector<16xf32>
        %swap3A_236 = vector.shape_cast %get3A_231 : vector<16xf32> to vector<1x16xf32>
        tpu.vector_store %arg9[%swap3A_232, %swap3A_233], %swap3A_236 {add = true, strides = array<i32>} : memref<512x128xf32, #tpu.memory_space<vmem>>, vector<1x16xf32>,
        %add3A_237 = arith.constant 1 : i32
        %add3A_238 = arith.addi %mul3A_108, %add3A_237 : i32
        %get3A_239 = arith.index_cast %add3A_238 : i32 to index
        %get3A_240 = arith.constant 16 : index
        %get3A_241 = tpu.vector_load %arg7[%get3A_239, %get3A_240] {strides = array<i32>} : memref<128x128xf32, #tpu.memory_space<vmem>>, vector<1x16xf32>,
        %get3A_242 = vector.shape_cast %get3A_241 : vector<1x16xf32> to vector<16xf32>
        %swap3A_243 = arith.index_cast %squeeze3A_110 : i32 to index
        %swap3A_244 = arith.constant 16 : index
        %swap3A_245 = tpu.vector_load %arg9[%swap3A_243, %swap3A_244] {strides = array<i32>} : memref<512x128xf32, #tpu.memory_space<vmem>>, vector<1x16xf32>,
        %swap3A_246 = vector.shape_cast %swap3A_245 : vector<1x16xf32> to vector<16xf32>
        %swap3A_247 = vector.shape_cast %get3A_242 : vector<16xf32> to vector<1x16xf32>
        tpu.vector_store %arg9[%swap3A_243, %swap3A_244], %swap3A_247 {add = true, strides = array<i32>} : memref<512x128xf32, #tpu.memory_space<vmem>>, vector<1x16xf32>,
        %add3A_248 = arith.constant 1 : i32
        %add3A_249 = arith.addi %mul3A_108, %add3A_248 : i32
        %get3A_250 = arith.index_cast %add3A_249 : i32 to index
        %get3A_251 = arith.constant 32 : index
        %get3A_252 = tpu.vector_load %arg7[%get3A_250, %get3A_251] {strides = array<i32>} : memref<128x128xf32, #tpu.memory_space<vmem>>, vector<1x16xf32>,
        %get3A_253 = vector.shape_cast %get3A_252 : vector<1x16xf32> to vector<16xf32>
        %swap3A_254 = arith.index_cast %squeeze3A_110 : i32 to index
        %swap3A_255 = arith.constant 32 : index
        %swap3A_256 = tpu.vector_load %arg9[%swap3A_254, %swap3A_255] {strides = array<i32>} : memref<512x128xf32, #tpu.memory_space<vmem>>, vector<1x16xf32>,
        %swap3A_257 = vector.shape_cast %swap3A_256 : vector<1x16xf32> to vector<16xf32>
        %swap3A_258 = vector.shape_cast %get3A_253 : vector<16xf32> to vector<1x16xf32>
        tpu.vector_store %arg9[%swap3A_254, %swap3A_255], %swap3A_258 {add = true, strides = array<i32>} : memref<512x128xf32, #tpu.memory_space<vmem>>, vector<1x16xf32>,
        %add3A_259 = arith.constant 1 : i32
        %add3A_260 = arith.addi %mul3A_108, %add3A_259 : i32
        %get3A_261 = arith.index_cast %add3A_260 : i32 to index
        %get3A_262 = arith.constant 48 : index
        %get3A_263 = tpu.vector_load %arg7[%get3A_261, %get3A_262] {strides = array<i32>} : memref<128x128xf32, #tpu.memory_space<vmem>>, vector<1x16xf32>,
        %get3A_264 = vector.shape_cast %get3A_263 : vector<1x16xf32> to vector<16xf32>
        %swap3A_265 = arith.index_cast %squeeze3A_110 : i32 to index
        %swap3A_266 = arith.constant 48 : index
        %swap3A_267 = tpu.vector_load %arg9[%swap3A_265, %swap3A_266] {strides = array<i32>} : memref<512x128xf32, #tpu.memory_space<vmem>>, vector<1x16xf32>,
        %swap3A_268 = vector.shape_cast %swap3A_267 : vector<1x16xf32> to vector<16xf32>
        %swap3A_269 = vector.shape_cast %get3A_264 : vector<16xf32> to vector<1x16xf32>
        tpu.vector_store %arg9[%swap3A_265, %swap3A_266], %swap3A_269 {add = true, strides = array<i32>} : memref<512x128xf32, #tpu.memory_space<vmem>>, vector<1x16xf32>,
        %add3A_270 = arith.constant 1 : i32
        %add3A_271 = arith.addi %mul3A_108, %add3A_270 : i32
        %get3A_272 = arith.index_cast %add3A_271 : i32 to index
        %get3A_273 = arith.constant 64 : index
        %get3A_274 = tpu.vector_load %arg7[%get3A_272, %get3A_273] {strides = array<i32>} : memref<128x128xf32, #tpu.memory_space<vmem>>, vector<1x16xf32>,
        %get3A_275 = vector.shape_cast %get3A_274 : vector<1x16xf32> to vector<16xf32>
        %swap3A_276 = arith.index_cast %squeeze3A_110 : i32 to index
        %swap3A_277 = arith.constant 64 : index
        %swap3A_278 = tpu.vector_load %arg9[%swap3A_276, %swap3A_277] {strides = array<i32>} : memref<512x128xf32, #tpu.memory_space<vmem>>, vector<1x16xf32>,
        %swap3A_279 = vector.shape_cast %swap3A_278 : vector<1x16xf32> to vector<16xf32>
        %swap3A_280 = vector.shape_cast %get3A_275 : vector<16xf32> to vector<1x16xf32>
        tpu.vector_store %arg9[%swap3A_276, %swap3A_277], %swap3A_280 {add = true, strides = array<i32>} : memref<512x128xf32, #tpu.memory_space<vmem>>, vector<1x16xf32>,
        %add3A_281 = arith.constant 1 : i32
        %add3A_282 = arith.addi %mul3A_108, %add3A_281 : i32
        %get3A_283 = arith.index_cast %add3A_282 : i32 to index
        %get3A_284 = arith.constant 80 : index
        %get3A_285 = tpu.vector_load %arg7[%get3A_283, %get3A_284] {strides = array<i32>} : memref<128x128xf32, #tpu.memory_space<vmem>>, vector<1x16xf32>,
        %get3A_286 = vector.shape_cast %get3A_285 : vector<1x16xf32> to vector<16xf32>
        %swap3A_287 = arith.index_cast %squeeze3A_110 : i32 to index
        %swap3A_288 = arith.constant 80 : index
        %swap3A_289 = tpu.vector_load %arg9[%swap3A_287, %swap3A_288] {strides = array<i32>} : memref<512x128xf32, #tpu.memory_space<vmem>>, vector<1x16xf32>,
        %swap3A_290 = vector.shape_cast %swap3A_289 : vector<1x16xf32> to vector<16xf32>
        %swap3A_291 = vector.shape_cast %get3A_286 : vector<16xf32> to vector<1x16xf32>
        tpu.vector_store %arg9[%swap3A_287, %swap3A_288], %swap3A_291 {add = true, strides = array<i32>} : memref<512x128xf32, #tpu.memory_space<vmem>>, vector<1x16xf32>,
        %add3A_292 = arith.constant 1 : i32
        %add3A_293 = arith.addi %mul3A_108, %add3A_292 : i32
        %get3A_294 = arith.index_cast %add3A_293 : i32 to index
        %get3A_295 = arith.constant 96 : index
        %get3A_296 = tpu.vector_load %arg7[%get3A_294, %get3A_295] {strides = array<i32>} : memref<128x128xf32, #tpu.memory_space<vmem>>, vector<1x16xf32>,
        %get3A_297 = vector.shape_cast %get3A_296 : vector<1x16xf32> to vector<16xf32>
        %swap3A_298 = arith.index_cast %squeeze3A_110 : i32 to index
        %swap3A_299 = arith.constant 96 : index
        %swap3A_300 = tpu.vector_load %arg9[%swap3A_298, %swap3A_299] {strides = array<i32>} : memref<512x128xf32, #tpu.memory_space<vmem>>, vector<1x16xf32>,
        %swap3A_301 = vector.shape_cast %swap3A_300 : vector<1x16xf32> to vector<16xf32>
        %swap3A_302 = vector.shape_cast %get3A_297 : vector<16xf32> to vector<1x16xf32>
        tpu.vector_store %arg9[%swap3A_298, %swap3A_299], %swap3A_302 {add = true, strides = array<i32>} : memref<512x128xf32, #tpu.memory_space<vmem>>, vector<1x16xf32>,
        %add3A_303 = arith.constant 1 : i32
        %add3A_304 = arith.addi %mul3A_108, %add3A_303 : i32
        %get3A_305 = arith.index_cast %add3A_304 : i32 to index
        %get3A_306 = arith.constant 112 : index
        %get3A_307 = tpu.vector_load %arg7[%get3A_305, %get3A_306] {strides = array<i32>} : memref<128x128xf32, #tpu.memory_space<vmem>>, vector<1x16xf32>,
        %get3A_308 = vector.shape_cast %get3A_307 : vector<1x16xf32> to vector<16xf32>
        %swap3A_309 = arith.index_cast %squeeze3A_110 : i32 to index
        %swap3A_310 = arith.constant 112 : index
        %swap3A_311 = tpu.vector_load %arg9[%swap3A_309, %swap3A_310] {strides = array<i32>} : memref<512x128xf32, #tpu.memory_space<vmem>>, vector<1x16xf32>,
        %swap3A_312 = vector.shape_cast %swap3A_311 : vector<1x16xf32> to vector<16xf32>
        %swap3A_313 = vector.shape_cast %get3A_308 : vector<16xf32> to vector<1x16xf32>
        tpu.vector_store %arg9[%swap3A_309, %swap3A_310], %swap3A_313 {add = true, strides = array<i32>} : memref<512x128xf32, #tpu.memory_space<vmem>>, vector<1x16xf32>,
        %add3A_314 = arith.constant 2 : i32
        %add3A_315 = arith.addi %mul3A_108, %add3A_314 : i32
        %get3A_316 = arith.index_cast %add3A_315 : i32 to index
        %get3A_317 = arith.constant 0 : index
        %get3A_318 = tpu.vector_load %arg7[%get3A_316, %get3A_317] {strides = array<i32>} : memref<128x128xf32, #tpu.memory_space<vmem>>, vector<1x16xf32>,
        %get3A_319 = vector.shape_cast %get3A_318 : vector<1x16xf32> to vector<16xf32>
        %swap3A_320 = arith.index_cast %squeeze3A_112 : i32 to index
        %swap3A_321 = arith.constant 0 : index
        %swap3A_322 = tpu.vector_load %arg9[%swap3A_320, %swap3A_321] {strides = array<i32>} : memref<512x128xf32, #tpu.memory_space<vmem>>, vector<1x16xf32>,
        %swap3A_323 = vector.shape_cast %swap3A_322 : vector<1x16xf32> to vector<16xf32>
        %swap3A_324 = vector.shape_cast %get3A_319 : vector<16xf32> to vector<1x16xf32>
        tpu.vector_store %arg9[%swap3A_320, %swap3A_321], %swap3A_324 {add = true, strides = array<i32>} : memref<512x128xf32, #tpu.memory_space<vmem>>, vector<1x16xf32>,
        %add3A_325 = arith.constant 2 : i32
        %add3A_326 = arith.addi %mul3A_108, %add3A_325 : i32
        %get3A_327 = arith.index_cast %add3A_326 : i32 to index
        %get3A_328 = arith.constant 16 : index
        %get3A_329 = tpu.vector_load %arg7[%get3A_327, %get3A_328] {strides = array<i32>} : memref<128x128xf32, #tpu.memory_space<vmem>>, vector<1x16xf32>,
        %get3A_330 = vector.shape_cast %get3A_329 : vector<1x16xf32> to vector<16xf32>
        %swap3A_331 = arith.index_cast %squeeze3A_112 : i32 to index
        %swap3A_332 = arith.constant 16 : index
        %swap3A_333 = tpu.vector_load %arg9[%swap3A_331, %swap3A_332] {strides = array<i32>} : memref<512x128xf32, #tpu.memory_space<vmem>>, vector<1x16xf32>,
        %swap3A_334 = vector.shape_cast %swap3A_333 : vector<1x16xf32> to vector<16xf32>
        %swap3A_335 = vector.shape_cast %get3A_330 : vector<16xf32> to vector<1x16xf32>
        tpu.vector_store %arg9[%swap3A_331, %swap3A_332], %swap3A_335 {add = true, strides = array<i32>} : memref<512x128xf32, #tpu.memory_space<vmem>>, vector<1x16xf32>,
        %add3A_336 = arith.constant 2 : i32
        %add3A_337 = arith.addi %mul3A_108, %add3A_336 : i32
        %get3A_338 = arith.index_cast %add3A_337 : i32 to index
        %get3A_339 = arith.constant 32 : index
        %get3A_340 = tpu.vector_load %arg7[%get3A_338, %get3A_339] {strides = array<i32>} : memref<128x128xf32, #tpu.memory_space<vmem>>, vector<1x16xf32>,
        %get3A_341 = vector.shape_cast %get3A_340 : vector<1x16xf32> to vector<16xf32>
        %swap3A_342 = arith.index_cast %squeeze3A_112 : i32 to index
        %swap3A_343 = arith.constant 32 : index
        %swap3A_344 = tpu.vector_load %arg9[%swap3A_342, %swap3A_343] {strides = array<i32>} : memref<512x128xf32, #tpu.memory_space<vmem>>, vector<1x16xf32>,
        %swap3A_345 = vector.shape_cast %swap3A_344 : vector<1x16xf32> to vector<16xf32>
        %swap3A_346 = vector.shape_cast %get3A_341 : vector<16xf32> to vector<1x16xf32>
        tpu.vector_store %arg9[%swap3A_342, %swap3A_343], %swap3A_346 {add = true, strides = array<i32>} : memref<512x128xf32, #tpu.memory_space<vmem>>, vector<1x16xf32>,
        %add3A_347 = arith.constant 2 : i32
        %add3A_348 = arith.addi %mul3A_108, %add3A_347 : i32
        %get3A_349 = arith.index_cast %add3A_348 : i32 to index
        %get3A_350 = arith.constant 48 : index
        %get3A_351 = tpu.vector_load %arg7[%get3A_349, %get3A_350] {strides = array<i32>} : memref<128x128xf32, #tpu.memory_space<vmem>>, vector<1x16xf32>,
        %get3A_352 = vector.shape_cast %get3A_351 : vector<1x16xf32> to vector<16xf32>
        %swap3A_353 = arith.index_cast %squeeze3A_112 : i32 to index
        %swap3A_354 = arith.constant 48 : index
        %swap3A_355 = tpu.vector_load %arg9[%swap3A_353, %swap3A_354] {strides = array<i32>} : memref<512x128xf32, #tpu.memory_space<vmem>>, vector<1x16xf32>,
        %swap3A_356 = vector.shape_cast %swap3A_355 : vector<1x16xf32> to vector<16xf32>
        %swap3A_357 = vector.shape_cast %get3A_352 : vector<16xf32> to vector<1x16xf32>
        tpu.vector_store %arg9[%swap3A_353, %swap3A_354], %swap3A_357 {add = true, strides = array<i32>} : memref<512x128xf32, #tpu.memory_space<vmem>>, vector<1x16xf32>,
        %add3A_358 = arith.constant 2 : i32
        %add3A_359 = arith.addi %mul3A_108, %add3A_358 : i32
        %get3A_360 = arith.index_cast %add3A_359 : i32 to index
        %get3A_361 = arith.constant 64 : index
        %get3A_362 = tpu.vector_load %arg7[%get3A_360, %get3A_361] {strides = array<i32>} : memref<128x128xf32, #tpu.memory_space<vmem>>, vector<1x16xf32>,
        %get3A_363 = vector.shape_cast %get3A_362 : vector<1x16xf32> to vector<16xf32>
        %swap3A_364 = arith.index_cast %squeeze3A_112 : i32 to index
        %swap3A_365 = arith.constant 64 : index
        %swap3A_366 = tpu.vector_load %arg9[%swap3A_364, %swap3A_365] {strides = array<i32>} : memref<512x128xf32, #tpu.memory_space<vmem>>, vector<1x16xf32>,
        %swap3A_367 = vector.shape_cast %swap3A_366 : vector<1x16xf32> to vector<16xf32>
        %swap3A_368 = vector.shape_cast %get3A_363 : vector<16xf32> to vector<1x16xf32>
        tpu.vector_store %arg9[%swap3A_364, %swap3A_365], %swap3A_368 {add = true, strides = array<i32>} : memref<512x128xf32, #tpu.memory_space<vmem>>, vector<1x16xf32>,
        %add3A_369 = arith.constant 2 : i32
        %add3A_370 = arith.addi %mul3A_108, %add3A_369 : i32
        %get3A_371 = arith.index_cast %add3A_370 : i32 to index
        %get3A_372 = arith.constant 80 : index
        %get3A_373 = tpu.vector_load %arg7[%get3A_371, %get3A_372] {strides = array<i32>} : memref<128x128xf32, #tpu.memory_space<vmem>>, vector<1x16xf32>,
        %get3A_374 = vector.shape_cast %get3A_373 : vector<1x16xf32> to vector<16xf32>
        %swap3A_375 = arith.index_cast %squeeze3A_112 : i32 to index
        %swap3A_376 = arith.constant 80 : index
        %swap3A_377 = tpu.vector_load %arg9[%swap3A_375, %swap3A_376] {strides = array<i32>} : memref<512x128xf32, #tpu.memory_space<vmem>>, vector<1x16xf32>,
        %swap3A_378 = vector.shape_cast %swap3A_377 : vector<1x16xf32> to vector<16xf32>
        %swap3A_379 = vector.shape_cast %get3A_374 : vector<16xf32> to vector<1x16xf32>
        tpu.vector_store %arg9[%swap3A_375, %swap3A_376], %swap3A_379 {add = true, strides = array<i32>} : memref<512x128xf32, #tpu.memory_space<vmem>>, vector<1x16xf32>,
        %add3A_380 = arith.constant 2 : i32
        %add3A_381 = arith.addi %mul3A_108, %add3A_380 : i32
        %get3A_382 = arith.index_cast %add3A_381 : i32 to index
        %get3A_383 = arith.constant 96 : index
        %get3A_384 = tpu.vector_load %arg7[%get3A_382, %get3A_383] {strides = array<i32>} : memref<128x128xf32, #tpu.memory_space<vmem>>, vector<1x16xf32>,
        %get3A_385 = vector.shape_cast %get3A_384 : vector<1x16xf32> to vector<16xf32>
        %swap3A_386 = arith.index_cast %squeeze3A_112 : i32 to index
        %swap3A_387 = arith.constant 96 : index
        %swap3A_388 = tpu.vector_load %arg9[%swap3A_386, %swap3A_387] {strides = array<i32>} : memref<512x128xf32, #tpu.memory_space<vmem>>, vector<1x16xf32>,
        %swap3A_389 = vector.shape_cast %swap3A_388 : vector<1x16xf32> to vector<16xf32>
        %swap3A_390 = vector.shape_cast %get3A_385 : vector<16xf32> to vector<1x16xf32>
        tpu.vector_store %arg9[%swap3A_386, %swap3A_387], %swap3A_390 {add = true, strides = array<i32>} : memref<512x128xf32, #tpu.memory_space<vmem>>, vector<1x16xf32>,
        %add3A_391 = arith.constant 2 : i32
        %add3A_392 = arith.addi %mul3A_108, %add3A_391 : i32
        %get3A_393 = arith.index_cast %add3A_392 : i32 to index
        %get3A_394 = arith.constant 112 : index
        %get3A_395 = tpu.vector_load %arg7[%get3A_393, %get3A_394] {strides = array<i32>} : memref<128x128xf32, #tpu.memory_space<vmem>>, vector<1x16xf32>,
        %get3A_396 = vector.shape_cast %get3A_395 : vector<1x16xf32> to vector<16xf32>
        %swap3A_397 = arith.index_cast %squeeze3A_112 : i32 to index
        %swap3A_398 = arith.constant 112 : index
        %swap3A_399 = tpu.vector_load %arg9[%swap3A_397, %swap3A_398] {strides = array<i32>} : memref<512x128xf32, #tpu.memory_space<vmem>>, vector<1x16xf32>,
        %swap3A_400 = vector.shape_cast %swap3A_399 : vector<1x16xf32> to vector<16xf32>
        %swap3A_401 = vector.shape_cast %get3A_396 : vector<16xf32> to vector<1x16xf32>
        tpu.vector_store %arg9[%swap3A_397, %swap3A_398], %swap3A_401 {add = true, strides = array<i32>} : memref<512x128xf32, #tpu.memory_space<vmem>>, vector<1x16xf32>,
        %add3A_402 = arith.constant 3 : i32
        %add3A_403 = arith.addi %mul3A_108, %add3A_402 : i32
        %get3A_404 = arith.index_cast %add3A_403 : i32 to index
        %get3A_405 = arith.constant 0 : index
        %get3A_406 = tpu.vector_load %arg7[%get3A_404, %get3A_405] {strides = array<i32>} : memref<128x128xf32, #tpu.memory_space<vmem>>, vector<1x16xf32>,
        %get3A_407 = vector.shape_cast %get3A_406 : vector<1x16xf32> to vector<16xf32>
        %swap3A_408 = arith.index_cast %squeeze3A_114 : i32 to index
        %swap3A_409 = arith.constant 0 : index
        %swap3A_410 = tpu.vector_load %arg9[%swap3A_408, %swap3A_409] {strides = array<i32>} : memref<512x128xf32, #tpu.memory_space<vmem>>, vector<1x16xf32>,
        %swap3A_411 = vector.shape_cast %swap3A_410 : vector<1x16xf32> to vector<16xf32>
        %swap3A_412 = vector.shape_cast %get3A_407 : vector<16xf32> to vector<1x16xf32>
        tpu.vector_store %arg9[%swap3A_408, %swap3A_409], %swap3A_412 {add = true, strides = array<i32>} : memref<512x128xf32, #tpu.memory_space<vmem>>, vector<1x16xf32>,
        %add3A_413 = arith.constant 3 : i32
        %add3A_414 = arith.addi %mul3A_108, %add3A_413 : i32
        %get3A_415 = arith.index_cast %add3A_414 : i32 to index
        %get3A_416 = arith.constant 16 : index
        %get3A_417 = tpu.vector_load %arg7[%get3A_415, %get3A_416] {strides = array<i32>} : memref<128x128xf32, #tpu.memory_space<vmem>>, vector<1x16xf32>,
        %get3A_418 = vector.shape_cast %get3A_417 : vector<1x16xf32> to vector<16xf32>
        %swap3A_419 = arith.index_cast %squeeze3A_114 : i32 to index
        %swap3A_420 = arith.constant 16 : index
        %swap3A_421 = tpu.vector_load %arg9[%swap3A_419, %swap3A_420] {strides = array<i32>} : memref<512x128xf32, #tpu.memory_space<vmem>>, vector<1x16xf32>,
        %swap3A_422 = vector.shape_cast %swap3A_421 : vector<1x16xf32> to vector<16xf32>
        %swap3A_423 = vector.shape_cast %get3A_418 : vector<16xf32> to vector<1x16xf32>
        tpu.vector_store %arg9[%swap3A_419, %swap3A_420], %swap3A_423 {add = true, strides = array<i32>} : memref<512x128xf32, #tpu.memory_space<vmem>>, vector<1x16xf32>,
        %add3A_424 = arith.constant 3 : i32
        %add3A_425 = arith.addi %mul3A_108, %add3A_424 : i32
        %get3A_426 = arith.index_cast %add3A_425 : i32 to index
        %get3A_427 = arith.constant 32 : index
        %get3A_428 = tpu.vector_load %arg7[%get3A_426, %get3A_427] {strides = array<i32>} : memref<128x128xf32, #tpu.memory_space<vmem>>, vector<1x16xf32>,
        %get3A_429 = vector.shape_cast %get3A_428 : vector<1x16xf32> to vector<16xf32>
        %swap3A_430 = arith.index_cast %squeeze3A_114 : i32 to index
        %swap3A_431 = arith.constant 32 : index
        %swap3A_432 = tpu.vector_load %arg9[%swap3A_430, %swap3A_431] {strides = array<i32>} : memref<512x128xf32, #tpu.memory_space<vmem>>, vector<1x16xf32>,
        %swap3A_433 = vector.shape_cast %swap3A_432 : vector<1x16xf32> to vector<16xf32>
        %swap3A_434 = vector.shape_cast %get3A_429 : vector<16xf32> to vector<1x16xf32>
        tpu.vector_store %arg9[%swap3A_430, %swap3A_431], %swap3A_434 {add = true, strides = array<i32>} : memref<512x128xf32, #tpu.memory_space<vmem>>, vector<1x16xf32>,
        %add3A_435 = arith.constant 3 : i32
        %add3A_436 = arith.addi %mul3A_108, %add3A_435 : i32
        %get3A_437 = arith.index_cast %add3A_436 : i32 to index
        %get3A_438 = arith.constant 48 : index
        %get3A_439 = tpu.vector_load %arg7[%get3A_437, %get3A_438] {strides = array<i32>} : memref<128x128xf32, #tpu.memory_space<vmem>>, vector<1x16xf32>,
        %get3A_440 = vector.shape_cast %get3A_439 : vector<1x16xf32> to vector<16xf32>
        %swap3A_441 = arith.index_cast %squeeze3A_114 : i32 to index
        %swap3A_442 = arith.constant 48 : index
        %swap3A_443 = tpu.vector_load %arg9[%swap3A_441, %swap3A_442] {strides = array<i32>} : memref<512x128xf32, #tpu.memory_space<vmem>>, vector<1x16xf32>,
        %swap3A_444 = vector.shape_cast %swap3A_443 : vector<1x16xf32> to vector<16xf32>
        %swap3A_445 = vector.shape_cast %get3A_440 : vector<16xf32> to vector<1x16xf32>
        tpu.vector_store %arg9[%swap3A_441, %swap3A_442], %swap3A_445 {add = true, strides = array<i32>} : memref<512x128xf32, #tpu.memory_space<vmem>>, vector<1x16xf32>,
        %add3A_446 = arith.constant 3 : i32
        %add3A_447 = arith.addi %mul3A_108, %add3A_446 : i32
        %get3A_448 = arith.index_cast %add3A_447 : i32 to index
        %get3A_449 = arith.constant 64 : index
        %get3A_450 = tpu.vector_load %arg7[%get3A_448, %get3A_449] {strides = array<i32>} : memref<128x128xf32, #tpu.memory_space<vmem>>, vector<1x16xf32>,
        %get3A_451 = vector.shape_cast %get3A_450 : vector<1x16xf32> to vector<16xf32>
        %swap3A_452 = arith.index_cast %squeeze3A_114 : i32 to index
        %swap3A_453 = arith.constant 64 : index
        %swap3A_454 = tpu.vector_load %arg9[%swap3A_452, %swap3A_453] {strides = array<i32>} : memref<512x128xf32, #tpu.memory_space<vmem>>, vector<1x16xf32>,
        %swap3A_455 = vector.shape_cast %swap3A_454 : vector<1x16xf32> to vector<16xf32>
        %swap3A_456 = vector.shape_cast %get3A_451 : vector<16xf32> to vector<1x16xf32>
        tpu.vector_store %arg9[%swap3A_452, %swap3A_453], %swap3A_456 {add = true, strides = array<i32>} : memref<512x128xf32, #tpu.memory_space<vmem>>, vector<1x16xf32>,
        %add3A_457 = arith.constant 3 : i32
        %add3A_458 = arith.addi %mul3A_108, %add3A_457 : i32
        %get3A_459 = arith.index_cast %add3A_458 : i32 to index
        %get3A_460 = arith.constant 80 : index
        %get3A_461 = tpu.vector_load %arg7[%get3A_459, %get3A_460] {strides = array<i32>} : memref<128x128xf32, #tpu.memory_space<vmem>>, vector<1x16xf32>,
        %get3A_462 = vector.shape_cast %get3A_461 : vector<1x16xf32> to vector<16xf32>
        %swap3A_463 = arith.index_cast %squeeze3A_114 : i32 to index
        %swap3A_464 = arith.constant 80 : index
        %swap3A_465 = tpu.vector_load %arg9[%swap3A_463, %swap3A_464] {strides = array<i32>} : memref<512x128xf32, #tpu.memory_space<vmem>>, vector<1x16xf32>,
        %swap3A_466 = vector.shape_cast %swap3A_465 : vector<1x16xf32> to vector<16xf32>
        %swap3A_467 = vector.shape_cast %get3A_462 : vector<16xf32> to vector<1x16xf32>
        tpu.vector_store %arg9[%swap3A_463, %swap3A_464], %swap3A_467 {add = true, strides = array<i32>} : memref<512x128xf32, #tpu.memory_space<vmem>>, vector<1x16xf32>,
        %add3A_468 = arith.constant 3 : i32
        %add3A_469 = arith.addi %mul3A_108, %add3A_468 : i32
        %get3A_470 = arith.index_cast %add3A_469 : i32 to index
        %get3A_471 = arith.constant 96 : index
        %get3A_472 = tpu.vector_load %arg7[%get3A_470, %get3A_471] {strides = array<i32>} : memref<128x128xf32, #tpu.memory_space<vmem>>, vector<1x16xf32>,
        %get3A_473 = vector.shape_cast %get3A_472 : vector<1x16xf32> to vector<16xf32>
        %swap3A_474 = arith.index_cast %squeeze3A_114 : i32 to index
        %swap3A_475 = arith.constant 96 : index
        %swap3A_476 = tpu.vector_load %arg9[%swap3A_474, %swap3A_475] {strides = array<i32>} : memref<512x128xf32, #tpu.memory_space<vmem>>, vector<1x16xf32>,
        %swap3A_477 = vector.shape_cast %swap3A_476 : vector<1x16xf32> to vector<16xf32>
        %swap3A_478 = vector.shape_cast %get3A_473 : vector<16xf32> to vector<1x16xf32>
        tpu.vector_store %arg9[%swap3A_474, %swap3A_475], %swap3A_478 {add = true, strides = array<i32>} : memref<512x128xf32, #tpu.memory_space<vmem>>, vector<1x16xf32>,
        %add3A_479 = arith.constant 3 : i32
        %add3A_480 = arith.addi %mul3A_108, %add3A_479 : i32
        %get3A_481 = arith.index_cast %add3A_480 : i32 to index
        %get3A_482 = arith.constant 112 : index
        %get3A_483 = tpu.vector_load %arg7[%get3A_481, %get3A_482] {strides = array<i32>} : memref<128x128xf32, #tpu.memory_space<vmem>>, vector<1x16xf32>,
        %get3A_484 = vector.shape_cast %get3A_483 : vector<1x16xf32> to vector<16xf32>
        %swap3A_485 = arith.index_cast %squeeze3A_114 : i32 to index
        %swap3A_486 = arith.constant 112 : index
        %swap3A_487 = tpu.vector_load %arg9[%swap3A_485, %swap3A_486] {strides = array<i32>} : memref<512x128xf32, #tpu.memory_space<vmem>>, vector<1x16xf32>,
        %swap3A_488 = vector.shape_cast %swap3A_487 : vector<1x16xf32> to vector<16xf32>
        %swap3A_489 = vector.shape_cast %get3A_484 : vector<16xf32> to vector<1x16xf32>
        tpu.vector_store %arg9[%swap3A_485, %swap3A_486], %swap3A_489 {add = true, strides = array<i32>} : memref<512x128xf32, #tpu.memory_space<vmem>>, vector<1x16xf32>,
        %add3A_490 = arith.constant 4 : i32
        %add3A_491 = arith.addi %mul3A_108, %add3A_490 : i32
        %get3A_492 = arith.index_cast %add3A_491 : i32 to index
        %get3A_493 = arith.constant 0 : index
        %get3A_494 = tpu.vector_load %arg7[%get3A_492, %get3A_493] {strides = array<i32>} : memref<128x128xf32, #tpu.memory_space<vmem>>, vector<1x16xf32>,
        %get3A_495 = vector.shape_cast %get3A_494 : vector<1x16xf32> to vector<16xf32>
        %swap3A_496 = arith.index_cast %squeeze3A_116 : i32 to index
        %swap3A_497 = arith.constant 0 : index
        %swap3A_498 = tpu.vector_load %arg9[%swap3A_496, %swap3A_497] {strides = array<i32>} : memref<512x128xf32, #tpu.memory_space<vmem>>, vector<1x16xf32>,
        %swap3A_499 = vector.shape_cast %swap3A_498 : vector<1x16xf32> to vector<16xf32>
        %swap3A_500 = vector.shape_cast %get3A_495 : vector<16xf32> to vector<1x16xf32>
        tpu.vector_store %arg9[%swap3A_496, %swap3A_497], %swap3A_500 {add = true, strides = array<i32>} : memref<512x128xf32, #tpu.memory_space<vmem>>, vector<1x16xf32>,
        %add3A_501 = arith.constant 4 : i32
        %add3A_502 = arith.addi %mul3A_108, %add3A_501 : i32
        %get3A_503 = arith.index_cast %add3A_502 : i32 to index
        %get3A_504 = arith.constant 16 : index
        %get3A_505 = tpu.vector_load %arg7[%get3A_503, %get3A_504] {strides = array<i32>} : memref<128x128xf32, #tpu.memory_space<vmem>>, vector<1x16xf32>,
        %get3A_506 = vector.shape_cast %get3A_505 : vector<1x16xf32> to vector<16xf32>
        %swap3A_507 = arith.index_cast %squeeze3A_116 : i32 to index
        %swap3A_508 = arith.constant 16 : index
        %swap3A_509 = tpu.vector_load %arg9[%swap3A_507, %swap3A_508] {strides = array<i32>} : memref<512x128xf32, #tpu.memory_space<vmem>>, vector<1x16xf32>,
        %swap3A_510 = vector.shape_cast %swap3A_509 : vector<1x16xf32> to vector<16xf32>
        %swap3A_511 = vector.shape_cast %get3A_506 : vector<16xf32> to vector<1x16xf32>
        tpu.vector_store %arg9[%swap3A_507, %swap3A_508], %swap3A_511 {add = true, strides = array<i32>} : memref<512x128xf32, #tpu.memory_space<vmem>>, vector<1x16xf32>,
        %add3A_512 = arith.constant 4 : i32
        %add3A_513 = arith.addi %mul3A_108, %add3A_512 : i32
        %get3A_514 = arith.index_cast %add3A_513 : i32 to index
        %get3A_515 = arith.constant 32 : index
        %get3A_516 = tpu.vector_load %arg7[%get3A_514, %get3A_515] {strides = array<i32>} : memref<128x128xf32, #tpu.memory_space<vmem>>, vector<1x16xf32>,
        %get3A_517 = vector.shape_cast %get3A_516 : vector<1x16xf32> to vector<16xf32>
        %swap3A_518 = arith.index_cast %squeeze3A_116 : i32 to index
        %swap3A_519 = arith.constant 32 : index
        %swap3A_520 = tpu.vector_load %arg9[%swap3A_518, %swap3A_519] {strides = array<i32>} : memref<512x128xf32, #tpu.memory_space<vmem>>, vector<1x16xf32>,
        %swap3A_521 = vector.shape_cast %swap3A_520 : vector<1x16xf32> to vector<16xf32>
        %swap3A_522 = vector.shape_cast %get3A_517 : vector<16xf32> to vector<1x16xf32>
        tpu.vector_store %arg9[%swap3A_518, %swap3A_519], %swap3A_522 {add = true, strides = array<i32>} : memref<512x128xf32, #tpu.memory_space<vmem>>, vector<1x16xf32>,
        %add3A_523 = arith.constant 4 : i32
        %add3A_524 = arith.addi %mul3A_108, %add3A_523 : i32
        %get3A_525 = arith.index_cast %add3A_524 : i32 to index
        %get3A_526 = arith.constant 48 : index
        %get3A_527 = tpu.vector_load %arg7[%get3A_525, %get3A_526] {strides = array<i32>} : memref<128x128xf32, #tpu.memory_space<vmem>>, vector<1x16xf32>,
        %get3A_528 = vector.shape_cast %get3A_527 : vector<1x16xf32> to vector<16xf32>
        %swap3A_529 = arith.index_cast %squeeze3A_116 : i32 to index
        %swap3A_530 = arith.constant 48 : index
        %swap3A_531 = tpu.vector_load %arg9[%swap3A_529, %swap3A_530] {strides = array<i32>} : memref<512x128xf32, #tpu.memory_space<vmem>>, vector<1x16xf32>,
        %swap3A_532 = vector.shape_cast %swap3A_531 : vector<1x16xf32> to vector<16xf32>
        %swap3A_533 = vector.shape_cast %get3A_528 : vector<16xf32> to vector<1x16xf32>
        tpu.vector_store %arg9[%swap3A_529, %swap3A_530], %swap3A_533 {add = true, strides = array<i32>} : memref<512x128xf32, #tpu.memory_space<vmem>>, vector<1x16xf32>,
        %add3A_534 = arith.constant 4 : i32
        %add3A_535 = arith.addi %mul3A_108, %add3A_534 : i32
        %get3A_536 = arith.index_cast %add3A_535 : i32 to index
        %get3A_537 = arith.constant 64 : index
        %get3A_538 = tpu.vector_load %arg7[%get3A_536, %get3A_537] {strides = array<i32>} : memref<128x128xf32, #tpu.memory_space<vmem>>, vector<1x16xf32>,
        %get3A_539 = vector.shape_cast %get3A_538 : vector<1x16xf32> to vector<16xf32>
        %swap3A_540 = arith.index_cast %squeeze3A_116 : i32 to index
        %swap3A_541 = arith.constant 64 : index
        %swap3A_542 = tpu.vector_load %arg9[%swap3A_540, %swap3A_541] {strides = array<i32>} : memref<512x128xf32, #tpu.memory_space<vmem>>, vector<1x16xf32>,
        %swap3A_543 = vector.shape_cast %swap3A_542 : vector<1x16xf32> to vector<16xf32>
        %swap3A_544 = vector.shape_cast %get3A_539 : vector<16xf32> to vector<1x16xf32>
        tpu.vector_store %arg9[%swap3A_540, %swap3A_541], %swap3A_544 {add = true, strides = array<i32>} : memref<512x128xf32, #tpu.memory_space<vmem>>, vector<1x16xf32>,
        %add3A_545 = arith.constant 4 : i32
        %add3A_546 = arith.addi %mul3A_108, %add3A_545 : i32
        %get3A_547 = arith.index_cast %add3A_546 : i32 to index
        %get3A_548 = arith.constant 80 : index
        %get3A_549 = tpu.vector_load %arg7[%get3A_547, %get3A_548] {strides = array<i32>} : memref<128x128xf32, #tpu.memory_space<vmem>>, vector<1x16xf32>,
        %get3A_550 = vector.shape_cast %get3A_549 : vector<1x16xf32> to vector<16xf32>
        %swap3A_551 = arith.index_cast %squeeze3A_116 : i32 to index
        %swap3A_552 = arith.constant 80 : index
        %swap3A_553 = tpu.vector_load %arg9[%swap3A_551, %swap3A_552] {strides = array<i32>} : memref<512x128xf32, #tpu.memory_space<vmem>>, vector<1x16xf32>,
        %swap3A_554 = vector.shape_cast %swap3A_553 : vector<1x16xf32> to vector<16xf32>
        %swap3A_555 = vector.shape_cast %get3A_550 : vector<16xf32> to vector<1x16xf32>
        tpu.vector_store %arg9[%swap3A_551, %swap3A_552], %swap3A_555 {add = true, strides = array<i32>} : memref<512x128xf32, #tpu.memory_space<vmem>>, vector<1x16xf32>,
        %add3A_556 = arith.constant 4 : i32
        %add3A_557 = arith.addi %mul3A_108, %add3A_556 : i32
        %get3A_558 = arith.index_cast %add3A_557 : i32 to index
        %get3A_559 = arith.constant 96 : index
        %get3A_560 = tpu.vector_load %arg7[%get3A_558, %get3A_559] {strides = array<i32>} : memref<128x128xf32, #tpu.memory_space<vmem>>, vector<1x16xf32>,
        %get3A_561 = vector.shape_cast %get3A_560 : vector<1x16xf32> to vector<16xf32>
        %swap3A_562 = arith.index_cast %squeeze3A_116 : i32 to index
        %swap3A_563 = arith.constant 96 : index
        %swap3A_564 = tpu.vector_load %arg9[%swap3A_562, %swap3A_563] {strides = array<i32>} : memref<512x128xf32, #tpu.memory_space<vmem>>, vector<1x16xf32>,
        %swap3A_565 = vector.shape_cast %swap3A_564 : vector<1x16xf32> to vector<16xf32>
        %swap3A_566 = vector.shape_cast %get3A_561 : vector<16xf32> to vector<1x16xf32>
        tpu.vector_store %arg9[%swap3A_562, %swap3A_563], %swap3A_566 {add = true, strides = array<i32>} : memref<512x128xf32, #tpu.memory_space<vmem>>, vector<1x16xf32>,
        %add3A_567 = arith.constant 4 : i32
        %add3A_568 = arith.addi %mul3A_108, %add3A_567 : i32
        %get3A_569 = arith.index_cast %add3A_568 : i32 to index
        %get3A_570 = arith.constant 112 : index
        %get3A_571 = tpu.vector_load %arg7[%get3A_569, %get3A_570] {strides = array<i32>} : memref<128x128xf32, #tpu.memory_space<vmem>>, vector<1x16xf32>,
        %get3A_572 = vector.shape_cast %get3A_571 : vector<1x16xf32> to vector<16xf32>
        %swap3A_573 = arith.index_cast %squeeze3A_116 : i32 to index
        %swap3A_574 = arith.constant 112 : index
        %swap3A_575 = tpu.vector_load %arg9[%swap3A_573, %swap3A_574] {strides = array<i32>} : memref<512x128xf32, #tpu.memory_space<vmem>>, vector<1x16xf32>,
        %swap3A_576 = vector.shape_cast %swap3A_575 : vector<1x16xf32> to vector<16xf32>
        %swap3A_577 = vector.shape_cast %get3A_572 : vector<16xf32> to vector<1x16xf32>
        tpu.vector_store %arg9[%swap3A_573, %swap3A_574], %swap3A_577 {add = true, strides = array<i32>} : memref<512x128xf32, #tpu.memory_space<vmem>>, vector<1x16xf32>,
        %add3A_578 = arith.constant 5 : i32
        %add3A_579 = arith.addi %mul3A_108, %add3A_578 : i32
        %get3A_580 = arith.index_cast %add3A_579 : i32 to index
        %get3A_581 = arith.constant 0 : index
        %get3A_582 = tpu.vector_load %arg7[%get3A_580, %get3A_581] {strides = array<i32>} : memref<128x128xf32, #tpu.memory_space<vmem>>, vector<1x16xf32>,
        %get3A_583 = vector.shape_cast %get3A_582 : vector<1x16xf32> to vector<16xf32>
        %swap3A_584 = arith.index_cast %squeeze3A_118 : i32 to index
        %swap3A_585 = arith.constant 0 : index
        %swap3A_586 = tpu.vector_load %arg9[%swap3A_584, %swap3A_585] {strides = array<i32>} : memref<512x128xf32, #tpu.memory_space<vmem>>, vector<1x16xf32>,
        %swap3A_587 = vector.shape_cast %swap3A_586 : vector<1x16xf32> to vector<16xf32>
        %swap3A_588 = vector.shape_cast %get3A_583 : vector<16xf32> to vector<1x16xf32>
        tpu.vector_store %arg9[%swap3A_584, %swap3A_585], %swap3A_588 {add = true, strides = array<i32>} : memref<512x128xf32, #tpu.memory_space<vmem>>, vector<1x16xf32>,
        %add3A_589 = arith.constant 5 : i32
        %add3A_590 = arith.addi %mul3A_108, %add3A_589 : i32
        %get3A_591 = arith.index_cast %add3A_590 : i32 to index
        %get3A_592 = arith.constant 16 : index
        %get3A_593 = tpu.vector_load %arg7[%get3A_591, %get3A_592] {strides = array<i32>} : memref<128x128xf32, #tpu.memory_space<vmem>>, vector<1x16xf32>,
        %get3A_594 = vector.shape_cast %get3A_593 : vector<1x16xf32> to vector<16xf32>
        %swap3A_595 = arith.index_cast %squeeze3A_118 : i32 to index
        %swap3A_596 = arith.constant 16 : index
        %swap3A_597 = tpu.vector_load %arg9[%swap3A_595, %swap3A_596] {strides = array<i32>} : memref<512x128xf32, #tpu.memory_space<vmem>>, vector<1x16xf32>,
        %swap3A_598 = vector.shape_cast %swap3A_597 : vector<1x16xf32> to vector<16xf32>
        %swap3A_599 = vector.shape_cast %get3A_594 : vector<16xf32> to vector<1x16xf32>
        tpu.vector_store %arg9[%swap3A_595, %swap3A_596], %swap3A_599 {add = true, strides = array<i32>} : memref<512x128xf32, #tpu.memory_space<vmem>>, vector<1x16xf32>,
        %add3A_600 = arith.constant 5 : i32
        %add3A_601 = arith.addi %mul3A_108, %add3A_600 : i32
        %get3A_602 = arith.index_cast %add3A_601 : i32 to index
        %get3A_603 = arith.constant 32 : index
        %get3A_604 = tpu.vector_load %arg7[%get3A_602, %get3A_603] {strides = array<i32>} : memref<128x128xf32, #tpu.memory_space<vmem>>, vector<1x16xf32>,
        %get3A_605 = vector.shape_cast %get3A_604 : vector<1x16xf32> to vector<16xf32>
        %swap3A_606 = arith.index_cast %squeeze3A_118 : i32 to index
        %swap3A_607 = arith.constant 32 : index
        %swap3A_608 = tpu.vector_load %arg9[%swap3A_606, %swap3A_607] {strides = array<i32>} : memref<512x128xf32, #tpu.memory_space<vmem>>, vector<1x16xf32>,
        %swap3A_609 = vector.shape_cast %swap3A_608 : vector<1x16xf32> to vector<16xf32>
        %swap3A_610 = vector.shape_cast %get3A_605 : vector<16xf32> to vector<1x16xf32>
        tpu.vector_store %arg9[%swap3A_606, %swap3A_607], %swap3A_610 {add = true, strides = array<i32>} : memref<512x128xf32, #tpu.memory_space<vmem>>, vector<1x16xf32>,
        %add3A_611 = arith.constant 5 : i32
        %add3A_612 = arith.addi %mul3A_108, %add3A_611 : i32
        %get3A_613 = arith.index_cast %add3A_612 : i32 to index
        %get3A_614 = arith.constant 48 : index
        %get3A_615 = tpu.vector_load %arg7[%get3A_613, %get3A_614] {strides = array<i32>} : memref<128x128xf32, #tpu.memory_space<vmem>>, vector<1x16xf32>,
        %get3A_616 = vector.shape_cast %get3A_615 : vector<1x16xf32> to vector<16xf32>
        %swap3A_617 = arith.index_cast %squeeze3A_118 : i32 to index
        %swap3A_618 = arith.constant 48 : index
        %swap3A_619 = tpu.vector_load %arg9[%swap3A_617, %swap3A_618] {strides = array<i32>} : memref<512x128xf32, #tpu.memory_space<vmem>>, vector<1x16xf32>,
        %swap3A_620 = vector.shape_cast %swap3A_619 : vector<1x16xf32> to vector<16xf32>
        %swap3A_621 = vector.shape_cast %get3A_616 : vector<16xf32> to vector<1x16xf32>
        tpu.vector_store %arg9[%swap3A_617, %swap3A_618], %swap3A_621 {add = true, strides = array<i32>} : memref<512x128xf32, #tpu.memory_space<vmem>>, vector<1x16xf32>,
        %add3A_622 = arith.constant 5 : i32
        %add3A_623 = arith.addi %mul3A_108, %add3A_622 : i32
        %get3A_624 = arith.index_cast %add3A_623 : i32 to index
        %get3A_625 = arith.constant 64 : index
        %get3A_626 = tpu.vector_load %arg7[%get3A_624, %get3A_625] {strides = array<i32>} : memref<128x128xf32, #tpu.memory_space<vmem>>, vector<1x16xf32>,
        %get3A_627 = vector.shape_cast %get3A_626 : vector<1x16xf32> to vector<16xf32>
        %swap3A_628 = arith.index_cast %squeeze3A_118 : i32 to index
        %swap3A_629 = arith.constant 64 : index
        %swap3A_630 = tpu.vector_load %arg9[%swap3A_628, %swap3A_629] {strides = array<i32>} : memref<512x128xf32, #tpu.memory_space<vmem>>, vector<1x16xf32>,
        %swap3A_631 = vector.shape_cast %swap3A_630 : vector<1x16xf32> to vector<16xf32>
        %swap3A_632 = vector.shape_cast %get3A_627 : vector<16xf32> to vector<1x16xf32>
        tpu.vector_store %arg9[%swap3A_628, %swap3A_629], %swap3A_632 {add = true, strides = array<i32>} : memref<512x128xf32, #tpu.memory_space<vmem>>, vector<1x16xf32>,
        %add3A_633 = arith.constant 5 : i32
        %add3A_634 = arith.addi %mul3A_108, %add3A_633 : i32
        %get3A_635 = arith.index_cast %add3A_634 : i32 to index
        %get3A_636 = arith.constant 80 : index
        %get3A_637 = tpu.vector_load %arg7[%get3A_635, %get3A_636] {strides = array<i32>} : memref<128x128xf32, #tpu.memory_space<vmem>>, vector<1x16xf32>,
        %get3A_638 = vector.shape_cast %get3A_637 : vector<1x16xf32> to vector<16xf32>
        %swap3A_639 = arith.index_cast %squeeze3A_118 : i32 to index
        %swap3A_640 = arith.constant 80 : index
        %swap3A_641 = tpu.vector_load %arg9[%swap3A_639, %swap3A_640] {strides = array<i32>} : memref<512x128xf32, #tpu.memory_space<vmem>>, vector<1x16xf32>,
        %swap3A_642 = vector.shape_cast %swap3A_641 : vector<1x16xf32> to vector<16xf32>
        %swap3A_643 = vector.shape_cast %get3A_638 : vector<16xf32> to vector<1x16xf32>
        tpu.vector_store %arg9[%swap3A_639, %swap3A_640], %swap3A_643 {add = true, strides = array<i32>} : memref<512x128xf32, #tpu.memory_space<vmem>>, vector<1x16xf32>,
        %add3A_644 = arith.constant 5 : i32
        %add3A_645 = arith.addi %mul3A_108, %add3A_644 : i32
        %get3A_646 = arith.index_cast %add3A_645 : i32 to index
        %get3A_647 = arith.constant 96 : index
        %get3A_648 = tpu.vector_load %arg7[%get3A_646, %get3A_647] {strides = array<i32>} : memref<128x128xf32, #tpu.memory_space<vmem>>, vector<1x16xf32>,
        %get3A_649 = vector.shape_cast %get3A_648 : vector<1x16xf32> to vector<16xf32>
        %swap3A_650 = arith.index_cast %squeeze3A_118 : i32 to index
        %swap3A_651 = arith.constant 96 : index
        %swap3A_652 = tpu.vector_load %arg9[%swap3A_650, %swap3A_651] {strides = array<i32>} : memref<512x128xf32, #tpu.memory_space<vmem>>, vector<1x16xf32>,
        %swap3A_653 = vector.shape_cast %swap3A_652 : vector<1x16xf32> to vector<16xf32>
        %swap3A_654 = vector.shape_cast %get3A_649 : vector<16xf32> to vector<1x16xf32>
        tpu.vector_store %arg9[%swap3A_650, %swap3A_651], %swap3A_654 {add = true, strides = array<i32>} : memref<512x128xf32, #tpu.memory_space<vmem>>, vector<1x16xf32>,
        %add3A_655 = arith.constant 5 : i32
        %add3A_656 = arith.addi %mul3A_108, %add3A_655 : i32
        %get3A_657 = arith.index_cast %add3A_656 : i32 to index
        %get3A_658 = arith.constant 112 : index
        %get3A_659 = tpu.vector_load %arg7[%get3A_657, %get3A_658] {strides = array<i32>} : memref<128x128xf32, #tpu.memory_space<vmem>>, vector<1x16xf32>,
        %get3A_660 = vector.shape_cast %get3A_659 : vector<1x16xf32> to vector<16xf32>
        %swap3A_661 = arith.index_cast %squeeze3A_118 : i32 to index
        %swap3A_662 = arith.constant 112 : index
        %swap3A_663 = tpu.vector_load %arg9[%swap3A_661, %swap3A_662] {strides = array<i32>} : memref<512x128xf32, #tpu.memory_space<vmem>>, vector<1x16xf32>,
        %swap3A_664 = vector.shape_cast %swap3A_663 : vector<1x16xf32> to vector<16xf32>
        %swap3A_665 = vector.shape_cast %get3A_660 : vector<16xf32> to vector<1x16xf32>
        tpu.vector_store %arg9[%swap3A_661, %swap3A_662], %swap3A_665 {add = true, strides = array<i32>} : memref<512x128xf32, #tpu.memory_space<vmem>>, vector<1x16xf32>,
        %add3A_666 = arith.constant 6 : i32
        %add3A_667 = arith.addi %mul3A_108, %add3A_666 : i32
        %get3A_668 = arith.index_cast %add3A_667 : i32 to index
        %get3A_669 = arith.constant 0 : index
        %get3A_670 = tpu.vector_load %arg7[%get3A_668, %get3A_669] {strides = array<i32>} : memref<128x128xf32, #tpu.memory_space<vmem>>, vector<1x16xf32>,
        %get3A_671 = vector.shape_cast %get3A_670 : vector<1x16xf32> to vector<16xf32>
        %swap3A_672 = arith.index_cast %squeeze3A_120 : i32 to index
        %swap3A_673 = arith.constant 0 : index
        %swap3A_674 = tpu.vector_load %arg9[%swap3A_672, %swap3A_673] {strides = array<i32>} : memref<512x128xf32, #tpu.memory_space<vmem>>, vector<1x16xf32>,
        %swap3A_675 = vector.shape_cast %swap3A_674 : vector<1x16xf32> to vector<16xf32>
        %swap3A_676 = vector.shape_cast %get3A_671 : vector<16xf32> to vector<1x16xf32>
        tpu.vector_store %arg9[%swap3A_672, %swap3A_673], %swap3A_676 {add = true, strides = array<i32>} : memref<512x128xf32, #tpu.memory_space<vmem>>, vector<1x16xf32>,
        %add3A_677 = arith.constant 6 : i32
        %add3A_678 = arith.addi %mul3A_108, %add3A_677 : i32
        %get3A_679 = arith.index_cast %add3A_678 : i32 to index
        %get3A_680 = arith.constant 16 : index
        %get3A_681 = tpu.vector_load %arg7[%get3A_679, %get3A_680] {strides = array<i32>} : memref<128x128xf32, #tpu.memory_space<vmem>>, vector<1x16xf32>,
        %get3A_682 = vector.shape_cast %get3A_681 : vector<1x16xf32> to vector<16xf32>
        %swap3A_683 = arith.index_cast %squeeze3A_120 : i32 to index
        %swap3A_684 = arith.constant 16 : index
        %swap3A_685 = tpu.vector_load %arg9[%swap3A_683, %swap3A_684] {strides = array<i32>} : memref<512x128xf32, #tpu.memory_space<vmem>>, vector<1x16xf32>,
        %swap3A_686 = vector.shape_cast %swap3A_685 : vector<1x16xf32> to vector<16xf32>
        %swap3A_687 = vector.shape_cast %get3A_682 : vector<16xf32> to vector<1x16xf32>
        tpu.vector_store %arg9[%swap3A_683, %swap3A_684], %swap3A_687 {add = true, strides = array<i32>} : memref<512x128xf32, #tpu.memory_space<vmem>>, vector<1x16xf32>,
        %add3A_688 = arith.constant 6 : i32
        %add3A_689 = arith.addi %mul3A_108, %add3A_688 : i32
        %get3A_690 = arith.index_cast %add3A_689 : i32 to index
        %get3A_691 = arith.constant 32 : index
        %get3A_692 = tpu.vector_load %arg7[%get3A_690, %get3A_691] {strides = array<i32>} : memref<128x128xf32, #tpu.memory_space<vmem>>, vector<1x16xf32>,
        %get3A_693 = vector.shape_cast %get3A_692 : vector<1x16xf32> to vector<16xf32>
        %swap3A_694 = arith.index_cast %squeeze3A_120 : i32 to index
        %swap3A_695 = arith.constant 32 : index
        %swap3A_696 = tpu.vector_load %arg9[%swap3A_694, %swap3A_695] {strides = array<i32>} : memref<512x128xf32, #tpu.memory_space<vmem>>, vector<1x16xf32>,
        %swap3A_697 = vector.shape_cast %swap3A_696 : vector<1x16xf32> to vector<16xf32>
        %swap3A_698 = vector.shape_cast %get3A_693 : vector<16xf32> to vector<1x16xf32>
        tpu.vector_store %arg9[%swap3A_694, %swap3A_695], %swap3A_698 {add = true, strides = array<i32>} : memref<512x128xf32, #tpu.memory_space<vmem>>, vector<1x16xf32>,
        %add3A_699 = arith.constant 6 : i32
        %add3A_700 = arith.addi %mul3A_108, %add3A_699 : i32
        %get3A_701 = arith.index_cast %add3A_700 : i32 to index
        %get3A_702 = arith.constant 48 : index
        %get3A_703 = tpu.vector_load %arg7[%get3A_701, %get3A_702] {strides = array<i32>} : memref<128x128xf32, #tpu.memory_space<vmem>>, vector<1x16xf32>,
        %get3A_704 = vector.shape_cast %get3A_703 : vector<1x16xf32> to vector<16xf32>
        %swap3A_705 = arith.index_cast %squeeze3A_120 : i32 to index
        %swap3A_706 = arith.constant 48 : index
        %swap3A_707 = tpu.vector_load %arg9[%swap3A_705, %swap3A_706] {strides = array<i32>} : memref<512x128xf32, #tpu.memory_space<vmem>>, vector<1x16xf32>,
        %swap3A_708 = vector.shape_cast %swap3A_707 : vector<1x16xf32> to vector<16xf32>
        %swap3A_709 = vector.shape_cast %get3A_704 : vector<16xf32> to vector<1x16xf32>
        tpu.vector_store %arg9[%swap3A_705, %swap3A_706], %swap3A_709 {add = true, strides = array<i32>} : memref<512x128xf32, #tpu.memory_space<vmem>>, vector<1x16xf32>,
        %add3A_710 = arith.constant 6 : i32
        %add3A_711 = arith.addi %mul3A_108, %add3A_710 : i32
        %get3A_712 = arith.index_cast %add3A_711 : i32 to index
        %get3A_713 = arith.constant 64 : index
        %get3A_714 = tpu.vector_load %arg7[%get3A_712, %get3A_713] {strides = array<i32>} : memref<128x128xf32, #tpu.memory_space<vmem>>, vector<1x16xf32>,
        %get3A_715 = vector.shape_cast %get3A_714 : vector<1x16xf32> to vector<16xf32>
        %swap3A_716 = arith.index_cast %squeeze3A_120 : i32 to index
        %swap3A_717 = arith.constant 64 : index
        %swap3A_718 = tpu.vector_load %arg9[%swap3A_716, %swap3A_717] {strides = array<i32>} : memref<512x128xf32, #tpu.memory_space<vmem>>, vector<1x16xf32>,
        %swap3A_719 = vector.shape_cast %swap3A_718 : vector<1x16xf32> to vector<16xf32>
        %swap3A_720 = vector.shape_cast %get3A_715 : vector<16xf32> to vector<1x16xf32>
        tpu.vector_store %arg9[%swap3A_716, %swap3A_717], %swap3A_720 {add = true, strides = array<i32>} : memref<512x128xf32, #tpu.memory_space<vmem>>, vector<1x16xf32>,
        %add3A_721 = arith.constant 6 : i32
        %add3A_722 = arith.addi %mul3A_108, %add3A_721 : i32
        %get3A_723 = arith.index_cast %add3A_722 : i32 to index
        %get3A_724 = arith.constant 80 : index
        %get3A_725 = tpu.vector_load %arg7[%get3A_723, %get3A_724] {strides = array<i32>} : memref<128x128xf32, #tpu.memory_space<vmem>>, vector<1x16xf32>,
        %get3A_726 = vector.shape_cast %get3A_725 : vector<1x16xf32> to vector<16xf32>
        %swap3A_727 = arith.index_cast %squeeze3A_120 : i32 to index
        %swap3A_728 = arith.constant 80 : index
        %swap3A_729 = tpu.vector_load %arg9[%swap3A_727, %swap3A_728] {strides = array<i32>} : memref<512x128xf32, #tpu.memory_space<vmem>>, vector<1x16xf32>,
        %swap3A_730 = vector.shape_cast %swap3A_729 : vector<1x16xf32> to vector<16xf32>
        %swap3A_731 = vector.shape_cast %get3A_726 : vector<16xf32> to vector<1x16xf32>
        tpu.vector_store %arg9[%swap3A_727, %swap3A_728], %swap3A_731 {add = true, strides = array<i32>} : memref<512x128xf32, #tpu.memory_space<vmem>>, vector<1x16xf32>,
        %add3A_732 = arith.constant 6 : i32
        %add3A_733 = arith.addi %mul3A_108, %add3A_732 : i32
        %get3A_734 = arith.index_cast %add3A_733 : i32 to index
        %get3A_735 = arith.constant 96 : index
        %get3A_736 = tpu.vector_load %arg7[%get3A_734, %get3A_735] {strides = array<i32>} : memref<128x128xf32, #tpu.memory_space<vmem>>, vector<1x16xf32>,
        %get3A_737 = vector.shape_cast %get3A_736 : vector<1x16xf32> to vector<16xf32>
        %swap3A_738 = arith.index_cast %squeeze3A_120 : i32 to index
        %swap3A_739 = arith.constant 96 : index
        %swap3A_740 = tpu.vector_load %arg9[%swap3A_738, %swap3A_739] {strides = array<i32>} : memref<512x128xf32, #tpu.memory_space<vmem>>, vector<1x16xf32>,
        %swap3A_741 = vector.shape_cast %swap3A_740 : vector<1x16xf32> to vector<16xf32>
        %swap3A_742 = vector.shape_cast %get3A_737 : vector<16xf32> to vector<1x16xf32>
        tpu.vector_store %arg9[%swap3A_738, %swap3A_739], %swap3A_742 {add = true, strides = array<i32>} : memref<512x128xf32, #tpu.memory_space<vmem>>, vector<1x16xf32>,
        %add3A_743 = arith.constant 6 : i32
        %add3A_744 = arith.addi %mul3A_108, %add3A_743 : i32
        %get3A_745 = arith.index_cast %add3A_744 : i32 to index
        %get3A_746 = arith.constant 112 : index
        %get3A_747 = tpu.vector_load %arg7[%get3A_745, %get3A_746] {strides = array<i32>} : memref<128x128xf32, #tpu.memory_space<vmem>>, vector<1x16xf32>,
        %get3A_748 = vector.shape_cast %get3A_747 : vector<1x16xf32> to vector<16xf32>
        %swap3A_749 = arith.index_cast %squeeze3A_120 : i32 to index
        %swap3A_750 = arith.constant 112 : index
        %swap3A_751 = tpu.vector_load %arg9[%swap3A_749, %swap3A_750] {strides = array<i32>} : memref<512x128xf32, #tpu.memory_space<vmem>>, vector<1x16xf32>,
        %swap3A_752 = vector.shape_cast %swap3A_751 : vector<1x16xf32> to vector<16xf32>
        %swap3A_753 = vector.shape_cast %get3A_748 : vector<16xf32> to vector<1x16xf32>
        tpu.vector_store %arg9[%swap3A_749, %swap3A_750], %swap3A_753 {add = true, strides = array<i32>} : memref<512x128xf32, #tpu.memory_space<vmem>>, vector<1x16xf32>,
        %add3A_754 = arith.constant 7 : i32
        %add3A_755 = arith.addi %mul3A_108, %add3A_754 : i32
        %get3A_756 = arith.index_cast %add3A_755 : i32 to index
        %get3A_757 = arith.constant 0 : index
        %get3A_758 = tpu.vector_load %arg7[%get3A_756, %get3A_757] {strides = array<i32>} : memref<128x128xf32, #tpu.memory_space<vmem>>, vector<1x16xf32>,
        %get3A_759 = vector.shape_cast %get3A_758 : vector<1x16xf32> to vector<16xf32>
        %swap3A_760 = arith.index_cast %squeeze3A_122 : i32 to index
        %swap3A_761 = arith.constant 0 : index
        %swap3A_762 = tpu.vector_load %arg9[%swap3A_760, %swap3A_761] {strides = array<i32>} : memref<512x128xf32, #tpu.memory_space<vmem>>, vector<1x16xf32>,
        %swap3A_763 = vector.shape_cast %swap3A_762 : vector<1x16xf32> to vector<16xf32>
        %swap3A_764 = vector.shape_cast %get3A_759 : vector<16xf32> to vector<1x16xf32>
        tpu.vector_store %arg9[%swap3A_760, %swap3A_761], %swap3A_764 {add = true, strides = array<i32>} : memref<512x128xf32, #tpu.memory_space<vmem>>, vector<1x16xf32>,
        %add3A_765 = arith.constant 7 : i32
        %add3A_766 = arith.addi %mul3A_108, %add3A_765 : i32
        %get3A_767 = arith.index_cast %add3A_766 : i32 to index
        %get3A_768 = arith.constant 16 : index
        %get3A_769 = tpu.vector_load %arg7[%get3A_767, %get3A_768] {strides = array<i32>} : memref<128x128xf32, #tpu.memory_space<vmem>>, vector<1x16xf32>,
        %get3A_770 = vector.shape_cast %get3A_769 : vector<1x16xf32> to vector<16xf32>
        %swap3A_771 = arith.index_cast %squeeze3A_122 : i32 to index
        %swap3A_772 = arith.constant 16 : index
        %swap3A_773 = tpu.vector_load %arg9[%swap3A_771, %swap3A_772] {strides = array<i32>} : memref<512x128xf32, #tpu.memory_space<vmem>>, vector<1x16xf32>,
        %swap3A_774 = vector.shape_cast %swap3A_773 : vector<1x16xf32> to vector<16xf32>
        %swap3A_775 = vector.shape_cast %get3A_770 : vector<16xf32> to vector<1x16xf32>
        tpu.vector_store %arg9[%swap3A_771, %swap3A_772], %swap3A_775 {add = true, strides = array<i32>} : memref<512x128xf32, #tpu.memory_space<vmem>>, vector<1x16xf32>,
        %add3A_776 = arith.constant 7 : i32
        %add3A_777 = arith.addi %mul3A_108, %add3A_776 : i32
        %get3A_778 = arith.index_cast %add3A_777 : i32 to index
        %get3A_779 = arith.constant 32 : index
        %get3A_780 = tpu.vector_load %arg7[%get3A_778, %get3A_779] {strides = array<i32>} : memref<128x128xf32, #tpu.memory_space<vmem>>, vector<1x16xf32>,
        %get3A_781 = vector.shape_cast %get3A_780 : vector<1x16xf32> to vector<16xf32>
        %swap3A_782 = arith.index_cast %squeeze3A_122 : i32 to index
        %swap3A_783 = arith.constant 32 : index
        %swap3A_784 = tpu.vector_load %arg9[%swap3A_782, %swap3A_783] {strides = array<i32>} : memref<512x128xf32, #tpu.memory_space<vmem>>, vector<1x16xf32>,
        %swap3A_785 = vector.shape_cast %swap3A_784 : vector<1x16xf32> to vector<16xf32>
        %swap3A_786 = vector.shape_cast %get3A_781 : vector<16xf32> to vector<1x16xf32>
        tpu.vector_store %arg9[%swap3A_782, %swap3A_783], %swap3A_786 {add = true, strides = array<i32>} : memref<512x128xf32, #tpu.memory_space<vmem>>, vector<1x16xf32>,
        %add3A_787 = arith.constant 7 : i32
        %add3A_788 = arith.addi %mul3A_108, %add3A_787 : i32
        %get3A_789 = arith.index_cast %add3A_788 : i32 to index
        %get3A_790 = arith.constant 48 : index
        %get3A_791 = tpu.vector_load %arg7[%get3A_789, %get3A_790] {strides = array<i32>} : memref<128x128xf32, #tpu.memory_space<vmem>>, vector<1x16xf32>,
        %get3A_792 = vector.shape_cast %get3A_791 : vector<1x16xf32> to vector<16xf32>
        %swap3A_793 = arith.index_cast %squeeze3A_122 : i32 to index
        %swap3A_794 = arith.constant 48 : index
        %swap3A_795 = tpu.vector_load %arg9[%swap3A_793, %swap3A_794] {strides = array<i32>} : memref<512x128xf32, #tpu.memory_space<vmem>>, vector<1x16xf32>,
        %swap3A_796 = vector.shape_cast %swap3A_795 : vector<1x16xf32> to vector<16xf32>
        %swap3A_797 = vector.shape_cast %get3A_792 : vector<16xf32> to vector<1x16xf32>
        tpu.vector_store %arg9[%swap3A_793, %swap3A_794], %swap3A_797 {add = true, strides = array<i32>} : memref<512x128xf32, #tpu.memory_space<vmem>>, vector<1x16xf32>,
        %add3A_798 = arith.constant 7 : i32
        %add3A_799 = arith.addi %mul3A_108, %add3A_798 : i32
        %get3A_800 = arith.index_cast %add3A_799 : i32 to index
        %get3A_801 = arith.constant 64 : index
        %get3A_802 = tpu.vector_load %arg7[%get3A_800, %get3A_801] {strides = array<i32>} : memref<128x128xf32, #tpu.memory_space<vmem>>, vector<1x16xf32>,
        %get3A_803 = vector.shape_cast %get3A_802 : vector<1x16xf32> to vector<16xf32>
        %swap3A_804 = arith.index_cast %squeeze3A_122 : i32 to index
        %swap3A_805 = arith.constant 64 : index
        %swap3A_806 = tpu.vector_load %arg9[%swap3A_804, %swap3A_805] {strides = array<i32>} : memref<512x128xf32, #tpu.memory_space<vmem>>, vector<1x16xf32>,
        %swap3A_807 = vector.shape_cast %swap3A_806 : vector<1x16xf32> to vector<16xf32>
        %swap3A_808 = vector.shape_cast %get3A_803 : vector<16xf32> to vector<1x16xf32>
        tpu.vector_store %arg9[%swap3A_804, %swap3A_805], %swap3A_808 {add = true, strides = array<i32>} : memref<512x128xf32, #tpu.memory_space<vmem>>, vector<1x16xf32>,
        %add3A_809 = arith.constant 7 : i32
        %add3A_810 = arith.addi %mul3A_108, %add3A_809 : i32
        %get3A_811 = arith.index_cast %add3A_810 : i32 to index
        %get3A_812 = arith.constant 80 : index
        %get3A_813 = tpu.vector_load %arg7[%get3A_811, %get3A_812] {strides = array<i32>} : memref<128x128xf32, #tpu.memory_space<vmem>>, vector<1x16xf32>,
        %get3A_814 = vector.shape_cast %get3A_813 : vector<1x16xf32> to vector<16xf32>
        %swap3A_815 = arith.index_cast %squeeze3A_122 : i32 to index
        %swap3A_816 = arith.constant 80 : index
        %swap3A_817 = tpu.vector_load %arg9[%swap3A_815, %swap3A_816] {strides = array<i32>} : memref<512x128xf32, #tpu.memory_space<vmem>>, vector<1x16xf32>,
        %swap3A_818 = vector.shape_cast %swap3A_817 : vector<1x16xf32> to vector<16xf32>
        %swap3A_819 = vector.shape_cast %get3A_814 : vector<16xf32> to vector<1x16xf32>
        tpu.vector_store %arg9[%swap3A_815, %swap3A_816], %swap3A_819 {add = true, strides = array<i32>} : memref<512x128xf32, #tpu.memory_space<vmem>>, vector<1x16xf32>,
        %add3A_820 = arith.constant 7 : i32
        %add3A_821 = arith.addi %mul3A_108, %add3A_820 : i32
        %get3A_822 = arith.index_cast %add3A_821 : i32 to index
        %get3A_823 = arith.constant 96 : index
        %get3A_824 = tpu.vector_load %arg7[%get3A_822, %get3A_823] {strides = array<i32>} : memref<128x128xf32, #tpu.memory_space<vmem>>, vector<1x16xf32>,
        %get3A_825 = vector.shape_cast %get3A_824 : vector<1x16xf32> to vector<16xf32>
        %swap3A_826 = arith.index_cast %squeeze3A_122 : i32 to index
        %swap3A_827 = arith.constant 96 : index
        %swap3A_828 = tpu.vector_load %arg9[%swap3A_826, %swap3A_827] {strides = array<i32>} : memref<512x128xf32, #tpu.memory_space<vmem>>, vector<1x16xf32>,
        %swap3A_829 = vector.shape_cast %swap3A_828 : vector<1x16xf32> to vector<16xf32>
        %swap3A_830 = vector.shape_cast %get3A_825 : vector<16xf32> to vector<1x16xf32>
        tpu.vector_store %arg9[%swap3A_826, %swap3A_827], %swap3A_830 {add = true, strides = array<i32>} : memref<512x128xf32, #tpu.memory_space<vmem>>, vector<1x16xf32>,
        %add3A_831 = arith.constant 7 : i32
        %add3A_832 = arith.addi %mul3A_108, %add3A_831 : i32
        %get3A_833 = arith.index_cast %add3A_832 : i32 to index
        %get3A_834 = arith.constant 112 : index
        %get3A_835 = tpu.vector_load %arg7[%get3A_833, %get3A_834] {strides = array<i32>} : memref<128x128xf32, #tpu.memory_space<vmem>>, vector<1x16xf32>,
        %get3A_836 = vector.shape_cast %get3A_835 : vector<1x16xf32> to vector<16xf32>
        %swap3A_837 = arith.index_cast %squeeze3A_122 : i32 to index
        %swap3A_838 = arith.constant 112 : index
        %swap3A_839 = tpu.vector_load %arg9[%swap3A_837, %swap3A_838] {strides = array<i32>} : memref<512x128xf32, #tpu.memory_space<vmem>>, vector<1x16xf32>,
        %swap3A_840 = vector.shape_cast %swap3A_839 : vector<1x16xf32> to vector<16xf32>
        %swap3A_841 = vector.shape_cast %get3A_836 : vector<16xf32> to vector<1x16xf32>
        tpu.vector_store %arg9[%swap3A_837, %swap3A_838], %swap3A_841 {add = true, strides = array<i32>} : memref<512x128xf32, #tpu.memory_space<vmem>>, vector<1x16xf32>,
        %add3A_842 = arith.constant 8 : i32
        %add3A_843 = arith.addi %mul3A_108, %add3A_842 : i32
        %get3A_844 = arith.index_cast %add3A_843 : i32 to index
        %get3A_845 = arith.constant 0 : index
        %get3A_846 = tpu.vector_load %arg7[%get3A_844, %get3A_845] {strides = array<i32>} : memref<128x128xf32, #tpu.memory_space<vmem>>, vector<1x16xf32>,
        %get3A_847 = vector.shape_cast %get3A_846 : vector<1x16xf32> to vector<16xf32>
        %swap3A_848 = arith.index_cast %squeeze3A_124 : i32 to index
        %swap3A_849 = arith.constant 0 : index
        %swap3A_850 = tpu.vector_load %arg9[%swap3A_848, %swap3A_849] {strides = array<i32>} : memref<512x128xf32, #tpu.memory_space<vmem>>, vector<1x16xf32>,
        %swap3A_851 = vector.shape_cast %swap3A_850 : vector<1x16xf32> to vector<16xf32>
        %swap3A_852 = vector.shape_cast %get3A_847 : vector<16xf32> to vector<1x16xf32>
        tpu.vector_store %arg9[%swap3A_848, %swap3A_849], %swap3A_852 {add = true, strides = array<i32>} : memref<512x128xf32, #tpu.memory_space<vmem>>, vector<1x16xf32>,
        %add3A_853 = arith.constant 8 : i32
        %add3A_854 = arith.addi %mul3A_108, %add3A_853 : i32
        %get3A_855 = arith.index_cast %add3A_854 : i32 to index
        %get3A_856 = arith.constant 16 : index
        %get3A_857 = tpu.vector_load %arg7[%get3A_855, %get3A_856] {strides = array<i32>} : memref<128x128xf32, #tpu.memory_space<vmem>>, vector<1x16xf32>,
        %get3A_858 = vector.shape_cast %get3A_857 : vector<1x16xf32> to vector<16xf32>
        %swap3A_859 = arith.index_cast %squeeze3A_124 : i32 to index
        %swap3A_860 = arith.constant 16 : index
        %swap3A_861 = tpu.vector_load %arg9[%swap3A_859, %swap3A_860] {strides = array<i32>} : memref<512x128xf32, #tpu.memory_space<vmem>>, vector<1x16xf32>,
        %swap3A_862 = vector.shape_cast %swap3A_861 : vector<1x16xf32> to vector<16xf32>
        %swap3A_863 = vector.shape_cast %get3A_858 : vector<16xf32> to vector<1x16xf32>
        tpu.vector_store %arg9[%swap3A_859, %swap3A_860], %swap3A_863 {add = true, strides = array<i32>} : memref<512x128xf32, #tpu.memory_space<vmem>>, vector<1x16xf32>,
        %add3A_864 = arith.constant 8 : i32
        %add3A_865 = arith.addi %mul3A_108, %add3A_864 : i32
        %get3A_866 = arith.index_cast %add3A_865 : i32 to index
        %get3A_867 = arith.constant 32 : index
        %get3A_868 = tpu.vector_load %arg7[%get3A_866, %get3A_867] {strides = array<i32>} : memref<128x128xf32, #tpu.memory_space<vmem>>, vector<1x16xf32>,
        %get3A_869 = vector.shape_cast %get3A_868 : vector<1x16xf32> to vector<16xf32>
        %swap3A_870 = arith.index_cast %squeeze3A_124 : i32 to index
        %swap3A_871 = arith.constant 32 : index
        %swap3A_872 = tpu.vector_load %arg9[%swap3A_870, %swap3A_871] {strides = array<i32>} : memref<512x128xf32, #tpu.memory_space<vmem>>, vector<1x16xf32>,
        %swap3A_873 = vector.shape_cast %swap3A_872 : vector<1x16xf32> to vector<16xf32>
        %swap3A_874 = vector.shape_cast %get3A_869 : vector<16xf32> to vector<1x16xf32>
        tpu.vector_store %arg9[%swap3A_870, %swap3A_871], %swap3A_874 {add = true, strides = array<i32>} : memref<512x128xf32, #tpu.memory_space<vmem>>, vector<1x16xf32>,
        %add3A_875 = arith.constant 8 : i32
        %add3A_876 = arith.addi %mul3A_108, %add3A_875 : i32
        %get3A_877 = arith.index_cast %add3A_876 : i32 to index
        %get3A_878 = arith.constant 48 : index
        %get3A_879 = tpu.vector_load %arg7[%get3A_877, %get3A_878] {strides = array<i32>} : memref<128x128xf32, #tpu.memory_space<vmem>>, vector<1x16xf32>,
        %get3A_880 = vector.shape_cast %get3A_879 : vector<1x16xf32> to vector<16xf32>
        %swap3A_881 = arith.index_cast %squeeze3A_124 : i32 to index
        %swap3A_882 = arith.constant 48 : index
        %swap3A_883 = tpu.vector_load %arg9[%swap3A_881, %swap3A_882] {strides = array<i32>} : memref<512x128xf32, #tpu.memory_space<vmem>>, vector<1x16xf32>,
        %swap3A_884 = vector.shape_cast %swap3A_883 : vector<1x16xf32> to vector<16xf32>
        %swap3A_885 = vector.shape_cast %get3A_880 : vector<16xf32> to vector<1x16xf32>
        tpu.vector_store %arg9[%swap3A_881, %swap3A_882], %swap3A_885 {add = true, strides = array<i32>} : memref<512x128xf32, #tpu.memory_space<vmem>>, vector<1x16xf32>,
        %add3A_886 = arith.constant 8 : i32
        %add3A_887 = arith.addi %mul3A_108, %add3A_886 : i32
        %get3A_888 = arith.index_cast %add3A_887 : i32 to index
        %get3A_889 = arith.constant 64 : index
        %get3A_890 = tpu.vector_load %arg7[%get3A_888, %get3A_889] {strides = array<i32>} : memref<128x128xf32, #tpu.memory_space<vmem>>, vector<1x16xf32>,
        %get3A_891 = vector.shape_cast %get3A_890 : vector<1x16xf32> to vector<16xf32>
        %swap3A_892 = arith.index_cast %squeeze3A_124 : i32 to index
        %swap3A_893 = arith.constant 64 : index
        %swap3A_894 = tpu.vector_load %arg9[%swap3A_892, %swap3A_893] {strides = array<i32>} : memref<512x128xf32, #tpu.memory_space<vmem>>, vector<1x16xf32>,
        %swap3A_895 = vector.shape_cast %swap3A_894 : vector<1x16xf32> to vector<16xf32>
        %swap3A_896 = vector.shape_cast %get3A_891 : vector<16xf32> to vector<1x16xf32>
        tpu.vector_store %arg9[%swap3A_892, %swap3A_893], %swap3A_896 {add = true, strides = array<i32>} : memref<512x128xf32, #tpu.memory_space<vmem>>, vector<1x16xf32>,
        %add3A_897 = arith.constant 8 : i32
        %add3A_898 = arith.addi %mul3A_108, %add3A_897 : i32
        %get3A_899 = arith.index_cast %add3A_898 : i32 to index
        %get3A_900 = arith.constant 80 : index
        %get3A_901 = tpu.vector_load %arg7[%get3A_899, %get3A_900] {strides = array<i32>} : memref<128x128xf32, #tpu.memory_space<vmem>>, vector<1x16xf32>,
        %get3A_902 = vector.shape_cast %get3A_901 : vector<1x16xf32> to vector<16xf32>
        %swap3A_903 = arith.index_cast %squeeze3A_124 : i32 to index
        %swap3A_904 = arith.constant 80 : index
        %swap3A_905 = tpu.vector_load %arg9[%swap3A_903, %swap3A_904] {strides = array<i32>} : memref<512x128xf32, #tpu.memory_space<vmem>>, vector<1x16xf32>,
        %swap3A_906 = vector.shape_cast %swap3A_905 : vector<1x16xf32> to vector<16xf32>
        %swap3A_907 = vector.shape_cast %get3A_902 : vector<16xf32> to vector<1x16xf32>
        tpu.vector_store %arg9[%swap3A_903, %swap3A_904], %swap3A_907 {add = true, strides = array<i32>} : memref<512x128xf32, #tpu.memory_space<vmem>>, vector<1x16xf32>,
        %add3A_908 = arith.constant 8 : i32
        %add3A_909 = arith.addi %mul3A_108, %add3A_908 : i32
        %get3A_910 = arith.index_cast %add3A_909 : i32 to index
        %get3A_911 = arith.constant 96 : index
        %get3A_912 = tpu.vector_load %arg7[%get3A_910, %get3A_911] {strides = array<i32>} : memref<128x128xf32, #tpu.memory_space<vmem>>, vector<1x16xf32>,
        %get3A_913 = vector.shape_cast %get3A_912 : vector<1x16xf32> to vector<16xf32>
        %swap3A_914 = arith.index_cast %squeeze3A_124 : i32 to index
        %swap3A_915 = arith.constant 96 : index
        %swap3A_916 = tpu.vector_load %arg9[%swap3A_914, %swap3A_915] {strides = array<i32>} : memref<512x128xf32, #tpu.memory_space<vmem>>, vector<1x16xf32>,
        %swap3A_917 = vector.shape_cast %swap3A_916 : vector<1x16xf32> to vector<16xf32>
        %swap3A_918 = vector.shape_cast %get3A_913 : vector<16xf32> to vector<1x16xf32>
        tpu.vector_store %arg9[%swap3A_914, %swap3A_915], %swap3A_918 {add = true, strides = array<i32>} : memref<512x128xf32, #tpu.memory_space<vmem>>, vector<1x16xf32>,
        %add3A_919 = arith.constant 8 : i32
        %add3A_920 = arith.addi %mul3A_108, %add3A_919 : i32
        %get3A_921 = arith.index_cast %add3A_920 : i32 to index
        %get3A_922 = arith.constant 112 : index
        %get3A_923 = tpu.vector_load %arg7[%get3A_921, %get3A_922] {strides = array<i32>} : memref<128x128xf32, #tpu.memory_space<vmem>>, vector<1x16xf32>,
        %get3A_924 = vector.shape_cast %get3A_923 : vector<1x16xf32> to vector<16xf32>
        %swap3A_925 = arith.index_cast %squeeze3A_124 : i32 to index
        %swap3A_926 = arith.constant 112 : index
        %swap3A_927 = tpu.vector_load %arg9[%swap3A_925, %swap3A_926] {strides = array<i32>} : memref<512x128xf32, #tpu.memory_space<vmem>>, vector<1x16xf32>,
        %swap3A_928 = vector.shape_cast %swap3A_927 : vector<1x16xf32> to vector<16xf32>
        %swap3A_929 = vector.shape_cast %get3A_924 : vector<16xf32> to vector<1x16xf32>
        tpu.vector_store %arg9[%swap3A_925, %swap3A_926], %swap3A_929 {add = true, strides = array<i32>} : memref<512x128xf32, #tpu.memory_space<vmem>>, vector<1x16xf32>,
        %add3A_930 = arith.constant 9 : i32
        %add3A_931 = arith.addi %mul3A_108, %add3A_930 : i32
        %get3A_932 = arith.index_cast %add3A_931 : i32 to index
        %get3A_933 = arith.constant 0 : index
        %get3A_934 = tpu.vector_load %arg7[%get3A_932, %get3A_933] {strides = array<i32>} : memref<128x128xf32, #tpu.memory_space<vmem>>, vector<1x16xf32>,
        %get3A_935 = vector.shape_cast %get3A_934 : vector<1x16xf32> to vector<16xf32>
        %swap3A_936 = arith.index_cast %squeeze3A_126 : i32 to index
        %swap3A_937 = arith.constant 0 : index
        %swap3A_938 = tpu.vector_load %arg9[%swap3A_936, %swap3A_937] {strides = array<i32>} : memref<512x128xf32, #tpu.memory_space<vmem>>, vector<1x16xf32>,
        %swap3A_939 = vector.shape_cast %swap3A_938 : vector<1x16xf32> to vector<16xf32>
        %swap3A_940 = vector.shape_cast %get3A_935 : vector<16xf32> to vector<1x16xf32>
        tpu.vector_store %arg9[%swap3A_936, %swap3A_937], %swap3A_940 {add = true, strides = array<i32>} : memref<512x128xf32, #tpu.memory_space<vmem>>, vector<1x16xf32>,
        %add3A_941 = arith.constant 9 : i32
        %add3A_942 = arith.addi %mul3A_108, %add3A_941 : i32
        %get3A_943 = arith.index_cast %add3A_942 : i32 to index
        %get3A_944 = arith.constant 16 : index
        %get3A_945 = tpu.vector_load %arg7[%get3A_943, %get3A_944] {strides = array<i32>} : memref<128x128xf32, #tpu.memory_space<vmem>>, vector<1x16xf32>,
        %get3A_946 = vector.shape_cast %get3A_945 : vector<1x16xf32> to vector<16xf32>
        %swap3A_947 = arith.index_cast %squeeze3A_126 : i32 to index
        %swap3A_948 = arith.constant 16 : index
        %swap3A_949 = tpu.vector_load %arg9[%swap3A_947, %swap3A_948] {strides = array<i32>} : memref<512x128xf32, #tpu.memory_space<vmem>>, vector<1x16xf32>,
        %swap3A_950 = vector.shape_cast %swap3A_949 : vector<1x16xf32> to vector<16xf32>
        %swap3A_951 = vector.shape_cast %get3A_946 : vector<16xf32> to vector<1x16xf32>
        tpu.vector_store %arg9[%swap3A_947, %swap3A_948], %swap3A_951 {add = true, strides = array<i32>} : memref<512x128xf32, #tpu.memory_space<vmem>>, vector<1x16xf32>,
        %add3A_952 = arith.constant 9 : i32
        %add3A_953 = arith.addi %mul3A_108, %add3A_952 : i32
        %get3A_954 = arith.index_cast %add3A_953 : i32 to index
        %get3A_955 = arith.constant 32 : index
        %get3A_956 = tpu.vector_load %arg7[%get3A_954, %get3A_955] {strides = array<i32>} : memref<128x128xf32, #tpu.memory_space<vmem>>, vector<1x16xf32>,
        %get3A_957 = vector.shape_cast %get3A_956 : vector<1x16xf32> to vector<16xf32>
        %swap3A_958 = arith.index_cast %squeeze3A_126 : i32 to index
        %swap3A_959 = arith.constant 32 : index
        %swap3A_960 = tpu.vector_load %arg9[%swap3A_958, %swap3A_959] {strides = array<i32>} : memref<512x128xf32, #tpu.memory_space<vmem>>, vector<1x16xf32>,
        %swap3A_961 = vector.shape_cast %swap3A_960 : vector<1x16xf32> to vector<16xf32>
        %swap3A_962 = vector.shape_cast %get3A_957 : vector<16xf32> to vector<1x16xf32>
        tpu.vector_store %arg9[%swap3A_958, %swap3A_959], %swap3A_962 {add = true, strides = array<i32>} : memref<512x128xf32, #tpu.memory_space<vmem>>, vector<1x16xf32>,
        %add3A_963 = arith.constant 9 : i32
        %add3A_964 = arith.addi %mul3A_108, %add3A_963 : i32
        %get3A_965 = arith.index_cast %add3A_964 : i32 to index
        %get3A_966 = arith.constant 48 : index
        %get3A_967 = tpu.vector_load %arg7[%get3A_965, %get3A_966] {strides = array<i32>} : memref<128x128xf32, #tpu.memory_space<vmem>>, vector<1x16xf32>,
        %get3A_968 = vector.shape_cast %get3A_967 : vector<1x16xf32> to vector<16xf32>
        %swap3A_969 = arith.index_cast %squeeze3A_126 : i32 to index
        %swap3A_970 = arith.constant 48 : index
        %swap3A_971 = tpu.vector_load %arg9[%swap3A_969, %swap3A_970] {strides = array<i32>} : memref<512x128xf32, #tpu.memory_space<vmem>>, vector<1x16xf32>,
        %swap3A_972 = vector.shape_cast %swap3A_971 : vector<1x16xf32> to vector<16xf32>
        %swap3A_973 = vector.shape_cast %get3A_968 : vector<16xf32> to vector<1x16xf32>
        tpu.vector_store %arg9[%swap3A_969, %swap3A_970], %swap3A_973 {add = true, strides = array<i32>} : memref<512x128xf32, #tpu.memory_space<vmem>>, vector<1x16xf32>,
        %add3A_974 = arith.constant 9 : i32
        %add3A_975 = arith.addi %mul3A_108, %add3A_974 : i32
        %get3A_976 = arith.index_cast %add3A_975 : i32 to index
        %get3A_977 = arith.constant 64 : index
        %get3A_978 = tpu.vector_load %arg7[%get3A_976, %get3A_977] {strides = array<i32>} : memref<128x128xf32, #tpu.memory_space<vmem>>, vector<1x16xf32>,
        %get3A_979 = vector.shape_cast %get3A_978 : vector<1x16xf32> to vector<16xf32>
        %swap3A_980 = arith.index_cast %squeeze3A_126 : i32 to index
        %swap3A_981 = arith.constant 64 : index
        %swap3A_982 = tpu.vector_load %arg9[%swap3A_980, %swap3A_981] {strides = array<i32>} : memref<512x128xf32, #tpu.memory_space<vmem>>, vector<1x16xf32>,
        %swap3A_983 = vector.shape_cast %swap3A_982 : vector<1x16xf32> to vector<16xf32>
        %swap3A_984 = vector.shape_cast %get3A_979 : vector<16xf32> to vector<1x16xf32>
        tpu.vector_store %arg9[%swap3A_980, %swap3A_981], %swap3A_984 {add = true, strides = array<i32>} : memref<512x128xf32, #tpu.memory_space<vmem>>, vector<1x16xf32>,
        %add3A_985 = arith.constant 9 : i32
        %add3A_986 = arith.addi %mul3A_108, %add3A_985 : i32
        %get3A_987 = arith.index_cast %add3A_986 : i32 to index
        %get3A_988 = arith.constant 80 : index
        %get3A_989 = tpu.vector_load %arg7[%get3A_987, %get3A_988] {strides = array<i32>} : memref<128x128xf32, #tpu.memory_space<vmem>>, vector<1x16xf32>,
        %get3A_990 = vector.shape_cast %get3A_989 : vector<1x16xf32> to vector<16xf32>
        %swap3A_991 = arith.index_cast %squeeze3A_126 : i32 to index
        %swap3A_992 = arith.constant 80 : index
        %swap3A_993 = tpu.vector_load %arg9[%swap3A_991, %swap3A_992] {strides = array<i32>} : memref<512x128xf32, #tpu.memory_space<vmem>>, vector<1x16xf32>,
        %swap3A_994 = vector.shape_cast %swap3A_993 : vector<1x16xf32> to vector<16xf32>
        %swap3A_995 = vector.shape_cast %get3A_990 : vector<16xf32> to vector<1x16xf32>
        tpu.vector_store %arg9[%swap3A_991, %swap3A_992], %swap3A_995 {add = true, strides = array<i32>} : memref<512x128xf32, #tpu.memory_space<vmem>>, vector<1x16xf32>,
        %add3A_996 = arith.constant 9 : i32
        %add3A_997 = arith.addi %mul3A_108, %add3A_996 : i32
        %get3A_998 = arith.index_cast %add3A_997 : i32 to index
        %get3A_999 = arith.constant 96 : index
        %get3A_1000 = tpu.vector_load %arg7[%get3A_998, %get3A_999] {strides = array<i32>} : memref<128x128xf32, #tpu.memory_space<vmem>>, vector<1x16xf32>,
        %get3A_1001 = vector.shape_cast %get3A_1000 : vector<1x16xf32> to vector<16xf32>
        %swap3A_1002 = arith.index_cast %squeeze3A_126 : i32 to index
        %swap3A_1003 = arith.constant 96 : index
        %swap3A_1004 = tpu.vector_load %arg9[%swap3A_1002, %swap3A_1003] {strides = array<i32>} : memref<512x128xf32, #tpu.memory_space<vmem>>, vector<1x16xf32>,
        %swap3A_1005 = vector.shape_cast %swap3A_1004 : vector<1x16xf32> to vector<16xf32>
        %swap3A_1006 = vector.shape_cast %get3A_1001 : vector<16xf32> to vector<1x16xf32>
        tpu.vector_store %arg9[%swap3A_1002, %swap3A_1003], %swap3A_1006 {add = true, strides = array<i32>} : memref<512x128xf32, #tpu.memory_space<vmem>>, vector<1x16xf32>,
        %add3A_1007 = arith.constant 9 : i32
        %add3A_1008 = arith.addi %mul3A_108, %add3A_1007 : i32
        %get3A_1009 = arith.index_cast %add3A_1008 : i32 to index
        %get3A_1010 = arith.constant 112 : index
        %get3A_1011 = tpu.vector_load %arg7[%get3A_1009, %get3A_1010] {strides = array<i32>} : memref<128x128xf32, #tpu.memory_space<vmem>>, vector<1x16xf32>,
        %get3A_1012 = vector.shape_cast %get3A_1011 : vector<1x16xf32> to vector<16xf32>
        %swap3A_1013 = arith.index_cast %squeeze3A_126 : i32 to index
        %swap3A_1014 = arith.constant 112 : index
        %swap3A_1015 = tpu.vector_load %arg9[%swap3A_1013, %swap3A_1014] {strides = array<i32>} : memref<512x128xf32, #tpu.memory_space<vmem>>, vector<1x16xf32>,
        %swap3A_1016 = vector.shape_cast %swap3A_1015 : vector<1x16xf32> to vector<16xf32>
        %swap3A_1017 = vector.shape_cast %get3A_1012 : vector<16xf32> to vector<1x16xf32>
        tpu.vector_store %arg9[%swap3A_1013, %swap3A_1014], %swap3A_1017 {add = true, strides = array<i32>} : memref<512x128xf32, #tpu.memory_space<vmem>>, vector<1x16xf32>,
        %add3A_1018 = arith.constant 10 : i32
        %add3A_1019 = arith.addi %mul3A_108, %add3A_1018 : i32
        %get3A_1020 = arith.index_cast %add3A_1019 : i32 to index
        %get3A_1021 = arith.constant 0 : index
        %get3A_1022 = tpu.vector_load %arg7[%get3A_1020, %get3A_1021] {strides = array<i32>} : memref<128x128xf32, #tpu.memory_space<vmem>>, vector<1x16xf32>,
        %get3A_1023 = vector.shape_cast %get3A_1022 : vector<1x16xf32> to vector<16xf32>
        %swap3A_1024 = arith.index_cast %squeeze3A_128 : i32 to index
        %swap3A_1025 = arith.constant 0 : index
        %swap3A_1026 = tpu.vector_load %arg9[%swap3A_1024, %swap3A_1025] {strides = array<i32>} : memref<512x128xf32, #tpu.memory_space<vmem>>, vector<1x16xf32>,
        %swap3A_1027 = vector.shape_cast %swap3A_1026 : vector<1x16xf32> to vector<16xf32>
        %swap3A_1028 = vector.shape_cast %get3A_1023 : vector<16xf32> to vector<1x16xf32>
        tpu.vector_store %arg9[%swap3A_1024, %swap3A_1025], %swap3A_1028 {add = true, strides = array<i32>} : memref<512x128xf32, #tpu.memory_space<vmem>>, vector<1x16xf32>,
        %add3A_1029 = arith.constant 10 : i32
        %add3A_1030 = arith.addi %mul3A_108, %add3A_1029 : i32
        %get3A_1031 = arith.index_cast %add3A_1030 : i32 to index
        %get3A_1032 = arith.constant 16 : index
        %get3A_1033 = tpu.vector_load %arg7[%get3A_1031, %get3A_1032] {strides = array<i32>} : memref<128x128xf32, #tpu.memory_space<vmem>>, vector<1x16xf32>,
        %get3A_1034 = vector.shape_cast %get3A_1033 : vector<1x16xf32> to vector<16xf32>
        %swap3A_1035 = arith.index_cast %squeeze3A_128 : i32 to index
        %swap3A_1036 = arith.constant 16 : index
        %swap3A_1037 = tpu.vector_load %arg9[%swap3A_1035, %swap3A_1036] {strides = array<i32>} : memref<512x128xf32, #tpu.memory_space<vmem>>, vector<1x16xf32>,
        %swap3A_1038 = vector.shape_cast %swap3A_1037 : vector<1x16xf32> to vector<16xf32>
        %swap3A_1039 = vector.shape_cast %get3A_1034 : vector<16xf32> to vector<1x16xf32>
        tpu.vector_store %arg9[%swap3A_1035, %swap3A_1036], %swap3A_1039 {add = true, strides = array<i32>} : memref<512x128xf32, #tpu.memory_space<vmem>>, vector<1x16xf32>,
        %add3A_1040 = arith.constant 10 : i32
        %add3A_1041 = arith.addi %mul3A_108, %add3A_1040 : i32
        %get3A_1042 = arith.index_cast %add3A_1041 : i32 to index
        %get3A_1043 = arith.constant 32 : index
        %get3A_1044 = tpu.vector_load %arg7[%get3A_1042, %get3A_1043] {strides = array<i32>} : memref<128x128xf32, #tpu.memory_space<vmem>>, vector<1x16xf32>,
        %get3A_1045 = vector.shape_cast %get3A_1044 : vector<1x16xf32> to vector<16xf32>
        %swap3A_1046 = arith.index_cast %squeeze3A_128 : i32 to index
        %swap3A_1047 = arith.constant 32 : index
        %swap3A_1048 = tpu.vector_load %arg9[%swap3A_1046, %swap3A_1047] {strides = array<i32>} : memref<512x128xf32, #tpu.memory_space<vmem>>, vector<1x16xf32>,
        %swap3A_1049 = vector.shape_cast %swap3A_1048 : vector<1x16xf32> to vector<16xf32>
        %swap3A_1050 = vector.shape_cast %get3A_1045 : vector<16xf32> to vector<1x16xf32>
        tpu.vector_store %arg9[%swap3A_1046, %swap3A_1047], %swap3A_1050 {add = true, strides = array<i32>} : memref<512x128xf32, #tpu.memory_space<vmem>>, vector<1x16xf32>,
        %add3A_1051 = arith.constant 10 : i32
        %add3A_1052 = arith.addi %mul3A_108, %add3A_1051 : i32
        %get3A_1053 = arith.index_cast %add3A_1052 : i32 to index
        %get3A_1054 = arith.constant 48 : index
        %get3A_1055 = tpu.vector_load %arg7[%get3A_1053, %get3A_1054] {strides = array<i32>} : memref<128x128xf32, #tpu.memory_space<vmem>>, vector<1x16xf32>,
        %get3A_1056 = vector.shape_cast %get3A_1055 : vector<1x16xf32> to vector<16xf32>
        %swap3A_1057 = arith.index_cast %squeeze3A_128 : i32 to index
        %swap3A_1058 = arith.constant 48 : index
        %swap3A_1059 = tpu.vector_load %arg9[%swap3A_1057, %swap3A_1058] {strides = array<i32>} : memref<512x128xf32, #tpu.memory_space<vmem>>, vector<1x16xf32>,
        %swap3A_1060 = vector.shape_cast %swap3A_1059 : vector<1x16xf32> to vector<16xf32>
        %swap3A_1061 = vector.shape_cast %get3A_1056 : vector<16xf32> to vector<1x16xf32>
        tpu.vector_store %arg9[%swap3A_1057, %swap3A_1058], %swap3A_1061 {add = true, strides = array<i32>} : memref<512x128xf32, #tpu.memory_space<vmem>>, vector<1x16xf32>,
        %add3A_1062 = arith.constant 10 : i32
        %add3A_1063 = arith.addi %mul3A_108, %add3A_1062 : i32
        %get3A_1064 = arith.index_cast %add3A_1063 : i32 to index
        %get3A_1065 = arith.constant 64 : index
        %get3A_1066 = tpu.vector_load %arg7[%get3A_1064, %get3A_1065] {strides = array<i32>} : memref<128x128xf32, #tpu.memory_space<vmem>>, vector<1x16xf32>,
        %get3A_1067 = vector.shape_cast %get3A_1066 : vector<1x16xf32> to vector<16xf32>
        %swap3A_1068 = arith.index_cast %squeeze3A_128 : i32 to index
        %swap3A_1069 = arith.constant 64 : index
        %swap3A_1070 = tpu.vector_load %arg9[%swap3A_1068, %swap3A_1069] {strides = array<i32>} : memref<512x128xf32, #tpu.memory_space<vmem>>, vector<1x16xf32>,
        %swap3A_1071 = vector.shape_cast %swap3A_1070 : vector<1x16xf32> to vector<16xf32>
        %swap3A_1072 = vector.shape_cast %get3A_1067 : vector<16xf32> to vector<1x16xf32>
        tpu.vector_store %arg9[%swap3A_1068, %swap3A_1069], %swap3A_1072 {add = true, strides = array<i32>} : memref<512x128xf32, #tpu.memory_space<vmem>>, vector<1x16xf32>,
        %add3A_1073 = arith.constant 10 : i32
        %add3A_1074 = arith.addi %mul3A_108, %add3A_1073 : i32
        %get3A_1075 = arith.index_cast %add3A_1074 : i32 to index
        %get3A_1076 = arith.constant 80 : index
        %get3A_1077 = tpu.vector_load %arg7[%get3A_1075, %get3A_1076] {strides = array<i32>} : memref<128x128xf32, #tpu.memory_space<vmem>>, vector<1x16xf32>,
        %get3A_1078 = vector.shape_cast %get3A_1077 : vector<1x16xf32> to vector<16xf32>
        %swap3A_1079 = arith.index_cast %squeeze3A_128 : i32 to index
        %swap3A_1080 = arith.constant 80 : index
        %swap3A_1081 = tpu.vector_load %arg9[%swap3A_1079, %swap3A_1080] {strides = array<i32>} : memref<512x128xf32, #tpu.memory_space<vmem>>, vector<1x16xf32>,
        %swap3A_1082 = vector.shape_cast %swap3A_1081 : vector<1x16xf32> to vector<16xf32>
        %swap3A_1083 = vector.shape_cast %get3A_1078 : vector<16xf32> to vector<1x16xf32>
        tpu.vector_store %arg9[%swap3A_1079, %swap3A_1080], %swap3A_1083 {add = true, strides = array<i32>} : memref<512x128xf32, #tpu.memory_space<vmem>>, vector<1x16xf32>,
        %add3A_1084 = arith.constant 10 : i32
        %add3A_1085 = arith.addi %mul3A_108, %add3A_1084 : i32
        %get3A_1086 = arith.index_cast %add3A_1085 : i32 to index
        %get3A_1087 = arith.constant 96 : index
        %get3A_1088 = tpu.vector_load %arg7[%get3A_1086, %get3A_1087] {strides = array<i32>} : memref<128x128xf32, #tpu.memory_space<vmem>>, vector<1x16xf32>,
        %get3A_1089 = vector.shape_cast %get3A_1088 : vector<1x16xf32> to vector<16xf32>
        %swap3A_1090 = arith.index_cast %squeeze3A_128 : i32 to index
        %swap3A_1091 = arith.constant 96 : index
        %swap3A_1092 = tpu.vector_load %arg9[%swap3A_1090, %swap3A_1091] {strides = array<i32>} : memref<512x128xf32, #tpu.memory_space<vmem>>, vector<1x16xf32>,
        %swap3A_1093 = vector.shape_cast %swap3A_1092 : vector<1x16xf32> to vector<16xf32>
        %swap3A_1094 = vector.shape_cast %get3A_1089 : vector<16xf32> to vector<1x16xf32>
        tpu.vector_store %arg9[%swap3A_1090, %swap3A_1091], %swap3A_1094 {add = true, strides = array<i32>} : memref<512x128xf32, #tpu.memory_space<vmem>>, vector<1x16xf32>,
        %add3A_1095 = arith.constant 10 : i32
        %add3A_1096 = arith.addi %mul3A_108, %add3A_1095 : i32
        %get3A_1097 = arith.index_cast %add3A_1096 : i32 to index
        %get3A_1098 = arith.constant 112 : index
        %get3A_1099 = tpu.vector_load %arg7[%get3A_1097, %get3A_1098] {strides = array<i32>} : memref<128x128xf32, #tpu.memory_space<vmem>>, vector<1x16xf32>,
        %get3A_1100 = vector.shape_cast %get3A_1099 : vector<1x16xf32> to vector<16xf32>
        %swap3A_1101 = arith.index_cast %squeeze3A_128 : i32 to index
        %swap3A_1102 = arith.constant 112 : index
        %swap3A_1103 = tpu.vector_load %arg9[%swap3A_1101, %swap3A_1102] {strides = array<i32>} : memref<512x128xf32, #tpu.memory_space<vmem>>, vector<1x16xf32>,
        %swap3A_1104 = vector.shape_cast %swap3A_1103 : vector<1x16xf32> to vector<16xf32>
        %swap3A_1105 = vector.shape_cast %get3A_1100 : vector<16xf32> to vector<1x16xf32>
        tpu.vector_store %arg9[%swap3A_1101, %swap3A_1102], %swap3A_1105 {add = true, strides = array<i32>} : memref<512x128xf32, #tpu.memory_space<vmem>>, vector<1x16xf32>,
        %add3A_1106 = arith.constant 11 : i32
        %add3A_1107 = arith.addi %mul3A_108, %add3A_1106 : i32
        %get3A_1108 = arith.index_cast %add3A_1107 : i32 to index
        %get3A_1109 = arith.constant 0 : index
        %get3A_1110 = tpu.vector_load %arg7[%get3A_1108, %get3A_1109] {strides = array<i32>} : memref<128x128xf32, #tpu.memory_space<vmem>>, vector<1x16xf32>,
        %get3A_1111 = vector.shape_cast %get3A_1110 : vector<1x16xf32> to vector<16xf32>
        %swap3A_1112 = arith.index_cast %squeeze3A_130 : i32 to index
        %swap3A_1113 = arith.constant 0 : index
        %swap3A_1114 = tpu.vector_load %arg9[%swap3A_1112, %swap3A_1113] {strides = array<i32>} : memref<512x128xf32, #tpu.memory_space<vmem>>, vector<1x16xf32>,
        %swap3A_1115 = vector.shape_cast %swap3A_1114 : vector<1x16xf32> to vector<16xf32>
        %swap3A_1116 = vector.shape_cast %get3A_1111 : vector<16xf32> to vector<1x16xf32>
        tpu.vector_store %arg9[%swap3A_1112, %swap3A_1113], %swap3A_1116 {add = true, strides = array<i32>} : memref<512x128xf32, #tpu.memory_space<vmem>>, vector<1x16xf32>,
        %add3A_1117 = arith.constant 11 : i32
        %add3A_1118 = arith.addi %mul3A_108, %add3A_1117 : i32
        %get3A_1119 = arith.index_cast %add3A_1118 : i32 to index
        %get3A_1120 = arith.constant 16 : index
        %get3A_1121 = tpu.vector_load %arg7[%get3A_1119, %get3A_1120] {strides = array<i32>} : memref<128x128xf32, #tpu.memory_space<vmem>>, vector<1x16xf32>,
        %get3A_1122 = vector.shape_cast %get3A_1121 : vector<1x16xf32> to vector<16xf32>
        %swap3A_1123 = arith.index_cast %squeeze3A_130 : i32 to index
        %swap3A_1124 = arith.constant 16 : index
        %swap3A_1125 = tpu.vector_load %arg9[%swap3A_1123, %swap3A_1124] {strides = array<i32>} : memref<512x128xf32, #tpu.memory_space<vmem>>, vector<1x16xf32>,
        %swap3A_1126 = vector.shape_cast %swap3A_1125 : vector<1x16xf32> to vector<16xf32>
        %swap3A_1127 = vector.shape_cast %get3A_1122 : vector<16xf32> to vector<1x16xf32>
        tpu.vector_store %arg9[%swap3A_1123, %swap3A_1124], %swap3A_1127 {add = true, strides = array<i32>} : memref<512x128xf32, #tpu.memory_space<vmem>>, vector<1x16xf32>,
        %add3A_1128 = arith.constant 11 : i32
        %add3A_1129 = arith.addi %mul3A_108, %add3A_1128 : i32
        %get3A_1130 = arith.index_cast %add3A_1129 : i32 to index
        %get3A_1131 = arith.constant 32 : index
        %get3A_1132 = tpu.vector_load %arg7[%get3A_1130, %get3A_1131] {strides = array<i32>} : memref<128x128xf32, #tpu.memory_space<vmem>>, vector<1x16xf32>,
        %get3A_1133 = vector.shape_cast %get3A_1132 : vector<1x16xf32> to vector<16xf32>
        %swap3A_1134 = arith.index_cast %squeeze3A_130 : i32 to index
        %swap3A_1135 = arith.constant 32 : index
        %swap3A_1136 = tpu.vector_load %arg9[%swap3A_1134, %swap3A_1135] {strides = array<i32>} : memref<512x128xf32, #tpu.memory_space<vmem>>, vector<1x16xf32>,
        %swap3A_1137 = vector.shape_cast %swap3A_1136 : vector<1x16xf32> to vector<16xf32>
        %swap3A_1138 = vector.shape_cast %get3A_1133 : vector<16xf32> to vector<1x16xf32>
        tpu.vector_store %arg9[%swap3A_1134, %swap3A_1135], %swap3A_1138 {add = true, strides = array<i32>} : memref<512x128xf32, #tpu.memory_space<vmem>>, vector<1x16xf32>,
        %add3A_1139 = arith.constant 11 : i32
        %add3A_1140 = arith.addi %mul3A_108, %add3A_1139 : i32
        %get3A_1141 = arith.index_cast %add3A_1140 : i32 to index
        %get3A_1142 = arith.constant 48 : index
        %get3A_1143 = tpu.vector_load %arg7[%get3A_1141, %get3A_1142] {strides = array<i32>} : memref<128x128xf32, #tpu.memory_space<vmem>>, vector<1x16xf32>,
        %get3A_1144 = vector.shape_cast %get3A_1143 : vector<1x16xf32> to vector<16xf32>
        %swap3A_1145 = arith.index_cast %squeeze3A_130 : i32 to index
        %swap3A_1146 = arith.constant 48 : index
        %swap3A_1147 = tpu.vector_load %arg9[%swap3A_1145, %swap3A_1146] {strides = array<i32>} : memref<512x128xf32, #tpu.memory_space<vmem>>, vector<1x16xf32>,
        %swap3A_1148 = vector.shape_cast %swap3A_1147 : vector<1x16xf32> to vector<16xf32>
        %swap3A_1149 = vector.shape_cast %get3A_1144 : vector<16xf32> to vector<1x16xf32>
        tpu.vector_store %arg9[%swap3A_1145, %swap3A_1146], %swap3A_1149 {add = true, strides = array<i32>} : memref<512x128xf32, #tpu.memory_space<vmem>>, vector<1x16xf32>,
        %add3A_1150 = arith.constant 11 : i32
        %add3A_1151 = arith.addi %mul3A_108, %add3A_1150 : i32
        %get3A_1152 = arith.index_cast %add3A_1151 : i32 to index
        %get3A_1153 = arith.constant 64 : index
        %get3A_1154 = tpu.vector_load %arg7[%get3A_1152, %get3A_1153] {strides = array<i32>} : memref<128x128xf32, #tpu.memory_space<vmem>>, vector<1x16xf32>,
        %get3A_1155 = vector.shape_cast %get3A_1154 : vector<1x16xf32> to vector<16xf32>
        %swap3A_1156 = arith.index_cast %squeeze3A_130 : i32 to index
        %swap3A_1157 = arith.constant 64 : index
        %swap3A_1158 = tpu.vector_load %arg9[%swap3A_1156, %swap3A_1157] {strides = array<i32>} : memref<512x128xf32, #tpu.memory_space<vmem>>, vector<1x16xf32>,
        %swap3A_1159 = vector.shape_cast %swap3A_1158 : vector<1x16xf32> to vector<16xf32>
        %swap3A_1160 = vector.shape_cast %get3A_1155 : vector<16xf32> to vector<1x16xf32>
        tpu.vector_store %arg9[%swap3A_1156, %swap3A_1157], %swap3A_1160 {add = true, strides = array<i32>} : memref<512x128xf32, #tpu.memory_space<vmem>>, vector<1x16xf32>,
        %add3A_1161 = arith.constant 11 : i32
        %add3A_1162 = arith.addi %mul3A_108, %add3A_1161 : i32
        %get3A_1163 = arith.index_cast %add3A_1162 : i32 to index
        %get3A_1164 = arith.constant 80 : index
        %get3A_1165 = tpu.vector_load %arg7[%get3A_1163, %get3A_1164] {strides = array<i32>} : memref<128x128xf32, #tpu.memory_space<vmem>>, vector<1x16xf32>,
        %get3A_1166 = vector.shape_cast %get3A_1165 : vector<1x16xf32> to vector<16xf32>
        %swap3A_1167 = arith.index_cast %squeeze3A_130 : i32 to index
        %swap3A_1168 = arith.constant 80 : index
        %swap3A_1169 = tpu.vector_load %arg9[%swap3A_1167, %swap3A_1168] {strides = array<i32>} : memref<512x128xf32, #tpu.memory_space<vmem>>, vector<1x16xf32>,
        %swap3A_1170 = vector.shape_cast %swap3A_1169 : vector<1x16xf32> to vector<16xf32>
        %swap3A_1171 = vector.shape_cast %get3A_1166 : vector<16xf32> to vector<1x16xf32>
        tpu.vector_store %arg9[%swap3A_1167, %swap3A_1168], %swap3A_1171 {add = true, strides = array<i32>} : memref<512x128xf32, #tpu.memory_space<vmem>>, vector<1x16xf32>,
        %add3A_1172 = arith.constant 11 : i32
        %add3A_1173 = arith.addi %mul3A_108, %add3A_1172 : i32
        %get3A_1174 = arith.index_cast %add3A_1173 : i32 to index
        %get3A_1175 = arith.constant 96 : index
        %get3A_1176 = tpu.vector_load %arg7[%get3A_1174, %get3A_1175] {strides = array<i32>} : memref<128x128xf32, #tpu.memory_space<vmem>>, vector<1x16xf32>,
        %get3A_1177 = vector.shape_cast %get3A_1176 : vector<1x16xf32> to vector<16xf32>
        %swap3A_1178 = arith.index_cast %squeeze3A_130 : i32 to index
        %swap3A_1179 = arith.constant 96 : index
        %swap3A_1180 = tpu.vector_load %arg9[%swap3A_1178, %swap3A_1179] {strides = array<i32>} : memref<512x128xf32, #tpu.memory_space<vmem>>, vector<1x16xf32>,
        %swap3A_1181 = vector.shape_cast %swap3A_1180 : vector<1x16xf32> to vector<16xf32>
        %swap3A_1182 = vector.shape_cast %get3A_1177 : vector<16xf32> to vector<1x16xf32>
        tpu.vector_store %arg9[%swap3A_1178, %swap3A_1179], %swap3A_1182 {add = true, strides = array<i32>} : memref<512x128xf32, #tpu.memory_space<vmem>>, vector<1x16xf32>,
        %add3A_1183 = arith.constant 11 : i32
        %add3A_1184 = arith.addi %mul3A_108, %add3A_1183 : i32
        %get3A_1185 = arith.index_cast %add3A_1184 : i32 to index
        %get3A_1186 = arith.constant 112 : index
        %get3A_1187 = tpu.vector_load %arg7[%get3A_1185, %get3A_1186] {strides = array<i32>} : memref<128x128xf32, #tpu.memory_space<vmem>>, vector<1x16xf32>,
        %get3A_1188 = vector.shape_cast %get3A_1187 : vector<1x16xf32> to vector<16xf32>
        %swap3A_1189 = arith.index_cast %squeeze3A_130 : i32 to index
        %swap3A_1190 = arith.constant 112 : index
        %swap3A_1191 = tpu.vector_load %arg9[%swap3A_1189, %swap3A_1190] {strides = array<i32>} : memref<512x128xf32, #tpu.memory_space<vmem>>, vector<1x16xf32>,
        %swap3A_1192 = vector.shape_cast %swap3A_1191 : vector<1x16xf32> to vector<16xf32>
        %swap3A_1193 = vector.shape_cast %get3A_1188 : vector<16xf32> to vector<1x16xf32>
        tpu.vector_store %arg9[%swap3A_1189, %swap3A_1190], %swap3A_1193 {add = true, strides = array<i32>} : memref<512x128xf32, #tpu.memory_space<vmem>>, vector<1x16xf32>,
        %add3A_1194 = arith.constant 12 : i32
        %add3A_1195 = arith.addi %mul3A_108, %add3A_1194 : i32
        %get3A_1196 = arith.index_cast %add3A_1195 : i32 to index
        %get3A_1197 = arith.constant 0 : index
        %get3A_1198 = tpu.vector_load %arg7[%get3A_1196, %get3A_1197] {strides = array<i32>} : memref<128x128xf32, #tpu.memory_space<vmem>>, vector<1x16xf32>,
        %get3A_1199 = vector.shape_cast %get3A_1198 : vector<1x16xf32> to vector<16xf32>
        %swap3A_1200 = arith.index_cast %squeeze3A_132 : i32 to index
        %swap3A_1201 = arith.constant 0 : index
        %swap3A_1202 = tpu.vector_load %arg9[%swap3A_1200, %swap3A_1201] {strides = array<i32>} : memref<512x128xf32, #tpu.memory_space<vmem>>, vector<1x16xf32>,
        %swap3A_1203 = vector.shape_cast %swap3A_1202 : vector<1x16xf32> to vector<16xf32>
        %swap3A_1204 = vector.shape_cast %get3A_1199 : vector<16xf32> to vector<1x16xf32>
        tpu.vector_store %arg9[%swap3A_1200, %swap3A_1201], %swap3A_1204 {add = true, strides = array<i32>} : memref<512x128xf32, #tpu.memory_space<vmem>>, vector<1x16xf32>,
        %add3A_1205 = arith.constant 12 : i32
        %add3A_1206 = arith.addi %mul3A_108, %add3A_1205 : i32
        %get3A_1207 = arith.index_cast %add3A_1206 : i32 to index
        %get3A_1208 = arith.constant 16 : index
        %get3A_1209 = tpu.vector_load %arg7[%get3A_1207, %get3A_1208] {strides = array<i32>} : memref<128x128xf32, #tpu.memory_space<vmem>>, vector<1x16xf32>,
        %get3A_1210 = vector.shape_cast %get3A_1209 : vector<1x16xf32> to vector<16xf32>
        %swap3A_1211 = arith.index_cast %squeeze3A_132 : i32 to index
        %swap3A_1212 = arith.constant 16 : index
        %swap3A_1213 = tpu.vector_load %arg9[%swap3A_1211, %swap3A_1212] {strides = array<i32>} : memref<512x128xf32, #tpu.memory_space<vmem>>, vector<1x16xf32>,
        %swap3A_1214 = vector.shape_cast %swap3A_1213 : vector<1x16xf32> to vector<16xf32>
        %swap3A_1215 = vector.shape_cast %get3A_1210 : vector<16xf32> to vector<1x16xf32>
        tpu.vector_store %arg9[%swap3A_1211, %swap3A_1212], %swap3A_1215 {add = true, strides = array<i32>} : memref<512x128xf32, #tpu.memory_space<vmem>>, vector<1x16xf32>,
        %add3A_1216 = arith.constant 12 : i32
        %add3A_1217 = arith.addi %mul3A_108, %add3A_1216 : i32
        %get3A_1218 = arith.index_cast %add3A_1217 : i32 to index
        %get3A_1219 = arith.constant 32 : index
        %get3A_1220 = tpu.vector_load %arg7[%get3A_1218, %get3A_1219] {strides = array<i32>} : memref<128x128xf32, #tpu.memory_space<vmem>>, vector<1x16xf32>,
        %get3A_1221 = vector.shape_cast %get3A_1220 : vector<1x16xf32> to vector<16xf32>
        %swap3A_1222 = arith.index_cast %squeeze3A_132 : i32 to index
        %swap3A_1223 = arith.constant 32 : index
        %swap3A_1224 = tpu.vector_load %arg9[%swap3A_1222, %swap3A_1223] {strides = array<i32>} : memref<512x128xf32, #tpu.memory_space<vmem>>, vector<1x16xf32>,
        %swap3A_1225 = vector.shape_cast %swap3A_1224 : vector<1x16xf32> to vector<16xf32>
        %swap3A_1226 = vector.shape_cast %get3A_1221 : vector<16xf32> to vector<1x16xf32>
        tpu.vector_store %arg9[%swap3A_1222, %swap3A_1223], %swap3A_1226 {add = true, strides = array<i32>} : memref<512x128xf32, #tpu.memory_space<vmem>>, vector<1x16xf32>,
        %add3A_1227 = arith.constant 12 : i32
        %add3A_1228 = arith.addi %mul3A_108, %add3A_1227 : i32
        %get3A_1229 = arith.index_cast %add3A_1228 : i32 to index
        %get3A_1230 = arith.constant 48 : index
        %get3A_1231 = tpu.vector_load %arg7[%get3A_1229, %get3A_1230] {strides = array<i32>} : memref<128x128xf32, #tpu.memory_space<vmem>>, vector<1x16xf32>,
        %get3A_1232 = vector.shape_cast %get3A_1231 : vector<1x16xf32> to vector<16xf32>
        %swap3A_1233 = arith.index_cast %squeeze3A_132 : i32 to index
        %swap3A_1234 = arith.constant 48 : index
        %swap3A_1235 = tpu.vector_load %arg9[%swap3A_1233, %swap3A_1234] {strides = array<i32>} : memref<512x128xf32, #tpu.memory_space<vmem>>, vector<1x16xf32>,
        %swap3A_1236 = vector.shape_cast %swap3A_1235 : vector<1x16xf32> to vector<16xf32>
        %swap3A_1237 = vector.shape_cast %get3A_1232 : vector<16xf32> to vector<1x16xf32>
        tpu.vector_store %arg9[%swap3A_1233, %swap3A_1234], %swap3A_1237 {add = true, strides = array<i32>} : memref<512x128xf32, #tpu.memory_space<vmem>>, vector<1x16xf32>,
        %add3A_1238 = arith.constant 12 : i32
        %add3A_1239 = arith.addi %mul3A_108, %add3A_1238 : i32
        %get3A_1240 = arith.index_cast %add3A_1239 : i32 to index
        %get3A_1241 = arith.constant 64 : index
        %get3A_1242 = tpu.vector_load %arg7[%get3A_1240, %get3A_1241] {strides = array<i32>} : memref<128x128xf32, #tpu.memory_space<vmem>>, vector<1x16xf32>,
        %get3A_1243 = vector.shape_cast %get3A_1242 : vector<1x16xf32> to vector<16xf32>
        %swap3A_1244 = arith.index_cast %squeeze3A_132 : i32 to index
        %swap3A_1245 = arith.constant 64 : index
        %swap3A_1246 = tpu.vector_load %arg9[%swap3A_1244, %swap3A_1245] {strides = array<i32>} : memref<512x128xf32, #tpu.memory_space<vmem>>, vector<1x16xf32>,
        %swap3A_1247 = vector.shape_cast %swap3A_1246 : vector<1x16xf32> to vector<16xf32>
        %swap3A_1248 = vector.shape_cast %get3A_1243 : vector<16xf32> to vector<1x16xf32>
        tpu.vector_store %arg9[%swap3A_1244, %swap3A_1245], %swap3A_1248 {add = true, strides = array<i32>} : memref<512x128xf32, #tpu.memory_space<vmem>>, vector<1x16xf32>,
        %add3A_1249 = arith.constant 12 : i32
        %add3A_1250 = arith.addi %mul3A_108, %add3A_1249 : i32
        %get3A_1251 = arith.index_cast %add3A_1250 : i32 to index
        %get3A_1252 = arith.constant 80 : index
        %get3A_1253 = tpu.vector_load %arg7[%get3A_1251, %get3A_1252] {strides = array<i32>} : memref<128x128xf32, #tpu.memory_space<vmem>>, vector<1x16xf32>,
        %get3A_1254 = vector.shape_cast %get3A_1253 : vector<1x16xf32> to vector<16xf32>
        %swap3A_1255 = arith.index_cast %squeeze3A_132 : i32 to index
        %swap3A_1256 = arith.constant 80 : index
        %swap3A_1257 = tpu.vector_load %arg9[%swap3A_1255, %swap3A_1256] {strides = array<i32>} : memref<512x128xf32, #tpu.memory_space<vmem>>, vector<1x16xf32>,
        %swap3A_1258 = vector.shape_cast %swap3A_1257 : vector<1x16xf32> to vector<16xf32>
        %swap3A_1259 = vector.shape_cast %get3A_1254 : vector<16xf32> to vector<1x16xf32>
        tpu.vector_store %arg9[%swap3A_1255, %swap3A_1256], %swap3A_1259 {add = true, strides = array<i32>} : memref<512x128xf32, #tpu.memory_space<vmem>>, vector<1x16xf32>,
        %add3A_1260 = arith.constant 12 : i32
        %add3A_1261 = arith.addi %mul3A_108, %add3A_1260 : i32
        %get3A_1262 = arith.index_cast %add3A_1261 : i32 to index
        %get3A_1263 = arith.constant 96 : index
        %get3A_1264 = tpu.vector_load %arg7[%get3A_1262, %get3A_1263] {strides = array<i32>} : memref<128x128xf32, #tpu.memory_space<vmem>>, vector<1x16xf32>,
        %get3A_1265 = vector.shape_cast %get3A_1264 : vector<1x16xf32> to vector<16xf32>
        %swap3A_1266 = arith.index_cast %squeeze3A_132 : i32 to index
        %swap3A_1267 = arith.constant 96 : index
        %swap3A_1268 = tpu.vector_load %arg9[%swap3A_1266, %swap3A_1267] {strides = array<i32>} : memref<512x128xf32, #tpu.memory_space<vmem>>, vector<1x16xf32>,
        %swap3A_1269 = vector.shape_cast %swap3A_1268 : vector<1x16xf32> to vector<16xf32>
        %swap3A_1270 = vector.shape_cast %get3A_1265 : vector<16xf32> to vector<1x16xf32>
        tpu.vector_store %arg9[%swap3A_1266, %swap3A_1267], %swap3A_1270 {add = true, strides = array<i32>} : memref<512x128xf32, #tpu.memory_space<vmem>>, vector<1x16xf32>,
        %add3A_1271 = arith.constant 12 : i32
        %add3A_1272 = arith.addi %mul3A_108, %add3A_1271 : i32
        %get3A_1273 = arith.index_cast %add3A_1272 : i32 to index
        %get3A_1274 = arith.constant 112 : index
        %get3A_1275 = tpu.vector_load %arg7[%get3A_1273, %get3A_1274] {strides = array<i32>} : memref<128x128xf32, #tpu.memory_space<vmem>>, vector<1x16xf32>,
        %get3A_1276 = vector.shape_cast %get3A_1275 : vector<1x16xf32> to vector<16xf32>
        %swap3A_1277 = arith.index_cast %squeeze3A_132 : i32 to index
        %swap3A_1278 = arith.constant 112 : index
        %swap3A_1279 = tpu.vector_load %arg9[%swap3A_1277, %swap3A_1278] {strides = array<i32>} : memref<512x128xf32, #tpu.memory_space<vmem>>, vector<1x16xf32>,
        %swap3A_1280 = vector.shape_cast %swap3A_1279 : vector<1x16xf32> to vector<16xf32>
        %swap3A_1281 = vector.shape_cast %get3A_1276 : vector<16xf32> to vector<1x16xf32>
        tpu.vector_store %arg9[%swap3A_1277, %swap3A_1278], %swap3A_1281 {add = true, strides = array<i32>} : memref<512x128xf32, #tpu.memory_space<vmem>>, vector<1x16xf32>,
        %add3A_1282 = arith.constant 13 : i32
        %add3A_1283 = arith.addi %mul3A_108, %add3A_1282 : i32
        %get3A_1284 = arith.index_cast %add3A_1283 : i32 to index
        %get3A_1285 = arith.constant 0 : index
        %get3A_1286 = tpu.vector_load %arg7[%get3A_1284, %get3A_1285] {strides = array<i32>} : memref<128x128xf32, #tpu.memory_space<vmem>>, vector<1x16xf32>,
        %get3A_1287 = vector.shape_cast %get3A_1286 : vector<1x16xf32> to vector<16xf32>
        %swap3A_1288 = arith.index_cast %squeeze3A_134 : i32 to index
        %swap3A_1289 = arith.constant 0 : index
        %swap3A_1290 = tpu.vector_load %arg9[%swap3A_1288, %swap3A_1289] {strides = array<i32>} : memref<512x128xf32, #tpu.memory_space<vmem>>, vector<1x16xf32>,
        %swap3A_1291 = vector.shape_cast %swap3A_1290 : vector<1x16xf32> to vector<16xf32>
        %swap3A_1292 = vector.shape_cast %get3A_1287 : vector<16xf32> to vector<1x16xf32>
        tpu.vector_store %arg9[%swap3A_1288, %swap3A_1289], %swap3A_1292 {add = true, strides = array<i32>} : memref<512x128xf32, #tpu.memory_space<vmem>>, vector<1x16xf32>,
        %add3A_1293 = arith.constant 13 : i32
        %add3A_1294 = arith.addi %mul3A_108, %add3A_1293 : i32
        %get3A_1295 = arith.index_cast %add3A_1294 : i32 to index
        %get3A_1296 = arith.constant 16 : index
        %get3A_1297 = tpu.vector_load %arg7[%get3A_1295, %get3A_1296] {strides = array<i32>} : memref<128x128xf32, #tpu.memory_space<vmem>>, vector<1x16xf32>,
        %get3A_1298 = vector.shape_cast %get3A_1297 : vector<1x16xf32> to vector<16xf32>
        %swap3A_1299 = arith.index_cast %squeeze3A_134 : i32 to index
        %swap3A_1300 = arith.constant 16 : index
        %swap3A_1301 = tpu.vector_load %arg9[%swap3A_1299, %swap3A_1300] {strides = array<i32>} : memref<512x128xf32, #tpu.memory_space<vmem>>, vector<1x16xf32>,
        %swap3A_1302 = vector.shape_cast %swap3A_1301 : vector<1x16xf32> to vector<16xf32>
        %swap3A_1303 = vector.shape_cast %get3A_1298 : vector<16xf32> to vector<1x16xf32>
        tpu.vector_store %arg9[%swap3A_1299, %swap3A_1300], %swap3A_1303 {add = true, strides = array<i32>} : memref<512x128xf32, #tpu.memory_space<vmem>>, vector<1x16xf32>,
        %add3A_1304 = arith.constant 13 : i32
        %add3A_1305 = arith.addi %mul3A_108, %add3A_1304 : i32
        %get3A_1306 = arith.index_cast %add3A_1305 : i32 to index
        %get3A_1307 = arith.constant 32 : index
        %get3A_1308 = tpu.vector_load %arg7[%get3A_1306, %get3A_1307] {strides = array<i32>} : memref<128x128xf32, #tpu.memory_space<vmem>>, vector<1x16xf32>,
        %get3A_1309 = vector.shape_cast %get3A_1308 : vector<1x16xf32> to vector<16xf32>
        %swap3A_1310 = arith.index_cast %squeeze3A_134 : i32 to index
        %swap3A_1311 = arith.constant 32 : index
        %swap3A_1312 = tpu.vector_load %arg9[%swap3A_1310, %swap3A_1311] {strides = array<i32>} : memref<512x128xf32, #tpu.memory_space<vmem>>, vector<1x16xf32>,
        %swap3A_1313 = vector.shape_cast %swap3A_1312 : vector<1x16xf32> to vector<16xf32>
        %swap3A_1314 = vector.shape_cast %get3A_1309 : vector<16xf32> to vector<1x16xf32>
        tpu.vector_store %arg9[%swap3A_1310, %swap3A_1311], %swap3A_1314 {add = true, strides = array<i32>} : memref<512x128xf32, #tpu.memory_space<vmem>>, vector<1x16xf32>,
        %add3A_1315 = arith.constant 13 : i32
        %add3A_1316 = arith.addi %mul3A_108, %add3A_1315 : i32
        %get3A_1317 = arith.index_cast %add3A_1316 : i32 to index
        %get3A_1318 = arith.constant 48 : index
        %get3A_1319 = tpu.vector_load %arg7[%get3A_1317, %get3A_1318] {strides = array<i32>} : memref<128x128xf32, #tpu.memory_space<vmem>>, vector<1x16xf32>,
        %get3A_1320 = vector.shape_cast %get3A_1319 : vector<1x16xf32> to vector<16xf32>
        %swap3A_1321 = arith.index_cast %squeeze3A_134 : i32 to index
        %swap3A_1322 = arith.constant 48 : index
        %swap3A_1323 = tpu.vector_load %arg9[%swap3A_1321, %swap3A_1322] {strides = array<i32>} : memref<512x128xf32, #tpu.memory_space<vmem>>, vector<1x16xf32>,
        %swap3A_1324 = vector.shape_cast %swap3A_1323 : vector<1x16xf32> to vector<16xf32>
        %swap3A_1325 = vector.shape_cast %get3A_1320 : vector<16xf32> to vector<1x16xf32>
        tpu.vector_store %arg9[%swap3A_1321, %swap3A_1322], %swap3A_1325 {add = true, strides = array<i32>} : memref<512x128xf32, #tpu.memory_space<vmem>>, vector<1x16xf32>,
        %add3A_1326 = arith.constant 13 : i32
        %add3A_1327 = arith.addi %mul3A_108, %add3A_1326 : i32
        %get3A_1328 = arith.index_cast %add3A_1327 : i32 to index
        %get3A_1329 = arith.constant 64 : index
        %get3A_1330 = tpu.vector_load %arg7[%get3A_1328, %get3A_1329] {strides = array<i32>} : memref<128x128xf32, #tpu.memory_space<vmem>>, vector<1x16xf32>,
        %get3A_1331 = vector.shape_cast %get3A_1330 : vector<1x16xf32> to vector<16xf32>
        %swap3A_1332 = arith.index_cast %squeeze3A_134 : i32 to index
        %swap3A_1333 = arith.constant 64 : index
        %swap3A_1334 = tpu.vector_load %arg9[%swap3A_1332, %swap3A_1333] {strides = array<i32>} : memref<512x128xf32, #tpu.memory_space<vmem>>, vector<1x16xf32>,
        %swap3A_1335 = vector.shape_cast %swap3A_1334 : vector<1x16xf32> to vector<16xf32>
        %swap3A_1336 = vector.shape_cast %get3A_1331 : vector<16xf32> to vector<1x16xf32>
        tpu.vector_store %arg9[%swap3A_1332, %swap3A_1333], %swap3A_1336 {add = true, strides = array<i32>} : memref<512x128xf32, #tpu.memory_space<vmem>>, vector<1x16xf32>,
        %add3A_1337 = arith.constant 13 : i32
        %add3A_1338 = arith.addi %mul3A_108, %add3A_1337 : i32
        %get3A_1339 = arith.index_cast %add3A_1338 : i32 to index
        %get3A_1340 = arith.constant 80 : index
        %get3A_1341 = tpu.vector_load %arg7[%get3A_1339, %get3A_1340] {strides = array<i32>} : memref<128x128xf32, #tpu.memory_space<vmem>>, vector<1x16xf32>,
        %get3A_1342 = vector.shape_cast %get3A_1341 : vector<1x16xf32> to vector<16xf32>
        %swap3A_1343 = arith.index_cast %squeeze3A_134 : i32 to index
        %swap3A_1344 = arith.constant 80 : index
        %swap3A_1345 = tpu.vector_load %arg9[%swap3A_1343, %swap3A_1344] {strides = array<i32>} : memref<512x128xf32, #tpu.memory_space<vmem>>, vector<1x16xf32>,
        %swap3A_1346 = vector.shape_cast %swap3A_1345 : vector<1x16xf32> to vector<16xf32>
        %swap3A_1347 = vector.shape_cast %get3A_1342 : vector<16xf32> to vector<1x16xf32>
        tpu.vector_store %arg9[%swap3A_1343, %swap3A_1344], %swap3A_1347 {add = true, strides = array<i32>} : memref<512x128xf32, #tpu.memory_space<vmem>>, vector<1x16xf32>,
        %add3A_1348 = arith.constant 13 : i32
        %add3A_1349 = arith.addi %mul3A_108, %add3A_1348 : i32
        %get3A_1350 = arith.index_cast %add3A_1349 : i32 to index
        %get3A_1351 = arith.constant 96 : index
        %get3A_1352 = tpu.vector_load %arg7[%get3A_1350, %get3A_1351] {strides = array<i32>} : memref<128x128xf32, #tpu.memory_space<vmem>>, vector<1x16xf32>,
        %get3A_1353 = vector.shape_cast %get3A_1352 : vector<1x16xf32> to vector<16xf32>
        %swap3A_1354 = arith.index_cast %squeeze3A_134 : i32 to index
        %swap3A_1355 = arith.constant 96 : index
        %swap3A_1356 = tpu.vector_load %arg9[%swap3A_1354, %swap3A_1355] {strides = array<i32>} : memref<512x128xf32, #tpu.memory_space<vmem>>, vector<1x16xf32>,
        %swap3A_1357 = vector.shape_cast %swap3A_1356 : vector<1x16xf32> to vector<16xf32>
        %swap3A_1358 = vector.shape_cast %get3A_1353 : vector<16xf32> to vector<1x16xf32>
        tpu.vector_store %arg9[%swap3A_1354, %swap3A_1355], %swap3A_1358 {add = true, strides = array<i32>} : memref<512x128xf32, #tpu.memory_space<vmem>>, vector<1x16xf32>,
        %add3A_1359 = arith.constant 13 : i32
        %add3A_1360 = arith.addi %mul3A_108, %add3A_1359 : i32
        %get3A_1361 = arith.index_cast %add3A_1360 : i32 to index
        %get3A_1362 = arith.constant 112 : index
        %get3A_1363 = tpu.vector_load %arg7[%get3A_1361, %get3A_1362] {strides = array<i32>} : memref<128x128xf32, #tpu.memory_space<vmem>>, vector<1x16xf32>,
        %get3A_1364 = vector.shape_cast %get3A_1363 : vector<1x16xf32> to vector<16xf32>
        %swap3A_1365 = arith.index_cast %squeeze3A_134 : i32 to index
        %swap3A_1366 = arith.constant 112 : index
        %swap3A_1367 = tpu.vector_load %arg9[%swap3A_1365, %swap3A_1366] {strides = array<i32>} : memref<512x128xf32, #tpu.memory_space<vmem>>, vector<1x16xf32>,
        %swap3A_1368 = vector.shape_cast %swap3A_1367 : vector<1x16xf32> to vector<16xf32>
        %swap3A_1369 = vector.shape_cast %get3A_1364 : vector<16xf32> to vector<1x16xf32>
        tpu.vector_store %arg9[%swap3A_1365, %swap3A_1366], %swap3A_1369 {add = true, strides = array<i32>} : memref<512x128xf32, #tpu.memory_space<vmem>>, vector<1x16xf32>,
        %add3A_1370 = arith.constant 14 : i32
        %add3A_1371 = arith.addi %mul3A_108, %add3A_1370 : i32
        %get3A_1372 = arith.index_cast %add3A_1371 : i32 to index
        %get3A_1373 = arith.constant 0 : index
        %get3A_1374 = tpu.vector_load %arg7[%get3A_1372, %get3A_1373] {strides = array<i32>} : memref<128x128xf32, #tpu.memory_space<vmem>>, vector<1x16xf32>,
        %get3A_1375 = vector.shape_cast %get3A_1374 : vector<1x16xf32> to vector<16xf32>
        %swap3A_1376 = arith.index_cast %squeeze3A_136 : i32 to index
        %swap3A_1377 = arith.constant 0 : index
        %swap3A_1378 = tpu.vector_load %arg9[%swap3A_1376, %swap3A_1377] {strides = array<i32>} : memref<512x128xf32, #tpu.memory_space<vmem>>, vector<1x16xf32>,
        %swap3A_1379 = vector.shape_cast %swap3A_1378 : vector<1x16xf32> to vector<16xf32>
        %swap3A_1380 = vector.shape_cast %get3A_1375 : vector<16xf32> to vector<1x16xf32>
        tpu.vector_store %arg9[%swap3A_1376, %swap3A_1377], %swap3A_1380 {add = true, strides = array<i32>} : memref<512x128xf32, #tpu.memory_space<vmem>>, vector<1x16xf32>,
        %add3A_1381 = arith.constant 14 : i32
        %add3A_1382 = arith.addi %mul3A_108, %add3A_1381 : i32
        %get3A_1383 = arith.index_cast %add3A_1382 : i32 to index
        %get3A_1384 = arith.constant 16 : index
        %get3A_1385 = tpu.vector_load %arg7[%get3A_1383, %get3A_1384] {strides = array<i32>} : memref<128x128xf32, #tpu.memory_space<vmem>>, vector<1x16xf32>,
        %get3A_1386 = vector.shape_cast %get3A_1385 : vector<1x16xf32> to vector<16xf32>
        %swap3A_1387 = arith.index_cast %squeeze3A_136 : i32 to index
        %swap3A_1388 = arith.constant 16 : index
        %swap3A_1389 = tpu.vector_load %arg9[%swap3A_1387, %swap3A_1388] {strides = array<i32>} : memref<512x128xf32, #tpu.memory_space<vmem>>, vector<1x16xf32>,
        %swap3A_1390 = vector.shape_cast %swap3A_1389 : vector<1x16xf32> to vector<16xf32>
        %swap3A_1391 = vector.shape_cast %get3A_1386 : vector<16xf32> to vector<1x16xf32>
        tpu.vector_store %arg9[%swap3A_1387, %swap3A_1388], %swap3A_1391 {add = true, strides = array<i32>} : memref<512x128xf32, #tpu.memory_space<vmem>>, vector<1x16xf32>,
        %add3A_1392 = arith.constant 14 : i32
        %add3A_1393 = arith.addi %mul3A_108, %add3A_1392 : i32
        %get3A_1394 = arith.index_cast %add3A_1393 : i32 to index
        %get3A_1395 = arith.constant 32 : index
        %get3A_1396 = tpu.vector_load %arg7[%get3A_1394, %get3A_1395] {strides = array<i32>} : memref<128x128xf32, #tpu.memory_space<vmem>>, vector<1x16xf32>,
        %get3A_1397 = vector.shape_cast %get3A_1396 : vector<1x16xf32> to vector<16xf32>
        %swap3A_1398 = arith.index_cast %squeeze3A_136 : i32 to index
        %swap3A_1399 = arith.constant 32 : index
        %swap3A_1400 = tpu.vector_load %arg9[%swap3A_1398, %swap3A_1399] {strides = array<i32>} : memref<512x128xf32, #tpu.memory_space<vmem>>, vector<1x16xf32>,
        %swap3A_1401 = vector.shape_cast %swap3A_1400 : vector<1x16xf32> to vector<16xf32>
        %swap3A_1402 = vector.shape_cast %get3A_1397 : vector<16xf32> to vector<1x16xf32>
        tpu.vector_store %arg9[%swap3A_1398, %swap3A_1399], %swap3A_1402 {add = true, strides = array<i32>} : memref<512x128xf32, #tpu.memory_space<vmem>>, vector<1x16xf32>,
        %add3A_1403 = arith.constant 14 : i32
        %add3A_1404 = arith.addi %mul3A_108, %add3A_1403 : i32
        %get3A_1405 = arith.index_cast %add3A_1404 : i32 to index
        %get3A_1406 = arith.constant 48 : index
        %get3A_1407 = tpu.vector_load %arg7[%get3A_1405, %get3A_1406] {strides = array<i32>} : memref<128x128xf32, #tpu.memory_space<vmem>>, vector<1x16xf32>,
        %get3A_1408 = vector.shape_cast %get3A_1407 : vector<1x16xf32> to vector<16xf32>
        %swap3A_1409 = arith.index_cast %squeeze3A_136 : i32 to index
        %swap3A_1410 = arith.constant 48 : index
        %swap3A_1411 = tpu.vector_load %arg9[%swap3A_1409, %swap3A_1410] {strides = array<i32>} : memref<512x128xf32, #tpu.memory_space<vmem>>, vector<1x16xf32>,
        %swap3A_1412 = vector.shape_cast %swap3A_1411 : vector<1x16xf32> to vector<16xf32>
        %swap3A_1413 = vector.shape_cast %get3A_1408 : vector<16xf32> to vector<1x16xf32>
        tpu.vector_store %arg9[%swap3A_1409, %swap3A_1410], %swap3A_1413 {add = true, strides = array<i32>} : memref<512x128xf32, #tpu.memory_space<vmem>>, vector<1x16xf32>,
        %add3A_1414 = arith.constant 14 : i32
        %add3A_1415 = arith.addi %mul3A_108, %add3A_1414 : i32
        %get3A_1416 = arith.index_cast %add3A_1415 : i32 to index
        %get3A_1417 = arith.constant 64 : index
        %get3A_1418 = tpu.vector_load %arg7[%get3A_1416, %get3A_1417] {strides = array<i32>} : memref<128x128xf32, #tpu.memory_space<vmem>>, vector<1x16xf32>,
        %get3A_1419 = vector.shape_cast %get3A_1418 : vector<1x16xf32> to vector<16xf32>
        %swap3A_1420 = arith.index_cast %squeeze3A_136 : i32 to index
        %swap3A_1421 = arith.constant 64 : index
        %swap3A_1422 = tpu.vector_load %arg9[%swap3A_1420, %swap3A_1421] {strides = array<i32>} : memref<512x128xf32, #tpu.memory_space<vmem>>, vector<1x16xf32>,
        %swap3A_1423 = vector.shape_cast %swap3A_1422 : vector<1x16xf32> to vector<16xf32>
        %swap3A_1424 = vector.shape_cast %get3A_1419 : vector<16xf32> to vector<1x16xf32>
        tpu.vector_store %arg9[%swap3A_1420, %swap3A_1421], %swap3A_1424 {add = true, strides = array<i32>} : memref<512x128xf32, #tpu.memory_space<vmem>>, vector<1x16xf32>,
        %add3A_1425 = arith.constant 14 : i32
        %add3A_1426 = arith.addi %mul3A_108, %add3A_1425 : i32
        %get3A_1427 = arith.index_cast %add3A_1426 : i32 to index
        %get3A_1428 = arith.constant 80 : index
        %get3A_1429 = tpu.vector_load %arg7[%get3A_1427, %get3A_1428] {strides = array<i32>} : memref<128x128xf32, #tpu.memory_space<vmem>>, vector<1x16xf32>,
        %get3A_1430 = vector.shape_cast %get3A_1429 : vector<1x16xf32> to vector<16xf32>
        %swap3A_1431 = arith.index_cast %squeeze3A_136 : i32 to index
        %swap3A_1432 = arith.constant 80 : index
        %swap3A_1433 = tpu.vector_load %arg9[%swap3A_1431, %swap3A_1432] {strides = array<i32>} : memref<512x128xf32, #tpu.memory_space<vmem>>, vector<1x16xf32>,
        %swap3A_1434 = vector.shape_cast %swap3A_1433 : vector<1x16xf32> to vector<16xf32>
        %swap3A_1435 = vector.shape_cast %get3A_1430 : vector<16xf32> to vector<1x16xf32>
        tpu.vector_store %arg9[%swap3A_1431, %swap3A_1432], %swap3A_1435 {add = true, strides = array<i32>} : memref<512x128xf32, #tpu.memory_space<vmem>>, vector<1x16xf32>,
        %add3A_1436 = arith.constant 14 : i32
        %add3A_1437 = arith.addi %mul3A_108, %add3A_1436 : i32
        %get3A_1438 = arith.index_cast %add3A_1437 : i32 to index
        %get3A_1439 = arith.constant 96 : index
        %get3A_1440 = tpu.vector_load %arg7[%get3A_1438, %get3A_1439] {strides = array<i32>} : memref<128x128xf32, #tpu.memory_space<vmem>>, vector<1x16xf32>,
        %get3A_1441 = vector.shape_cast %get3A_1440 : vector<1x16xf32> to vector<16xf32>
        %swap3A_1442 = arith.index_cast %squeeze3A_136 : i32 to index
        %swap3A_1443 = arith.constant 96 : index
        %swap3A_1444 = tpu.vector_load %arg9[%swap3A_1442, %swap3A_1443] {strides = array<i32>} : memref<512x128xf32, #tpu.memory_space<vmem>>, vector<1x16xf32>,
        %swap3A_1445 = vector.shape_cast %swap3A_1444 : vector<1x16xf32> to vector<16xf32>
        %swap3A_1446 = vector.shape_cast %get3A_1441 : vector<16xf32> to vector<1x16xf32>
        tpu.vector_store %arg9[%swap3A_1442, %swap3A_1443], %swap3A_1446 {add = true, strides = array<i32>} : memref<512x128xf32, #tpu.memory_space<vmem>>, vector<1x16xf32>,
        %add3A_1447 = arith.constant 14 : i32
        %add3A_1448 = arith.addi %mul3A_108, %add3A_1447 : i32
        %get3A_1449 = arith.index_cast %add3A_1448 : i32 to index
        %get3A_1450 = arith.constant 112 : index
        %get3A_1451 = tpu.vector_load %arg7[%get3A_1449, %get3A_1450] {strides = array<i32>} : memref<128x128xf32, #tpu.memory_space<vmem>>, vector<1x16xf32>,
        %get3A_1452 = vector.shape_cast %get3A_1451 : vector<1x16xf32> to vector<16xf32>
        %swap3A_1453 = arith.index_cast %squeeze3A_136 : i32 to index
        %swap3A_1454 = arith.constant 112 : index
        %swap3A_1455 = tpu.vector_load %arg9[%swap3A_1453, %swap3A_1454] {strides = array<i32>} : memref<512x128xf32, #tpu.memory_space<vmem>>, vector<1x16xf32>,
        %swap3A_1456 = vector.shape_cast %swap3A_1455 : vector<1x16xf32> to vector<16xf32>
        %swap3A_1457 = vector.shape_cast %get3A_1452 : vector<16xf32> to vector<1x16xf32>
        tpu.vector_store %arg9[%swap3A_1453, %swap3A_1454], %swap3A_1457 {add = true, strides = array<i32>} : memref<512x128xf32, #tpu.memory_space<vmem>>, vector<1x16xf32>,
        %add3A_1458 = arith.constant 15 : i32
        %add3A_1459 = arith.addi %mul3A_108, %add3A_1458 : i32
        %get3A_1460 = arith.index_cast %add3A_1459 : i32 to index
        %get3A_1461 = arith.constant 0 : index
        %get3A_1462 = tpu.vector_load %arg7[%get3A_1460, %get3A_1461] {strides = array<i32>} : memref<128x128xf32, #tpu.memory_space<vmem>>, vector<1x16xf32>,
        %get3A_1463 = vector.shape_cast %get3A_1462 : vector<1x16xf32> to vector<16xf32>
        %swap3A_1464 = arith.index_cast %squeeze3A_138 : i32 to index
        %swap3A_1465 = arith.constant 0 : index
        %swap3A_1466 = tpu.vector_load %arg9[%swap3A_1464, %swap3A_1465] {strides = array<i32>} : memref<512x128xf32, #tpu.memory_space<vmem>>, vector<1x16xf32>,
        %swap3A_1467 = vector.shape_cast %swap3A_1466 : vector<1x16xf32> to vector<16xf32>
        %swap3A_1468 = vector.shape_cast %get3A_1463 : vector<16xf32> to vector<1x16xf32>
        tpu.vector_store %arg9[%swap3A_1464, %swap3A_1465], %swap3A_1468 {add = true, strides = array<i32>} : memref<512x128xf32, #tpu.memory_space<vmem>>, vector<1x16xf32>,
        %add3A_1469 = arith.constant 15 : i32
        %add3A_1470 = arith.addi %mul3A_108, %add3A_1469 : i32
        %get3A_1471 = arith.index_cast %add3A_1470 : i32 to index
        %get3A_1472 = arith.constant 16 : index
        %get3A_1473 = tpu.vector_load %arg7[%get3A_1471, %get3A_1472] {strides = array<i32>} : memref<128x128xf32, #tpu.memory_space<vmem>>, vector<1x16xf32>,
        %get3A_1474 = vector.shape_cast %get3A_1473 : vector<1x16xf32> to vector<16xf32>
        %swap3A_1475 = arith.index_cast %squeeze3A_138 : i32 to index
        %swap3A_1476 = arith.constant 16 : index
        %swap3A_1477 = tpu.vector_load %arg9[%swap3A_1475, %swap3A_1476] {strides = array<i32>} : memref<512x128xf32, #tpu.memory_space<vmem>>, vector<1x16xf32>,
        %swap3A_1478 = vector.shape_cast %swap3A_1477 : vector<1x16xf32> to vector<16xf32>
        %swap3A_1479 = vector.shape_cast %get3A_1474 : vector<16xf32> to vector<1x16xf32>
        tpu.vector_store %arg9[%swap3A_1475, %swap3A_1476], %swap3A_1479 {add = true, strides = array<i32>} : memref<512x128xf32, #tpu.memory_space<vmem>>, vector<1x16xf32>,
        %add3A_1480 = arith.constant 15 : i32
        %add3A_1481 = arith.addi %mul3A_108, %add3A_1480 : i32
        %get3A_1482 = arith.index_cast %add3A_1481 : i32 to index
        %get3A_1483 = arith.constant 32 : index
        %get3A_1484 = tpu.vector_load %arg7[%get3A_1482, %get3A_1483] {strides = array<i32>} : memref<128x128xf32, #tpu.memory_space<vmem>>, vector<1x16xf32>,
        %get3A_1485 = vector.shape_cast %get3A_1484 : vector<1x16xf32> to vector<16xf32>
        %swap3A_1486 = arith.index_cast %squeeze3A_138 : i32 to index
        %swap3A_1487 = arith.constant 32 : index
        %swap3A_1488 = tpu.vector_load %arg9[%swap3A_1486, %swap3A_1487] {strides = array<i32>} : memref<512x128xf32, #tpu.memory_space<vmem>>, vector<1x16xf32>,
        %swap3A_1489 = vector.shape_cast %swap3A_1488 : vector<1x16xf32> to vector<16xf32>
        %swap3A_1490 = vector.shape_cast %get3A_1485 : vector<16xf32> to vector<1x16xf32>
        tpu.vector_store %arg9[%swap3A_1486, %swap3A_1487], %swap3A_1490 {add = true, strides = array<i32>} : memref<512x128xf32, #tpu.memory_space<vmem>>, vector<1x16xf32>,
        %add3A_1491 = arith.constant 15 : i32
        %add3A_1492 = arith.addi %mul3A_108, %add3A_1491 : i32
        %get3A_1493 = arith.index_cast %add3A_1492 : i32 to index
        %get3A_1494 = arith.constant 48 : index
        %get3A_1495 = tpu.vector_load %arg7[%get3A_1493, %get3A_1494] {strides = array<i32>} : memref<128x128xf32, #tpu.memory_space<vmem>>, vector<1x16xf32>,
        %get3A_1496 = vector.shape_cast %get3A_1495 : vector<1x16xf32> to vector<16xf32>
        %swap3A_1497 = arith.index_cast %squeeze3A_138 : i32 to index
        %swap3A_1498 = arith.constant 48 : index
        %swap3A_1499 = tpu.vector_load %arg9[%swap3A_1497, %swap3A_1498] {strides = array<i32>} : memref<512x128xf32, #tpu.memory_space<vmem>>, vector<1x16xf32>,
        %swap3A_1500 = vector.shape_cast %swap3A_1499 : vector<1x16xf32> to vector<16xf32>
        %swap3A_1501 = vector.shape_cast %get3A_1496 : vector<16xf32> to vector<1x16xf32>
        tpu.vector_store %arg9[%swap3A_1497, %swap3A_1498], %swap3A_1501 {add = true, strides = array<i32>} : memref<512x128xf32, #tpu.memory_space<vmem>>, vector<1x16xf32>,
        %add3A_1502 = arith.constant 15 : i32
        %add3A_1503 = arith.addi %mul3A_108, %add3A_1502 : i32
        %get3A_1504 = arith.index_cast %add3A_1503 : i32 to index
        %get3A_1505 = arith.constant 64 : index
        %get3A_1506 = tpu.vector_load %arg7[%get3A_1504, %get3A_1505] {strides = array<i32>} : memref<128x128xf32, #tpu.memory_space<vmem>>, vector<1x16xf32>,
        %get3A_1507 = vector.shape_cast %get3A_1506 : vector<1x16xf32> to vector<16xf32>
        %swap3A_1508 = arith.index_cast %squeeze3A_138 : i32 to index
        %swap3A_1509 = arith.constant 64 : index
        %swap3A_1510 = tpu.vector_load %arg9[%swap3A_1508, %swap3A_1509] {strides = array<i32>} : memref<512x128xf32, #tpu.memory_space<vmem>>, vector<1x16xf32>,
        %swap3A_1511 = vector.shape_cast %swap3A_1510 : vector<1x16xf32> to vector<16xf32>
        %swap3A_1512 = vector.shape_cast %get3A_1507 : vector<16xf32> to vector<1x16xf32>
        tpu.vector_store %arg9[%swap3A_1508, %swap3A_1509], %swap3A_1512 {add = true, strides = array<i32>} : memref<512x128xf32, #tpu.memory_space<vmem>>, vector<1x16xf32>,
        %add3A_1513 = arith.constant 15 : i32
        %add3A_1514 = arith.addi %mul3A_108, %add3A_1513 : i32
        %get3A_1515 = arith.index_cast %add3A_1514 : i32 to index
        %get3A_1516 = arith.constant 80 : index
        %get3A_1517 = tpu.vector_load %arg7[%get3A_1515, %get3A_1516] {strides = array<i32>} : memref<128x128xf32, #tpu.memory_space<vmem>>, vector<1x16xf32>,
        %get3A_1518 = vector.shape_cast %get3A_1517 : vector<1x16xf32> to vector<16xf32>
        %swap3A_1519 = arith.index_cast %squeeze3A_138 : i32 to index
        %swap3A_1520 = arith.constant 80 : index
        %swap3A_1521 = tpu.vector_load %arg9[%swap3A_1519, %swap3A_1520] {strides = array<i32>} : memref<512x128xf32, #tpu.memory_space<vmem>>, vector<1x16xf32>,
        %swap3A_1522 = vector.shape_cast %swap3A_1521 : vector<1x16xf32> to vector<16xf32>
        %swap3A_1523 = vector.shape_cast %get3A_1518 : vector<16xf32> to vector<1x16xf32>
        tpu.vector_store %arg9[%swap3A_1519, %swap3A_1520], %swap3A_1523 {add = true, strides = array<i32>} : memref<512x128xf32, #tpu.memory_space<vmem>>, vector<1x16xf32>,
        %add3A_1524 = arith.constant 15 : i32
        %add3A_1525 = arith.addi %mul3A_108, %add3A_1524 : i32
        %get3A_1526 = arith.index_cast %add3A_1525 : i32 to index
        %get3A_1527 = arith.constant 96 : index
        %get3A_1528 = tpu.vector_load %arg7[%get3A_1526, %get3A_1527] {strides = array<i32>} : memref<128x128xf32, #tpu.memory_space<vmem>>, vector<1x16xf32>,
        %get3A_1529 = vector.shape_cast %get3A_1528 : vector<1x16xf32> to vector<16xf32>
        %swap3A_1530 = arith.index_cast %squeeze3A_138 : i32 to index
        %swap3A_1531 = arith.constant 96 : index
        %swap3A_1532 = tpu.vector_load %arg9[%swap3A_1530, %swap3A_1531] {strides = array<i32>} : memref<512x128xf32, #tpu.memory_space<vmem>>, vector<1x16xf32>,
        %swap3A_1533 = vector.shape_cast %swap3A_1532 : vector<1x16xf32> to vector<16xf32>
        %swap3A_1534 = vector.shape_cast %get3A_1529 : vector<16xf32> to vector<1x16xf32>
        tpu.vector_store %arg9[%swap3A_1530, %swap3A_1531], %swap3A_1534 {add = true, strides = array<i32>} : memref<512x128xf32, #tpu.memory_space<vmem>>, vector<1x16xf32>,
        %add3A_1535 = arith.constant 15 : i32
        %add3A_1536 = arith.addi %mul3A_108, %add3A_1535 : i32
        %get3A_1537 = arith.index_cast %add3A_1536 : i32 to index
        %get3A_1538 = arith.constant 112 : index
        %get3A_1539 = tpu.vector_load %arg7[%get3A_1537, %get3A_1538] {strides = array<i32>} : memref<128x128xf32, #tpu.memory_space<vmem>>, vector<1x16xf32>,
        %get3A_1540 = vector.shape_cast %get3A_1539 : vector<1x16xf32> to vector<16xf32>
        %swap3A_1541 = arith.index_cast %squeeze3A_138 : i32 to index
        %swap3A_1542 = arith.constant 112 : index
        %swap3A_1543 = tpu.vector_load %arg9[%swap3A_1541, %swap3A_1542] {strides = array<i32>} : memref<512x128xf32, #tpu.memory_space<vmem>>, vector<1x16xf32>,
        %swap3A_1544 = vector.shape_cast %swap3A_1543 : vector<1x16xf32> to vector<16xf32>
        %swap3A_1545 = vector.shape_cast %get3A_1540 : vector<16xf32> to vector<1x16xf32>
        tpu.vector_store %arg9[%swap3A_1541, %swap3A_1542], %swap3A_1545 {add = true, strides = array<i32>} : memref<512x128xf32, #tpu.memory_space<vmem>>, vector<1x16xf32>,
      }
      %scan3A_75 = arith.constant 8 : i32
      %mul3A_76 = arith.constant 2 : i32
      %mul3A_77 = arith.muli %scan3A_52, %mul3A_76 : i32
      %add3A_78 = arith.constant 1 : i32
      %add3A_79 = arith.addi %mul3A_77, %add3A_78 : i32
      %add3A_80 = arith.constant 1 : i32
      %add3A_81 = arith.addi %add3A_79, %add3A_80 : i32
      %lt3A_82 = arith.constant 32 : i32
      %lt3A_83 = arith.cmpi slt, %add3A_81, %lt3A_82 : i32
      %convert_element_type3A_84 = arith.extui %lt3A_83 : i1 to i32
      %cond3A_85 = arith.constant 0 : i32
      %cond3A_86 = arith.cmpi ne, %convert_element_type3A_84, %cond3A_85 : i32
      scf.if %cond3A_86 {
        %add3A_102 = arith.constant 1 : i32
        %add3A_103 = arith.addi %add3A_79, %add3A_102 : i32
        %mul3A_104 = arith.constant 4096 : i32
        %mul3A_105 = arith.muli %select_n3A_30, %mul3A_104 : i32
        %mul3A_106 = arith.constant 128 : i32
        %mul3A_107 = arith.muli %add3A_103, %mul3A_106 : i32
        %add3A_108 = arith.addi %mul3A_105, %mul3A_107 : i32
        %dma_start3A_109 = tpu.memref_slice %arg3[%add3A_108] : memref<32768xi32, #tpu.memory_space<hbm>> -> memref<128xi32, #tpu.memory_space<hbm>>
        %dma_start3A_110 = tpu.memref_slice %arg3[%add3A_108] : memref<32768xi32, #tpu.memory_space<hbm>> -> memref<128xi32, #tpu.memory_space<hbm>>
        tpu.enqueue_dma source(%dma_start3A_110 : memref<128xi32, #tpu.memory_space<hbm>>) target(%arg5 : memref<128xi32, #tpu.memory_space<vmem>>) target_semaphore(%arg10 : memref<!tpu.dma_semaphore, #tpu.memory_space<semaphore_mem>>)
        %dma_start3A_111 = tpu.memref_slice %arg2[%add3A_108, %mul3A_32] : memref<32768x512xf32, #tpu.memory_space<hbm>> -> memref<128x128xf32, #tpu.memory_space<hbm>>
        %dma_start3A_112 = tpu.memref_slice %arg2[%add3A_108, %mul3A_32] : memref<32768x512xf32, #tpu.memory_space<hbm>> -> memref<128x128xf32, #tpu.memory_space<hbm>>
        tpu.enqueue_dma source(%dma_start3A_112 : memref<128x128xf32, #tpu.memory_space<hbm>>) target(%arg7 : memref<128x128xf32, #tpu.memory_space<vmem>>) target_semaphore(%arg12 : memref<!tpu.dma_semaphore, #tpu.memory_space<semaphore_mem>>)
      } else {
      }
      %mul3A_87 = arith.constant 4096 : i32
      %mul3A_88 = arith.muli %select_n3A_30, %mul3A_87 : i32
      %mul3A_89 = arith.constant 128 : i32
      %mul3A_90 = arith.muli %add3A_79, %mul3A_89 : i32
      %add3A_91 = arith.addi %mul3A_88, %mul3A_90 : i32
      %dma_wait3A_92 = tpu.memref_slice %arg3[%add3A_91] : memref<32768xi32, #tpu.memory_space<hbm>> -> memref<128xi32, #tpu.memory_space<hbm>>
      %dma_wait3A_93 = tpu.memref_slice %arg3[%add3A_91] : memref<32768xi32, #tpu.memory_space<hbm>> -> memref<128xi32, #tpu.memory_space<hbm>>
      tpu.wait_dma2 semaphore(%arg11 : memref<!tpu.dma_semaphore, #tpu.memory_space<semaphore_mem>>) src(%dma_wait3A_93 : memref<128xi32, #tpu.memory_space<hbm>>) dst(%arg6 : memref<128xi32, #tpu.memory_space<vmem>>)
      %dma_wait3A_94 = tpu.memref_slice %arg2[%add3A_91, %mul3A_32] : memref<32768x512xf32, #tpu.memory_space<hbm>> -> memref<128x128xf32, #tpu.memory_space<hbm>>
      %dma_wait3A_95 = tpu.memref_slice %arg2[%add3A_91, %mul3A_32] : memref<32768x512xf32, #tpu.memory_space<hbm>> -> memref<128x128xf32, #tpu.memory_space<hbm>>
      tpu.wait_dma2 semaphore(%arg13 : memref<!tpu.dma_semaphore, #tpu.memory_space<semaphore_mem>>) src(%dma_wait3A_95 : memref<128x128xf32, #tpu.memory_space<hbm>>) dst(%arg8 : memref<128x128xf32, #tpu.memory_space<vmem>>)
      %scan3A_96 = arith.constant 0 : i32
      %scan3A_97 = arith.constant 0 : i32
      %scan3A_98 = arith.constant 8 : i32
      %scan3A_99 = arith.addi %scan3A_97, %scan3A_98 : i32
      %scan3A_100 = arith.constant 1 : i32
      scf.for %scan3A_102 = %scan3A_97 to %scan3A_99 step %scan3A_100  : i32 {
        %mul3A_103 = arith.constant 16 : i32
        %mul3A_104 = arith.muli %scan3A_102, %mul3A_103 : i32
        %get3A = arith.index_cast %mul3A_104 : i32 to index
        %get3A_105 = tpu.vector_load %arg6[%get3A] {strides = array<i32>} : memref<128xi32, #tpu.memory_space<vmem>>, vector<16xi32>,
        %get3A_106 = vector.shape_cast %get3A_105 : vector<16xi32> to vector<16xi32>
        %mul3A_107 = arith.constant 16 : i32
        %mul3A_108 = arith.muli %scan3A_102, %mul3A_107 : i32
        %slice3A = vector.extract_strided_slice %get3A_106 {offsets = [0], sizes = [1], strides = [1]} : vector<16xi32> to vector<1xi32>
        %squeeze3A = vector.extract %slice3A[0] : i32 from vector<1xi32>
        %slice3A_109 = vector.extract_strided_slice %get3A_106 {offsets = [1], sizes = [1], strides = [1]} : vector<16xi32> to vector<1xi32>
        %squeeze3A_110 = vector.extract %slice3A_109[0] : i32 from vector<1xi32>
        %slice3A_111 = vector.extract_strided_slice %get3A_106 {offsets = [2], sizes = [1], strides = [1]} : vector<16xi32> to vector<1xi32>
        %squeeze3A_112 = vector.extract %slice3A_111[0] : i32 from vector<1xi32>
        %slice3A_113 = vector.extract_strided_slice %get3A_106 {offsets = [3], sizes = [1], strides = [1]} : vector<16xi32> to vector<1xi32>
        %squeeze3A_114 = vector.extract %slice3A_113[0] : i32 from vector<1xi32>
        %slice3A_115 = vector.extract_strided_slice %get3A_106 {offsets = [4], sizes = [1], strides = [1]} : vector<16xi32> to vector<1xi32>
        %squeeze3A_116 = vector.extract %slice3A_115[0] : i32 from vector<1xi32>
        %slice3A_117 = vector.extract_strided_slice %get3A_106 {offsets = [5], sizes = [1], strides = [1]} : vector<16xi32> to vector<1xi32>
        %squeeze3A_118 = vector.extract %slice3A_117[0] : i32 from vector<1xi32>
        %slice3A_119 = vector.extract_strided_slice %get3A_106 {offsets = [6], sizes = [1], strides = [1]} : vector<16xi32> to vector<1xi32>
        %squeeze3A_120 = vector.extract %slice3A_119[0] : i32 from vector<1xi32>
        %slice3A_121 = vector.extract_strided_slice %get3A_106 {offsets = [7], sizes = [1], strides = [1]} : vector<16xi32> to vector<1xi32>
        %squeeze3A_122 = vector.extract %slice3A_121[0] : i32 from vector<1xi32>
        %slice3A_123 = vector.extract_strided_slice %get3A_106 {offsets = [8], sizes = [1], strides = [1]} : vector<16xi32> to vector<1xi32>
        %squeeze3A_124 = vector.extract %slice3A_123[0] : i32 from vector<1xi32>
        %slice3A_125 = vector.extract_strided_slice %get3A_106 {offsets = [9], sizes = [1], strides = [1]} : vector<16xi32> to vector<1xi32>
        %squeeze3A_126 = vector.extract %slice3A_125[0] : i32 from vector<1xi32>
        %slice3A_127 = vector.extract_strided_slice %get3A_106 {offsets = [10], sizes = [1], strides = [1]} : vector<16xi32> to vector<1xi32>
        %squeeze3A_128 = vector.extract %slice3A_127[0] : i32 from vector<1xi32>
        %slice3A_129 = vector.extract_strided_slice %get3A_106 {offsets = [11], sizes = [1], strides = [1]} : vector<16xi32> to vector<1xi32>
        %squeeze3A_130 = vector.extract %slice3A_129[0] : i32 from vector<1xi32>
        %slice3A_131 = vector.extract_strided_slice %get3A_106 {offsets = [12], sizes = [1], strides = [1]} : vector<16xi32> to vector<1xi32>
        %squeeze3A_132 = vector.extract %slice3A_131[0] : i32 from vector<1xi32>
        %slice3A_133 = vector.extract_strided_slice %get3A_106 {offsets = [13], sizes = [1], strides = [1]} : vector<16xi32> to vector<1xi32>
        %squeeze3A_134 = vector.extract %slice3A_133[0] : i32 from vector<1xi32>
        %slice3A_135 = vector.extract_strided_slice %get3A_106 {offsets = [14], sizes = [1], strides = [1]} : vector<16xi32> to vector<1xi32>
        %squeeze3A_136 = vector.extract %slice3A_135[0] : i32 from vector<1xi32>
        %slice3A_137 = vector.extract_strided_slice %get3A_106 {offsets = [15], sizes = [1], strides = [1]} : vector<16xi32> to vector<1xi32>
        %squeeze3A_138 = vector.extract %slice3A_137[0] : i32 from vector<1xi32>
        %add3A_139 = arith.constant 0 : i32
        %add3A_140 = arith.addi %mul3A_108, %add3A_139 : i32
        %get3A_141 = arith.index_cast %add3A_140 : i32 to index
        %get3A_142 = arith.constant 0 : index
        %get3A_143 = tpu.vector_load %arg8[%get3A_141, %get3A_142] {strides = array<i32>} : memref<128x128xf32, #tpu.memory_space<vmem>>, vector<1x16xf32>,
        %get3A_144 = vector.shape_cast %get3A_143 : vector<1x16xf32> to vector<16xf32>
        %swap3A = arith.index_cast %squeeze3A : i32 to index
        %swap3A_145 = arith.constant 0 : index
        %swap3A_146 = tpu.vector_load %arg9[%swap3A, %swap3A_145] {strides = array<i32>} : memref<512x128xf32, #tpu.memory_space<vmem>>, vector<1x16xf32>,
        %swap3A_147 = vector.shape_cast %swap3A_146 : vector<1x16xf32> to vector<16xf32>
        %swap3A_148 = vector.shape_cast %get3A_144 : vector<16xf32> to vector<1x16xf32>
        tpu.vector_store %arg9[%swap3A, %swap3A_145], %swap3A_148 {add = true, strides = array<i32>} : memref<512x128xf32, #tpu.memory_space<vmem>>, vector<1x16xf32>,
        %add3A_149 = arith.constant 0 : i32
        %add3A_150 = arith.addi %mul3A_108, %add3A_149 : i32
        %get3A_151 = arith.index_cast %add3A_150 : i32 to index
        %get3A_152 = arith.constant 16 : index
        %get3A_153 = tpu.vector_load %arg8[%get3A_151, %get3A_152] {strides = array<i32>} : memref<128x128xf32, #tpu.memory_space<vmem>>, vector<1x16xf32>,
        %get3A_154 = vector.shape_cast %get3A_153 : vector<1x16xf32> to vector<16xf32>
        %swap3A_155 = arith.index_cast %squeeze3A : i32 to index
        %swap3A_156 = arith.constant 16 : index
        %swap3A_157 = tpu.vector_load %arg9[%swap3A_155, %swap3A_156] {strides = array<i32>} : memref<512x128xf32, #tpu.memory_space<vmem>>, vector<1x16xf32>,
        %swap3A_158 = vector.shape_cast %swap3A_157 : vector<1x16xf32> to vector<16xf32>
        %swap3A_159 = vector.shape_cast %get3A_154 : vector<16xf32> to vector<1x16xf32>
        tpu.vector_store %arg9[%swap3A_155, %swap3A_156], %swap3A_159 {add = true, strides = array<i32>} : memref<512x128xf32, #tpu.memory_space<vmem>>, vector<1x16xf32>,
        %add3A_160 = arith.constant 0 : i32
        %add3A_161 = arith.addi %mul3A_108, %add3A_160 : i32
        %get3A_162 = arith.index_cast %add3A_161 : i32 to index
        %get3A_163 = arith.constant 32 : index
        %get3A_164 = tpu.vector_load %arg8[%get3A_162, %get3A_163] {strides = array<i32>} : memref<128x128xf32, #tpu.memory_space<vmem>>, vector<1x16xf32>,
        %get3A_165 = vector.shape_cast %get3A_164 : vector<1x16xf32> to vector<16xf32>
        %swap3A_166 = arith.index_cast %squeeze3A : i32 to index
        %swap3A_167 = arith.constant 32 : index
        %swap3A_168 = tpu.vector_load %arg9[%swap3A_166, %swap3A_167] {strides = array<i32>} : memref<512x128xf32, #tpu.memory_space<vmem>>, vector<1x16xf32>,
        %swap3A_169 = vector.shape_cast %swap3A_168 : vector<1x16xf32> to vector<16xf32>
        %swap3A_170 = vector.shape_cast %get3A_165 : vector<16xf32> to vector<1x16xf32>
        tpu.vector_store %arg9[%swap3A_166, %swap3A_167], %swap3A_170 {add = true, strides = array<i32>} : memref<512x128xf32, #tpu.memory_space<vmem>>, vector<1x16xf32>,
        %add3A_171 = arith.constant 0 : i32
        %add3A_172 = arith.addi %mul3A_108, %add3A_171 : i32
        %get3A_173 = arith.index_cast %add3A_172 : i32 to index
        %get3A_174 = arith.constant 48 : index
        %get3A_175 = tpu.vector_load %arg8[%get3A_173, %get3A_174] {strides = array<i32>} : memref<128x128xf32, #tpu.memory_space<vmem>>, vector<1x16xf32>,
        %get3A_176 = vector.shape_cast %get3A_175 : vector<1x16xf32> to vector<16xf32>
        %swap3A_177 = arith.index_cast %squeeze3A : i32 to index
        %swap3A_178 = arith.constant 48 : index
        %swap3A_179 = tpu.vector_load %arg9[%swap3A_177, %swap3A_178] {strides = array<i32>} : memref<512x128xf32, #tpu.memory_space<vmem>>, vector<1x16xf32>,
        %swap3A_180 = vector.shape_cast %swap3A_179 : vector<1x16xf32> to vector<16xf32>
        %swap3A_181 = vector.shape_cast %get3A_176 : vector<16xf32> to vector<1x16xf32>
        tpu.vector_store %arg9[%swap3A_177, %swap3A_178], %swap3A_181 {add = true, strides = array<i32>} : memref<512x128xf32, #tpu.memory_space<vmem>>, vector<1x16xf32>,
        %add3A_182 = arith.constant 0 : i32
        %add3A_183 = arith.addi %mul3A_108, %add3A_182 : i32
        %get3A_184 = arith.index_cast %add3A_183 : i32 to index
        %get3A_185 = arith.constant 64 : index
        %get3A_186 = tpu.vector_load %arg8[%get3A_184, %get3A_185] {strides = array<i32>} : memref<128x128xf32, #tpu.memory_space<vmem>>, vector<1x16xf32>,
        %get3A_187 = vector.shape_cast %get3A_186 : vector<1x16xf32> to vector<16xf32>
        %swap3A_188 = arith.index_cast %squeeze3A : i32 to index
        %swap3A_189 = arith.constant 64 : index
        %swap3A_190 = tpu.vector_load %arg9[%swap3A_188, %swap3A_189] {strides = array<i32>} : memref<512x128xf32, #tpu.memory_space<vmem>>, vector<1x16xf32>,
        %swap3A_191 = vector.shape_cast %swap3A_190 : vector<1x16xf32> to vector<16xf32>
        %swap3A_192 = vector.shape_cast %get3A_187 : vector<16xf32> to vector<1x16xf32>
        tpu.vector_store %arg9[%swap3A_188, %swap3A_189], %swap3A_192 {add = true, strides = array<i32>} : memref<512x128xf32, #tpu.memory_space<vmem>>, vector<1x16xf32>,
        %add3A_193 = arith.constant 0 : i32
        %add3A_194 = arith.addi %mul3A_108, %add3A_193 : i32
        %get3A_195 = arith.index_cast %add3A_194 : i32 to index
        %get3A_196 = arith.constant 80 : index
        %get3A_197 = tpu.vector_load %arg8[%get3A_195, %get3A_196] {strides = array<i32>} : memref<128x128xf32, #tpu.memory_space<vmem>>, vector<1x16xf32>,
        %get3A_198 = vector.shape_cast %get3A_197 : vector<1x16xf32> to vector<16xf32>
        %swap3A_199 = arith.index_cast %squeeze3A : i32 to index
        %swap3A_200 = arith.constant 80 : index
        %swap3A_201 = tpu.vector_load %arg9[%swap3A_199, %swap3A_200] {strides = array<i32>} : memref<512x128xf32, #tpu.memory_space<vmem>>, vector<1x16xf32>,
        %swap3A_202 = vector.shape_cast %swap3A_201 : vector<1x16xf32> to vector<16xf32>
        %swap3A_203 = vector.shape_cast %get3A_198 : vector<16xf32> to vector<1x16xf32>
        tpu.vector_store %arg9[%swap3A_199, %swap3A_200], %swap3A_203 {add = true, strides = array<i32>} : memref<512x128xf32, #tpu.memory_space<vmem>>, vector<1x16xf32>,
        %add3A_204 = arith.constant 0 : i32
        %add3A_205 = arith.addi %mul3A_108, %add3A_204 : i32
        %get3A_206 = arith.index_cast %add3A_205 : i32 to index
        %get3A_207 = arith.constant 96 : index
        %get3A_208 = tpu.vector_load %arg8[%get3A_206, %get3A_207] {strides = array<i32>} : memref<128x128xf32, #tpu.memory_space<vmem>>, vector<1x16xf32>,
        %get3A_209 = vector.shape_cast %get3A_208 : vector<1x16xf32> to vector<16xf32>
        %swap3A_210 = arith.index_cast %squeeze3A : i32 to index
        %swap3A_211 = arith.constant 96 : index
        %swap3A_212 = tpu.vector_load %arg9[%swap3A_210, %swap3A_211] {strides = array<i32>} : memref<512x128xf32, #tpu.memory_space<vmem>>, vector<1x16xf32>,
        %swap3A_213 = vector.shape_cast %swap3A_212 : vector<1x16xf32> to vector<16xf32>
        %swap3A_214 = vector.shape_cast %get3A_209 : vector<16xf32> to vector<1x16xf32>
        tpu.vector_store %arg9[%swap3A_210, %swap3A_211], %swap3A_214 {add = true, strides = array<i32>} : memref<512x128xf32, #tpu.memory_space<vmem>>, vector<1x16xf32>,
        %add3A_215 = arith.constant 0 : i32
        %add3A_216 = arith.addi %mul3A_108, %add3A_215 : i32
        %get3A_217 = arith.index_cast %add3A_216 : i32 to index
        %get3A_218 = arith.constant 112 : index
        %get3A_219 = tpu.vector_load %arg8[%get3A_217, %get3A_218] {strides = array<i32>} : memref<128x128xf32, #tpu.memory_space<vmem>>, vector<1x16xf32>,
        %get3A_220 = vector.shape_cast %get3A_219 : vector<1x16xf32> to vector<16xf32>
        %swap3A_221 = arith.index_cast %squeeze3A : i32 to index
        %swap3A_222 = arith.constant 112 : index
        %swap3A_223 = tpu.vector_load %arg9[%swap3A_221, %swap3A_222] {strides = array<i32>} : memref<512x128xf32, #tpu.memory_space<vmem>>, vector<1x16xf32>,
        %swap3A_224 = vector.shape_cast %swap3A_223 : vector<1x16xf32> to vector<16xf32>
        %swap3A_225 = vector.shape_cast %get3A_220 : vector<16xf32> to vector<1x16xf32>
        tpu.vector_store %arg9[%swap3A_221, %swap3A_222], %swap3A_225 {add = true, strides = array<i32>} : memref<512x128xf32, #tpu.memory_space<vmem>>, vector<1x16xf32>,
        %add3A_226 = arith.constant 1 : i32
        %add3A_227 = arith.addi %mul3A_108, %add3A_226 : i32
        %get3A_228 = arith.index_cast %add3A_227 : i32 to index
        %get3A_229 = arith.constant 0 : index
        %get3A_230 = tpu.vector_load %arg8[%get3A_228, %get3A_229] {strides = array<i32>} : memref<128x128xf32, #tpu.memory_space<vmem>>, vector<1x16xf32>,
        %get3A_231 = vector.shape_cast %get3A_230 : vector<1x16xf32> to vector<16xf32>
        %swap3A_232 = arith.index_cast %squeeze3A_110 : i32 to index
        %swap3A_233 = arith.constant 0 : index
        %swap3A_234 = tpu.vector_load %arg9[%swap3A_232, %swap3A_233] {strides = array<i32>} : memref<512x128xf32, #tpu.memory_space<vmem>>, vector<1x16xf32>,
        %swap3A_235 = vector.shape_cast %swap3A_234 : vector<1x16xf32> to vector<16xf32>
        %swap3A_236 = vector.shape_cast %get3A_231 : vector<16xf32> to vector<1x16xf32>
        tpu.vector_store %arg9[%swap3A_232, %swap3A_233], %swap3A_236 {add = true, strides = array<i32>} : memref<512x128xf32, #tpu.memory_space<vmem>>, vector<1x16xf32>,
        %add3A_237 = arith.constant 1 : i32
        %add3A_238 = arith.addi %mul3A_108, %add3A_237 : i32
        %get3A_239 = arith.index_cast %add3A_238 : i32 to index
        %get3A_240 = arith.constant 16 : index
        %get3A_241 = tpu.vector_load %arg8[%get3A_239, %get3A_240] {strides = array<i32>} : memref<128x128xf32, #tpu.memory_space<vmem>>, vector<1x16xf32>,
        %get3A_242 = vector.shape_cast %get3A_241 : vector<1x16xf32> to vector<16xf32>
        %swap3A_243 = arith.index_cast %squeeze3A_110 : i32 to index
        %swap3A_244 = arith.constant 16 : index
        %swap3A_245 = tpu.vector_load %arg9[%swap3A_243, %swap3A_244] {strides = array<i32>} : memref<512x128xf32, #tpu.memory_space<vmem>>, vector<1x16xf32>,
        %swap3A_246 = vector.shape_cast %swap3A_245 : vector<1x16xf32> to vector<16xf32>
        %swap3A_247 = vector.shape_cast %get3A_242 : vector<16xf32> to vector<1x16xf32>
        tpu.vector_store %arg9[%swap3A_243, %swap3A_244], %swap3A_247 {add = true, strides = array<i32>} : memref<512x128xf32, #tpu.memory_space<vmem>>, vector<1x16xf32>,
        %add3A_248 = arith.constant 1 : i32
        %add3A_249 = arith.addi %mul3A_108, %add3A_248 : i32
        %get3A_250 = arith.index_cast %add3A_249 : i32 to index
        %get3A_251 = arith.constant 32 : index
        %get3A_252 = tpu.vector_load %arg8[%get3A_250, %get3A_251] {strides = array<i32>} : memref<128x128xf32, #tpu.memory_space<vmem>>, vector<1x16xf32>,
        %get3A_253 = vector.shape_cast %get3A_252 : vector<1x16xf32> to vector<16xf32>
        %swap3A_254 = arith.index_cast %squeeze3A_110 : i32 to index
        %swap3A_255 = arith.constant 32 : index
        %swap3A_256 = tpu.vector_load %arg9[%swap3A_254, %swap3A_255] {strides = array<i32>} : memref<512x128xf32, #tpu.memory_space<vmem>>, vector<1x16xf32>,
        %swap3A_257 = vector.shape_cast %swap3A_256 : vector<1x16xf32> to vector<16xf32>
        %swap3A_258 = vector.shape_cast %get3A_253 : vector<16xf32> to vector<1x16xf32>
        tpu.vector_store %arg9[%swap3A_254, %swap3A_255], %swap3A_258 {add = true, strides = array<i32>} : memref<512x128xf32, #tpu.memory_space<vmem>>, vector<1x16xf32>,
        %add3A_259 = arith.constant 1 : i32
        %add3A_260 = arith.addi %mul3A_108, %add3A_259 : i32
        %get3A_261 = arith.index_cast %add3A_260 : i32 to index
        %get3A_262 = arith.constant 48 : index
        %get3A_263 = tpu.vector_load %arg8[%get3A_261, %get3A_262] {strides = array<i32>} : memref<128x128xf32, #tpu.memory_space<vmem>>, vector<1x16xf32>,
        %get3A_264 = vector.shape_cast %get3A_263 : vector<1x16xf32> to vector<16xf32>
        %swap3A_265 = arith.index_cast %squeeze3A_110 : i32 to index
        %swap3A_266 = arith.constant 48 : index
        %swap3A_267 = tpu.vector_load %arg9[%swap3A_265, %swap3A_266] {strides = array<i32>} : memref<512x128xf32, #tpu.memory_space<vmem>>, vector<1x16xf32>,
        %swap3A_268 = vector.shape_cast %swap3A_267 : vector<1x16xf32> to vector<16xf32>
        %swap3A_269 = vector.shape_cast %get3A_264 : vector<16xf32> to vector<1x16xf32>
        tpu.vector_store %arg9[%swap3A_265, %swap3A_266], %swap3A_269 {add = true, strides = array<i32>} : memref<512x128xf32, #tpu.memory_space<vmem>>, vector<1x16xf32>,
        %add3A_270 = arith.constant 1 : i32
        %add3A_271 = arith.addi %mul3A_108, %add3A_270 : i32
        %get3A_272 = arith.index_cast %add3A_271 : i32 to index
        %get3A_273 = arith.constant 64 : index
        %get3A_274 = tpu.vector_load %arg8[%get3A_272, %get3A_273] {strides = array<i32>} : memref<128x128xf32, #tpu.memory_space<vmem>>, vector<1x16xf32>,
        %get3A_275 = vector.shape_cast %get3A_274 : vector<1x16xf32> to vector<16xf32>
        %swap3A_276 = arith.index_cast %squeeze3A_110 : i32 to index
        %swap3A_277 = arith.constant 64 : index
        %swap3A_278 = tpu.vector_load %arg9[%swap3A_276, %swap3A_277] {strides = array<i32>} : memref<512x128xf32, #tpu.memory_space<vmem>>, vector<1x16xf32>,
        %swap3A_279 = vector.shape_cast %swap3A_278 : vector<1x16xf32> to vector<16xf32>
        %swap3A_280 = vector.shape_cast %get3A_275 : vector<16xf32> to vector<1x16xf32>
        tpu.vector_store %arg9[%swap3A_276, %swap3A_277], %swap3A_280 {add = true, strides = array<i32>} : memref<512x128xf32, #tpu.memory_space<vmem>>, vector<1x16xf32>,
        %add3A_281 = arith.constant 1 : i32
        %add3A_282 = arith.addi %mul3A_108, %add3A_281 : i32
        %get3A_283 = arith.index_cast %add3A_282 : i32 to index
        %get3A_284 = arith.constant 80 : index
        %get3A_285 = tpu.vector_load %arg8[%get3A_283, %get3A_284] {strides = array<i32>} : memref<128x128xf32, #tpu.memory_space<vmem>>, vector<1x16xf32>,
        %get3A_286 = vector.shape_cast %get3A_285 : vector<1x16xf32> to vector<16xf32>
        %swap3A_287 = arith.index_cast %squeeze3A_110 : i32 to index
        %swap3A_288 = arith.constant 80 : index
        %swap3A_289 = tpu.vector_load %arg9[%swap3A_287, %swap3A_288] {strides = array<i32>} : memref<512x128xf32, #tpu.memory_space<vmem>>, vector<1x16xf32>,
        %swap3A_290 = vector.shape_cast %swap3A_289 : vector<1x16xf32> to vector<16xf32>
        %swap3A_291 = vector.shape_cast %get3A_286 : vector<16xf32> to vector<1x16xf32>
        tpu.vector_store %arg9[%swap3A_287, %swap3A_288], %swap3A_291 {add = true, strides = array<i32>} : memref<512x128xf32, #tpu.memory_space<vmem>>, vector<1x16xf32>,
        %add3A_292 = arith.constant 1 : i32
        %add3A_293 = arith.addi %mul3A_108, %add3A_292 : i32
        %get3A_294 = arith.index_cast %add3A_293 : i32 to index
        %get3A_295 = arith.constant 96 : index
        %get3A_296 = tpu.vector_load %arg8[%get3A_294, %get3A_295] {strides = array<i32>} : memref<128x128xf32, #tpu.memory_space<vmem>>, vector<1x16xf32>,
        %get3A_297 = vector.shape_cast %get3A_296 : vector<1x16xf32> to vector<16xf32>
        %swap3A_298 = arith.index_cast %squeeze3A_110 : i32 to index
        %swap3A_299 = arith.constant 96 : index
        %swap3A_300 = tpu.vector_load %arg9[%swap3A_298, %swap3A_299] {strides = array<i32>} : memref<512x128xf32, #tpu.memory_space<vmem>>, vector<1x16xf32>,
        %swap3A_301 = vector.shape_cast %swap3A_300 : vector<1x16xf32> to vector<16xf32>
        %swap3A_302 = vector.shape_cast %get3A_297 : vector<16xf32> to vector<1x16xf32>
        tpu.vector_store %arg9[%swap3A_298, %swap3A_299], %swap3A_302 {add = true, strides = array<i32>} : memref<512x128xf32, #tpu.memory_space<vmem>>, vector<1x16xf32>,
        %add3A_303 = arith.constant 1 : i32
        %add3A_304 = arith.addi %mul3A_108, %add3A_303 : i32
        %get3A_305 = arith.index_cast %add3A_304 : i32 to index
        %get3A_306 = arith.constant 112 : index
        %get3A_307 = tpu.vector_load %arg8[%get3A_305, %get3A_306] {strides = array<i32>} : memref<128x128xf32, #tpu.memory_space<vmem>>, vector<1x16xf32>,
        %get3A_308 = vector.shape_cast %get3A_307 : vector<1x16xf32> to vector<16xf32>
        %swap3A_309 = arith.index_cast %squeeze3A_110 : i32 to index
        %swap3A_310 = arith.constant 112 : index
        %swap3A_311 = tpu.vector_load %arg9[%swap3A_309, %swap3A_310] {strides = array<i32>} : memref<512x128xf32, #tpu.memory_space<vmem>>, vector<1x16xf32>,
        %swap3A_312 = vector.shape_cast %swap3A_311 : vector<1x16xf32> to vector<16xf32>
        %swap3A_313 = vector.shape_cast %get3A_308 : vector<16xf32> to vector<1x16xf32>
        tpu.vector_store %arg9[%swap3A_309, %swap3A_310], %swap3A_313 {add = true, strides = array<i32>} : memref<512x128xf32, #tpu.memory_space<vmem>>, vector<1x16xf32>,
        %add3A_314 = arith.constant 2 : i32
        %add3A_315 = arith.addi %mul3A_108, %add3A_314 : i32
        %get3A_316 = arith.index_cast %add3A_315 : i32 to index
        %get3A_317 = arith.constant 0 : index
        %get3A_318 = tpu.vector_load %arg8[%get3A_316, %get3A_317] {strides = array<i32>} : memref<128x128xf32, #tpu.memory_space<vmem>>, vector<1x16xf32>,
        %get3A_319 = vector.shape_cast %get3A_318 : vector<1x16xf32> to vector<16xf32>
        %swap3A_320 = arith.index_cast %squeeze3A_112 : i32 to index
        %swap3A_321 = arith.constant 0 : index
        %swap3A_322 = tpu.vector_load %arg9[%swap3A_320, %swap3A_321] {strides = array<i32>} : memref<512x128xf32, #tpu.memory_space<vmem>>, vector<1x16xf32>,
        %swap3A_323 = vector.shape_cast %swap3A_322 : vector<1x16xf32> to vector<16xf32>
        %swap3A_324 = vector.shape_cast %get3A_319 : vector<16xf32> to vector<1x16xf32>
        tpu.vector_store %arg9[%swap3A_320, %swap3A_321], %swap3A_324 {add = true, strides = array<i32>} : memref<512x128xf32, #tpu.memory_space<vmem>>, vector<1x16xf32>,
        %add3A_325 = arith.constant 2 : i32
        %add3A_326 = arith.addi %mul3A_108, %add3A_325 : i32
        %get3A_327 = arith.index_cast %add3A_326 : i32 to index
        %get3A_328 = arith.constant 16 : index
        %get3A_329 = tpu.vector_load %arg8[%get3A_327, %get3A_328] {strides = array<i32>} : memref<128x128xf32, #tpu.memory_space<vmem>>, vector<1x16xf32>,
        %get3A_330 = vector.shape_cast %get3A_329 : vector<1x16xf32> to vector<16xf32>
        %swap3A_331 = arith.index_cast %squeeze3A_112 : i32 to index
        %swap3A_332 = arith.constant 16 : index
        %swap3A_333 = tpu.vector_load %arg9[%swap3A_331, %swap3A_332] {strides = array<i32>} : memref<512x128xf32, #tpu.memory_space<vmem>>, vector<1x16xf32>,
        %swap3A_334 = vector.shape_cast %swap3A_333 : vector<1x16xf32> to vector<16xf32>
        %swap3A_335 = vector.shape_cast %get3A_330 : vector<16xf32> to vector<1x16xf32>
        tpu.vector_store %arg9[%swap3A_331, %swap3A_332], %swap3A_335 {add = true, strides = array<i32>} : memref<512x128xf32, #tpu.memory_space<vmem>>, vector<1x16xf32>,
        %add3A_336 = arith.constant 2 : i32
        %add3A_337 = arith.addi %mul3A_108, %add3A_336 : i32
        %get3A_338 = arith.index_cast %add3A_337 : i32 to index
        %get3A_339 = arith.constant 32 : index
        %get3A_340 = tpu.vector_load %arg8[%get3A_338, %get3A_339] {strides = array<i32>} : memref<128x128xf32, #tpu.memory_space<vmem>>, vector<1x16xf32>,
        %get3A_341 = vector.shape_cast %get3A_340 : vector<1x16xf32> to vector<16xf32>
        %swap3A_342 = arith.index_cast %squeeze3A_112 : i32 to index
        %swap3A_343 = arith.constant 32 : index
        %swap3A_344 = tpu.vector_load %arg9[%swap3A_342, %swap3A_343] {strides = array<i32>} : memref<512x128xf32, #tpu.memory_space<vmem>>, vector<1x16xf32>,
        %swap3A_345 = vector.shape_cast %swap3A_344 : vector<1x16xf32> to vector<16xf32>
        %swap3A_346 = vector.shape_cast %get3A_341 : vector<16xf32> to vector<1x16xf32>
        tpu.vector_store %arg9[%swap3A_342, %swap3A_343], %swap3A_346 {add = true, strides = array<i32>} : memref<512x128xf32, #tpu.memory_space<vmem>>, vector<1x16xf32>,
        %add3A_347 = arith.constant 2 : i32
        %add3A_348 = arith.addi %mul3A_108, %add3A_347 : i32
        %get3A_349 = arith.index_cast %add3A_348 : i32 to index
        %get3A_350 = arith.constant 48 : index
        %get3A_351 = tpu.vector_load %arg8[%get3A_349, %get3A_350] {strides = array<i32>} : memref<128x128xf32, #tpu.memory_space<vmem>>, vector<1x16xf32>,
        %get3A_352 = vector.shape_cast %get3A_351 : vector<1x16xf32> to vector<16xf32>
        %swap3A_353 = arith.index_cast %squeeze3A_112 : i32 to index
        %swap3A_354 = arith.constant 48 : index
        %swap3A_355 = tpu.vector_load %arg9[%swap3A_353, %swap3A_354] {strides = array<i32>} : memref<512x128xf32, #tpu.memory_space<vmem>>, vector<1x16xf32>,
        %swap3A_356 = vector.shape_cast %swap3A_355 : vector<1x16xf32> to vector<16xf32>
        %swap3A_357 = vector.shape_cast %get3A_352 : vector<16xf32> to vector<1x16xf32>
        tpu.vector_store %arg9[%swap3A_353, %swap3A_354], %swap3A_357 {add = true, strides = array<i32>} : memref<512x128xf32, #tpu.memory_space<vmem>>, vector<1x16xf32>,
        %add3A_358 = arith.constant 2 : i32
        %add3A_359 = arith.addi %mul3A_108, %add3A_358 : i32
        %get3A_360 = arith.index_cast %add3A_359 : i32 to index
        %get3A_361 = arith.constant 64 : index
        %get3A_362 = tpu.vector_load %arg8[%get3A_360, %get3A_361] {strides = array<i32>} : memref<128x128xf32, #tpu.memory_space<vmem>>, vector<1x16xf32>,
        %get3A_363 = vector.shape_cast %get3A_362 : vector<1x16xf32> to vector<16xf32>
        %swap3A_364 = arith.index_cast %squeeze3A_112 : i32 to index
        %swap3A_365 = arith.constant 64 : index
        %swap3A_366 = tpu.vector_load %arg9[%swap3A_364, %swap3A_365] {strides = array<i32>} : memref<512x128xf32, #tpu.memory_space<vmem>>, vector<1x16xf32>,
        %swap3A_367 = vector.shape_cast %swap3A_366 : vector<1x16xf32> to vector<16xf32>
        %swap3A_368 = vector.shape_cast %get3A_363 : vector<16xf32> to vector<1x16xf32>
        tpu.vector_store %arg9[%swap3A_364, %swap3A_365], %swap3A_368 {add = true, strides = array<i32>} : memref<512x128xf32, #tpu.memory_space<vmem>>, vector<1x16xf32>,
        %add3A_369 = arith.constant 2 : i32
        %add3A_370 = arith.addi %mul3A_108, %add3A_369 : i32
        %get3A_371 = arith.index_cast %add3A_370 : i32 to index
        %get3A_372 = arith.constant 80 : index
        %get3A_373 = tpu.vector_load %arg8[%get3A_371, %get3A_372] {strides = array<i32>} : memref<128x128xf32, #tpu.memory_space<vmem>>, vector<1x16xf32>,
        %get3A_374 = vector.shape_cast %get3A_373 : vector<1x16xf32> to vector<16xf32>
        %swap3A_375 = arith.index_cast %squeeze3A_112 : i32 to index
        %swap3A_376 = arith.constant 80 : index
        %swap3A_377 = tpu.vector_load %arg9[%swap3A_375, %swap3A_376] {strides = array<i32>} : memref<512x128xf32, #tpu.memory_space<vmem>>, vector<1x16xf32>,
        %swap3A_378 = vector.shape_cast %swap3A_377 : vector<1x16xf32> to vector<16xf32>
        %swap3A_379 = vector.shape_cast %get3A_374 : vector<16xf32> to vector<1x16xf32>
        tpu.vector_store %arg9[%swap3A_375, %swap3A_376], %swap3A_379 {add = true, strides = array<i32>} : memref<512x128xf32, #tpu.memory_space<vmem>>, vector<1x16xf32>,
        %add3A_380 = arith.constant 2 : i32
        %add3A_381 = arith.addi %mul3A_108, %add3A_380 : i32
        %get3A_382 = arith.index_cast %add3A_381 : i32 to index
        %get3A_383 = arith.constant 96 : index
        %get3A_384 = tpu.vector_load %arg8[%get3A_382, %get3A_383] {strides = array<i32>} : memref<128x128xf32, #tpu.memory_space<vmem>>, vector<1x16xf32>,
        %get3A_385 = vector.shape_cast %get3A_384 : vector<1x16xf32> to vector<16xf32>
        %swap3A_386 = arith.index_cast %squeeze3A_112 : i32 to index
        %swap3A_387 = arith.constant 96 : index
        %swap3A_388 = tpu.vector_load %arg9[%swap3A_386, %swap3A_387] {strides = array<i32>} : memref<512x128xf32, #tpu.memory_space<vmem>>, vector<1x16xf32>,
        %swap3A_389 = vector.shape_cast %swap3A_388 : vector<1x16xf32> to vector<16xf32>
        %swap3A_390 = vector.shape_cast %get3A_385 : vector<16xf32> to vector<1x16xf32>
        tpu.vector_store %arg9[%swap3A_386, %swap3A_387], %swap3A_390 {add = true, strides = array<i32>} : memref<512x128xf32, #tpu.memory_space<vmem>>, vector<1x16xf32>,
        %add3A_391 = arith.constant 2 : i32
        %add3A_392 = arith.addi %mul3A_108, %add3A_391 : i32
        %get3A_393 = arith.index_cast %add3A_392 : i32 to index
        %get3A_394 = arith.constant 112 : index
        %get3A_395 = tpu.vector_load %arg8[%get3A_393, %get3A_394] {strides = array<i32>} : memref<128x128xf32, #tpu.memory_space<vmem>>, vector<1x16xf32>,
        %get3A_396 = vector.shape_cast %get3A_395 : vector<1x16xf32> to vector<16xf32>
        %swap3A_397 = arith.index_cast %squeeze3A_112 : i32 to index
        %swap3A_398 = arith.constant 112 : index
        %swap3A_399 = tpu.vector_load %arg9[%swap3A_397, %swap3A_398] {strides = array<i32>} : memref<512x128xf32, #tpu.memory_space<vmem>>, vector<1x16xf32>,
        %swap3A_400 = vector.shape_cast %swap3A_399 : vector<1x16xf32> to vector<16xf32>
        %swap3A_401 = vector.shape_cast %get3A_396 : vector<16xf32> to vector<1x16xf32>
        tpu.vector_store %arg9[%swap3A_397, %swap3A_398], %swap3A_401 {add = true, strides = array<i32>} : memref<512x128xf32, #tpu.memory_space<vmem>>, vector<1x16xf32>,
        %add3A_402 = arith.constant 3 : i32
        %add3A_403 = arith.addi %mul3A_108, %add3A_402 : i32
        %get3A_404 = arith.index_cast %add3A_403 : i32 to index
        %get3A_405 = arith.constant 0 : index
        %get3A_406 = tpu.vector_load %arg8[%get3A_404, %get3A_405] {strides = array<i32>} : memref<128x128xf32, #tpu.memory_space<vmem>>, vector<1x16xf32>,
        %get3A_407 = vector.shape_cast %get3A_406 : vector<1x16xf32> to vector<16xf32>
        %swap3A_408 = arith.index_cast %squeeze3A_114 : i32 to index
        %swap3A_409 = arith.constant 0 : index
        %swap3A_410 = tpu.vector_load %arg9[%swap3A_408, %swap3A_409] {strides = array<i32>} : memref<512x128xf32, #tpu.memory_space<vmem>>, vector<1x16xf32>,
        %swap3A_411 = vector.shape_cast %swap3A_410 : vector<1x16xf32> to vector<16xf32>
        %swap3A_412 = vector.shape_cast %get3A_407 : vector<16xf32> to vector<1x16xf32>
        tpu.vector_store %arg9[%swap3A_408, %swap3A_409], %swap3A_412 {add = true, strides = array<i32>} : memref<512x128xf32, #tpu.memory_space<vmem>>, vector<1x16xf32>,
        %add3A_413 = arith.constant 3 : i32
        %add3A_414 = arith.addi %mul3A_108, %add3A_413 : i32
        %get3A_415 = arith.index_cast %add3A_414 : i32 to index
        %get3A_416 = arith.constant 16 : index
        %get3A_417 = tpu.vector_load %arg8[%get3A_415, %get3A_416] {strides = array<i32>} : memref<128x128xf32, #tpu.memory_space<vmem>>, vector<1x16xf32>,
        %get3A_418 = vector.shape_cast %get3A_417 : vector<1x16xf32> to vector<16xf32>
        %swap3A_419 = arith.index_cast %squeeze3A_114 : i32 to index
        %swap3A_420 = arith.constant 16 : index
        %swap3A_421 = tpu.vector_load %arg9[%swap3A_419, %swap3A_420] {strides = array<i32>} : memref<512x128xf32, #tpu.memory_space<vmem>>, vector<1x16xf32>,
        %swap3A_422 = vector.shape_cast %swap3A_421 : vector<1x16xf32> to vector<16xf32>
        %swap3A_423 = vector.shape_cast %get3A_418 : vector<16xf32> to vector<1x16xf32>
        tpu.vector_store %arg9[%swap3A_419, %swap3A_420], %swap3A_423 {add = true, strides = array<i32>} : memref<512x128xf32, #tpu.memory_space<vmem>>, vector<1x16xf32>,
        %add3A_424 = arith.constant 3 : i32
        %add3A_425 = arith.addi %mul3A_108, %add3A_424 : i32
        %get3A_426 = arith.index_cast %add3A_425 : i32 to index
        %get3A_427 = arith.constant 32 : index
        %get3A_428 = tpu.vector_load %arg8[%get3A_426, %get3A_427] {strides = array<i32>} : memref<128x128xf32, #tpu.memory_space<vmem>>, vector<1x16xf32>,
        %get3A_429 = vector.shape_cast %get3A_428 : vector<1x16xf32> to vector<16xf32>
        %swap3A_430 = arith.index_cast %squeeze3A_114 : i32 to index
        %swap3A_431 = arith.constant 32 : index
        %swap3A_432 = tpu.vector_load %arg9[%swap3A_430, %swap3A_431] {strides = array<i32>} : memref<512x128xf32, #tpu.memory_space<vmem>>, vector<1x16xf32>,
        %swap3A_433 = vector.shape_cast %swap3A_432 : vector<1x16xf32> to vector<16xf32>
        %swap3A_434 = vector.shape_cast %get3A_429 : vector<16xf32> to vector<1x16xf32>
        tpu.vector_store %arg9[%swap3A_430, %swap3A_431], %swap3A_434 {add = true, strides = array<i32>} : memref<512x128xf32, #tpu.memory_space<vmem>>, vector<1x16xf32>,
        %add3A_435 = arith.constant 3 : i32
        %add3A_436 = arith.addi %mul3A_108, %add3A_435 : i32
        %get3A_437 = arith.index_cast %add3A_436 : i32 to index
        %get3A_438 = arith.constant 48 : index
        %get3A_439 = tpu.vector_load %arg8[%get3A_437, %get3A_438] {strides = array<i32>} : memref<128x128xf32, #tpu.memory_space<vmem>>, vector<1x16xf32>,
        %get3A_440 = vector.shape_cast %get3A_439 : vector<1x16xf32> to vector<16xf32>
        %swap3A_441 = arith.index_cast %squeeze3A_114 : i32 to index
        %swap3A_442 = arith.constant 48 : index
        %swap3A_443 = tpu.vector_load %arg9[%swap3A_441, %swap3A_442] {strides = array<i32>} : memref<512x128xf32, #tpu.memory_space<vmem>>, vector<1x16xf32>,
        %swap3A_444 = vector.shape_cast %swap3A_443 : vector<1x16xf32> to vector<16xf32>
        %swap3A_445 = vector.shape_cast %get3A_440 : vector<16xf32> to vector<1x16xf32>
        tpu.vector_store %arg9[%swap3A_441, %swap3A_442], %swap3A_445 {add = true, strides = array<i32>} : memref<512x128xf32, #tpu.memory_space<vmem>>, vector<1x16xf32>,
        %add3A_446 = arith.constant 3 : i32
        %add3A_447 = arith.addi %mul3A_108, %add3A_446 : i32
        %get3A_448 = arith.index_cast %add3A_447 : i32 to index
        %get3A_449 = arith.constant 64 : index
        %get3A_450 = tpu.vector_load %arg8[%get3A_448, %get3A_449] {strides = array<i32>} : memref<128x128xf32, #tpu.memory_space<vmem>>, vector<1x16xf32>,
        %get3A_451 = vector.shape_cast %get3A_450 : vector<1x16xf32> to vector<16xf32>
        %swap3A_452 = arith.index_cast %squeeze3A_114 : i32 to index
        %swap3A_453 = arith.constant 64 : index
        %swap3A_454 = tpu.vector_load %arg9[%swap3A_452, %swap3A_453] {strides = array<i32>} : memref<512x128xf32, #tpu.memory_space<vmem>>, vector<1x16xf32>,
        %swap3A_455 = vector.shape_cast %swap3A_454 : vector<1x16xf32> to vector<16xf32>
        %swap3A_456 = vector.shape_cast %get3A_451 : vector<16xf32> to vector<1x16xf32>
        tpu.vector_store %arg9[%swap3A_452, %swap3A_453], %swap3A_456 {add = true, strides = array<i32>} : memref<512x128xf32, #tpu.memory_space<vmem>>, vector<1x16xf32>,
        %add3A_457 = arith.constant 3 : i32
        %add3A_458 = arith.addi %mul3A_108, %add3A_457 : i32
        %get3A_459 = arith.index_cast %add3A_458 : i32 to index
        %get3A_460 = arith.constant 80 : index
        %get3A_461 = tpu.vector_load %arg8[%get3A_459, %get3A_460] {strides = array<i32>} : memref<128x128xf32, #tpu.memory_space<vmem>>, vector<1x16xf32>,
        %get3A_462 = vector.shape_cast %get3A_461 : vector<1x16xf32> to vector<16xf32>
        %swap3A_463 = arith.index_cast %squeeze3A_114 : i32 to index
        %swap3A_464 = arith.constant 80 : index
        %swap3A_465 = tpu.vector_load %arg9[%swap3A_463, %swap3A_464] {strides = array<i32>} : memref<512x128xf32, #tpu.memory_space<vmem>>, vector<1x16xf32>,
        %swap3A_466 = vector.shape_cast %swap3A_465 : vector<1x16xf32> to vector<16xf32>
        %swap3A_467 = vector.shape_cast %get3A_462 : vector<16xf32> to vector<1x16xf32>
        tpu.vector_store %arg9[%swap3A_463, %swap3A_464], %swap3A_467 {add = true, strides = array<i32>} : memref<512x128xf32, #tpu.memory_space<vmem>>, vector<1x16xf32>,
        %add3A_468 = arith.constant 3 : i32
        %add3A_469 = arith.addi %mul3A_108, %add3A_468 : i32
        %get3A_470 = arith.index_cast %add3A_469 : i32 to index
        %get3A_471 = arith.constant 96 : index
        %get3A_472 = tpu.vector_load %arg8[%get3A_470, %get3A_471] {strides = array<i32>} : memref<128x128xf32, #tpu.memory_space<vmem>>, vector<1x16xf32>,
        %get3A_473 = vector.shape_cast %get3A_472 : vector<1x16xf32> to vector<16xf32>
        %swap3A_474 = arith.index_cast %squeeze3A_114 : i32 to index
        %swap3A_475 = arith.constant 96 : index
        %swap3A_476 = tpu.vector_load %arg9[%swap3A_474, %swap3A_475] {strides = array<i32>} : memref<512x128xf32, #tpu.memory_space<vmem>>, vector<1x16xf32>,
        %swap3A_477 = vector.shape_cast %swap3A_476 : vector<1x16xf32> to vector<16xf32>
        %swap3A_478 = vector.shape_cast %get3A_473 : vector<16xf32> to vector<1x16xf32>
        tpu.vector_store %arg9[%swap3A_474, %swap3A_475], %swap3A_478 {add = true, strides = array<i32>} : memref<512x128xf32, #tpu.memory_space<vmem>>, vector<1x16xf32>,
        %add3A_479 = arith.constant 3 : i32
        %add3A_480 = arith.addi %mul3A_108, %add3A_479 : i32
        %get3A_481 = arith.index_cast %add3A_480 : i32 to index
        %get3A_482 = arith.constant 112 : index
        %get3A_483 = tpu.vector_load %arg8[%get3A_481, %get3A_482] {strides = array<i32>} : memref<128x128xf32, #tpu.memory_space<vmem>>, vector<1x16xf32>,
        %get3A_484 = vector.shape_cast %get3A_483 : vector<1x16xf32> to vector<16xf32>
        %swap3A_485 = arith.index_cast %squeeze3A_114 : i32 to index
        %swap3A_486 = arith.constant 112 : index
        %swap3A_487 = tpu.vector_load %arg9[%swap3A_485, %swap3A_486] {strides = array<i32>} : memref<512x128xf32, #tpu.memory_space<vmem>>, vector<1x16xf32>,
        %swap3A_488 = vector.shape_cast %swap3A_487 : vector<1x16xf32> to vector<16xf32>
        %swap3A_489 = vector.shape_cast %get3A_484 : vector<16xf32> to vector<1x16xf32>
        tpu.vector_store %arg9[%swap3A_485, %swap3A_486], %swap3A_489 {add = true, strides = array<i32>} : memref<512x128xf32, #tpu.memory_space<vmem>>, vector<1x16xf32>,
        %add3A_490 = arith.constant 4 : i32
        %add3A_491 = arith.addi %mul3A_108, %add3A_490 : i32
        %get3A_492 = arith.index_cast %add3A_491 : i32 to index
        %get3A_493 = arith.constant 0 : index
        %get3A_494 = tpu.vector_load %arg8[%get3A_492, %get3A_493] {strides = array<i32>} : memref<128x128xf32, #tpu.memory_space<vmem>>, vector<1x16xf32>,
        %get3A_495 = vector.shape_cast %get3A_494 : vector<1x16xf32> to vector<16xf32>
        %swap3A_496 = arith.index_cast %squeeze3A_116 : i32 to index
        %swap3A_497 = arith.constant 0 : index
        %swap3A_498 = tpu.vector_load %arg9[%swap3A_496, %swap3A_497] {strides = array<i32>} : memref<512x128xf32, #tpu.memory_space<vmem>>, vector<1x16xf32>,
        %swap3A_499 = vector.shape_cast %swap3A_498 : vector<1x16xf32> to vector<16xf32>
        %swap3A_500 = vector.shape_cast %get3A_495 : vector<16xf32> to vector<1x16xf32>
        tpu.vector_store %arg9[%swap3A_496, %swap3A_497], %swap3A_500 {add = true, strides = array<i32>} : memref<512x128xf32, #tpu.memory_space<vmem>>, vector<1x16xf32>,
        %add3A_501 = arith.constant 4 : i32
        %add3A_502 = arith.addi %mul3A_108, %add3A_501 : i32
        %get3A_503 = arith.index_cast %add3A_502 : i32 to index
        %get3A_504 = arith.constant 16 : index
        %get3A_505 = tpu.vector_load %arg8[%get3A_503, %get3A_504] {strides = array<i32>} : memref<128x128xf32, #tpu.memory_space<vmem>>, vector<1x16xf32>,
        %get3A_506 = vector.shape_cast %get3A_505 : vector<1x16xf32> to vector<16xf32>
        %swap3A_507 = arith.index_cast %squeeze3A_116 : i32 to index
        %swap3A_508 = arith.constant 16 : index
        %swap3A_509 = tpu.vector_load %arg9[%swap3A_507, %swap3A_508] {strides = array<i32>} : memref<512x128xf32, #tpu.memory_space<vmem>>, vector<1x16xf32>,
        %swap3A_510 = vector.shape_cast %swap3A_509 : vector<1x16xf32> to vector<16xf32>
        %swap3A_511 = vector.shape_cast %get3A_506 : vector<16xf32> to vector<1x16xf32>
        tpu.vector_store %arg9[%swap3A_507, %swap3A_508], %swap3A_511 {add = true, strides = array<i32>} : memref<512x128xf32, #tpu.memory_space<vmem>>, vector<1x16xf32>,
        %add3A_512 = arith.constant 4 : i32
        %add3A_513 = arith.addi %mul3A_108, %add3A_512 : i32
        %get3A_514 = arith.index_cast %add3A_513 : i32 to index
        %get3A_515 = arith.constant 32 : index
        %get3A_516 = tpu.vector_load %arg8[%get3A_514, %get3A_515] {strides = array<i32>} : memref<128x128xf32, #tpu.memory_space<vmem>>, vector<1x16xf32>,
        %get3A_517 = vector.shape_cast %get3A_516 : vector<1x16xf32> to vector<16xf32>
        %swap3A_518 = arith.index_cast %squeeze3A_116 : i32 to index
        %swap3A_519 = arith.constant 32 : index
        %swap3A_520 = tpu.vector_load %arg9[%swap3A_518, %swap3A_519] {strides = array<i32>} : memref<512x128xf32, #tpu.memory_space<vmem>>, vector<1x16xf32>,
        %swap3A_521 = vector.shape_cast %swap3A_520 : vector<1x16xf32> to vector<16xf32>
        %swap3A_522 = vector.shape_cast %get3A_517 : vector<16xf32> to vector<1x16xf32>
        tpu.vector_store %arg9[%swap3A_518, %swap3A_519], %swap3A_522 {add = true, strides = array<i32>} : memref<512x128xf32, #tpu.memory_space<vmem>>, vector<1x16xf32>,
        %add3A_523 = arith.constant 4 : i32
        %add3A_524 = arith.addi %mul3A_108, %add3A_523 : i32
        %get3A_525 = arith.index_cast %add3A_524 : i32 to index
        %get3A_526 = arith.constant 48 : index
        %get3A_527 = tpu.vector_load %arg8[%get3A_525, %get3A_526] {strides = array<i32>} : memref<128x128xf32, #tpu.memory_space<vmem>>, vector<1x16xf32>,
        %get3A_528 = vector.shape_cast %get3A_527 : vector<1x16xf32> to vector<16xf32>
        %swap3A_529 = arith.index_cast %squeeze3A_116 : i32 to index
        %swap3A_530 = arith.constant 48 : index
        %swap3A_531 = tpu.vector_load %arg9[%swap3A_529, %swap3A_530] {strides = array<i32>} : memref<512x128xf32, #tpu.memory_space<vmem>>, vector<1x16xf32>,
        %swap3A_532 = vector.shape_cast %swap3A_531 : vector<1x16xf32> to vector<16xf32>
        %swap3A_533 = vector.shape_cast %get3A_528 : vector<16xf32> to vector<1x16xf32>
        tpu.vector_store %arg9[%swap3A_529, %swap3A_530], %swap3A_533 {add = true, strides = array<i32>} : memref<512x128xf32, #tpu.memory_space<vmem>>, vector<1x16xf32>,
        %add3A_534 = arith.constant 4 : i32
        %add3A_535 = arith.addi %mul3A_108, %add3A_534 : i32
        %get3A_536 = arith.index_cast %add3A_535 : i32 to index
        %get3A_537 = arith.constant 64 : index
        %get3A_538 = tpu.vector_load %arg8[%get3A_536, %get3A_537] {strides = array<i32>} : memref<128x128xf32, #tpu.memory_space<vmem>>, vector<1x16xf32>,
        %get3A_539 = vector.shape_cast %get3A_538 : vector<1x16xf32> to vector<16xf32>
        %swap3A_540 = arith.index_cast %squeeze3A_116 : i32 to index
        %swap3A_541 = arith.constant 64 : index
        %swap3A_542 = tpu.vector_load %arg9[%swap3A_540, %swap3A_541] {strides = array<i32>} : memref<512x128xf32, #tpu.memory_space<vmem>>, vector<1x16xf32>,
        %swap3A_543 = vector.shape_cast %swap3A_542 : vector<1x16xf32> to vector<16xf32>
        %swap3A_544 = vector.shape_cast %get3A_539 : vector<16xf32> to vector<1x16xf32>
        tpu.vector_store %arg9[%swap3A_540, %swap3A_541], %swap3A_544 {add = true, strides = array<i32>} : memref<512x128xf32, #tpu.memory_space<vmem>>, vector<1x16xf32>,
        %add3A_545 = arith.constant 4 : i32
        %add3A_546 = arith.addi %mul3A_108, %add3A_545 : i32
        %get3A_547 = arith.index_cast %add3A_546 : i32 to index
        %get3A_548 = arith.constant 80 : index
        %get3A_549 = tpu.vector_load %arg8[%get3A_547, %get3A_548] {strides = array<i32>} : memref<128x128xf32, #tpu.memory_space<vmem>>, vector<1x16xf32>,
        %get3A_550 = vector.shape_cast %get3A_549 : vector<1x16xf32> to vector<16xf32>
        %swap3A_551 = arith.index_cast %squeeze3A_116 : i32 to index
        %swap3A_552 = arith.constant 80 : index
        %swap3A_553 = tpu.vector_load %arg9[%swap3A_551, %swap3A_552] {strides = array<i32>} : memref<512x128xf32, #tpu.memory_space<vmem>>, vector<1x16xf32>,
        %swap3A_554 = vector.shape_cast %swap3A_553 : vector<1x16xf32> to vector<16xf32>
        %swap3A_555 = vector.shape_cast %get3A_550 : vector<16xf32> to vector<1x16xf32>
        tpu.vector_store %arg9[%swap3A_551, %swap3A_552], %swap3A_555 {add = true, strides = array<i32>} : memref<512x128xf32, #tpu.memory_space<vmem>>, vector<1x16xf32>,
        %add3A_556 = arith.constant 4 : i32
        %add3A_557 = arith.addi %mul3A_108, %add3A_556 : i32
        %get3A_558 = arith.index_cast %add3A_557 : i32 to index
        %get3A_559 = arith.constant 96 : index
        %get3A_560 = tpu.vector_load %arg8[%get3A_558, %get3A_559] {strides = array<i32>} : memref<128x128xf32, #tpu.memory_space<vmem>>, vector<1x16xf32>,
        %get3A_561 = vector.shape_cast %get3A_560 : vector<1x16xf32> to vector<16xf32>
        %swap3A_562 = arith.index_cast %squeeze3A_116 : i32 to index
        %swap3A_563 = arith.constant 96 : index
        %swap3A_564 = tpu.vector_load %arg9[%swap3A_562, %swap3A_563] {strides = array<i32>} : memref<512x128xf32, #tpu.memory_space<vmem>>, vector<1x16xf32>,
        %swap3A_565 = vector.shape_cast %swap3A_564 : vector<1x16xf32> to vector<16xf32>
        %swap3A_566 = vector.shape_cast %get3A_561 : vector<16xf32> to vector<1x16xf32>
        tpu.vector_store %arg9[%swap3A_562, %swap3A_563], %swap3A_566 {add = true, strides = array<i32>} : memref<512x128xf32, #tpu.memory_space<vmem>>, vector<1x16xf32>,
        %add3A_567 = arith.constant 4 : i32
        %add3A_568 = arith.addi %mul3A_108, %add3A_567 : i32
        %get3A_569 = arith.index_cast %add3A_568 : i32 to index
        %get3A_570 = arith.constant 112 : index
        %get3A_571 = tpu.vector_load %arg8[%get3A_569, %get3A_570] {strides = array<i32>} : memref<128x128xf32, #tpu.memory_space<vmem>>, vector<1x16xf32>,
        %get3A_572 = vector.shape_cast %get3A_571 : vector<1x16xf32> to vector<16xf32>
        %swap3A_573 = arith.index_cast %squeeze3A_116 : i32 to index
        %swap3A_574 = arith.constant 112 : index
        %swap3A_575 = tpu.vector_load %arg9[%swap3A_573, %swap3A_574] {strides = array<i32>} : memref<512x128xf32, #tpu.memory_space<vmem>>, vector<1x16xf32>,
        %swap3A_576 = vector.shape_cast %swap3A_575 : vector<1x16xf32> to vector<16xf32>
        %swap3A_577 = vector.shape_cast %get3A_572 : vector<16xf32> to vector<1x16xf32>
        tpu.vector_store %arg9[%swap3A_573, %swap3A_574], %swap3A_577 {add = true, strides = array<i32>} : memref<512x128xf32, #tpu.memory_space<vmem>>, vector<1x16xf32>,
        %add3A_578 = arith.constant 5 : i32
        %add3A_579 = arith.addi %mul3A_108, %add3A_578 : i32
        %get3A_580 = arith.index_cast %add3A_579 : i32 to index
        %get3A_581 = arith.constant 0 : index
        %get3A_582 = tpu.vector_load %arg8[%get3A_580, %get3A_581] {strides = array<i32>} : memref<128x128xf32, #tpu.memory_space<vmem>>, vector<1x16xf32>,
        %get3A_583 = vector.shape_cast %get3A_582 : vector<1x16xf32> to vector<16xf32>
        %swap3A_584 = arith.index_cast %squeeze3A_118 : i32 to index
        %swap3A_585 = arith.constant 0 : index
        %swap3A_586 = tpu.vector_load %arg9[%swap3A_584, %swap3A_585] {strides = array<i32>} : memref<512x128xf32, #tpu.memory_space<vmem>>, vector<1x16xf32>,
        %swap3A_587 = vector.shape_cast %swap3A_586 : vector<1x16xf32> to vector<16xf32>
        %swap3A_588 = vector.shape_cast %get3A_583 : vector<16xf32> to vector<1x16xf32>
        tpu.vector_store %arg9[%swap3A_584, %swap3A_585], %swap3A_588 {add = true, strides = array<i32>} : memref<512x128xf32, #tpu.memory_space<vmem>>, vector<1x16xf32>,
        %add3A_589 = arith.constant 5 : i32
        %add3A_590 = arith.addi %mul3A_108, %add3A_589 : i32
        %get3A_591 = arith.index_cast %add3A_590 : i32 to index
        %get3A_592 = arith.constant 16 : index
        %get3A_593 = tpu.vector_load %arg8[%get3A_591, %get3A_592] {strides = array<i32>} : memref<128x128xf32, #tpu.memory_space<vmem>>, vector<1x16xf32>,
        %get3A_594 = vector.shape_cast %get3A_593 : vector<1x16xf32> to vector<16xf32>
        %swap3A_595 = arith.index_cast %squeeze3A_118 : i32 to index
        %swap3A_596 = arith.constant 16 : index
        %swap3A_597 = tpu.vector_load %arg9[%swap3A_595, %swap3A_596] {strides = array<i32>} : memref<512x128xf32, #tpu.memory_space<vmem>>, vector<1x16xf32>,
        %swap3A_598 = vector.shape_cast %swap3A_597 : vector<1x16xf32> to vector<16xf32>
        %swap3A_599 = vector.shape_cast %get3A_594 : vector<16xf32> to vector<1x16xf32>
        tpu.vector_store %arg9[%swap3A_595, %swap3A_596], %swap3A_599 {add = true, strides = array<i32>} : memref<512x128xf32, #tpu.memory_space<vmem>>, vector<1x16xf32>,
        %add3A_600 = arith.constant 5 : i32
        %add3A_601 = arith.addi %mul3A_108, %add3A_600 : i32
        %get3A_602 = arith.index_cast %add3A_601 : i32 to index
        %get3A_603 = arith.constant 32 : index
        %get3A_604 = tpu.vector_load %arg8[%get3A_602, %get3A_603] {strides = array<i32>} : memref<128x128xf32, #tpu.memory_space<vmem>>, vector<1x16xf32>,
        %get3A_605 = vector.shape_cast %get3A_604 : vector<1x16xf32> to vector<16xf32>
        %swap3A_606 = arith.index_cast %squeeze3A_118 : i32 to index
        %swap3A_607 = arith.constant 32 : index
        %swap3A_608 = tpu.vector_load %arg9[%swap3A_606, %swap3A_607] {strides = array<i32>} : memref<512x128xf32, #tpu.memory_space<vmem>>, vector<1x16xf32>,
        %swap3A_609 = vector.shape_cast %swap3A_608 : vector<1x16xf32> to vector<16xf32>
        %swap3A_610 = vector.shape_cast %get3A_605 : vector<16xf32> to vector<1x16xf32>
        tpu.vector_store %arg9[%swap3A_606, %swap3A_607], %swap3A_610 {add = true, strides = array<i32>} : memref<512x128xf32, #tpu.memory_space<vmem>>, vector<1x16xf32>,
        %add3A_611 = arith.constant 5 : i32
        %add3A_612 = arith.addi %mul3A_108, %add3A_611 : i32
        %get3A_613 = arith.index_cast %add3A_612 : i32 to index
        %get3A_614 = arith.constant 48 : index
        %get3A_615 = tpu.vector_load %arg8[%get3A_613, %get3A_614] {strides = array<i32>} : memref<128x128xf32, #tpu.memory_space<vmem>>, vector<1x16xf32>,
        %get3A_616 = vector.shape_cast %get3A_615 : vector<1x16xf32> to vector<16xf32>
        %swap3A_617 = arith.index_cast %squeeze3A_118 : i32 to index
        %swap3A_618 = arith.constant 48 : index
        %swap3A_619 = tpu.vector_load %arg9[%swap3A_617, %swap3A_618] {strides = array<i32>} : memref<512x128xf32, #tpu.memory_space<vmem>>, vector<1x16xf32>,
        %swap3A_620 = vector.shape_cast %swap3A_619 : vector<1x16xf32> to vector<16xf32>
        %swap3A_621 = vector.shape_cast %get3A_616 : vector<16xf32> to vector<1x16xf32>
        tpu.vector_store %arg9[%swap3A_617, %swap3A_618], %swap3A_621 {add = true, strides = array<i32>} : memref<512x128xf32, #tpu.memory_space<vmem>>, vector<1x16xf32>,
        %add3A_622 = arith.constant 5 : i32
        %add3A_623 = arith.addi %mul3A_108, %add3A_622 : i32
        %get3A_624 = arith.index_cast %add3A_623 : i32 to index
        %get3A_625 = arith.constant 64 : index
        %get3A_626 = tpu.vector_load %arg8[%get3A_624, %get3A_625] {strides = array<i32>} : memref<128x128xf32, #tpu.memory_space<vmem>>, vector<1x16xf32>,
        %get3A_627 = vector.shape_cast %get3A_626 : vector<1x16xf32> to vector<16xf32>
        %swap3A_628 = arith.index_cast %squeeze3A_118 : i32 to index
        %swap3A_629 = arith.constant 64 : index
        %swap3A_630 = tpu.vector_load %arg9[%swap3A_628, %swap3A_629] {strides = array<i32>} : memref<512x128xf32, #tpu.memory_space<vmem>>, vector<1x16xf32>,
        %swap3A_631 = vector.shape_cast %swap3A_630 : vector<1x16xf32> to vector<16xf32>
        %swap3A_632 = vector.shape_cast %get3A_627 : vector<16xf32> to vector<1x16xf32>
        tpu.vector_store %arg9[%swap3A_628, %swap3A_629], %swap3A_632 {add = true, strides = array<i32>} : memref<512x128xf32, #tpu.memory_space<vmem>>, vector<1x16xf32>,
        %add3A_633 = arith.constant 5 : i32
        %add3A_634 = arith.addi %mul3A_108, %add3A_633 : i32
        %get3A_635 = arith.index_cast %add3A_634 : i32 to index
        %get3A_636 = arith.constant 80 : index
        %get3A_637 = tpu.vector_load %arg8[%get3A_635, %get3A_636] {strides = array<i32>} : memref<128x128xf32, #tpu.memory_space<vmem>>, vector<1x16xf32>,
        %get3A_638 = vector.shape_cast %get3A_637 : vector<1x16xf32> to vector<16xf32>
        %swap3A_639 = arith.index_cast %squeeze3A_118 : i32 to index
        %swap3A_640 = arith.constant 80 : index
        %swap3A_641 = tpu.vector_load %arg9[%swap3A_639, %swap3A_640] {strides = array<i32>} : memref<512x128xf32, #tpu.memory_space<vmem>>, vector<1x16xf32>,
        %swap3A_642 = vector.shape_cast %swap3A_641 : vector<1x16xf32> to vector<16xf32>
        %swap3A_643 = vector.shape_cast %get3A_638 : vector<16xf32> to vector<1x16xf32>
        tpu.vector_store %arg9[%swap3A_639, %swap3A_640], %swap3A_643 {add = true, strides = array<i32>} : memref<512x128xf32, #tpu.memory_space<vmem>>, vector<1x16xf32>,
        %add3A_644 = arith.constant 5 : i32
        %add3A_645 = arith.addi %mul3A_108, %add3A_644 : i32
        %get3A_646 = arith.index_cast %add3A_645 : i32 to index
        %get3A_647 = arith.constant 96 : index
        %get3A_648 = tpu.vector_load %arg8[%get3A_646, %get3A_647] {strides = array<i32>} : memref<128x128xf32, #tpu.memory_space<vmem>>, vector<1x16xf32>,
        %get3A_649 = vector.shape_cast %get3A_648 : vector<1x16xf32> to vector<16xf32>
        %swap3A_650 = arith.index_cast %squeeze3A_118 : i32 to index
        %swap3A_651 = arith.constant 96 : index
        %swap3A_652 = tpu.vector_load %arg9[%swap3A_650, %swap3A_651] {strides = array<i32>} : memref<512x128xf32, #tpu.memory_space<vmem>>, vector<1x16xf32>,
        %swap3A_653 = vector.shape_cast %swap3A_652 : vector<1x16xf32> to vector<16xf32>
        %swap3A_654 = vector.shape_cast %get3A_649 : vector<16xf32> to vector<1x16xf32>
        tpu.vector_store %arg9[%swap3A_650, %swap3A_651], %swap3A_654 {add = true, strides = array<i32>} : memref<512x128xf32, #tpu.memory_space<vmem>>, vector<1x16xf32>,
        %add3A_655 = arith.constant 5 : i32
        %add3A_656 = arith.addi %mul3A_108, %add3A_655 : i32
        %get3A_657 = arith.index_cast %add3A_656 : i32 to index
        %get3A_658 = arith.constant 112 : index
        %get3A_659 = tpu.vector_load %arg8[%get3A_657, %get3A_658] {strides = array<i32>} : memref<128x128xf32, #tpu.memory_space<vmem>>, vector<1x16xf32>,
        %get3A_660 = vector.shape_cast %get3A_659 : vector<1x16xf32> to vector<16xf32>
        %swap3A_661 = arith.index_cast %squeeze3A_118 : i32 to index
        %swap3A_662 = arith.constant 112 : index
        %swap3A_663 = tpu.vector_load %arg9[%swap3A_661, %swap3A_662] {strides = array<i32>} : memref<512x128xf32, #tpu.memory_space<vmem>>, vector<1x16xf32>,
        %swap3A_664 = vector.shape_cast %swap3A_663 : vector<1x16xf32> to vector<16xf32>
        %swap3A_665 = vector.shape_cast %get3A_660 : vector<16xf32> to vector<1x16xf32>
        tpu.vector_store %arg9[%swap3A_661, %swap3A_662], %swap3A_665 {add = true, strides = array<i32>} : memref<512x128xf32, #tpu.memory_space<vmem>>, vector<1x16xf32>,
        %add3A_666 = arith.constant 6 : i32
        %add3A_667 = arith.addi %mul3A_108, %add3A_666 : i32
        %get3A_668 = arith.index_cast %add3A_667 : i32 to index
        %get3A_669 = arith.constant 0 : index
        %get3A_670 = tpu.vector_load %arg8[%get3A_668, %get3A_669] {strides = array<i32>} : memref<128x128xf32, #tpu.memory_space<vmem>>, vector<1x16xf32>,
        %get3A_671 = vector.shape_cast %get3A_670 : vector<1x16xf32> to vector<16xf32>
        %swap3A_672 = arith.index_cast %squeeze3A_120 : i32 to index
        %swap3A_673 = arith.constant 0 : index
        %swap3A_674 = tpu.vector_load %arg9[%swap3A_672, %swap3A_673] {strides = array<i32>} : memref<512x128xf32, #tpu.memory_space<vmem>>, vector<1x16xf32>,
        %swap3A_675 = vector.shape_cast %swap3A_674 : vector<1x16xf32> to vector<16xf32>
        %swap3A_676 = vector.shape_cast %get3A_671 : vector<16xf32> to vector<1x16xf32>
        tpu.vector_store %arg9[%swap3A_672, %swap3A_673], %swap3A_676 {add = true, strides = array<i32>} : memref<512x128xf32, #tpu.memory_space<vmem>>, vector<1x16xf32>,
        %add3A_677 = arith.constant 6 : i32
        %add3A_678 = arith.addi %mul3A_108, %add3A_677 : i32
        %get3A_679 = arith.index_cast %add3A_678 : i32 to index
        %get3A_680 = arith.constant 16 : index
        %get3A_681 = tpu.vector_load %arg8[%get3A_679, %get3A_680] {strides = array<i32>} : memref<128x128xf32, #tpu.memory_space<vmem>>, vector<1x16xf32>,
        %get3A_682 = vector.shape_cast %get3A_681 : vector<1x16xf32> to vector<16xf32>
        %swap3A_683 = arith.index_cast %squeeze3A_120 : i32 to index
        %swap3A_684 = arith.constant 16 : index
        %swap3A_685 = tpu.vector_load %arg9[%swap3A_683, %swap3A_684] {strides = array<i32>} : memref<512x128xf32, #tpu.memory_space<vmem>>, vector<1x16xf32>,
        %swap3A_686 = vector.shape_cast %swap3A_685 : vector<1x16xf32> to vector<16xf32>
        %swap3A_687 = vector.shape_cast %get3A_682 : vector<16xf32> to vector<1x16xf32>
        tpu.vector_store %arg9[%swap3A_683, %swap3A_684], %swap3A_687 {add = true, strides = array<i32>} : memref<512x128xf32, #tpu.memory_space<vmem>>, vector<1x16xf32>,
        %add3A_688 = arith.constant 6 : i32
        %add3A_689 = arith.addi %mul3A_108, %add3A_688 : i32
        %get3A_690 = arith.index_cast %add3A_689 : i32 to index
        %get3A_691 = arith.constant 32 : index
        %get3A_692 = tpu.vector_load %arg8[%get3A_690, %get3A_691] {strides = array<i32>} : memref<128x128xf32, #tpu.memory_space<vmem>>, vector<1x16xf32>,
        %get3A_693 = vector.shape_cast %get3A_692 : vector<1x16xf32> to vector<16xf32>
        %swap3A_694 = arith.index_cast %squeeze3A_120 : i32 to index
        %swap3A_695 = arith.constant 32 : index
        %swap3A_696 = tpu.vector_load %arg9[%swap3A_694, %swap3A_695] {strides = array<i32>} : memref<512x128xf32, #tpu.memory_space<vmem>>, vector<1x16xf32>,
        %swap3A_697 = vector.shape_cast %swap3A_696 : vector<1x16xf32> to vector<16xf32>
        %swap3A_698 = vector.shape_cast %get3A_693 : vector<16xf32> to vector<1x16xf32>
        tpu.vector_store %arg9[%swap3A_694, %swap3A_695], %swap3A_698 {add = true, strides = array<i32>} : memref<512x128xf32, #tpu.memory_space<vmem>>, vector<1x16xf32>,
        %add3A_699 = arith.constant 6 : i32
        %add3A_700 = arith.addi %mul3A_108, %add3A_699 : i32
        %get3A_701 = arith.index_cast %add3A_700 : i32 to index
        %get3A_702 = arith.constant 48 : index
        %get3A_703 = tpu.vector_load %arg8[%get3A_701, %get3A_702] {strides = array<i32>} : memref<128x128xf32, #tpu.memory_space<vmem>>, vector<1x16xf32>,
        %get3A_704 = vector.shape_cast %get3A_703 : vector<1x16xf32> to vector<16xf32>
        %swap3A_705 = arith.index_cast %squeeze3A_120 : i32 to index
        %swap3A_706 = arith.constant 48 : index
        %swap3A_707 = tpu.vector_load %arg9[%swap3A_705, %swap3A_706] {strides = array<i32>} : memref<512x128xf32, #tpu.memory_space<vmem>>, vector<1x16xf32>,
        %swap3A_708 = vector.shape_cast %swap3A_707 : vector<1x16xf32> to vector<16xf32>
        %swap3A_709 = vector.shape_cast %get3A_704 : vector<16xf32> to vector<1x16xf32>
        tpu.vector_store %arg9[%swap3A_705, %swap3A_706], %swap3A_709 {add = true, strides = array<i32>} : memref<512x128xf32, #tpu.memory_space<vmem>>, vector<1x16xf32>,
        %add3A_710 = arith.constant 6 : i32
        %add3A_711 = arith.addi %mul3A_108, %add3A_710 : i32
        %get3A_712 = arith.index_cast %add3A_711 : i32 to index
        %get3A_713 = arith.constant 64 : index
        %get3A_714 = tpu.vector_load %arg8[%get3A_712, %get3A_713] {strides = array<i32>} : memref<128x128xf32, #tpu.memory_space<vmem>>, vector<1x16xf32>,
        %get3A_715 = vector.shape_cast %get3A_714 : vector<1x16xf32> to vector<16xf32>
        %swap3A_716 = arith.index_cast %squeeze3A_120 : i32 to index
        %swap3A_717 = arith.constant 64 : index
        %swap3A_718 = tpu.vector_load %arg9[%swap3A_716, %swap3A_717] {strides = array<i32>} : memref<512x128xf32, #tpu.memory_space<vmem>>, vector<1x16xf32>,
        %swap3A_719 = vector.shape_cast %swap3A_718 : vector<1x16xf32> to vector<16xf32>
        %swap3A_720 = vector.shape_cast %get3A_715 : vector<16xf32> to vector<1x16xf32>
        tpu.vector_store %arg9[%swap3A_716, %swap3A_717], %swap3A_720 {add = true, strides = array<i32>} : memref<512x128xf32, #tpu.memory_space<vmem>>, vector<1x16xf32>,
        %add3A_721 = arith.constant 6 : i32
        %add3A_722 = arith.addi %mul3A_108, %add3A_721 : i32
        %get3A_723 = arith.index_cast %add3A_722 : i32 to index
        %get3A_724 = arith.constant 80 : index
        %get3A_725 = tpu.vector_load %arg8[%get3A_723, %get3A_724] {strides = array<i32>} : memref<128x128xf32, #tpu.memory_space<vmem>>, vector<1x16xf32>,
        %get3A_726 = vector.shape_cast %get3A_725 : vector<1x16xf32> to vector<16xf32>
        %swap3A_727 = arith.index_cast %squeeze3A_120 : i32 to index
        %swap3A_728 = arith.constant 80 : index
        %swap3A_729 = tpu.vector_load %arg9[%swap3A_727, %swap3A_728] {strides = array<i32>} : memref<512x128xf32, #tpu.memory_space<vmem>>, vector<1x16xf32>,
        %swap3A_730 = vector.shape_cast %swap3A_729 : vector<1x16xf32> to vector<16xf32>
        %swap3A_731 = vector.shape_cast %get3A_726 : vector<16xf32> to vector<1x16xf32>
        tpu.vector_store %arg9[%swap3A_727, %swap3A_728], %swap3A_731 {add = true, strides = array<i32>} : memref<512x128xf32, #tpu.memory_space<vmem>>, vector<1x16xf32>,
        %add3A_732 = arith.constant 6 : i32
        %add3A_733 = arith.addi %mul3A_108, %add3A_732 : i32
        %get3A_734 = arith.index_cast %add3A_733 : i32 to index
        %get3A_735 = arith.constant 96 : index
        %get3A_736 = tpu.vector_load %arg8[%get3A_734, %get3A_735] {strides = array<i32>} : memref<128x128xf32, #tpu.memory_space<vmem>>, vector<1x16xf32>,
        %get3A_737 = vector.shape_cast %get3A_736 : vector<1x16xf32> to vector<16xf32>
        %swap3A_738 = arith.index_cast %squeeze3A_120 : i32 to index
        %swap3A_739 = arith.constant 96 : index
        %swap3A_740 = tpu.vector_load %arg9[%swap3A_738, %swap3A_739] {strides = array<i32>} : memref<512x128xf32, #tpu.memory_space<vmem>>, vector<1x16xf32>,
        %swap3A_741 = vector.shape_cast %swap3A_740 : vector<1x16xf32> to vector<16xf32>
        %swap3A_742 = vector.shape_cast %get3A_737 : vector<16xf32> to vector<1x16xf32>
        tpu.vector_store %arg9[%swap3A_738, %swap3A_739], %swap3A_742 {add = true, strides = array<i32>} : memref<512x128xf32, #tpu.memory_space<vmem>>, vector<1x16xf32>,
        %add3A_743 = arith.constant 6 : i32
        %add3A_744 = arith.addi %mul3A_108, %add3A_743 : i32
        %get3A_745 = arith.index_cast %add3A_744 : i32 to index
        %get3A_746 = arith.constant 112 : index
        %get3A_747 = tpu.vector_load %arg8[%get3A_745, %get3A_746] {strides = array<i32>} : memref<128x128xf32, #tpu.memory_space<vmem>>, vector<1x16xf32>,
        %get3A_748 = vector.shape_cast %get3A_747 : vector<1x16xf32> to vector<16xf32>
        %swap3A_749 = arith.index_cast %squeeze3A_120 : i32 to index
        %swap3A_750 = arith.constant 112 : index
        %swap3A_751 = tpu.vector_load %arg9[%swap3A_749, %swap3A_750] {strides = array<i32>} : memref<512x128xf32, #tpu.memory_space<vmem>>, vector<1x16xf32>,
        %swap3A_752 = vector.shape_cast %swap3A_751 : vector<1x16xf32> to vector<16xf32>
        %swap3A_753 = vector.shape_cast %get3A_748 : vector<16xf32> to vector<1x16xf32>
        tpu.vector_store %arg9[%swap3A_749, %swap3A_750], %swap3A_753 {add = true, strides = array<i32>} : memref<512x128xf32, #tpu.memory_space<vmem>>, vector<1x16xf32>,
        %add3A_754 = arith.constant 7 : i32
        %add3A_755 = arith.addi %mul3A_108, %add3A_754 : i32
        %get3A_756 = arith.index_cast %add3A_755 : i32 to index
        %get3A_757 = arith.constant 0 : index
        %get3A_758 = tpu.vector_load %arg8[%get3A_756, %get3A_757] {strides = array<i32>} : memref<128x128xf32, #tpu.memory_space<vmem>>, vector<1x16xf32>,
        %get3A_759 = vector.shape_cast %get3A_758 : vector<1x16xf32> to vector<16xf32>
        %swap3A_760 = arith.index_cast %squeeze3A_122 : i32 to index
        %swap3A_761 = arith.constant 0 : index
        %swap3A_762 = tpu.vector_load %arg9[%swap3A_760, %swap3A_761] {strides = array<i32>} : memref<512x128xf32, #tpu.memory_space<vmem>>, vector<1x16xf32>,
        %swap3A_763 = vector.shape_cast %swap3A_762 : vector<1x16xf32> to vector<16xf32>
        %swap3A_764 = vector.shape_cast %get3A_759 : vector<16xf32> to vector<1x16xf32>
        tpu.vector_store %arg9[%swap3A_760, %swap3A_761], %swap3A_764 {add = true, strides = array<i32>} : memref<512x128xf32, #tpu.memory_space<vmem>>, vector<1x16xf32>,
        %add3A_765 = arith.constant 7 : i32
        %add3A_766 = arith.addi %mul3A_108, %add3A_765 : i32
        %get3A_767 = arith.index_cast %add3A_766 : i32 to index
        %get3A_768 = arith.constant 16 : index
        %get3A_769 = tpu.vector_load %arg8[%get3A_767, %get3A_768] {strides = array<i32>} : memref<128x128xf32, #tpu.memory_space<vmem>>, vector<1x16xf32>,
        %get3A_770 = vector.shape_cast %get3A_769 : vector<1x16xf32> to vector<16xf32>
        %swap3A_771 = arith.index_cast %squeeze3A_122 : i32 to index
        %swap3A_772 = arith.constant 16 : index
        %swap3A_773 = tpu.vector_load %arg9[%swap3A_771, %swap3A_772] {strides = array<i32>} : memref<512x128xf32, #tpu.memory_space<vmem>>, vector<1x16xf32>,
        %swap3A_774 = vector.shape_cast %swap3A_773 : vector<1x16xf32> to vector<16xf32>
        %swap3A_775 = vector.shape_cast %get3A_770 : vector<16xf32> to vector<1x16xf32>
        tpu.vector_store %arg9[%swap3A_771, %swap3A_772], %swap3A_775 {add = true, strides = array<i32>} : memref<512x128xf32, #tpu.memory_space<vmem>>, vector<1x16xf32>,
        %add3A_776 = arith.constant 7 : i32
        %add3A_777 = arith.addi %mul3A_108, %add3A_776 : i32
        %get3A_778 = arith.index_cast %add3A_777 : i32 to index
        %get3A_779 = arith.constant 32 : index
        %get3A_780 = tpu.vector_load %arg8[%get3A_778, %get3A_779] {strides = array<i32>} : memref<128x128xf32, #tpu.memory_space<vmem>>, vector<1x16xf32>,
        %get3A_781 = vector.shape_cast %get3A_780 : vector<1x16xf32> to vector<16xf32>
        %swap3A_782 = arith.index_cast %squeeze3A_122 : i32 to index
        %swap3A_783 = arith.constant 32 : index
        %swap3A_784 = tpu.vector_load %arg9[%swap3A_782, %swap3A_783] {strides = array<i32>} : memref<512x128xf32, #tpu.memory_space<vmem>>, vector<1x16xf32>,
        %swap3A_785 = vector.shape_cast %swap3A_784 : vector<1x16xf32> to vector<16xf32>
        %swap3A_786 = vector.shape_cast %get3A_781 : vector<16xf32> to vector<1x16xf32>
        tpu.vector_store %arg9[%swap3A_782, %swap3A_783], %swap3A_786 {add = true, strides = array<i32>} : memref<512x128xf32, #tpu.memory_space<vmem>>, vector<1x16xf32>,
        %add3A_787 = arith.constant 7 : i32
        %add3A_788 = arith.addi %mul3A_108, %add3A_787 : i32
        %get3A_789 = arith.index_cast %add3A_788 : i32 to index
        %get3A_790 = arith.constant 48 : index
        %get3A_791 = tpu.vector_load %arg8[%get3A_789, %get3A_790] {strides = array<i32>} : memref<128x128xf32, #tpu.memory_space<vmem>>, vector<1x16xf32>,
        %get3A_792 = vector.shape_cast %get3A_791 : vector<1x16xf32> to vector<16xf32>
        %swap3A_793 = arith.index_cast %squeeze3A_122 : i32 to index
        %swap3A_794 = arith.constant 48 : index
        %swap3A_795 = tpu.vector_load %arg9[%swap3A_793, %swap3A_794] {strides = array<i32>} : memref<512x128xf32, #tpu.memory_space<vmem>>, vector<1x16xf32>,
        %swap3A_796 = vector.shape_cast %swap3A_795 : vector<1x16xf32> to vector<16xf32>
        %swap3A_797 = vector.shape_cast %get3A_792 : vector<16xf32> to vector<1x16xf32>
        tpu.vector_store %arg9[%swap3A_793, %swap3A_794], %swap3A_797 {add = true, strides = array<i32>} : memref<512x128xf32, #tpu.memory_space<vmem>>, vector<1x16xf32>,
        %add3A_798 = arith.constant 7 : i32
        %add3A_799 = arith.addi %mul3A_108, %add3A_798 : i32
        %get3A_800 = arith.index_cast %add3A_799 : i32 to index
        %get3A_801 = arith.constant 64 : index
        %get3A_802 = tpu.vector_load %arg8[%get3A_800, %get3A_801] {strides = array<i32>} : memref<128x128xf32, #tpu.memory_space<vmem>>, vector<1x16xf32>,
        %get3A_803 = vector.shape_cast %get3A_802 : vector<1x16xf32> to vector<16xf32>
        %swap3A_804 = arith.index_cast %squeeze3A_122 : i32 to index
        %swap3A_805 = arith.constant 64 : index
        %swap3A_806 = tpu.vector_load %arg9[%swap3A_804, %swap3A_805] {strides = array<i32>} : memref<512x128xf32, #tpu.memory_space<vmem>>, vector<1x16xf32>,
        %swap3A_807 = vector.shape_cast %swap3A_806 : vector<1x16xf32> to vector<16xf32>
        %swap3A_808 = vector.shape_cast %get3A_803 : vector<16xf32> to vector<1x16xf32>
        tpu.vector_store %arg9[%swap3A_804, %swap3A_805], %swap3A_808 {add = true, strides = array<i32>} : memref<512x128xf32, #tpu.memory_space<vmem>>, vector<1x16xf32>,
        %add3A_809 = arith.constant 7 : i32
        %add3A_810 = arith.addi %mul3A_108, %add3A_809 : i32
        %get3A_811 = arith.index_cast %add3A_810 : i32 to index
        %get3A_812 = arith.constant 80 : index
        %get3A_813 = tpu.vector_load %arg8[%get3A_811, %get3A_812] {strides = array<i32>} : memref<128x128xf32, #tpu.memory_space<vmem>>, vector<1x16xf32>,
        %get3A_814 = vector.shape_cast %get3A_813 : vector<1x16xf32> to vector<16xf32>
        %swap3A_815 = arith.index_cast %squeeze3A_122 : i32 to index
        %swap3A_816 = arith.constant 80 : index
        %swap3A_817 = tpu.vector_load %arg9[%swap3A_815, %swap3A_816] {strides = array<i32>} : memref<512x128xf32, #tpu.memory_space<vmem>>, vector<1x16xf32>,
        %swap3A_818 = vector.shape_cast %swap3A_817 : vector<1x16xf32> to vector<16xf32>
        %swap3A_819 = vector.shape_cast %get3A_814 : vector<16xf32> to vector<1x16xf32>
        tpu.vector_store %arg9[%swap3A_815, %swap3A_816], %swap3A_819 {add = true, strides = array<i32>} : memref<512x128xf32, #tpu.memory_space<vmem>>, vector<1x16xf32>,
        %add3A_820 = arith.constant 7 : i32
        %add3A_821 = arith.addi %mul3A_108, %add3A_820 : i32
        %get3A_822 = arith.index_cast %add3A_821 : i32 to index
        %get3A_823 = arith.constant 96 : index
        %get3A_824 = tpu.vector_load %arg8[%get3A_822, %get3A_823] {strides = array<i32>} : memref<128x128xf32, #tpu.memory_space<vmem>>, vector<1x16xf32>,
        %get3A_825 = vector.shape_cast %get3A_824 : vector<1x16xf32> to vector<16xf32>
        %swap3A_826 = arith.index_cast %squeeze3A_122 : i32 to index
        %swap3A_827 = arith.constant 96 : index
        %swap3A_828 = tpu.vector_load %arg9[%swap3A_826, %swap3A_827] {strides = array<i32>} : memref<512x128xf32, #tpu.memory_space<vmem>>, vector<1x16xf32>,
        %swap3A_829 = vector.shape_cast %swap3A_828 : vector<1x16xf32> to vector<16xf32>
        %swap3A_830 = vector.shape_cast %get3A_825 : vector<16xf32> to vector<1x16xf32>
        tpu.vector_store %arg9[%swap3A_826, %swap3A_827], %swap3A_830 {add = true, strides = array<i32>} : memref<512x128xf32, #tpu.memory_space<vmem>>, vector<1x16xf32>,
        %add3A_831 = arith.constant 7 : i32
        %add3A_832 = arith.addi %mul3A_108, %add3A_831 : i32
        %get3A_833 = arith.index_cast %add3A_832 : i32 to index
        %get3A_834 = arith.constant 112 : index
        %get3A_835 = tpu.vector_load %arg8[%get3A_833, %get3A_834] {strides = array<i32>} : memref<128x128xf32, #tpu.memory_space<vmem>>, vector<1x16xf32>,
        %get3A_836 = vector.shape_cast %get3A_835 : vector<1x16xf32> to vector<16xf32>
        %swap3A_837 = arith.index_cast %squeeze3A_122 : i32 to index
        %swap3A_838 = arith.constant 112 : index
        %swap3A_839 = tpu.vector_load %arg9[%swap3A_837, %swap3A_838] {strides = array<i32>} : memref<512x128xf32, #tpu.memory_space<vmem>>, vector<1x16xf32>,
        %swap3A_840 = vector.shape_cast %swap3A_839 : vector<1x16xf32> to vector<16xf32>
        %swap3A_841 = vector.shape_cast %get3A_836 : vector<16xf32> to vector<1x16xf32>
        tpu.vector_store %arg9[%swap3A_837, %swap3A_838], %swap3A_841 {add = true, strides = array<i32>} : memref<512x128xf32, #tpu.memory_space<vmem>>, vector<1x16xf32>,
        %add3A_842 = arith.constant 8 : i32
        %add3A_843 = arith.addi %mul3A_108, %add3A_842 : i32
        %get3A_844 = arith.index_cast %add3A_843 : i32 to index
        %get3A_845 = arith.constant 0 : index
        %get3A_846 = tpu.vector_load %arg8[%get3A_844, %get3A_845] {strides = array<i32>} : memref<128x128xf32, #tpu.memory_space<vmem>>, vector<1x16xf32>,
        %get3A_847 = vector.shape_cast %get3A_846 : vector<1x16xf32> to vector<16xf32>
        %swap3A_848 = arith.index_cast %squeeze3A_124 : i32 to index
        %swap3A_849 = arith.constant 0 : index
        %swap3A_850 = tpu.vector_load %arg9[%swap3A_848, %swap3A_849] {strides = array<i32>} : memref<512x128xf32, #tpu.memory_space<vmem>>, vector<1x16xf32>,
        %swap3A_851 = vector.shape_cast %swap3A_850 : vector<1x16xf32> to vector<16xf32>
        %swap3A_852 = vector.shape_cast %get3A_847 : vector<16xf32> to vector<1x16xf32>
        tpu.vector_store %arg9[%swap3A_848, %swap3A_849], %swap3A_852 {add = true, strides = array<i32>} : memref<512x128xf32, #tpu.memory_space<vmem>>, vector<1x16xf32>,
        %add3A_853 = arith.constant 8 : i32
        %add3A_854 = arith.addi %mul3A_108, %add3A_853 : i32
        %get3A_855 = arith.index_cast %add3A_854 : i32 to index
        %get3A_856 = arith.constant 16 : index
        %get3A_857 = tpu.vector_load %arg8[%get3A_855, %get3A_856] {strides = array<i32>} : memref<128x128xf32, #tpu.memory_space<vmem>>, vector<1x16xf32>,
        %get3A_858 = vector.shape_cast %get3A_857 : vector<1x16xf32> to vector<16xf32>
        %swap3A_859 = arith.index_cast %squeeze3A_124 : i32 to index
        %swap3A_860 = arith.constant 16 : index
        %swap3A_861 = tpu.vector_load %arg9[%swap3A_859, %swap3A_860] {strides = array<i32>} : memref<512x128xf32, #tpu.memory_space<vmem>>, vector<1x16xf32>,
        %swap3A_862 = vector.shape_cast %swap3A_861 : vector<1x16xf32> to vector<16xf32>
        %swap3A_863 = vector.shape_cast %get3A_858 : vector<16xf32> to vector<1x16xf32>
        tpu.vector_store %arg9[%swap3A_859, %swap3A_860], %swap3A_863 {add = true, strides = array<i32>} : memref<512x128xf32, #tpu.memory_space<vmem>>, vector<1x16xf32>,
        %add3A_864 = arith.constant 8 : i32
        %add3A_865 = arith.addi %mul3A_108, %add3A_864 : i32
        %get3A_866 = arith.index_cast %add3A_865 : i32 to index
        %get3A_867 = arith.constant 32 : index
        %get3A_868 = tpu.vector_load %arg8[%get3A_866, %get3A_867] {strides = array<i32>} : memref<128x128xf32, #tpu.memory_space<vmem>>, vector<1x16xf32>,
        %get3A_869 = vector.shape_cast %get3A_868 : vector<1x16xf32> to vector<16xf32>
        %swap3A_870 = arith.index_cast %squeeze3A_124 : i32 to index
        %swap3A_871 = arith.constant 32 : index
        %swap3A_872 = tpu.vector_load %arg9[%swap3A_870, %swap3A_871] {strides = array<i32>} : memref<512x128xf32, #tpu.memory_space<vmem>>, vector<1x16xf32>,
        %swap3A_873 = vector.shape_cast %swap3A_872 : vector<1x16xf32> to vector<16xf32>
        %swap3A_874 = vector.shape_cast %get3A_869 : vector<16xf32> to vector<1x16xf32>
        tpu.vector_store %arg9[%swap3A_870, %swap3A_871], %swap3A_874 {add = true, strides = array<i32>} : memref<512x128xf32, #tpu.memory_space<vmem>>, vector<1x16xf32>,
        %add3A_875 = arith.constant 8 : i32
        %add3A_876 = arith.addi %mul3A_108, %add3A_875 : i32
        %get3A_877 = arith.index_cast %add3A_876 : i32 to index
        %get3A_878 = arith.constant 48 : index
        %get3A_879 = tpu.vector_load %arg8[%get3A_877, %get3A_878] {strides = array<i32>} : memref<128x128xf32, #tpu.memory_space<vmem>>, vector<1x16xf32>,
        %get3A_880 = vector.shape_cast %get3A_879 : vector<1x16xf32> to vector<16xf32>
        %swap3A_881 = arith.index_cast %squeeze3A_124 : i32 to index
        %swap3A_882 = arith.constant 48 : index
        %swap3A_883 = tpu.vector_load %arg9[%swap3A_881, %swap3A_882] {strides = array<i32>} : memref<512x128xf32, #tpu.memory_space<vmem>>, vector<1x16xf32>,
        %swap3A_884 = vector.shape_cast %swap3A_883 : vector<1x16xf32> to vector<16xf32>
        %swap3A_885 = vector.shape_cast %get3A_880 : vector<16xf32> to vector<1x16xf32>
        tpu.vector_store %arg9[%swap3A_881, %swap3A_882], %swap3A_885 {add = true, strides = array<i32>} : memref<512x128xf32, #tpu.memory_space<vmem>>, vector<1x16xf32>,
        %add3A_886 = arith.constant 8 : i32
        %add3A_887 = arith.addi %mul3A_108, %add3A_886 : i32
        %get3A_888 = arith.index_cast %add3A_887 : i32 to index
        %get3A_889 = arith.constant 64 : index
        %get3A_890 = tpu.vector_load %arg8[%get3A_888, %get3A_889] {strides = array<i32>} : memref<128x128xf32, #tpu.memory_space<vmem>>, vector<1x16xf32>,
        %get3A_891 = vector.shape_cast %get3A_890 : vector<1x16xf32> to vector<16xf32>
        %swap3A_892 = arith.index_cast %squeeze3A_124 : i32 to index
        %swap3A_893 = arith.constant 64 : index
        %swap3A_894 = tpu.vector_load %arg9[%swap3A_892, %swap3A_893] {strides = array<i32>} : memref<512x128xf32, #tpu.memory_space<vmem>>, vector<1x16xf32>,
        %swap3A_895 = vector.shape_cast %swap3A_894 : vector<1x16xf32> to vector<16xf32>
        %swap3A_896 = vector.shape_cast %get3A_891 : vector<16xf32> to vector<1x16xf32>
        tpu.vector_store %arg9[%swap3A_892, %swap3A_893], %swap3A_896 {add = true, strides = array<i32>} : memref<512x128xf32, #tpu.memory_space<vmem>>, vector<1x16xf32>,
        %add3A_897 = arith.constant 8 : i32
        %add3A_898 = arith.addi %mul3A_108, %add3A_897 : i32
        %get3A_899 = arith.index_cast %add3A_898 : i32 to index
        %get3A_900 = arith.constant 80 : index
        %get3A_901 = tpu.vector_load %arg8[%get3A_899, %get3A_900] {strides = array<i32>} : memref<128x128xf32, #tpu.memory_space<vmem>>, vector<1x16xf32>,
        %get3A_902 = vector.shape_cast %get3A_901 : vector<1x16xf32> to vector<16xf32>
        %swap3A_903 = arith.index_cast %squeeze3A_124 : i32 to index
        %swap3A_904 = arith.constant 80 : index
        %swap3A_905 = tpu.vector_load %arg9[%swap3A_903, %swap3A_904] {strides = array<i32>} : memref<512x128xf32, #tpu.memory_space<vmem>>, vector<1x16xf32>,
        %swap3A_906 = vector.shape_cast %swap3A_905 : vector<1x16xf32> to vector<16xf32>
        %swap3A_907 = vector.shape_cast %get3A_902 : vector<16xf32> to vector<1x16xf32>
        tpu.vector_store %arg9[%swap3A_903, %swap3A_904], %swap3A_907 {add = true, strides = array<i32>} : memref<512x128xf32, #tpu.memory_space<vmem>>, vector<1x16xf32>,
        %add3A_908 = arith.constant 8 : i32
        %add3A_909 = arith.addi %mul3A_108, %add3A_908 : i32
        %get3A_910 = arith.index_cast %add3A_909 : i32 to index
        %get3A_911 = arith.constant 96 : index
        %get3A_912 = tpu.vector_load %arg8[%get3A_910, %get3A_911] {strides = array<i32>} : memref<128x128xf32, #tpu.memory_space<vmem>>, vector<1x16xf32>,
        %get3A_913 = vector.shape_cast %get3A_912 : vector<1x16xf32> to vector<16xf32>
        %swap3A_914 = arith.index_cast %squeeze3A_124 : i32 to index
        %swap3A_915 = arith.constant 96 : index
        %swap3A_916 = tpu.vector_load %arg9[%swap3A_914, %swap3A_915] {strides = array<i32>} : memref<512x128xf32, #tpu.memory_space<vmem>>, vector<1x16xf32>,
        %swap3A_917 = vector.shape_cast %swap3A_916 : vector<1x16xf32> to vector<16xf32>
        %swap3A_918 = vector.shape_cast %get3A_913 : vector<16xf32> to vector<1x16xf32>
        tpu.vector_store %arg9[%swap3A_914, %swap3A_915], %swap3A_918 {add = true, strides = array<i32>} : memref<512x128xf32, #tpu.memory_space<vmem>>, vector<1x16xf32>,
        %add3A_919 = arith.constant 8 : i32
        %add3A_920 = arith.addi %mul3A_108, %add3A_919 : i32
        %get3A_921 = arith.index_cast %add3A_920 : i32 to index
        %get3A_922 = arith.constant 112 : index
        %get3A_923 = tpu.vector_load %arg8[%get3A_921, %get3A_922] {strides = array<i32>} : memref<128x128xf32, #tpu.memory_space<vmem>>, vector<1x16xf32>,
        %get3A_924 = vector.shape_cast %get3A_923 : vector<1x16xf32> to vector<16xf32>
        %swap3A_925 = arith.index_cast %squeeze3A_124 : i32 to index
        %swap3A_926 = arith.constant 112 : index
        %swap3A_927 = tpu.vector_load %arg9[%swap3A_925, %swap3A_926] {strides = array<i32>} : memref<512x128xf32, #tpu.memory_space<vmem>>, vector<1x16xf32>,
        %swap3A_928 = vector.shape_cast %swap3A_927 : vector<1x16xf32> to vector<16xf32>
        %swap3A_929 = vector.shape_cast %get3A_924 : vector<16xf32> to vector<1x16xf32>
        tpu.vector_store %arg9[%swap3A_925, %swap3A_926], %swap3A_929 {add = true, strides = array<i32>} : memref<512x128xf32, #tpu.memory_space<vmem>>, vector<1x16xf32>,
        %add3A_930 = arith.constant 9 : i32
        %add3A_931 = arith.addi %mul3A_108, %add3A_930 : i32
        %get3A_932 = arith.index_cast %add3A_931 : i32 to index
        %get3A_933 = arith.constant 0 : index
        %get3A_934 = tpu.vector_load %arg8[%get3A_932, %get3A_933] {strides = array<i32>} : memref<128x128xf32, #tpu.memory_space<vmem>>, vector<1x16xf32>,
        %get3A_935 = vector.shape_cast %get3A_934 : vector<1x16xf32> to vector<16xf32>
        %swap3A_936 = arith.index_cast %squeeze3A_126 : i32 to index
        %swap3A_937 = arith.constant 0 : index
        %swap3A_938 = tpu.vector_load %arg9[%swap3A_936, %swap3A_937] {strides = array<i32>} : memref<512x128xf32, #tpu.memory_space<vmem>>, vector<1x16xf32>,
        %swap3A_939 = vector.shape_cast %swap3A_938 : vector<1x16xf32> to vector<16xf32>
        %swap3A_940 = vector.shape_cast %get3A_935 : vector<16xf32> to vector<1x16xf32>
        tpu.vector_store %arg9[%swap3A_936, %swap3A_937], %swap3A_940 {add = true, strides = array<i32>} : memref<512x128xf32, #tpu.memory_space<vmem>>, vector<1x16xf32>,
        %add3A_941 = arith.constant 9 : i32
        %add3A_942 = arith.addi %mul3A_108, %add3A_941 : i32
        %get3A_943 = arith.index_cast %add3A_942 : i32 to index
        %get3A_944 = arith.constant 16 : index
        %get3A_945 = tpu.vector_load %arg8[%get3A_943, %get3A_944] {strides = array<i32>} : memref<128x128xf32, #tpu.memory_space<vmem>>, vector<1x16xf32>,
        %get3A_946 = vector.shape_cast %get3A_945 : vector<1x16xf32> to vector<16xf32>
        %swap3A_947 = arith.index_cast %squeeze3A_126 : i32 to index
        %swap3A_948 = arith.constant 16 : index
        %swap3A_949 = tpu.vector_load %arg9[%swap3A_947, %swap3A_948] {strides = array<i32>} : memref<512x128xf32, #tpu.memory_space<vmem>>, vector<1x16xf32>,
        %swap3A_950 = vector.shape_cast %swap3A_949 : vector<1x16xf32> to vector<16xf32>
        %swap3A_951 = vector.shape_cast %get3A_946 : vector<16xf32> to vector<1x16xf32>
        tpu.vector_store %arg9[%swap3A_947, %swap3A_948], %swap3A_951 {add = true, strides = array<i32>} : memref<512x128xf32, #tpu.memory_space<vmem>>, vector<1x16xf32>,
        %add3A_952 = arith.constant 9 : i32
        %add3A_953 = arith.addi %mul3A_108, %add3A_952 : i32
        %get3A_954 = arith.index_cast %add3A_953 : i32 to index
        %get3A_955 = arith.constant 32 : index
        %get3A_956 = tpu.vector_load %arg8[%get3A_954, %get3A_955] {strides = array<i32>} : memref<128x128xf32, #tpu.memory_space<vmem>>, vector<1x16xf32>,
        %get3A_957 = vector.shape_cast %get3A_956 : vector<1x16xf32> to vector<16xf32>
        %swap3A_958 = arith.index_cast %squeeze3A_126 : i32 to index
        %swap3A_959 = arith.constant 32 : index
        %swap3A_960 = tpu.vector_load %arg9[%swap3A_958, %swap3A_959] {strides = array<i32>} : memref<512x128xf32, #tpu.memory_space<vmem>>, vector<1x16xf32>,
        %swap3A_961 = vector.shape_cast %swap3A_960 : vector<1x16xf32> to vector<16xf32>
        %swap3A_962 = vector.shape_cast %get3A_957 : vector<16xf32> to vector<1x16xf32>
        tpu.vector_store %arg9[%swap3A_958, %swap3A_959], %swap3A_962 {add = true, strides = array<i32>} : memref<512x128xf32, #tpu.memory_space<vmem>>, vector<1x16xf32>,
        %add3A_963 = arith.constant 9 : i32
        %add3A_964 = arith.addi %mul3A_108, %add3A_963 : i32
        %get3A_965 = arith.index_cast %add3A_964 : i32 to index
        %get3A_966 = arith.constant 48 : index
        %get3A_967 = tpu.vector_load %arg8[%get3A_965, %get3A_966] {strides = array<i32>} : memref<128x128xf32, #tpu.memory_space<vmem>>, vector<1x16xf32>,
        %get3A_968 = vector.shape_cast %get3A_967 : vector<1x16xf32> to vector<16xf32>
        %swap3A_969 = arith.index_cast %squeeze3A_126 : i32 to index
        %swap3A_970 = arith.constant 48 : index
        %swap3A_971 = tpu.vector_load %arg9[%swap3A_969, %swap3A_970] {strides = array<i32>} : memref<512x128xf32, #tpu.memory_space<vmem>>, vector<1x16xf32>,
        %swap3A_972 = vector.shape_cast %swap3A_971 : vector<1x16xf32> to vector<16xf32>
        %swap3A_973 = vector.shape_cast %get3A_968 : vector<16xf32> to vector<1x16xf32>
        tpu.vector_store %arg9[%swap3A_969, %swap3A_970], %swap3A_973 {add = true, strides = array<i32>} : memref<512x128xf32, #tpu.memory_space<vmem>>, vector<1x16xf32>,
        %add3A_974 = arith.constant 9 : i32
        %add3A_975 = arith.addi %mul3A_108, %add3A_974 : i32
        %get3A_976 = arith.index_cast %add3A_975 : i32 to index
        %get3A_977 = arith.constant 64 : index
        %get3A_978 = tpu.vector_load %arg8[%get3A_976, %get3A_977] {strides = array<i32>} : memref<128x128xf32, #tpu.memory_space<vmem>>, vector<1x16xf32>,
        %get3A_979 = vector.shape_cast %get3A_978 : vector<1x16xf32> to vector<16xf32>
        %swap3A_980 = arith.index_cast %squeeze3A_126 : i32 to index
        %swap3A_981 = arith.constant 64 : index
        %swap3A_982 = tpu.vector_load %arg9[%swap3A_980, %swap3A_981] {strides = array<i32>} : memref<512x128xf32, #tpu.memory_space<vmem>>, vector<1x16xf32>,
        %swap3A_983 = vector.shape_cast %swap3A_982 : vector<1x16xf32> to vector<16xf32>
        %swap3A_984 = vector.shape_cast %get3A_979 : vector<16xf32> to vector<1x16xf32>
        tpu.vector_store %arg9[%swap3A_980, %swap3A_981], %swap3A_984 {add = true, strides = array<i32>} : memref<512x128xf32, #tpu.memory_space<vmem>>, vector<1x16xf32>,
        %add3A_985 = arith.constant 9 : i32
        %add3A_986 = arith.addi %mul3A_108, %add3A_985 : i32
        %get3A_987 = arith.index_cast %add3A_986 : i32 to index
        %get3A_988 = arith.constant 80 : index
        %get3A_989 = tpu.vector_load %arg8[%get3A_987, %get3A_988] {strides = array<i32>} : memref<128x128xf32, #tpu.memory_space<vmem>>, vector<1x16xf32>,
        %get3A_990 = vector.shape_cast %get3A_989 : vector<1x16xf32> to vector<16xf32>
        %swap3A_991 = arith.index_cast %squeeze3A_126 : i32 to index
        %swap3A_992 = arith.constant 80 : index
        %swap3A_993 = tpu.vector_load %arg9[%swap3A_991, %swap3A_992] {strides = array<i32>} : memref<512x128xf32, #tpu.memory_space<vmem>>, vector<1x16xf32>,
        %swap3A_994 = vector.shape_cast %swap3A_993 : vector<1x16xf32> to vector<16xf32>
        %swap3A_995 = vector.shape_cast %get3A_990 : vector<16xf32> to vector<1x16xf32>
        tpu.vector_store %arg9[%swap3A_991, %swap3A_992], %swap3A_995 {add = true, strides = array<i32>} : memref<512x128xf32, #tpu.memory_space<vmem>>, vector<1x16xf32>,
        %add3A_996 = arith.constant 9 : i32
        %add3A_997 = arith.addi %mul3A_108, %add3A_996 : i32
        %get3A_998 = arith.index_cast %add3A_997 : i32 to index
        %get3A_999 = arith.constant 96 : index
        %get3A_1000 = tpu.vector_load %arg8[%get3A_998, %get3A_999] {strides = array<i32>} : memref<128x128xf32, #tpu.memory_space<vmem>>, vector<1x16xf32>,
        %get3A_1001 = vector.shape_cast %get3A_1000 : vector<1x16xf32> to vector<16xf32>
        %swap3A_1002 = arith.index_cast %squeeze3A_126 : i32 to index
        %swap3A_1003 = arith.constant 96 : index
        %swap3A_1004 = tpu.vector_load %arg9[%swap3A_1002, %swap3A_1003] {strides = array<i32>} : memref<512x128xf32, #tpu.memory_space<vmem>>, vector<1x16xf32>,
        %swap3A_1005 = vector.shape_cast %swap3A_1004 : vector<1x16xf32> to vector<16xf32>
        %swap3A_1006 = vector.shape_cast %get3A_1001 : vector<16xf32> to vector<1x16xf32>
        tpu.vector_store %arg9[%swap3A_1002, %swap3A_1003], %swap3A_1006 {add = true, strides = array<i32>} : memref<512x128xf32, #tpu.memory_space<vmem>>, vector<1x16xf32>,
        %add3A_1007 = arith.constant 9 : i32
        %add3A_1008 = arith.addi %mul3A_108, %add3A_1007 : i32
        %get3A_1009 = arith.index_cast %add3A_1008 : i32 to index
        %get3A_1010 = arith.constant 112 : index
        %get3A_1011 = tpu.vector_load %arg8[%get3A_1009, %get3A_1010] {strides = array<i32>} : memref<128x128xf32, #tpu.memory_space<vmem>>, vector<1x16xf32>,
        %get3A_1012 = vector.shape_cast %get3A_1011 : vector<1x16xf32> to vector<16xf32>
        %swap3A_1013 = arith.index_cast %squeeze3A_126 : i32 to index
        %swap3A_1014 = arith.constant 112 : index
        %swap3A_1015 = tpu.vector_load %arg9[%swap3A_1013, %swap3A_1014] {strides = array<i32>} : memref<512x128xf32, #tpu.memory_space<vmem>>, vector<1x16xf32>,
        %swap3A_1016 = vector.shape_cast %swap3A_1015 : vector<1x16xf32> to vector<16xf32>
        %swap3A_1017 = vector.shape_cast %get3A_1012 : vector<16xf32> to vector<1x16xf32>
        tpu.vector_store %arg9[%swap3A_1013, %swap3A_1014], %swap3A_1017 {add = true, strides = array<i32>} : memref<512x128xf32, #tpu.memory_space<vmem>>, vector<1x16xf32>,
        %add3A_1018 = arith.constant 10 : i32
        %add3A_1019 = arith.addi %mul3A_108, %add3A_1018 : i32
        %get3A_1020 = arith.index_cast %add3A_1019 : i32 to index
        %get3A_1021 = arith.constant 0 : index
        %get3A_1022 = tpu.vector_load %arg8[%get3A_1020, %get3A_1021] {strides = array<i32>} : memref<128x128xf32, #tpu.memory_space<vmem>>, vector<1x16xf32>,
        %get3A_1023 = vector.shape_cast %get3A_1022 : vector<1x16xf32> to vector<16xf32>
        %swap3A_1024 = arith.index_cast %squeeze3A_128 : i32 to index
        %swap3A_1025 = arith.constant 0 : index
        %swap3A_1026 = tpu.vector_load %arg9[%swap3A_1024, %swap3A_1025] {strides = array<i32>} : memref<512x128xf32, #tpu.memory_space<vmem>>, vector<1x16xf32>,
        %swap3A_1027 = vector.shape_cast %swap3A_1026 : vector<1x16xf32> to vector<16xf32>
        %swap3A_1028 = vector.shape_cast %get3A_1023 : vector<16xf32> to vector<1x16xf32>
        tpu.vector_store %arg9[%swap3A_1024, %swap3A_1025], %swap3A_1028 {add = true, strides = array<i32>} : memref<512x128xf32, #tpu.memory_space<vmem>>, vector<1x16xf32>,
        %add3A_1029 = arith.constant 10 : i32
        %add3A_1030 = arith.addi %mul3A_108, %add3A_1029 : i32
        %get3A_1031 = arith.index_cast %add3A_1030 : i32 to index
        %get3A_1032 = arith.constant 16 : index
        %get3A_1033 = tpu.vector_load %arg8[%get3A_1031, %get3A_1032] {strides = array<i32>} : memref<128x128xf32, #tpu.memory_space<vmem>>, vector<1x16xf32>,
        %get3A_1034 = vector.shape_cast %get3A_1033 : vector<1x16xf32> to vector<16xf32>
        %swap3A_1035 = arith.index_cast %squeeze3A_128 : i32 to index
        %swap3A_1036 = arith.constant 16 : index
        %swap3A_1037 = tpu.vector_load %arg9[%swap3A_1035, %swap3A_1036] {strides = array<i32>} : memref<512x128xf32, #tpu.memory_space<vmem>>, vector<1x16xf32>,
        %swap3A_1038 = vector.shape_cast %swap3A_1037 : vector<1x16xf32> to vector<16xf32>
        %swap3A_1039 = vector.shape_cast %get3A_1034 : vector<16xf32> to vector<1x16xf32>
        tpu.vector_store %arg9[%swap3A_1035, %swap3A_1036], %swap3A_1039 {add = true, strides = array<i32>} : memref<512x128xf32, #tpu.memory_space<vmem>>, vector<1x16xf32>,
        %add3A_1040 = arith.constant 10 : i32
        %add3A_1041 = arith.addi %mul3A_108, %add3A_1040 : i32
        %get3A_1042 = arith.index_cast %add3A_1041 : i32 to index
        %get3A_1043 = arith.constant 32 : index
        %get3A_1044 = tpu.vector_load %arg8[%get3A_1042, %get3A_1043] {strides = array<i32>} : memref<128x128xf32, #tpu.memory_space<vmem>>, vector<1x16xf32>,
        %get3A_1045 = vector.shape_cast %get3A_1044 : vector<1x16xf32> to vector<16xf32>
        %swap3A_1046 = arith.index_cast %squeeze3A_128 : i32 to index
        %swap3A_1047 = arith.constant 32 : index
        %swap3A_1048 = tpu.vector_load %arg9[%swap3A_1046, %swap3A_1047] {strides = array<i32>} : memref<512x128xf32, #tpu.memory_space<vmem>>, vector<1x16xf32>,
        %swap3A_1049 = vector.shape_cast %swap3A_1048 : vector<1x16xf32> to vector<16xf32>
        %swap3A_1050 = vector.shape_cast %get3A_1045 : vector<16xf32> to vector<1x16xf32>
        tpu.vector_store %arg9[%swap3A_1046, %swap3A_1047], %swap3A_1050 {add = true, strides = array<i32>} : memref<512x128xf32, #tpu.memory_space<vmem>>, vector<1x16xf32>,
        %add3A_1051 = arith.constant 10 : i32
        %add3A_1052 = arith.addi %mul3A_108, %add3A_1051 : i32
        %get3A_1053 = arith.index_cast %add3A_1052 : i32 to index
        %get3A_1054 = arith.constant 48 : index
        %get3A_1055 = tpu.vector_load %arg8[%get3A_1053, %get3A_1054] {strides = array<i32>} : memref<128x128xf32, #tpu.memory_space<vmem>>, vector<1x16xf32>,
        %get3A_1056 = vector.shape_cast %get3A_1055 : vector<1x16xf32> to vector<16xf32>
        %swap3A_1057 = arith.index_cast %squeeze3A_128 : i32 to index
        %swap3A_1058 = arith.constant 48 : index
        %swap3A_1059 = tpu.vector_load %arg9[%swap3A_1057, %swap3A_1058] {strides = array<i32>} : memref<512x128xf32, #tpu.memory_space<vmem>>, vector<1x16xf32>,
        %swap3A_1060 = vector.shape_cast %swap3A_1059 : vector<1x16xf32> to vector<16xf32>
        %swap3A_1061 = vector.shape_cast %get3A_1056 : vector<16xf32> to vector<1x16xf32>
        tpu.vector_store %arg9[%swap3A_1057, %swap3A_1058], %swap3A_1061 {add = true, strides = array<i32>} : memref<512x128xf32, #tpu.memory_space<vmem>>, vector<1x16xf32>,
        %add3A_1062 = arith.constant 10 : i32
        %add3A_1063 = arith.addi %mul3A_108, %add3A_1062 : i32
        %get3A_1064 = arith.index_cast %add3A_1063 : i32 to index
        %get3A_1065 = arith.constant 64 : index
        %get3A_1066 = tpu.vector_load %arg8[%get3A_1064, %get3A_1065] {strides = array<i32>} : memref<128x128xf32, #tpu.memory_space<vmem>>, vector<1x16xf32>,
        %get3A_1067 = vector.shape_cast %get3A_1066 : vector<1x16xf32> to vector<16xf32>
        %swap3A_1068 = arith.index_cast %squeeze3A_128 : i32 to index
        %swap3A_1069 = arith.constant 64 : index
        %swap3A_1070 = tpu.vector_load %arg9[%swap3A_1068, %swap3A_1069] {strides = array<i32>} : memref<512x128xf32, #tpu.memory_space<vmem>>, vector<1x16xf32>,
        %swap3A_1071 = vector.shape_cast %swap3A_1070 : vector<1x16xf32> to vector<16xf32>
        %swap3A_1072 = vector.shape_cast %get3A_1067 : vector<16xf32> to vector<1x16xf32>
        tpu.vector_store %arg9[%swap3A_1068, %swap3A_1069], %swap3A_1072 {add = true, strides = array<i32>} : memref<512x128xf32, #tpu.memory_space<vmem>>, vector<1x16xf32>,
        %add3A_1073 = arith.constant 10 : i32
        %add3A_1074 = arith.addi %mul3A_108, %add3A_1073 : i32
        %get3A_1075 = arith.index_cast %add3A_1074 : i32 to index
        %get3A_1076 = arith.constant 80 : index
        %get3A_1077 = tpu.vector_load %arg8[%get3A_1075, %get3A_1076] {strides = array<i32>} : memref<128x128xf32, #tpu.memory_space<vmem>>, vector<1x16xf32>,
        %get3A_1078 = vector.shape_cast %get3A_1077 : vector<1x16xf32> to vector<16xf32>
        %swap3A_1079 = arith.index_cast %squeeze3A_128 : i32 to index
        %swap3A_1080 = arith.constant 80 : index
        %swap3A_1081 = tpu.vector_load %arg9[%swap3A_1079, %swap3A_1080] {strides = array<i32>} : memref<512x128xf32, #tpu.memory_space<vmem>>, vector<1x16xf32>,
        %swap3A_1082 = vector.shape_cast %swap3A_1081 : vector<1x16xf32> to vector<16xf32>
        %swap3A_1083 = vector.shape_cast %get3A_1078 : vector<16xf32> to vector<1x16xf32>
        tpu.vector_store %arg9[%swap3A_1079, %swap3A_1080], %swap3A_1083 {add = true, strides = array<i32>} : memref<512x128xf32, #tpu.memory_space<vmem>>, vector<1x16xf32>,
        %add3A_1084 = arith.constant 10 : i32
        %add3A_1085 = arith.addi %mul3A_108, %add3A_1084 : i32
        %get3A_1086 = arith.index_cast %add3A_1085 : i32 to index
        %get3A_1087 = arith.constant 96 : index
        %get3A_1088 = tpu.vector_load %arg8[%get3A_1086, %get3A_1087] {strides = array<i32>} : memref<128x128xf32, #tpu.memory_space<vmem>>, vector<1x16xf32>,
        %get3A_1089 = vector.shape_cast %get3A_1088 : vector<1x16xf32> to vector<16xf32>
        %swap3A_1090 = arith.index_cast %squeeze3A_128 : i32 to index
        %swap3A_1091 = arith.constant 96 : index
        %swap3A_1092 = tpu.vector_load %arg9[%swap3A_1090, %swap3A_1091] {strides = array<i32>} : memref<512x128xf32, #tpu.memory_space<vmem>>, vector<1x16xf32>,
        %swap3A_1093 = vector.shape_cast %swap3A_1092 : vector<1x16xf32> to vector<16xf32>
        %swap3A_1094 = vector.shape_cast %get3A_1089 : vector<16xf32> to vector<1x16xf32>
        tpu.vector_store %arg9[%swap3A_1090, %swap3A_1091], %swap3A_1094 {add = true, strides = array<i32>} : memref<512x128xf32, #tpu.memory_space<vmem>>, vector<1x16xf32>,
        %add3A_1095 = arith.constant 10 : i32
        %add3A_1096 = arith.addi %mul3A_108, %add3A_1095 : i32
        %get3A_1097 = arith.index_cast %add3A_1096 : i32 to index
        %get3A_1098 = arith.constant 112 : index
        %get3A_1099 = tpu.vector_load %arg8[%get3A_1097, %get3A_1098] {strides = array<i32>} : memref<128x128xf32, #tpu.memory_space<vmem>>, vector<1x16xf32>,
        %get3A_1100 = vector.shape_cast %get3A_1099 : vector<1x16xf32> to vector<16xf32>
        %swap3A_1101 = arith.index_cast %squeeze3A_128 : i32 to index
        %swap3A_1102 = arith.constant 112 : index
        %swap3A_1103 = tpu.vector_load %arg9[%swap3A_1101, %swap3A_1102] {strides = array<i32>} : memref<512x128xf32, #tpu.memory_space<vmem>>, vector<1x16xf32>,
        %swap3A_1104 = vector.shape_cast %swap3A_1103 : vector<1x16xf32> to vector<16xf32>
        %swap3A_1105 = vector.shape_cast %get3A_1100 : vector<16xf32> to vector<1x16xf32>
        tpu.vector_store %arg9[%swap3A_1101, %swap3A_1102], %swap3A_1105 {add = true, strides = array<i32>} : memref<512x128xf32, #tpu.memory_space<vmem>>, vector<1x16xf32>,
        %add3A_1106 = arith.constant 11 : i32
        %add3A_1107 = arith.addi %mul3A_108, %add3A_1106 : i32
        %get3A_1108 = arith.index_cast %add3A_1107 : i32 to index
        %get3A_1109 = arith.constant 0 : index
        %get3A_1110 = tpu.vector_load %arg8[%get3A_1108, %get3A_1109] {strides = array<i32>} : memref<128x128xf32, #tpu.memory_space<vmem>>, vector<1x16xf32>,
        %get3A_1111 = vector.shape_cast %get3A_1110 : vector<1x16xf32> to vector<16xf32>
        %swap3A_1112 = arith.index_cast %squeeze3A_130 : i32 to index
        %swap3A_1113 = arith.constant 0 : index
        %swap3A_1114 = tpu.vector_load %arg9[%swap3A_1112, %swap3A_1113] {strides = array<i32>} : memref<512x128xf32, #tpu.memory_space<vmem>>, vector<1x16xf32>,
        %swap3A_1115 = vector.shape_cast %swap3A_1114 : vector<1x16xf32> to vector<16xf32>
        %swap3A_1116 = vector.shape_cast %get3A_1111 : vector<16xf32> to vector<1x16xf32>
        tpu.vector_store %arg9[%swap3A_1112, %swap3A_1113], %swap3A_1116 {add = true, strides = array<i32>} : memref<512x128xf32, #tpu.memory_space<vmem>>, vector<1x16xf32>,
        %add3A_1117 = arith.constant 11 : i32
        %add3A_1118 = arith.addi %mul3A_108, %add3A_1117 : i32
        %get3A_1119 = arith.index_cast %add3A_1118 : i32 to index
        %get3A_1120 = arith.constant 16 : index
        %get3A_1121 = tpu.vector_load %arg8[%get3A_1119, %get3A_1120] {strides = array<i32>} : memref<128x128xf32, #tpu.memory_space<vmem>>, vector<1x16xf32>,
        %get3A_1122 = vector.shape_cast %get3A_1121 : vector<1x16xf32> to vector<16xf32>
        %swap3A_1123 = arith.index_cast %squeeze3A_130 : i32 to index
        %swap3A_1124 = arith.constant 16 : index
        %swap3A_1125 = tpu.vector_load %arg9[%swap3A_1123, %swap3A_1124] {strides = array<i32>} : memref<512x128xf32, #tpu.memory_space<vmem>>, vector<1x16xf32>,
        %swap3A_1126 = vector.shape_cast %swap3A_1125 : vector<1x16xf32> to vector<16xf32>
        %swap3A_1127 = vector.shape_cast %get3A_1122 : vector<16xf32> to vector<1x16xf32>
        tpu.vector_store %arg9[%swap3A_1123, %swap3A_1124], %swap3A_1127 {add = true, strides = array<i32>} : memref<512x128xf32, #tpu.memory_space<vmem>>, vector<1x16xf32>,
        %add3A_1128 = arith.constant 11 : i32
        %add3A_1129 = arith.addi %mul3A_108, %add3A_1128 : i32
        %get3A_1130 = arith.index_cast %add3A_1129 : i32 to index
        %get3A_1131 = arith.constant 32 : index
        %get3A_1132 = tpu.vector_load %arg8[%get3A_1130, %get3A_1131] {strides = array<i32>} : memref<128x128xf32, #tpu.memory_space<vmem>>, vector<1x16xf32>,
        %get3A_1133 = vector.shape_cast %get3A_1132 : vector<1x16xf32> to vector<16xf32>
        %swap3A_1134 = arith.index_cast %squeeze3A_130 : i32 to index
        %swap3A_1135 = arith.constant 32 : index
        %swap3A_1136 = tpu.vector_load %arg9[%swap3A_1134, %swap3A_1135] {strides = array<i32>} : memref<512x128xf32, #tpu.memory_space<vmem>>, vector<1x16xf32>,
        %swap3A_1137 = vector.shape_cast %swap3A_1136 : vector<1x16xf32> to vector<16xf32>
        %swap3A_1138 = vector.shape_cast %get3A_1133 : vector<16xf32> to vector<1x16xf32>
        tpu.vector_store %arg9[%swap3A_1134, %swap3A_1135], %swap3A_1138 {add = true, strides = array<i32>} : memref<512x128xf32, #tpu.memory_space<vmem>>, vector<1x16xf32>,
        %add3A_1139 = arith.constant 11 : i32
        %add3A_1140 = arith.addi %mul3A_108, %add3A_1139 : i32
        %get3A_1141 = arith.index_cast %add3A_1140 : i32 to index
        %get3A_1142 = arith.constant 48 : index
        %get3A_1143 = tpu.vector_load %arg8[%get3A_1141, %get3A_1142] {strides = array<i32>} : memref<128x128xf32, #tpu.memory_space<vmem>>, vector<1x16xf32>,
        %get3A_1144 = vector.shape_cast %get3A_1143 : vector<1x16xf32> to vector<16xf32>
        %swap3A_1145 = arith.index_cast %squeeze3A_130 : i32 to index
        %swap3A_1146 = arith.constant 48 : index
        %swap3A_1147 = tpu.vector_load %arg9[%swap3A_1145, %swap3A_1146] {strides = array<i32>} : memref<512x128xf32, #tpu.memory_space<vmem>>, vector<1x16xf32>,
        %swap3A_1148 = vector.shape_cast %swap3A_1147 : vector<1x16xf32> to vector<16xf32>
        %swap3A_1149 = vector.shape_cast %get3A_1144 : vector<16xf32> to vector<1x16xf32>
        tpu.vector_store %arg9[%swap3A_1145, %swap3A_1146], %swap3A_1149 {add = true, strides = array<i32>} : memref<512x128xf32, #tpu.memory_space<vmem>>, vector<1x16xf32>,
        %add3A_1150 = arith.constant 11 : i32
        %add3A_1151 = arith.addi %mul3A_108, %add3A_1150 : i32
        %get3A_1152 = arith.index_cast %add3A_1151 : i32 to index
        %get3A_1153 = arith.constant 64 : index
        %get3A_1154 = tpu.vector_load %arg8[%get3A_1152, %get3A_1153] {strides = array<i32>} : memref<128x128xf32, #tpu.memory_space<vmem>>, vector<1x16xf32>,
        %get3A_1155 = vector.shape_cast %get3A_1154 : vector<1x16xf32> to vector<16xf32>
        %swap3A_1156 = arith.index_cast %squeeze3A_130 : i32 to index
        %swap3A_1157 = arith.constant 64 : index
        %swap3A_1158 = tpu.vector_load %arg9[%swap3A_1156, %swap3A_1157] {strides = array<i32>} : memref<512x128xf32, #tpu.memory_space<vmem>>, vector<1x16xf32>,
        %swap3A_1159 = vector.shape_cast %swap3A_1158 : vector<1x16xf32> to vector<16xf32>
        %swap3A_1160 = vector.shape_cast %get3A_1155 : vector<16xf32> to vector<1x16xf32>
        tpu.vector_store %arg9[%swap3A_1156, %swap3A_1157], %swap3A_1160 {add = true, strides = array<i32>} : memref<512x128xf32, #tpu.memory_space<vmem>>, vector<1x16xf32>,
        %add3A_1161 = arith.constant 11 : i32
        %add3A_1162 = arith.addi %mul3A_108, %add3A_1161 : i32
        %get3A_1163 = arith.index_cast %add3A_1162 : i32 to index
        %get3A_1164 = arith.constant 80 : index
        %get3A_1165 = tpu.vector_load %arg8[%get3A_1163, %get3A_1164] {strides = array<i32>} : memref<128x128xf32, #tpu.memory_space<vmem>>, vector<1x16xf32>,
        %get3A_1166 = vector.shape_cast %get3A_1165 : vector<1x16xf32> to vector<16xf32>
        %swap3A_1167 = arith.index_cast %squeeze3A_130 : i32 to index
        %swap3A_1168 = arith.constant 80 : index
        %swap3A_1169 = tpu.vector_load %arg9[%swap3A_1167, %swap3A_1168] {strides = array<i32>} : memref<512x128xf32, #tpu.memory_space<vmem>>, vector<1x16xf32>,
        %swap3A_1170 = vector.shape_cast %swap3A_1169 : vector<1x16xf32> to vector<16xf32>
        %swap3A_1171 = vector.shape_cast %get3A_1166 : vector<16xf32> to vector<1x16xf32>
        tpu.vector_store %arg9[%swap3A_1167, %swap3A_1168], %swap3A_1171 {add = true, strides = array<i32>} : memref<512x128xf32, #tpu.memory_space<vmem>>, vector<1x16xf32>,
        %add3A_1172 = arith.constant 11 : i32
        %add3A_1173 = arith.addi %mul3A_108, %add3A_1172 : i32
        %get3A_1174 = arith.index_cast %add3A_1173 : i32 to index
        %get3A_1175 = arith.constant 96 : index
        %get3A_1176 = tpu.vector_load %arg8[%get3A_1174, %get3A_1175] {strides = array<i32>} : memref<128x128xf32, #tpu.memory_space<vmem>>, vector<1x16xf32>,
        %get3A_1177 = vector.shape_cast %get3A_1176 : vector<1x16xf32> to vector<16xf32>
        %swap3A_1178 = arith.index_cast %squeeze3A_130 : i32 to index
        %swap3A_1179 = arith.constant 96 : index
        %swap3A_1180 = tpu.vector_load %arg9[%swap3A_1178, %swap3A_1179] {strides = array<i32>} : memref<512x128xf32, #tpu.memory_space<vmem>>, vector<1x16xf32>,
        %swap3A_1181 = vector.shape_cast %swap3A_1180 : vector<1x16xf32> to vector<16xf32>
        %swap3A_1182 = vector.shape_cast %get3A_1177 : vector<16xf32> to vector<1x16xf32>
        tpu.vector_store %arg9[%swap3A_1178, %swap3A_1179], %swap3A_1182 {add = true, strides = array<i32>} : memref<512x128xf32, #tpu.memory_space<vmem>>, vector<1x16xf32>,
        %add3A_1183 = arith.constant 11 : i32
        %add3A_1184 = arith.addi %mul3A_108, %add3A_1183 : i32
        %get3A_1185 = arith.index_cast %add3A_1184 : i32 to index
        %get3A_1186 = arith.constant 112 : index
        %get3A_1187 = tpu.vector_load %arg8[%get3A_1185, %get3A_1186] {strides = array<i32>} : memref<128x128xf32, #tpu.memory_space<vmem>>, vector<1x16xf32>,
        %get3A_1188 = vector.shape_cast %get3A_1187 : vector<1x16xf32> to vector<16xf32>
        %swap3A_1189 = arith.index_cast %squeeze3A_130 : i32 to index
        %swap3A_1190 = arith.constant 112 : index
        %swap3A_1191 = tpu.vector_load %arg9[%swap3A_1189, %swap3A_1190] {strides = array<i32>} : memref<512x128xf32, #tpu.memory_space<vmem>>, vector<1x16xf32>,
        %swap3A_1192 = vector.shape_cast %swap3A_1191 : vector<1x16xf32> to vector<16xf32>
        %swap3A_1193 = vector.shape_cast %get3A_1188 : vector<16xf32> to vector<1x16xf32>
        tpu.vector_store %arg9[%swap3A_1189, %swap3A_1190], %swap3A_1193 {add = true, strides = array<i32>} : memref<512x128xf32, #tpu.memory_space<vmem>>, vector<1x16xf32>,
        %add3A_1194 = arith.constant 12 : i32
        %add3A_1195 = arith.addi %mul3A_108, %add3A_1194 : i32
        %get3A_1196 = arith.index_cast %add3A_1195 : i32 to index
        %get3A_1197 = arith.constant 0 : index
        %get3A_1198 = tpu.vector_load %arg8[%get3A_1196, %get3A_1197] {strides = array<i32>} : memref<128x128xf32, #tpu.memory_space<vmem>>, vector<1x16xf32>,
        %get3A_1199 = vector.shape_cast %get3A_1198 : vector<1x16xf32> to vector<16xf32>
        %swap3A_1200 = arith.index_cast %squeeze3A_132 : i32 to index
        %swap3A_1201 = arith.constant 0 : index
        %swap3A_1202 = tpu.vector_load %arg9[%swap3A_1200, %swap3A_1201] {strides = array<i32>} : memref<512x128xf32, #tpu.memory_space<vmem>>, vector<1x16xf32>,
        %swap3A_1203 = vector.shape_cast %swap3A_1202 : vector<1x16xf32> to vector<16xf32>
        %swap3A_1204 = vector.shape_cast %get3A_1199 : vector<16xf32> to vector<1x16xf32>
        tpu.vector_store %arg9[%swap3A_1200, %swap3A_1201], %swap3A_1204 {add = true, strides = array<i32>} : memref<512x128xf32, #tpu.memory_space<vmem>>, vector<1x16xf32>,
        %add3A_1205 = arith.constant 12 : i32
        %add3A_1206 = arith.addi %mul3A_108, %add3A_1205 : i32
        %get3A_1207 = arith.index_cast %add3A_1206 : i32 to index
        %get3A_1208 = arith.constant 16 : index
        %get3A_1209 = tpu.vector_load %arg8[%get3A_1207, %get3A_1208] {strides = array<i32>} : memref<128x128xf32, #tpu.memory_space<vmem>>, vector<1x16xf32>,
        %get3A_1210 = vector.shape_cast %get3A_1209 : vector<1x16xf32> to vector<16xf32>
        %swap3A_1211 = arith.index_cast %squeeze3A_132 : i32 to index
        %swap3A_1212 = arith.constant 16 : index
        %swap3A_1213 = tpu.vector_load %arg9[%swap3A_1211, %swap3A_1212] {strides = array<i32>} : memref<512x128xf32, #tpu.memory_space<vmem>>, vector<1x16xf32>,
        %swap3A_1214 = vector.shape_cast %swap3A_1213 : vector<1x16xf32> to vector<16xf32>
        %swap3A_1215 = vector.shape_cast %get3A_1210 : vector<16xf32> to vector<1x16xf32>
        tpu.vector_store %arg9[%swap3A_1211, %swap3A_1212], %swap3A_1215 {add = true, strides = array<i32>} : memref<512x128xf32, #tpu.memory_space<vmem>>, vector<1x16xf32>,
        %add3A_1216 = arith.constant 12 : i32
        %add3A_1217 = arith.addi %mul3A_108, %add3A_1216 : i32
        %get3A_1218 = arith.index_cast %add3A_1217 : i32 to index
        %get3A_1219 = arith.constant 32 : index
        %get3A_1220 = tpu.vector_load %arg8[%get3A_1218, %get3A_1219] {strides = array<i32>} : memref<128x128xf32, #tpu.memory_space<vmem>>, vector<1x16xf32>,
        %get3A_1221 = vector.shape_cast %get3A_1220 : vector<1x16xf32> to vector<16xf32>
        %swap3A_1222 = arith.index_cast %squeeze3A_132 : i32 to index
        %swap3A_1223 = arith.constant 32 : index
        %swap3A_1224 = tpu.vector_load %arg9[%swap3A_1222, %swap3A_1223] {strides = array<i32>} : memref<512x128xf32, #tpu.memory_space<vmem>>, vector<1x16xf32>,
        %swap3A_1225 = vector.shape_cast %swap3A_1224 : vector<1x16xf32> to vector<16xf32>
        %swap3A_1226 = vector.shape_cast %get3A_1221 : vector<16xf32> to vector<1x16xf32>
        tpu.vector_store %arg9[%swap3A_1222, %swap3A_1223], %swap3A_1226 {add = true, strides = array<i32>} : memref<512x128xf32, #tpu.memory_space<vmem>>, vector<1x16xf32>,
        %add3A_1227 = arith.constant 12 : i32
        %add3A_1228 = arith.addi %mul3A_108, %add3A_1227 : i32
        %get3A_1229 = arith.index_cast %add3A_1228 : i32 to index
        %get3A_1230 = arith.constant 48 : index
        %get3A_1231 = tpu.vector_load %arg8[%get3A_1229, %get3A_1230] {strides = array<i32>} : memref<128x128xf32, #tpu.memory_space<vmem>>, vector<1x16xf32>,
        %get3A_1232 = vector.shape_cast %get3A_1231 : vector<1x16xf32> to vector<16xf32>
        %swap3A_1233 = arith.index_cast %squeeze3A_132 : i32 to index
        %swap3A_1234 = arith.constant 48 : index
        %swap3A_1235 = tpu.vector_load %arg9[%swap3A_1233, %swap3A_1234] {strides = array<i32>} : memref<512x128xf32, #tpu.memory_space<vmem>>, vector<1x16xf32>,
        %swap3A_1236 = vector.shape_cast %swap3A_1235 : vector<1x16xf32> to vector<16xf32>
        %swap3A_1237 = vector.shape_cast %get3A_1232 : vector<16xf32> to vector<1x16xf32>
        tpu.vector_store %arg9[%swap3A_1233, %swap3A_1234], %swap3A_1237 {add = true, strides = array<i32>} : memref<512x128xf32, #tpu.memory_space<vmem>>, vector<1x16xf32>,
        %add3A_1238 = arith.constant 12 : i32
        %add3A_1239 = arith.addi %mul3A_108, %add3A_1238 : i32
        %get3A_1240 = arith.index_cast %add3A_1239 : i32 to index
        %get3A_1241 = arith.constant 64 : index
        %get3A_1242 = tpu.vector_load %arg8[%get3A_1240, %get3A_1241] {strides = array<i32>} : memref<128x128xf32, #tpu.memory_space<vmem>>, vector<1x16xf32>,
        %get3A_1243 = vector.shape_cast %get3A_1242 : vector<1x16xf32> to vector<16xf32>
        %swap3A_1244 = arith.index_cast %squeeze3A_132 : i32 to index
        %swap3A_1245 = arith.constant 64 : index
        %swap3A_1246 = tpu.vector_load %arg9[%swap3A_1244, %swap3A_1245] {strides = array<i32>} : memref<512x128xf32, #tpu.memory_space<vmem>>, vector<1x16xf32>,
        %swap3A_1247 = vector.shape_cast %swap3A_1246 : vector<1x16xf32> to vector<16xf32>
        %swap3A_1248 = vector.shape_cast %get3A_1243 : vector<16xf32> to vector<1x16xf32>
        tpu.vector_store %arg9[%swap3A_1244, %swap3A_1245], %swap3A_1248 {add = true, strides = array<i32>} : memref<512x128xf32, #tpu.memory_space<vmem>>, vector<1x16xf32>,
        %add3A_1249 = arith.constant 12 : i32
        %add3A_1250 = arith.addi %mul3A_108, %add3A_1249 : i32
        %get3A_1251 = arith.index_cast %add3A_1250 : i32 to index
        %get3A_1252 = arith.constant 80 : index
        %get3A_1253 = tpu.vector_load %arg8[%get3A_1251, %get3A_1252] {strides = array<i32>} : memref<128x128xf32, #tpu.memory_space<vmem>>, vector<1x16xf32>,
        %get3A_1254 = vector.shape_cast %get3A_1253 : vector<1x16xf32> to vector<16xf32>
        %swap3A_1255 = arith.index_cast %squeeze3A_132 : i32 to index
        %swap3A_1256 = arith.constant 80 : index
        %swap3A_1257 = tpu.vector_load %arg9[%swap3A_1255, %swap3A_1256] {strides = array<i32>} : memref<512x128xf32, #tpu.memory_space<vmem>>, vector<1x16xf32>,
        %swap3A_1258 = vector.shape_cast %swap3A_1257 : vector<1x16xf32> to vector<16xf32>
        %swap3A_1259 = vector.shape_cast %get3A_1254 : vector<16xf32> to vector<1x16xf32>
        tpu.vector_store %arg9[%swap3A_1255, %swap3A_1256], %swap3A_1259 {add = true, strides = array<i32>} : memref<512x128xf32, #tpu.memory_space<vmem>>, vector<1x16xf32>,
        %add3A_1260 = arith.constant 12 : i32
        %add3A_1261 = arith.addi %mul3A_108, %add3A_1260 : i32
        %get3A_1262 = arith.index_cast %add3A_1261 : i32 to index
        %get3A_1263 = arith.constant 96 : index
        %get3A_1264 = tpu.vector_load %arg8[%get3A_1262, %get3A_1263] {strides = array<i32>} : memref<128x128xf32, #tpu.memory_space<vmem>>, vector<1x16xf32>,
        %get3A_1265 = vector.shape_cast %get3A_1264 : vector<1x16xf32> to vector<16xf32>
        %swap3A_1266 = arith.index_cast %squeeze3A_132 : i32 to index
        %swap3A_1267 = arith.constant 96 : index
        %swap3A_1268 = tpu.vector_load %arg9[%swap3A_1266, %swap3A_1267] {strides = array<i32>} : memref<512x128xf32, #tpu.memory_space<vmem>>, vector<1x16xf32>,
        %swap3A_1269 = vector.shape_cast %swap3A_1268 : vector<1x16xf32> to vector<16xf32>
        %swap3A_1270 = vector.shape_cast %get3A_1265 : vector<16xf32> to vector<1x16xf32>
        tpu.vector_store %arg9[%swap3A_1266, %swap3A_1267], %swap3A_1270 {add = true, strides = array<i32>} : memref<512x128xf32, #tpu.memory_space<vmem>>, vector<1x16xf32>,
        %add3A_1271 = arith.constant 12 : i32
        %add3A_1272 = arith.addi %mul3A_108, %add3A_1271 : i32
        %get3A_1273 = arith.index_cast %add3A_1272 : i32 to index
        %get3A_1274 = arith.constant 112 : index
        %get3A_1275 = tpu.vector_load %arg8[%get3A_1273, %get3A_1274] {strides = array<i32>} : memref<128x128xf32, #tpu.memory_space<vmem>>, vector<1x16xf32>,
        %get3A_1276 = vector.shape_cast %get3A_1275 : vector<1x16xf32> to vector<16xf32>
        %swap3A_1277 = arith.index_cast %squeeze3A_132 : i32 to index
        %swap3A_1278 = arith.constant 112 : index
        %swap3A_1279 = tpu.vector_load %arg9[%swap3A_1277, %swap3A_1278] {strides = array<i32>} : memref<512x128xf32, #tpu.memory_space<vmem>>, vector<1x16xf32>,
        %swap3A_1280 = vector.shape_cast %swap3A_1279 : vector<1x16xf32> to vector<16xf32>
        %swap3A_1281 = vector.shape_cast %get3A_1276 : vector<16xf32> to vector<1x16xf32>
        tpu.vector_store %arg9[%swap3A_1277, %swap3A_1278], %swap3A_1281 {add = true, strides = array<i32>} : memref<512x128xf32, #tpu.memory_space<vmem>>, vector<1x16xf32>,
        %add3A_1282 = arith.constant 13 : i32
        %add3A_1283 = arith.addi %mul3A_108, %add3A_1282 : i32
        %get3A_1284 = arith.index_cast %add3A_1283 : i32 to index
        %get3A_1285 = arith.constant 0 : index
        %get3A_1286 = tpu.vector_load %arg8[%get3A_1284, %get3A_1285] {strides = array<i32>} : memref<128x128xf32, #tpu.memory_space<vmem>>, vector<1x16xf32>,
        %get3A_1287 = vector.shape_cast %get3A_1286 : vector<1x16xf32> to vector<16xf32>
        %swap3A_1288 = arith.index_cast %squeeze3A_134 : i32 to index
        %swap3A_1289 = arith.constant 0 : index
        %swap3A_1290 = tpu.vector_load %arg9[%swap3A_1288, %swap3A_1289] {strides = array<i32>} : memref<512x128xf32, #tpu.memory_space<vmem>>, vector<1x16xf32>,
        %swap3A_1291 = vector.shape_cast %swap3A_1290 : vector<1x16xf32> to vector<16xf32>
        %swap3A_1292 = vector.shape_cast %get3A_1287 : vector<16xf32> to vector<1x16xf32>
        tpu.vector_store %arg9[%swap3A_1288, %swap3A_1289], %swap3A_1292 {add = true, strides = array<i32>} : memref<512x128xf32, #tpu.memory_space<vmem>>, vector<1x16xf32>,
        %add3A_1293 = arith.constant 13 : i32
        %add3A_1294 = arith.addi %mul3A_108, %add3A_1293 : i32
        %get3A_1295 = arith.index_cast %add3A_1294 : i32 to index
        %get3A_1296 = arith.constant 16 : index
        %get3A_1297 = tpu.vector_load %arg8[%get3A_1295, %get3A_1296] {strides = array<i32>} : memref<128x128xf32, #tpu.memory_space<vmem>>, vector<1x16xf32>,
        %get3A_1298 = vector.shape_cast %get3A_1297 : vector<1x16xf32> to vector<16xf32>
        %swap3A_1299 = arith.index_cast %squeeze3A_134 : i32 to index
        %swap3A_1300 = arith.constant 16 : index
        %swap3A_1301 = tpu.vector_load %arg9[%swap3A_1299, %swap3A_1300] {strides = array<i32>} : memref<512x128xf32, #tpu.memory_space<vmem>>, vector<1x16xf32>,
        %swap3A_1302 = vector.shape_cast %swap3A_1301 : vector<1x16xf32> to vector<16xf32>
        %swap3A_1303 = vector.shape_cast %get3A_1298 : vector<16xf32> to vector<1x16xf32>
        tpu.vector_store %arg9[%swap3A_1299, %swap3A_1300], %swap3A_1303 {add = true, strides = array<i32>} : memref<512x128xf32, #tpu.memory_space<vmem>>, vector<1x16xf32>,
        %add3A_1304 = arith.constant 13 : i32
        %add3A_1305 = arith.addi %mul3A_108, %add3A_1304 : i32
        %get3A_1306 = arith.index_cast %add3A_1305 : i32 to index
        %get3A_1307 = arith.constant 32 : index
        %get3A_1308 = tpu.vector_load %arg8[%get3A_1306, %get3A_1307] {strides = array<i32>} : memref<128x128xf32, #tpu.memory_space<vmem>>, vector<1x16xf32>,
        %get3A_1309 = vector.shape_cast %get3A_1308 : vector<1x16xf32> to vector<16xf32>
        %swap3A_1310 = arith.index_cast %squeeze3A_134 : i32 to index
        %swap3A_1311 = arith.constant 32 : index
        %swap3A_1312 = tpu.vector_load %arg9[%swap3A_1310, %swap3A_1311] {strides = array<i32>} : memref<512x128xf32, #tpu.memory_space<vmem>>, vector<1x16xf32>,
        %swap3A_1313 = vector.shape_cast %swap3A_1312 : vector<1x16xf32> to vector<16xf32>
        %swap3A_1314 = vector.shape_cast %get3A_1309 : vector<16xf32> to vector<1x16xf32>
        tpu.vector_store %arg9[%swap3A_1310, %swap3A_1311], %swap3A_1314 {add = true, strides = array<i32>} : memref<512x128xf32, #tpu.memory_space<vmem>>, vector<1x16xf32>,
        %add3A_1315 = arith.constant 13 : i32
        %add3A_1316 = arith.addi %mul3A_108, %add3A_1315 : i32
        %get3A_1317 = arith.index_cast %add3A_1316 : i32 to index
        %get3A_1318 = arith.constant 48 : index
        %get3A_1319 = tpu.vector_load %arg8[%get3A_1317, %get3A_1318] {strides = array<i32>} : memref<128x128xf32, #tpu.memory_space<vmem>>, vector<1x16xf32>,
        %get3A_1320 = vector.shape_cast %get3A_1319 : vector<1x16xf32> to vector<16xf32>
        %swap3A_1321 = arith.index_cast %squeeze3A_134 : i32 to index
        %swap3A_1322 = arith.constant 48 : index
        %swap3A_1323 = tpu.vector_load %arg9[%swap3A_1321, %swap3A_1322] {strides = array<i32>} : memref<512x128xf32, #tpu.memory_space<vmem>>, vector<1x16xf32>,
        %swap3A_1324 = vector.shape_cast %swap3A_1323 : vector<1x16xf32> to vector<16xf32>
        %swap3A_1325 = vector.shape_cast %get3A_1320 : vector<16xf32> to vector<1x16xf32>
        tpu.vector_store %arg9[%swap3A_1321, %swap3A_1322], %swap3A_1325 {add = true, strides = array<i32>} : memref<512x128xf32, #tpu.memory_space<vmem>>, vector<1x16xf32>,
        %add3A_1326 = arith.constant 13 : i32
        %add3A_1327 = arith.addi %mul3A_108, %add3A_1326 : i32
        %get3A_1328 = arith.index_cast %add3A_1327 : i32 to index
        %get3A_1329 = arith.constant 64 : index
        %get3A_1330 = tpu.vector_load %arg8[%get3A_1328, %get3A_1329] {strides = array<i32>} : memref<128x128xf32, #tpu.memory_space<vmem>>, vector<1x16xf32>,
        %get3A_1331 = vector.shape_cast %get3A_1330 : vector<1x16xf32> to vector<16xf32>
        %swap3A_1332 = arith.index_cast %squeeze3A_134 : i32 to index
        %swap3A_1333 = arith.constant 64 : index
        %swap3A_1334 = tpu.vector_load %arg9[%swap3A_1332, %swap3A_1333] {strides = array<i32>} : memref<512x128xf32, #tpu.memory_space<vmem>>, vector<1x16xf32>,
        %swap3A_1335 = vector.shape_cast %swap3A_1334 : vector<1x16xf32> to vector<16xf32>
        %swap3A_1336 = vector.shape_cast %get3A_1331 : vector<16xf32> to vector<1x16xf32>
        tpu.vector_store %arg9[%swap3A_1332, %swap3A_1333], %swap3A_1336 {add = true, strides = array<i32>} : memref<512x128xf32, #tpu.memory_space<vmem>>, vector<1x16xf32>,
        %add3A_1337 = arith.constant 13 : i32
        %add3A_1338 = arith.addi %mul3A_108, %add3A_1337 : i32
        %get3A_1339 = arith.index_cast %add3A_1338 : i32 to index
        %get3A_1340 = arith.constant 80 : index
        %get3A_1341 = tpu.vector_load %arg8[%get3A_1339, %get3A_1340] {strides = array<i32>} : memref<128x128xf32, #tpu.memory_space<vmem>>, vector<1x16xf32>,
        %get3A_1342 = vector.shape_cast %get3A_1341 : vector<1x16xf32> to vector<16xf32>
        %swap3A_1343 = arith.index_cast %squeeze3A_134 : i32 to index
        %swap3A_1344 = arith.constant 80 : index
        %swap3A_1345 = tpu.vector_load %arg9[%swap3A_1343, %swap3A_1344] {strides = array<i32>} : memref<512x128xf32, #tpu.memory_space<vmem>>, vector<1x16xf32>,
        %swap3A_1346 = vector.shape_cast %swap3A_1345 : vector<1x16xf32> to vector<16xf32>
        %swap3A_1347 = vector.shape_cast %get3A_1342 : vector<16xf32> to vector<1x16xf32>
        tpu.vector_store %arg9[%swap3A_1343, %swap3A_1344], %swap3A_1347 {add = true, strides = array<i32>} : memref<512x128xf32, #tpu.memory_space<vmem>>, vector<1x16xf32>,
        %add3A_1348 = arith.constant 13 : i32
        %add3A_1349 = arith.addi %mul3A_108, %add3A_1348 : i32
        %get3A_1350 = arith.index_cast %add3A_1349 : i32 to index
        %get3A_1351 = arith.constant 96 : index
        %get3A_1352 = tpu.vector_load %arg8[%get3A_1350, %get3A_1351] {strides = array<i32>} : memref<128x128xf32, #tpu.memory_space<vmem>>, vector<1x16xf32>,
        %get3A_1353 = vector.shape_cast %get3A_1352 : vector<1x16xf32> to vector<16xf32>
        %swap3A_1354 = arith.index_cast %squeeze3A_134 : i32 to index
        %swap3A_1355 = arith.constant 96 : index
        %swap3A_1356 = tpu.vector_load %arg9[%swap3A_1354, %swap3A_1355] {strides = array<i32>} : memref<512x128xf32, #tpu.memory_space<vmem>>, vector<1x16xf32>,
        %swap3A_1357 = vector.shape_cast %swap3A_1356 : vector<1x16xf32> to vector<16xf32>
        %swap3A_1358 = vector.shape_cast %get3A_1353 : vector<16xf32> to vector<1x16xf32>
        tpu.vector_store %arg9[%swap3A_1354, %swap3A_1355], %swap3A_1358 {add = true, strides = array<i32>} : memref<512x128xf32, #tpu.memory_space<vmem>>, vector<1x16xf32>,
        %add3A_1359 = arith.constant 13 : i32
        %add3A_1360 = arith.addi %mul3A_108, %add3A_1359 : i32
        %get3A_1361 = arith.index_cast %add3A_1360 : i32 to index
        %get3A_1362 = arith.constant 112 : index
        %get3A_1363 = tpu.vector_load %arg8[%get3A_1361, %get3A_1362] {strides = array<i32>} : memref<128x128xf32, #tpu.memory_space<vmem>>, vector<1x16xf32>,
        %get3A_1364 = vector.shape_cast %get3A_1363 : vector<1x16xf32> to vector<16xf32>
        %swap3A_1365 = arith.index_cast %squeeze3A_134 : i32 to index
        %swap3A_1366 = arith.constant 112 : index
        %swap3A_1367 = tpu.vector_load %arg9[%swap3A_1365, %swap3A_1366] {strides = array<i32>} : memref<512x128xf32, #tpu.memory_space<vmem>>, vector<1x16xf32>,
        %swap3A_1368 = vector.shape_cast %swap3A_1367 : vector<1x16xf32> to vector<16xf32>
        %swap3A_1369 = vector.shape_cast %get3A_1364 : vector<16xf32> to vector<1x16xf32>
        tpu.vector_store %arg9[%swap3A_1365, %swap3A_1366], %swap3A_1369 {add = true, strides = array<i32>} : memref<512x128xf32, #tpu.memory_space<vmem>>, vector<1x16xf32>,
        %add3A_1370 = arith.constant 14 : i32
        %add3A_1371 = arith.addi %mul3A_108, %add3A_1370 : i32
        %get3A_1372 = arith.index_cast %add3A_1371 : i32 to index
        %get3A_1373 = arith.constant 0 : index
        %get3A_1374 = tpu.vector_load %arg8[%get3A_1372, %get3A_1373] {strides = array<i32>} : memref<128x128xf32, #tpu.memory_space<vmem>>, vector<1x16xf32>,
        %get3A_1375 = vector.shape_cast %get3A_1374 : vector<1x16xf32> to vector<16xf32>
        %swap3A_1376 = arith.index_cast %squeeze3A_136 : i32 to index
        %swap3A_1377 = arith.constant 0 : index
        %swap3A_1378 = tpu.vector_load %arg9[%swap3A_1376, %swap3A_1377] {strides = array<i32>} : memref<512x128xf32, #tpu.memory_space<vmem>>, vector<1x16xf32>,
        %swap3A_1379 = vector.shape_cast %swap3A_1378 : vector<1x16xf32> to vector<16xf32>
        %swap3A_1380 = vector.shape_cast %get3A_1375 : vector<16xf32> to vector<1x16xf32>
        tpu.vector_store %arg9[%swap3A_1376, %swap3A_1377], %swap3A_1380 {add = true, strides = array<i32>} : memref<512x128xf32, #tpu.memory_space<vmem>>, vector<1x16xf32>,
        %add3A_1381 = arith.constant 14 : i32
        %add3A_1382 = arith.addi %mul3A_108, %add3A_1381 : i32
        %get3A_1383 = arith.index_cast %add3A_1382 : i32 to index
        %get3A_1384 = arith.constant 16 : index
        %get3A_1385 = tpu.vector_load %arg8[%get3A_1383, %get3A_1384] {strides = array<i32>} : memref<128x128xf32, #tpu.memory_space<vmem>>, vector<1x16xf32>,
        %get3A_1386 = vector.shape_cast %get3A_1385 : vector<1x16xf32> to vector<16xf32>
        %swap3A_1387 = arith.index_cast %squeeze3A_136 : i32 to index
        %swap3A_1388 = arith.constant 16 : index
        %swap3A_1389 = tpu.vector_load %arg9[%swap3A_1387, %swap3A_1388] {strides = array<i32>} : memref<512x128xf32, #tpu.memory_space<vmem>>, vector<1x16xf32>,
        %swap3A_1390 = vector.shape_cast %swap3A_1389 : vector<1x16xf32> to vector<16xf32>
        %swap3A_1391 = vector.shape_cast %get3A_1386 : vector<16xf32> to vector<1x16xf32>
        tpu.vector_store %arg9[%swap3A_1387, %swap3A_1388], %swap3A_1391 {add = true, strides = array<i32>} : memref<512x128xf32, #tpu.memory_space<vmem>>, vector<1x16xf32>,
        %add3A_1392 = arith.constant 14 : i32
        %add3A_1393 = arith.addi %mul3A_108, %add3A_1392 : i32
        %get3A_1394 = arith.index_cast %add3A_1393 : i32 to index
        %get3A_1395 = arith.constant 32 : index
        %get3A_1396 = tpu.vector_load %arg8[%get3A_1394, %get3A_1395] {strides = array<i32>} : memref<128x128xf32, #tpu.memory_space<vmem>>, vector<1x16xf32>,
        %get3A_1397 = vector.shape_cast %get3A_1396 : vector<1x16xf32> to vector<16xf32>
        %swap3A_1398 = arith.index_cast %squeeze3A_136 : i32 to index
        %swap3A_1399 = arith.constant 32 : index
        %swap3A_1400 = tpu.vector_load %arg9[%swap3A_1398, %swap3A_1399] {strides = array<i32>} : memref<512x128xf32, #tpu.memory_space<vmem>>, vector<1x16xf32>,
        %swap3A_1401 = vector.shape_cast %swap3A_1400 : vector<1x16xf32> to vector<16xf32>
        %swap3A_1402 = vector.shape_cast %get3A_1397 : vector<16xf32> to vector<1x16xf32>
        tpu.vector_store %arg9[%swap3A_1398, %swap3A_1399], %swap3A_1402 {add = true, strides = array<i32>} : memref<512x128xf32, #tpu.memory_space<vmem>>, vector<1x16xf32>,
        %add3A_1403 = arith.constant 14 : i32
        %add3A_1404 = arith.addi %mul3A_108, %add3A_1403 : i32
        %get3A_1405 = arith.index_cast %add3A_1404 : i32 to index
        %get3A_1406 = arith.constant 48 : index
        %get3A_1407 = tpu.vector_load %arg8[%get3A_1405, %get3A_1406] {strides = array<i32>} : memref<128x128xf32, #tpu.memory_space<vmem>>, vector<1x16xf32>,
        %get3A_1408 = vector.shape_cast %get3A_1407 : vector<1x16xf32> to vector<16xf32>
        %swap3A_1409 = arith.index_cast %squeeze3A_136 : i32 to index
        %swap3A_1410 = arith.constant 48 : index
        %swap3A_1411 = tpu.vector_load %arg9[%swap3A_1409, %swap3A_1410] {strides = array<i32>} : memref<512x128xf32, #tpu.memory_space<vmem>>, vector<1x16xf32>,
        %swap3A_1412 = vector.shape_cast %swap3A_1411 : vector<1x16xf32> to vector<16xf32>
        %swap3A_1413 = vector.shape_cast %get3A_1408 : vector<16xf32> to vector<1x16xf32>
        tpu.vector_store %arg9[%swap3A_1409, %swap3A_1410], %swap3A_1413 {add = true, strides = array<i32>} : memref<512x128xf32, #tpu.memory_space<vmem>>, vector<1x16xf32>,
        %add3A_1414 = arith.constant 14 : i32
        %add3A_1415 = arith.addi %mul3A_108, %add3A_1414 : i32
        %get3A_1416 = arith.index_cast %add3A_1415 : i32 to index
        %get3A_1417 = arith.constant 64 : index
        %get3A_1418 = tpu.vector_load %arg8[%get3A_1416, %get3A_1417] {strides = array<i32>} : memref<128x128xf32, #tpu.memory_space<vmem>>, vector<1x16xf32>,
        %get3A_1419 = vector.shape_cast %get3A_1418 : vector<1x16xf32> to vector<16xf32>
        %swap3A_1420 = arith.index_cast %squeeze3A_136 : i32 to index
        %swap3A_1421 = arith.constant 64 : index
        %swap3A_1422 = tpu.vector_load %arg9[%swap3A_1420, %swap3A_1421] {strides = array<i32>} : memref<512x128xf32, #tpu.memory_space<vmem>>, vector<1x16xf32>,
        %swap3A_1423 = vector.shape_cast %swap3A_1422 : vector<1x16xf32> to vector<16xf32>
        %swap3A_1424 = vector.shape_cast %get3A_1419 : vector<16xf32> to vector<1x16xf32>
        tpu.vector_store %arg9[%swap3A_1420, %swap3A_1421], %swap3A_1424 {add = true, strides = array<i32>} : memref<512x128xf32, #tpu.memory_space<vmem>>, vector<1x16xf32>,
        %add3A_1425 = arith.constant 14 : i32
        %add3A_1426 = arith.addi %mul3A_108, %add3A_1425 : i32
        %get3A_1427 = arith.index_cast %add3A_1426 : i32 to index
        %get3A_1428 = arith.constant 80 : index
        %get3A_1429 = tpu.vector_load %arg8[%get3A_1427, %get3A_1428] {strides = array<i32>} : memref<128x128xf32, #tpu.memory_space<vmem>>, vector<1x16xf32>,
        %get3A_1430 = vector.shape_cast %get3A_1429 : vector<1x16xf32> to vector<16xf32>
        %swap3A_1431 = arith.index_cast %squeeze3A_136 : i32 to index
        %swap3A_1432 = arith.constant 80 : index
        %swap3A_1433 = tpu.vector_load %arg9[%swap3A_1431, %swap3A_1432] {strides = array<i32>} : memref<512x128xf32, #tpu.memory_space<vmem>>, vector<1x16xf32>,
        %swap3A_1434 = vector.shape_cast %swap3A_1433 : vector<1x16xf32> to vector<16xf32>
        %swap3A_1435 = vector.shape_cast %get3A_1430 : vector<16xf32> to vector<1x16xf32>
        tpu.vector_store %arg9[%swap3A_1431, %swap3A_1432], %swap3A_1435 {add = true, strides = array<i32>} : memref<512x128xf32, #tpu.memory_space<vmem>>, vector<1x16xf32>,
        %add3A_1436 = arith.constant 14 : i32
        %add3A_1437 = arith.addi %mul3A_108, %add3A_1436 : i32
        %get3A_1438 = arith.index_cast %add3A_1437 : i32 to index
        %get3A_1439 = arith.constant 96 : index
        %get3A_1440 = tpu.vector_load %arg8[%get3A_1438, %get3A_1439] {strides = array<i32>} : memref<128x128xf32, #tpu.memory_space<vmem>>, vector<1x16xf32>,
        %get3A_1441 = vector.shape_cast %get3A_1440 : vector<1x16xf32> to vector<16xf32>
        %swap3A_1442 = arith.index_cast %squeeze3A_136 : i32 to index
        %swap3A_1443 = arith.constant 96 : index
        %swap3A_1444 = tpu.vector_load %arg9[%swap3A_1442, %swap3A_1443] {strides = array<i32>} : memref<512x128xf32, #tpu.memory_space<vmem>>, vector<1x16xf32>,
        %swap3A_1445 = vector.shape_cast %swap3A_1444 : vector<1x16xf32> to vector<16xf32>
        %swap3A_1446 = vector.shape_cast %get3A_1441 : vector<16xf32> to vector<1x16xf32>
        tpu.vector_store %arg9[%swap3A_1442, %swap3A_1443], %swap3A_1446 {add = true, strides = array<i32>} : memref<512x128xf32, #tpu.memory_space<vmem>>, vector<1x16xf32>,
        %add3A_1447 = arith.constant 14 : i32
        %add3A_1448 = arith.addi %mul3A_108, %add3A_1447 : i32
        %get3A_1449 = arith.index_cast %add3A_1448 : i32 to index
        %get3A_1450 = arith.constant 112 : index
        %get3A_1451 = tpu.vector_load %arg8[%get3A_1449, %get3A_1450] {strides = array<i32>} : memref<128x128xf32, #tpu.memory_space<vmem>>, vector<1x16xf32>,
        %get3A_1452 = vector.shape_cast %get3A_1451 : vector<1x16xf32> to vector<16xf32>
        %swap3A_1453 = arith.index_cast %squeeze3A_136 : i32 to index
        %swap3A_1454 = arith.constant 112 : index
        %swap3A_1455 = tpu.vector_load %arg9[%swap3A_1453, %swap3A_1454] {strides = array<i32>} : memref<512x128xf32, #tpu.memory_space<vmem>>, vector<1x16xf32>,
        %swap3A_1456 = vector.shape_cast %swap3A_1455 : vector<1x16xf32> to vector<16xf32>
        %swap3A_1457 = vector.shape_cast %get3A_1452 : vector<16xf32> to vector<1x16xf32>
        tpu.vector_store %arg9[%swap3A_1453, %swap3A_1454], %swap3A_1457 {add = true, strides = array<i32>} : memref<512x128xf32, #tpu.memory_space<vmem>>, vector<1x16xf32>,
        %add3A_1458 = arith.constant 15 : i32
        %add3A_1459 = arith.addi %mul3A_108, %add3A_1458 : i32
        %get3A_1460 = arith.index_cast %add3A_1459 : i32 to index
        %get3A_1461 = arith.constant 0 : index
        %get3A_1462 = tpu.vector_load %arg8[%get3A_1460, %get3A_1461] {strides = array<i32>} : memref<128x128xf32, #tpu.memory_space<vmem>>, vector<1x16xf32>,
        %get3A_1463 = vector.shape_cast %get3A_1462 : vector<1x16xf32> to vector<16xf32>
        %swap3A_1464 = arith.index_cast %squeeze3A_138 : i32 to index
        %swap3A_1465 = arith.constant 0 : index
        %swap3A_1466 = tpu.vector_load %arg9[%swap3A_1464, %swap3A_1465] {strides = array<i32>} : memref<512x128xf32, #tpu.memory_space<vmem>>, vector<1x16xf32>,
        %swap3A_1467 = vector.shape_cast %swap3A_1466 : vector<1x16xf32> to vector<16xf32>
        %swap3A_1468 = vector.shape_cast %get3A_1463 : vector<16xf32> to vector<1x16xf32>
        tpu.vector_store %arg9[%swap3A_1464, %swap3A_1465], %swap3A_1468 {add = true, strides = array<i32>} : memref<512x128xf32, #tpu.memory_space<vmem>>, vector<1x16xf32>,
        %add3A_1469 = arith.constant 15 : i32
        %add3A_1470 = arith.addi %mul3A_108, %add3A_1469 : i32
        %get3A_1471 = arith.index_cast %add3A_1470 : i32 to index
        %get3A_1472 = arith.constant 16 : index
        %get3A_1473 = tpu.vector_load %arg8[%get3A_1471, %get3A_1472] {strides = array<i32>} : memref<128x128xf32, #tpu.memory_space<vmem>>, vector<1x16xf32>,
        %get3A_1474 = vector.shape_cast %get3A_1473 : vector<1x16xf32> to vector<16xf32>
        %swap3A_1475 = arith.index_cast %squeeze3A_138 : i32 to index
        %swap3A_1476 = arith.constant 16 : index
        %swap3A_1477 = tpu.vector_load %arg9[%swap3A_1475, %swap3A_1476] {strides = array<i32>} : memref<512x128xf32, #tpu.memory_space<vmem>>, vector<1x16xf32>,
        %swap3A_1478 = vector.shape_cast %swap3A_1477 : vector<1x16xf32> to vector<16xf32>
        %swap3A_1479 = vector.shape_cast %get3A_1474 : vector<16xf32> to vector<1x16xf32>
        tpu.vector_store %arg9[%swap3A_1475, %swap3A_1476], %swap3A_1479 {add = true, strides = array<i32>} : memref<512x128xf32, #tpu.memory_space<vmem>>, vector<1x16xf32>,
        %add3A_1480 = arith.constant 15 : i32
        %add3A_1481 = arith.addi %mul3A_108, %add3A_1480 : i32
        %get3A_1482 = arith.index_cast %add3A_1481 : i32 to index
        %get3A_1483 = arith.constant 32 : index
        %get3A_1484 = tpu.vector_load %arg8[%get3A_1482, %get3A_1483] {strides = array<i32>} : memref<128x128xf32, #tpu.memory_space<vmem>>, vector<1x16xf32>,
        %get3A_1485 = vector.shape_cast %get3A_1484 : vector<1x16xf32> to vector<16xf32>
        %swap3A_1486 = arith.index_cast %squeeze3A_138 : i32 to index
        %swap3A_1487 = arith.constant 32 : index
        %swap3A_1488 = tpu.vector_load %arg9[%swap3A_1486, %swap3A_1487] {strides = array<i32>} : memref<512x128xf32, #tpu.memory_space<vmem>>, vector<1x16xf32>,
        %swap3A_1489 = vector.shape_cast %swap3A_1488 : vector<1x16xf32> to vector<16xf32>
        %swap3A_1490 = vector.shape_cast %get3A_1485 : vector<16xf32> to vector<1x16xf32>
        tpu.vector_store %arg9[%swap3A_1486, %swap3A_1487], %swap3A_1490 {add = true, strides = array<i32>} : memref<512x128xf32, #tpu.memory_space<vmem>>, vector<1x16xf32>,
        %add3A_1491 = arith.constant 15 : i32
        %add3A_1492 = arith.addi %mul3A_108, %add3A_1491 : i32
        %get3A_1493 = arith.index_cast %add3A_1492 : i32 to index
        %get3A_1494 = arith.constant 48 : index
        %get3A_1495 = tpu.vector_load %arg8[%get3A_1493, %get3A_1494] {strides = array<i32>} : memref<128x128xf32, #tpu.memory_space<vmem>>, vector<1x16xf32>,
        %get3A_1496 = vector.shape_cast %get3A_1495 : vector<1x16xf32> to vector<16xf32>
        %swap3A_1497 = arith.index_cast %squeeze3A_138 : i32 to index
        %swap3A_1498 = arith.constant 48 : index
        %swap3A_1499 = tpu.vector_load %arg9[%swap3A_1497, %swap3A_1498] {strides = array<i32>} : memref<512x128xf32, #tpu.memory_space<vmem>>, vector<1x16xf32>,
        %swap3A_1500 = vector.shape_cast %swap3A_1499 : vector<1x16xf32> to vector<16xf32>
        %swap3A_1501 = vector.shape_cast %get3A_1496 : vector<16xf32> to vector<1x16xf32>
        tpu.vector_store %arg9[%swap3A_1497, %swap3A_1498], %swap3A_1501 {add = true, strides = array<i32>} : memref<512x128xf32, #tpu.memory_space<vmem>>, vector<1x16xf32>,
        %add3A_1502 = arith.constant 15 : i32
        %add3A_1503 = arith.addi %mul3A_108, %add3A_1502 : i32
        %get3A_1504 = arith.index_cast %add3A_1503 : i32 to index
        %get3A_1505 = arith.constant 64 : index
        %get3A_1506 = tpu.vector_load %arg8[%get3A_1504, %get3A_1505] {strides = array<i32>} : memref<128x128xf32, #tpu.memory_space<vmem>>, vector<1x16xf32>,
        %get3A_1507 = vector.shape_cast %get3A_1506 : vector<1x16xf32> to vector<16xf32>
        %swap3A_1508 = arith.index_cast %squeeze3A_138 : i32 to index
        %swap3A_1509 = arith.constant 64 : index
        %swap3A_1510 = tpu.vector_load %arg9[%swap3A_1508, %swap3A_1509] {strides = array<i32>} : memref<512x128xf32, #tpu.memory_space<vmem>>, vector<1x16xf32>,
        %swap3A_1511 = vector.shape_cast %swap3A_1510 : vector<1x16xf32> to vector<16xf32>
        %swap3A_1512 = vector.shape_cast %get3A_1507 : vector<16xf32> to vector<1x16xf32>
        tpu.vector_store %arg9[%swap3A_1508, %swap3A_1509], %swap3A_1512 {add = true, strides = array<i32>} : memref<512x128xf32, #tpu.memory_space<vmem>>, vector<1x16xf32>,
        %add3A_1513 = arith.constant 15 : i32
        %add3A_1514 = arith.addi %mul3A_108, %add3A_1513 : i32
        %get3A_1515 = arith.index_cast %add3A_1514 : i32 to index
        %get3A_1516 = arith.constant 80 : index
        %get3A_1517 = tpu.vector_load %arg8[%get3A_1515, %get3A_1516] {strides = array<i32>} : memref<128x128xf32, #tpu.memory_space<vmem>>, vector<1x16xf32>,
        %get3A_1518 = vector.shape_cast %get3A_1517 : vector<1x16xf32> to vector<16xf32>
        %swap3A_1519 = arith.index_cast %squeeze3A_138 : i32 to index
        %swap3A_1520 = arith.constant 80 : index
        %swap3A_1521 = tpu.vector_load %arg9[%swap3A_1519, %swap3A_1520] {strides = array<i32>} : memref<512x128xf32, #tpu.memory_space<vmem>>, vector<1x16xf32>,
        %swap3A_1522 = vector.shape_cast %swap3A_1521 : vector<1x16xf32> to vector<16xf32>
        %swap3A_1523 = vector.shape_cast %get3A_1518 : vector<16xf32> to vector<1x16xf32>
        tpu.vector_store %arg9[%swap3A_1519, %swap3A_1520], %swap3A_1523 {add = true, strides = array<i32>} : memref<512x128xf32, #tpu.memory_space<vmem>>, vector<1x16xf32>,
        %add3A_1524 = arith.constant 15 : i32
        %add3A_1525 = arith.addi %mul3A_108, %add3A_1524 : i32
        %get3A_1526 = arith.index_cast %add3A_1525 : i32 to index
        %get3A_1527 = arith.constant 96 : index
        %get3A_1528 = tpu.vector_load %arg8[%get3A_1526, %get3A_1527] {strides = array<i32>} : memref<128x128xf32, #tpu.memory_space<vmem>>, vector<1x16xf32>,
        %get3A_1529 = vector.shape_cast %get3A_1528 : vector<1x16xf32> to vector<16xf32>
        %swap3A_1530 = arith.index_cast %squeeze3A_138 : i32 to index
        %swap3A_1531 = arith.constant 96 : index
        %swap3A_1532 = tpu.vector_load %arg9[%swap3A_1530, %swap3A_1531] {strides = array<i32>} : memref<512x128xf32, #tpu.memory_space<vmem>>, vector<1x16xf32>,
        %swap3A_1533 = vector.shape_cast %swap3A_1532 : vector<1x16xf32> to vector<16xf32>
        %swap3A_1534 = vector.shape_cast %get3A_1529 : vector<16xf32> to vector<1x16xf32>
        tpu.vector_store %arg9[%swap3A_1530, %swap3A_1531], %swap3A_1534 {add = true, strides = array<i32>} : memref<512x128xf32, #tpu.memory_space<vmem>>, vector<1x16xf32>,
        %add3A_1535 = arith.constant 15 : i32
        %add3A_1536 = arith.addi %mul3A_108, %add3A_1535 : i32
        %get3A_1537 = arith.index_cast %add3A_1536 : i32 to index
        %get3A_1538 = arith.constant 112 : index
        %get3A_1539 = tpu.vector_load %arg8[%get3A_1537, %get3A_1538] {strides = array<i32>} : memref<128x128xf32, #tpu.memory_space<vmem>>, vector<1x16xf32>,
        %get3A_1540 = vector.shape_cast %get3A_1539 : vector<1x16xf32> to vector<16xf32>
        %swap3A_1541 = arith.index_cast %squeeze3A_138 : i32 to index
        %swap3A_1542 = arith.constant 112 : index
        %swap3A_1543 = tpu.vector_load %arg9[%swap3A_1541, %swap3A_1542] {strides = array<i32>} : memref<512x128xf32, #tpu.memory_space<vmem>>, vector<1x16xf32>,
        %swap3A_1544 = vector.shape_cast %swap3A_1543 : vector<1x16xf32> to vector<16xf32>
        %swap3A_1545 = vector.shape_cast %get3A_1540 : vector<16xf32> to vector<1x16xf32>
        tpu.vector_store %arg9[%swap3A_1541, %swap3A_1542], %swap3A_1545 {add = true, strides = array<i32>} : memref<512x128xf32, #tpu.memory_space<vmem>>, vector<1x16xf32>,
      }
      %scan3A_101 = arith.constant 8 : i32
    }
    %scan3A_51 = arith.constant 16 : i32
    "tpu.region"() ({
      %run_scoped3A = tpu.sem_alloc : memref<!tpu.dma_semaphore, #tpu.memory_space<semaphore_mem>>
      %dma_start3A_52 = arith.constant 0 : i32
      %dma_start3A_53 = tpu.memref_slice %arg4[%select_n3A_30, %dma_start3A_52, %mul3A_32] : memref<8x512x512xf32, #tpu.memory_space<hbm>> -> memref<1x512x128xf32, #tpu.memory_space<hbm>>
      %dma_start3A_54 = tpu.memref_squeeze %dma_start3A_53 : memref<1x512x128xf32, #tpu.memory_space<hbm>> -> memref<512x128xf32, #tpu.memory_space<hbm>>
      %dma_start3A_55 = arith.constant 0 : i32
      %dma_start3A_56 = tpu.memref_slice %arg4[%select_n3A_30, %dma_start3A_55, %mul3A_32] : memref<8x512x512xf32, #tpu.memory_space<hbm>> -> memref<1x512x128xf32, #tpu.memory_space<hbm>>
      %dma_start3A_57 = tpu.memref_squeeze %dma_start3A_56 : memref<1x512x128xf32, #tpu.memory_space<hbm>> -> memref<512x128xf32, #tpu.memory_space<hbm>>
      tpu.enqueue_dma source(%arg9 : memref<512x128xf32, #tpu.memory_space<vmem>>) target(%dma_start3A_57 : memref<512x128xf32, #tpu.memory_space<hbm>>) target_semaphore(%run_scoped3A : memref<!tpu.dma_semaphore, #tpu.memory_space<semaphore_mem>>)
      %dma_wait3A = arith.constant 0 : i32
      %dma_wait3A_58 = tpu.memref_slice %arg4[%select_n3A_30, %dma_wait3A, %mul3A_32] : memref<8x512x512xf32, #tpu.memory_space<hbm>> -> memref<1x512x128xf32, #tpu.memory_space<hbm>>
      %dma_wait3A_59 = tpu.memref_squeeze %dma_wait3A_58 : memref<1x512x128xf32, #tpu.memory_space<hbm>> -> memref<512x128xf32, #tpu.memory_space<hbm>>
      %dma_wait3A_60 = arith.constant 0 : i32
      %dma_wait3A_61 = tpu.memref_slice %arg4[%select_n3A_30, %dma_wait3A_60, %mul3A_32] : memref<8x512x512xf32, #tpu.memory_space<hbm>> -> memref<1x512x128xf32, #tpu.memory_space<hbm>>
      %dma_wait3A_62 = tpu.memref_squeeze %dma_wait3A_61 : memref<1x512x128xf32, #tpu.memory_space<hbm>> -> memref<512x128xf32, #tpu.memory_space<hbm>>
      tpu.wait_dma2 semaphore(%run_scoped3A : memref<!tpu.dma_semaphore, #tpu.memory_space<semaphore_mem>>) src(%arg9 : memref<512x128xf32, #tpu.memory_space<vmem>>) dst(%dma_wait3A_62 : memref<512x128xf32, #tpu.memory_space<hbm>>)
      tpu.yield
    }) : () -> ()
    return
  }
}

module attributes {stable_mosaic.version = 14 : i64} {
  func.func @_embed_body(%arg0: i32, %arg1: memref<2048x128xf32, #tpu.memory_space<vmem>>, %arg2: memref<128x256xf32, #tpu.memory_space<vmem>>, %arg3: memref<1x256xf32, #tpu.memory_space<vmem>>, %arg4: memref<1x256xf32, #tpu.memory_space<vmem>>, %arg5: memref<256x512xf32, #tpu.memory_space<vmem>>, %arg6: memref<1x512xf32, #tpu.memory_space<vmem>>, %arg7: memref<1x512xf32, #tpu.memory_space<vmem>>, %arg8: memref<2048x512xf32, #tpu.memory_space<vmem>>) attributes {dimension_semantics = [#tpu.dimension_semantics<arbitrary>], iteration_bounds = array<i64: 16>, scalar_prefetch = 0 : i64, scratch_operands = 0 : i64, tpu.core_type = #tpu.core_type<tc>, window_params = [{transform_indices = @transform_0, window_bounds = array<i64: 2048, 128>}, {pipeline_mode = #tpu.pipeline_mode<synchronous>, transform_indices = @transform_1, window_bounds = array<i64: 128, 256>}, {pipeline_mode = #tpu.pipeline_mode<synchronous>, transform_indices = @transform_2, window_bounds = array<i64: 1, 256>}, {pipeline_mode = #tpu.pipeline_mode<synchronous>, transform_indices = @transform_3, window_bounds = array<i64: 1, 256>}, {pipeline_mode = #tpu.pipeline_mode<synchronous>, transform_indices = @transform_4, window_bounds = array<i64: 256, 512>}, {pipeline_mode = #tpu.pipeline_mode<synchronous>, transform_indices = @transform_5, window_bounds = array<i64: 1, 512>}, {pipeline_mode = #tpu.pipeline_mode<synchronous>, transform_indices = @transform_6, window_bounds = array<i64: 1, 512>}, {transform_indices = @transform_7, window_bounds = array<i64: 2048, 512>}]} {
    %get3A = arith.constant 0 : index
    %get3A_0 = arith.constant 0 : index
    %get3A_1 = vector.load %arg1[%get3A, %get3A_0] : memref<2048x128xf32, #tpu.memory_space<vmem>>, vector<2048x128xf32>
    %get3A_2 = arith.constant 0 : index
    %get3A_3 = arith.constant 0 : index
    %get3A_4 = vector.load %arg2[%get3A_2, %get3A_3] : memref<128x256xf32, #tpu.memory_space<vmem>>, vector<128x256xf32>
    %dot_general3A = arith.constant dense<0.000000e+00> : vector<2048x256xf32>
    %dot_general3A_5 = tpu.matmul %get3A_1, %get3A_4, %dot_general3A {dimension_numbers = #tpu.dot_dimension_numbers<[1], [0], [0], [1], [0, 0, 1, 1], [], []>, transpose_lhs_hint = false} : vector<2048x128xf32>, vector<128x256xf32>, vector<2048x256xf32> -> vector<2048x256xf32>
    %ge3A = arith.constant 0.000000e+00 : f32
    %ge3A_6 = vector.broadcast %ge3A : f32 to vector<2048x256xf32>
    %ge3A_7 = arith.cmpf oge, %dot_general3A_5, %ge3A_6 : vector<2048x256xf32>
    %mul3A = arith.constant 1.000000e-01 : f32
    %mul3A_8 = vector.broadcast %mul3A : f32 to vector<2048x256xf32>
    %mul3A_9 = arith.mulf %mul3A_8, %dot_general3A_5 : vector<2048x256xf32>
    %select_n3A = arith.select %ge3A_7, %dot_general3A_5, %mul3A_9 : vector<2048x256xi1>, vector<2048x256xf32>
    %reduce_sum3A = arith.constant dense<0.000000e+00> : vector<2048xf32>
    %reduce_sum3A_10 = vector.multi_reduction <add>, %select_n3A, %reduce_sum3A [1] : vector<2048x256xf32> to vector<2048xf32>
    %broadcast_in_dim3A = vector.shape_cast %reduce_sum3A_10 : vector<2048xf32> to vector<2048x1xf32>
    %div3A = arith.constant 2.560000e+02 : f32
    %div3A_11 = vector.broadcast %div3A : f32 to vector<2048x1xf32>
    %div3A_12 = arith.divf %broadcast_in_dim3A, %div3A_11 : vector<2048x1xf32>
    %sub3A = vector.broadcast %div3A_12 : vector<2048x1xf32> to vector<2048x256xf32>
    %sub3A_13 = arith.subf %select_n3A, %sub3A : vector<2048x256xf32>
    %integer_pow3A = arith.mulf %sub3A_13, %sub3A_13 : vector<2048x256xf32>
    %reduce_sum3A_14 = arith.constant dense<0.000000e+00> : vector<2048xf32>
    %reduce_sum3A_15 = vector.multi_reduction <add>, %integer_pow3A, %reduce_sum3A_14 [1] : vector<2048x256xf32> to vector<2048xf32>
    %broadcast_in_dim3A_16 = vector.shape_cast %reduce_sum3A_15 : vector<2048xf32> to vector<2048x1xf32>
    %div3A_17 = arith.constant 2.560000e+02 : f32
    %div3A_18 = vector.broadcast %div3A_17 : f32 to vector<2048x1xf32>
    %div3A_19 = arith.divf %broadcast_in_dim3A_16, %div3A_18 : vector<2048x1xf32>
    %sub3A_20 = vector.broadcast %div3A_12 : vector<2048x1xf32> to vector<2048x256xf32>
    %sub3A_21 = arith.subf %select_n3A, %sub3A_20 : vector<2048x256xf32>
    %add3A = arith.constant 9.99999974E-6 : f32
    %add3A_22 = vector.broadcast %add3A : f32 to vector<2048x1xf32>
    %add3A_23 = arith.addf %div3A_19, %add3A_22 : vector<2048x1xf32>
    %sqrt3A = math.sqrt %add3A_23 : vector<2048x1xf32>
    %div3A_24 = vector.broadcast %sqrt3A : vector<2048x1xf32> to vector<2048x256xf32>
    %div3A_25 = arith.divf %sub3A_21, %div3A_24 : vector<2048x256xf32>
    %get3A_26 = arith.constant 0 : index
    %get3A_27 = arith.constant 0 : index
    %get3A_28 = vector.load %arg3[%get3A_26, %get3A_27] : memref<1x256xf32, #tpu.memory_space<vmem>>, vector<1x256xf32>
    %mul3A_29 = vector.broadcast %get3A_28 : vector<1x256xf32> to vector<2048x256xf32>
    %mul3A_30 = arith.mulf %div3A_25, %mul3A_29 : vector<2048x256xf32>
    %get3A_31 = arith.constant 0 : index
    %get3A_32 = arith.constant 0 : index
    %get3A_33 = vector.load %arg4[%get3A_31, %get3A_32] : memref<1x256xf32, #tpu.memory_space<vmem>>, vector<1x256xf32>
    %add3A_34 = vector.broadcast %get3A_33 : vector<1x256xf32> to vector<2048x256xf32>
    %add3A_35 = arith.addf %mul3A_30, %add3A_34 : vector<2048x256xf32>
    %get3A_36 = arith.constant 0 : index
    %get3A_37 = arith.constant 0 : index
    %get3A_38 = vector.load %arg5[%get3A_36, %get3A_37] : memref<256x512xf32, #tpu.memory_space<vmem>>, vector<256x512xf32>
    %dot_general3A_39 = arith.constant dense<0.000000e+00> : vector<2048x512xf32>
    %dot_general3A_40 = tpu.matmul %add3A_35, %get3A_38, %dot_general3A_39 {dimension_numbers = #tpu.dot_dimension_numbers<[1], [0], [0], [1], [0, 0, 1, 1], [], []>, transpose_lhs_hint = false} : vector<2048x256xf32>, vector<256x512xf32>, vector<2048x512xf32> -> vector<2048x512xf32>
    %ge3A_41 = arith.constant 0.000000e+00 : f32
    %ge3A_42 = vector.broadcast %ge3A_41 : f32 to vector<2048x512xf32>
    %ge3A_43 = arith.cmpf oge, %dot_general3A_40, %ge3A_42 : vector<2048x512xf32>
    %mul3A_44 = arith.constant 1.000000e-01 : f32
    %mul3A_45 = vector.broadcast %mul3A_44 : f32 to vector<2048x512xf32>
    %mul3A_46 = arith.mulf %mul3A_45, %dot_general3A_40 : vector<2048x512xf32>
    %select_n3A_47 = arith.select %ge3A_43, %dot_general3A_40, %mul3A_46 : vector<2048x512xi1>, vector<2048x512xf32>
    %reduce_sum3A_48 = arith.constant dense<0.000000e+00> : vector<2048xf32>
    %reduce_sum3A_49 = vector.multi_reduction <add>, %select_n3A_47, %reduce_sum3A_48 [1] : vector<2048x512xf32> to vector<2048xf32>
    %broadcast_in_dim3A_50 = vector.shape_cast %reduce_sum3A_49 : vector<2048xf32> to vector<2048x1xf32>
    %div3A_51 = arith.constant 5.120000e+02 : f32
    %div3A_52 = vector.broadcast %div3A_51 : f32 to vector<2048x1xf32>
    %div3A_53 = arith.divf %broadcast_in_dim3A_50, %div3A_52 : vector<2048x1xf32>
    %sub3A_54 = vector.broadcast %div3A_53 : vector<2048x1xf32> to vector<2048x512xf32>
    %sub3A_55 = arith.subf %select_n3A_47, %sub3A_54 : vector<2048x512xf32>
    %integer_pow3A_56 = arith.mulf %sub3A_55, %sub3A_55 : vector<2048x512xf32>
    %reduce_sum3A_57 = arith.constant dense<0.000000e+00> : vector<2048xf32>
    %reduce_sum3A_58 = vector.multi_reduction <add>, %integer_pow3A_56, %reduce_sum3A_57 [1] : vector<2048x512xf32> to vector<2048xf32>
    %broadcast_in_dim3A_59 = vector.shape_cast %reduce_sum3A_58 : vector<2048xf32> to vector<2048x1xf32>
    %div3A_60 = arith.constant 5.120000e+02 : f32
    %div3A_61 = vector.broadcast %div3A_60 : f32 to vector<2048x1xf32>
    %div3A_62 = arith.divf %broadcast_in_dim3A_59, %div3A_61 : vector<2048x1xf32>
    %sub3A_63 = vector.broadcast %div3A_53 : vector<2048x1xf32> to vector<2048x512xf32>
    %sub3A_64 = arith.subf %select_n3A_47, %sub3A_63 : vector<2048x512xf32>
    %add3A_65 = arith.constant 9.99999974E-6 : f32
    %add3A_66 = vector.broadcast %add3A_65 : f32 to vector<2048x1xf32>
    %add3A_67 = arith.addf %div3A_62, %add3A_66 : vector<2048x1xf32>
    %sqrt3A_68 = math.sqrt %add3A_67 : vector<2048x1xf32>
    %div3A_69 = vector.broadcast %sqrt3A_68 : vector<2048x1xf32> to vector<2048x512xf32>
    %div3A_70 = arith.divf %sub3A_64, %div3A_69 : vector<2048x512xf32>
    %get3A_71 = arith.constant 0 : index
    %get3A_72 = arith.constant 0 : index
    %get3A_73 = vector.load %arg6[%get3A_71, %get3A_72] : memref<1x512xf32, #tpu.memory_space<vmem>>, vector<1x512xf32>
    %mul3A_74 = vector.broadcast %get3A_73 : vector<1x512xf32> to vector<2048x512xf32>
    %mul3A_75 = arith.mulf %div3A_70, %mul3A_74 : vector<2048x512xf32>
    %get3A_76 = arith.constant 0 : index
    %get3A_77 = arith.constant 0 : index
    %get3A_78 = vector.load %arg7[%get3A_76, %get3A_77] : memref<1x512xf32, #tpu.memory_space<vmem>>, vector<1x512xf32>
    %add3A_79 = vector.broadcast %get3A_78 : vector<1x512xf32> to vector<2048x512xf32>
    %add3A_80 = arith.addf %mul3A_75, %add3A_79 : vector<2048x512xf32>
    %swap3A = arith.constant 0 : index
    %swap3A_81 = arith.constant 0 : index
    %swap3A_82 = vector.load %arg8[%swap3A, %swap3A_81] : memref<2048x512xf32, #tpu.memory_space<vmem>>, vector<2048x512xf32>
    tpu.vector_store %arg8[%swap3A, %swap3A_81], %add3A_80 {strides = array<i32>} : memref<2048x512xf32, #tpu.memory_space<vmem>>, vector<2048x512xf32>,
    return
  }
  func.func @transform_0(%arg0: i32) -> (i32, i32) {
    %c0_i32 = arith.constant 0 : i32
    %c0_i32_0 = arith.constant 0 : i32
    return %arg0, %c0_i32 : i32, i32
  }
  func.func @transform_1(%arg0: i32) -> (i32, i32) {
    %c0_i32 = arith.constant 0 : i32
    %c0_i32_0 = arith.constant 0 : i32
    %c0_i32_1 = arith.constant 0 : i32
    return %c0_i32, %c0_i32_0 : i32, i32
  }
  func.func @transform_2(%arg0: i32) -> (i32, i32) {
    %c0_i32 = arith.constant 0 : i32
    %c0_i32_0 = arith.constant 0 : i32
    %c0_i32_1 = arith.constant 0 : i32
    return %c0_i32, %c0_i32_0 : i32, i32
  }
  func.func @transform_3(%arg0: i32) -> (i32, i32) {
    %c0_i32 = arith.constant 0 : i32
    %c0_i32_0 = arith.constant 0 : i32
    %c0_i32_1 = arith.constant 0 : i32
    return %c0_i32, %c0_i32_0 : i32, i32
  }
  func.func @transform_4(%arg0: i32) -> (i32, i32) {
    %c0_i32 = arith.constant 0 : i32
    %c0_i32_0 = arith.constant 0 : i32
    %c0_i32_1 = arith.constant 0 : i32
    return %c0_i32, %c0_i32_0 : i32, i32
  }
  func.func @transform_5(%arg0: i32) -> (i32, i32) {
    %c0_i32 = arith.constant 0 : i32
    %c0_i32_0 = arith.constant 0 : i32
    %c0_i32_1 = arith.constant 0 : i32
    return %c0_i32, %c0_i32_0 : i32, i32
  }
  func.func @transform_6(%arg0: i32) -> (i32, i32) {
    %c0_i32 = arith.constant 0 : i32
    %c0_i32_0 = arith.constant 0 : i32
    %c0_i32_1 = arith.constant 0 : i32
    return %c0_i32, %c0_i32_0 : i32, i32
  }
  func.func @transform_7(%arg0: i32) -> (i32, i32) {
    %c0_i32 = arith.constant 0 : i32
    %c0_i32_0 = arith.constant 0 : i32
    return %arg0, %c0_i32 : i32, i32
  }
}

module attributes {stable_mosaic.version = 14 : i64} {
  func.func @_lstm_body(%arg0: i32, %arg1: memref<8x512x512xf32, #tpu.memory_space<vmem>>, %arg2: memref<512x2048xf32, #tpu.memory_space<vmem>>, %arg3: memref<512x2048xf32, #tpu.memory_space<vmem>>, %arg4: memref<1x2048xf32, #tpu.memory_space<vmem>>, %arg5: memref<1x16x512xf32, #tpu.memory_space<vmem>>, %arg6: memref<512x2048xf32, #tpu.memory_space<vmem>>, %arg7: memref<16x512xf32, #tpu.memory_space<vmem>>, %arg8: memref<16x512xf32, #tpu.memory_space<vmem>>) attributes {dimension_semantics = [#tpu.dimension_semantics<arbitrary>], iteration_bounds = array<i64: 32>, scalar_prefetch = 0 : i64, scratch_operands = 3 : i64, tpu.core_type = #tpu.core_type<tc>, window_params = [{pipeline_mode = #tpu.pipeline_mode<synchronous>, transform_indices = @transform_0, window_bounds = array<i64: 8, 512, 512>}, {pipeline_mode = #tpu.pipeline_mode<synchronous>, transform_indices = @transform_1, window_bounds = array<i64: 512, 2048>}, {pipeline_mode = #tpu.pipeline_mode<synchronous>, transform_indices = @transform_2, window_bounds = array<i64: 512, 2048>}, {pipeline_mode = #tpu.pipeline_mode<synchronous>, transform_indices = @transform_3, window_bounds = array<i64: 1, 2048>}, {transform_indices = @transform_4, window_bounds = array<i64: 1, 16, 512>}]} {
    %eq3A = arith.constant 0 : i32
    %eq3A_0 = arith.cmpi eq, %arg0, %eq3A : i32
    %convert_element_type3A = arith.extui %eq3A_0 : i1 to i32
    %cond3A = arith.constant 0 : i32
    %cond3A_1 = arith.cmpi ne, %convert_element_type3A, %cond3A : i32
    scf.if %cond3A_1 {
      %get3A_54 = arith.constant 0 : index
      %get3A_55 = arith.constant 0 : index
      %get3A_56 = arith.constant 0 : index
      %get3A_57 = vector.load %arg1[%get3A_54, %get3A_55, %get3A_56] : memref<8x512x512xf32, #tpu.memory_space<vmem>>, vector<8x512x512xf32>
      %reduce_sum3A = arith.constant dense<0.000000e+00> : vector<512x512xf32>
      %reduce_sum3A_58 = vector.multi_reduction <add>, %get3A_57, %reduce_sum3A [0] : vector<8x512x512xf32> to vector<512x512xf32>
      %get3A_59 = arith.constant 0 : index
      %get3A_60 = arith.constant 0 : index
      %get3A_61 = vector.load %arg2[%get3A_59, %get3A_60] : memref<512x2048xf32, #tpu.memory_space<vmem>>, vector<512x2048xf32>
      %dot_general3A_62 = arith.constant dense<0.000000e+00> : vector<512x2048xf32>
      %dot_general3A_63 = tpu.matmul %reduce_sum3A_58, %get3A_61, %dot_general3A_62 {dimension_numbers = #tpu.dot_dimension_numbers<[1], [0], [0], [1], [0, 0, 1, 1], [], []>, precision = #tpu.contract_precision<fp32>, transpose_lhs_hint = false} : vector<512x512xf32>, vector<512x2048xf32>, vector<512x2048xf32> -> vector<512x2048xf32>
      %swap3A_64 = arith.constant 0 : index
      %swap3A_65 = arith.constant 0 : index
      %swap3A_66 = vector.load %arg6[%swap3A_64, %swap3A_65] : memref<512x2048xf32, #tpu.memory_space<vmem>>, vector<512x2048xf32>
      tpu.vector_store %arg6[%swap3A_64, %swap3A_65], %dot_general3A_63 {strides = array<i32>} : memref<512x2048xf32, #tpu.memory_space<vmem>>, vector<512x2048xf32>,
      %broadcast_in_dim3A_67 = arith.constant 0.000000e+00 : f32
      %broadcast_in_dim3A_68 = vector.broadcast %broadcast_in_dim3A_67 : f32 to vector<16x512xf32>
      %swap3A_69 = arith.constant 0 : index
      %swap3A_70 = arith.constant 0 : index
      %swap3A_71 = vector.load %arg7[%swap3A_69, %swap3A_70] : memref<16x512xf32, #tpu.memory_space<vmem>>, vector<16x512xf32>
      tpu.vector_store %arg7[%swap3A_69, %swap3A_70], %broadcast_in_dim3A_68 {strides = array<i32>} : memref<16x512xf32, #tpu.memory_space<vmem>>, vector<16x512xf32>,
      %broadcast_in_dim3A_72 = arith.constant 0.000000e+00 : f32
      %broadcast_in_dim3A_73 = vector.broadcast %broadcast_in_dim3A_72 : f32 to vector<16x512xf32>
      %swap3A_74 = arith.constant 0 : index
      %swap3A_75 = arith.constant 0 : index
      %swap3A_76 = vector.load %arg8[%swap3A_74, %swap3A_75] : memref<16x512xf32, #tpu.memory_space<vmem>>, vector<16x512xf32>
      tpu.vector_store %arg8[%swap3A_74, %swap3A_75], %broadcast_in_dim3A_73 {strides = array<i32>} : memref<16x512xf32, #tpu.memory_space<vmem>>, vector<16x512xf32>,
    } else {
    }
    %get3A = arith.constant 0 : index
    %get3A_2 = arith.constant 0 : index
    %get3A_3 = vector.load %arg7[%get3A, %get3A_2] : memref<16x512xf32, #tpu.memory_space<vmem>>, vector<16x512xf32>
    %mul3A = arith.constant 16 : i32
    %mul3A_4 = arith.muli %arg0, %mul3A : i32
    %get3A_5 = arith.index_cast %mul3A_4 : i32 to index
    %get3A_6 = arith.constant 0 : index
    %get3A_7 = vector.load %arg6[%get3A_5, %get3A_6] : memref<512x2048xf32, #tpu.memory_space<vmem>>, vector<16x2048xf32>
    %get3A_8 = arith.constant 0 : index
    %get3A_9 = arith.constant 0 : index
    %get3A_10 = vector.load %arg3[%get3A_8, %get3A_9] : memref<512x2048xf32, #tpu.memory_space<vmem>>, vector<512x2048xf32>
    %dot_general3A = arith.constant dense<0.000000e+00> : vector<16x2048xf32>
    %dot_general3A_11 = tpu.matmul %get3A_3, %get3A_10, %dot_general3A {dimension_numbers = #tpu.dot_dimension_numbers<[1], [0], [0], [1], [0, 0, 1, 1], [], []>, precision = #tpu.contract_precision<fp32>, transpose_lhs_hint = false} : vector<16x512xf32>, vector<512x2048xf32>, vector<16x2048xf32> -> vector<16x2048xf32>
    %add3A = arith.addf %get3A_7, %dot_general3A_11 : vector<16x2048xf32>
    %get3A_12 = arith.constant 0 : index
    %get3A_13 = arith.constant 0 : index
    %get3A_14 = vector.load %arg4[%get3A_12, %get3A_13] : memref<1x2048xf32, #tpu.memory_space<vmem>>, vector<1x2048xf32>
    %add3A_15 = vector.broadcast %get3A_14 : vector<1x2048xf32> to vector<16x2048xf32>
    %add3A_16 = arith.addf %add3A, %add3A_15 : vector<16x2048xf32>
    %slice3A = vector.extract_strided_slice %add3A_16 {offsets = [0, 0], sizes = [16, 512], strides = [1, 1]} : vector<16x2048xf32> to vector<16x512xf32>
    %logistic3A = arith.negf %slice3A : vector<16x512xf32>
    %logistic3A_17 = math.exp %logistic3A : vector<16x512xf32>
    %logistic3A_18 = arith.constant 1.000000e+00 : f32
    %logistic3A_19 = vector.broadcast %logistic3A_18 : f32 to vector<16x512xf32>
    %logistic3A_20 = arith.addf %logistic3A_19, %logistic3A_17 : vector<16x512xf32>
    %logistic3A_21 = arith.divf %logistic3A_19, %logistic3A_20 : vector<16x512xf32>
    %slice3A_22 = vector.extract_strided_slice %add3A_16 {offsets = [0, 512], sizes = [16, 512], strides = [1, 1]} : vector<16x2048xf32> to vector<16x512xf32>
    %logistic3A_23 = arith.negf %slice3A_22 : vector<16x512xf32>
    %logistic3A_24 = math.exp %logistic3A_23 : vector<16x512xf32>
    %logistic3A_25 = arith.constant 1.000000e+00 : f32
    %logistic3A_26 = vector.broadcast %logistic3A_25 : f32 to vector<16x512xf32>
    %logistic3A_27 = arith.addf %logistic3A_26, %logistic3A_24 : vector<16x512xf32>
    %logistic3A_28 = arith.divf %logistic3A_26, %logistic3A_27 : vector<16x512xf32>
    %slice3A_29 = vector.extract_strided_slice %add3A_16 {offsets = [0, 1024], sizes = [16, 512], strides = [1, 1]} : vector<16x2048xf32> to vector<16x512xf32>
    %tanh3A = math.tanh %slice3A_29 : vector<16x512xf32>
    %slice3A_30 = vector.extract_strided_slice %add3A_16 {offsets = [0, 1536], sizes = [16, 512], strides = [1, 1]} : vector<16x2048xf32> to vector<16x512xf32>
    %logistic3A_31 = arith.negf %slice3A_30 : vector<16x512xf32>
    %logistic3A_32 = math.exp %logistic3A_31 : vector<16x512xf32>
    %logistic3A_33 = arith.constant 1.000000e+00 : f32
    %logistic3A_34 = vector.broadcast %logistic3A_33 : f32 to vector<16x512xf32>
    %logistic3A_35 = arith.addf %logistic3A_34, %logistic3A_32 : vector<16x512xf32>
    %logistic3A_36 = arith.divf %logistic3A_34, %logistic3A_35 : vector<16x512xf32>
    %get3A_37 = arith.constant 0 : index
    %get3A_38 = arith.constant 0 : index
    %get3A_39 = vector.load %arg8[%get3A_37, %get3A_38] : memref<16x512xf32, #tpu.memory_space<vmem>>, vector<16x512xf32>
    %mul3A_40 = arith.mulf %logistic3A_28, %get3A_39 : vector<16x512xf32>
    %mul3A_41 = arith.mulf %logistic3A_21, %tanh3A : vector<16x512xf32>
    %add3A_42 = arith.addf %mul3A_40, %mul3A_41 : vector<16x512xf32>
    %tanh3A_43 = math.tanh %add3A_42 : vector<16x512xf32>
    %mul3A_44 = arith.mulf %logistic3A_36, %tanh3A_43 : vector<16x512xf32>
    %swap3A = arith.constant 0 : index
    %swap3A_45 = arith.constant 0 : index
    %swap3A_46 = vector.load %arg7[%swap3A, %swap3A_45] : memref<16x512xf32, #tpu.memory_space<vmem>>, vector<16x512xf32>
    tpu.vector_store %arg7[%swap3A, %swap3A_45], %mul3A_44 {strides = array<i32>} : memref<16x512xf32, #tpu.memory_space<vmem>>, vector<16x512xf32>,
    %swap3A_47 = arith.constant 0 : index
    %swap3A_48 = arith.constant 0 : index
    %swap3A_49 = vector.load %arg8[%swap3A_47, %swap3A_48] : memref<16x512xf32, #tpu.memory_space<vmem>>, vector<16x512xf32>
    tpu.vector_store %arg8[%swap3A_47, %swap3A_48], %add3A_42 {strides = array<i32>} : memref<16x512xf32, #tpu.memory_space<vmem>>, vector<16x512xf32>,
    %broadcast_in_dim3A = vector.shape_cast %mul3A_44 : vector<16x512xf32> to vector<1x16x512xf32>
    %swap3A_50 = arith.constant 0 : index
    %swap3A_51 = arith.constant 0 : index
    %swap3A_52 = arith.constant 0 : index
    %swap3A_53 = vector.load %arg5[%swap3A_50, %swap3A_51, %swap3A_52] : memref<1x16x512xf32, #tpu.memory_space<vmem>>, vector<1x16x512xf32>
    tpu.vector_store %arg5[%swap3A_50, %swap3A_51, %swap3A_52], %broadcast_in_dim3A {strides = array<i32>} : memref<1x16x512xf32, #tpu.memory_space<vmem>>, vector<1x16x512xf32>,
    return
  }
  func.func @transform_0(%arg0: i32) -> (i32, i32, i32) {
    %c0_i32 = arith.constant 0 : i32
    %c0_i32_0 = arith.constant 0 : i32
    %c0_i32_1 = arith.constant 0 : i32
    %c0_i32_2 = arith.constant 0 : i32
    return %c0_i32, %c0_i32_0, %c0_i32_1 : i32, i32, i32
  }
  func.func @transform_1(%arg0: i32) -> (i32, i32) {
    %c0_i32 = arith.constant 0 : i32
    %c0_i32_0 = arith.constant 0 : i32
    %c0_i32_1 = arith.constant 0 : i32
    return %c0_i32, %c0_i32_0 : i32, i32
  }
  func.func @transform_2(%arg0: i32) -> (i32, i32) {
    %c0_i32 = arith.constant 0 : i32
    %c0_i32_0 = arith.constant 0 : i32
    %c0_i32_1 = arith.constant 0 : i32
    return %c0_i32, %c0_i32_0 : i32, i32
  }
  func.func @transform_3(%arg0: i32) -> (i32, i32) {
    %c0_i32 = arith.constant 0 : i32
    %c0_i32_0 = arith.constant 0 : i32
    %c0_i32_1 = arith.constant 0 : i32
    return %c0_i32, %c0_i32_0 : i32, i32
  }
  func.func @transform_4(%arg0: i32) -> (i32, i32, i32) {
    %c0_i32 = arith.constant 0 : i32
    %c0_i32_0 = arith.constant 0 : i32
    %c0_i32_1 = arith.constant 0 : i32
    return %arg0, %c0_i32, %c0_i32_0 : i32, i32, i32
  }
}

</mosaic_0001>

<sc_bundles>
// kernel: kernel.5.cloned.1.call-start
scs
__scs_entry_jumppad:
0x0: {  	(pc) =	sbr.rel $0x88, $3  }
0x1: {  	(tag) =	ssettag $0x0;
	lr =	simm.s32 $0x1  }
0x2: {  	[smem:$0x3F96] =	sst lr;
	_ =	strace $0xD0000000  }
0x3: {  	_ = 	snop  }
0x4: {  	_ = 	snop  }
0x5: {  	_ = 	snop  }
0x6: {  	_ = 	snop  }
0x7: {  	_ = 	snop  }
__scs_overlays_trampoline_lowered:
0x8: {  	[smem:$0x3FA5] =	sst s0  }
0x9: {  	[smem:$0x3FA6] =	sst s1  }
0xa: {  	[smem:$0x3FA7] =	sst s2  }
0xb: {  	[smem:$0x3FA8] =	sst s3  }
0xc: {  	[smem:$0x3FA9] =	sst s4  }
0xd: {  	[smem:$0x3FAA] =	sst s5  }
0xe: {  	[smem:$0x3FAB] =	sst s6  }
0xf: {  	[smem:$0x3FAC] =	sst s7  }
0x10: {  	[smem:$0x3FAD] =	sst s8  }
0x11: {  	[smem:$0x3FAE] =	sst s9;
	s0 =	simm.s32 @!p0 $0x0  }
0x12: {  	s1 =	sld [smem:$0x3F94];
	s0 =	simm.s32 @p0 $0x1  }
0x13: {  	[smem:$0x3FAF] =	sst s0;
	s0 =	simm.s32 @!p1 $0x0  }
0x14: {  	s2 =	sld [smem:$0x3F93];
	s0 =	simm.s32 @p1 $0x1  }
0x15: {  	[smem:$0x3FB0] =	sst s0;
	s0 =	simm.s32 @!p2 $0x0  }
0x16: {  	s3 =	sld [smem:$0x3FDB];
	s0 =	simm.s32 @p2 $0x1  }
0x17: {  	s4 =	simm.s32 $0x1BF5;
	[smem:$0x3FB2] =	sst s0  }
0x18: {  	s0 =	sld [smem:$0x3F95];
	_ =	swait.ge [sflag:s4], $0x0  }
0x19: {  	s7 =	sld [smem:$0x3F96]  }
0x1a: {  	s8 =	sadd.s32 $0xFFFFE003, lr  }
0x1b: {  	s9 =	sadd.s32 $0xFFFFFEF7, lr;
	s5 =	simm.s32 $0xFFFFFFFF;
	p2 =	slt.u32 s8, $0xFFFFF086  }
0x1c: {  	p1 =	slt.u32 s9, $0xF7A;
	s5 =	simm.s32 @!p2 $0x0  }
0x1d: {  	s5 =	simm.s32 @p1 $0x1;
	p0 =	seq.s32 s7, s2  }
0x1e: {  	s7 =	smul.u32 @!p0 $0xF7A, s2;
	p2 =	seq.s32 @!p0 s5, $0x0  }
0x1f: {  	s9 =	smul.u32 $0xF7A, s1;
	s8 =	simm.s32 @!p0 $0x1BF5;
	p2 =	por !p2, p0  }
0x20: {  	[sflag:s8] =	ssyncset.s32 @!p0 $0xFFFFF086;
	s6 =	sadd.s32 @!p0 s3, s7;
	s7 =	simm.s32 @!p0 $0x108  }
0x21: {  	s3 =	sadd.s32 s3, s9;
	s6 =	sadd.s32 @!p0 $0x88, s6;
	s7 =	simm.s32 @p2 $0x1082  }
0x22: {  	[simem:s7], [sflag:s8] =	dma.local @!p0 [hbm:s6], $0xF7A  }
0x23: {  	s9 =	sor.u32 $0xD0000000, s2;
	s6 =	simm.s32 $0x108;
	_ =	swait.ge @!p0 [sflag:s8], $0x0  }
0x24: {  	s3 =	sadd.s32 $0x88, s3;
	s6 =	simm.s32 @!p1 $0x1082;
	[sflag:s4] =	ssyncset.s32 $0xFFFFF086  }
0x25: {  	[simem:s6], [sflag:s4] =	dma.local [hbm:s3], $0xF7A  }
0x26: {  	[smem:$0x3F96] =	sst s1;
	(tag) =	ssettag s2;
	_ =	strace s9  }
0x27: {  	s1 =	sld [smem:$0x3FA6]  }
0x28: {  	s2 =	sld [smem:$0x3FA7]  }
0x29: {  	s4 =	sld [smem:$0x3FA9]  }
0x2a: {  	p0 =	seq.s32 s5, $0x0;
	s5 =	sld [smem:$0x3FAA]  }
0x2b: {  	s6 =	sld [smem:$0x3FAB]  }
0x2c: {  	s7 =	sld [smem:$0x3FAC]  }
0x2d: {  	s3 =	simm.s32 $0x108;
	s8 =	sld [smem:$0x3FAD]  }
0x2e: {  	s3 =	simm.s32 @!p0 $0x1082;
	s9 =	sld [smem:$0x3FAE]  }
0x2f: {  	lr =	sadd.s32 s0, s3;
	s0 =	sld [smem:$0x3FA5]  }
0x30: {  	s3 =	sld [smem:$0x3FA8]  }
0x31: {  	[smem:$0x3FB1] =	sst s10  }
0x32: {  	s10 =	sld [smem:$0x3FAF];
	_ =	sdelay $0x3  }
0x33: {  	p0 =	seq.s32 s10, $0x1;
	s10 =	sld [smem:$0x3FB1];
	_ =	sdelay $0x3  }
0x34: {  	[smem:$0x3FB1] =	sst s10  }
0x35: {  	s10 =	sld [smem:$0x3FB0];
	_ =	sdelay $0x3  }
0x36: {  	p1 =	seq.s32 s10, $0x1;
	s10 =	sld [smem:$0x3FB1];
	_ =	sdelay $0x3  }
0x37: {  	[smem:$0x3FB1] =	sst s10  }
0x38: {  	s10 =	sld [smem:$0x3FB2]  }
0x39: {  	_ = 	snop;
	(pc) =	sbr.ind lr, $3  }
0x3a: {  	_ = 	snop  }
0x3b: {  	_ = 	snop  }
0x3c: {  	p2 =	seq.s32 s10, $0x1;
	s10 =	sld [smem:$0x3FB1]  }
0x3d: {  	_ =	shalt  }
0x3e: {  	_ =	shalt  }
0x3f: {  	_ =	shalt  }
0x40: {  	_ =	shalt  }
0x41: {  	_ =	shalt  }
0x42: {  	_ =	shalt  }
0x43: {  	_ =	shalt  }
0x44: {  	_ =	shalt  }
0x45: {  	_ =	shalt  }
0x46: {  	_ =	shalt  }
0x47: {  	_ =	shalt  }
0x48: {  	_ =	shalt  }
0x49: {  	_ =	shalt  }
0x4a: {  	_ =	shalt  }
0x4b: {  	_ =	shalt  }
0x4c: {  	_ =	shalt  }
0x4d: {  	_ =	shalt  }
0x4e: {  	_ =	shalt  }
0x4f: {  	_ =	shalt  }
0x50: {  	_ =	shalt  }
0x51: {  	_ =	shalt  }
0x52: {  	_ =	shalt  }
0x53: {  	_ =	shalt  }
0x54: {  	_ =	shalt  }
0x55: {  	_ =	shalt  }
0x56: {  	_ =	shalt  }
0x57: {  	_ =	shalt  }
0x58: {  	_ =	shalt  }
0x59: {  	_ =	shalt  }
0x5a: {  	_ =	shalt  }
0x5b: {  	_ =	shalt  }
0x5c: {  	_ =	shalt  }
0x5d: {  	_ =	shalt  }
0x5e: {  	_ =	shalt  }
0x5f: {  	_ =	shalt  }
0x60: {  	_ =	shalt  }
0x61: {  	_ =	shalt  }
0x62: {  	_ =	shalt  }
0x63: {  	_ =	shalt  }
0x64: {  	_ =	shalt  }
0x65: {  	_ =	shalt  }
0x66: {  	_ =	shalt  }
0x67: {  	_ =	shalt  }
0x68: {  	_ =	shalt  }
0x69: {  	_ =	shalt  }
0x6a: {  	_ =	shalt  }
0x6b: {  	_ =	shalt  }
0x6c: {  	_ =	shalt  }
0x6d: {  	_ =	shalt  }
0x6e: {  	_ =	shalt  }
0x6f: {  	_ =	shalt  }
0x70: {  	_ =	shalt  }
0x71: {  	_ =	shalt  }
0x72: {  	_ =	shalt  }
0x73: {  	_ =	shalt  }
0x74: {  	_ =	shalt  }
0x75: {  	_ =	shalt  }
0x76: {  	_ =	shalt  }
0x77: {  	_ =	shalt  }
0x78: {  	_ =	shalt  }
0x79: {  	_ =	shalt  }
0x7a: {  	_ =	shalt  }
0x7b: {  	_ =	shalt  }
0x7c: {  	_ =	shalt  }
0x7d: {  	_ =	shalt  }
0x7e: {  	_ =	shalt  }
0x7f: {  	_ =	shalt  }
0x80: {  	_ =	shalt  }
0x81: {  	_ =	shalt  }
0x82: {  	_ =	shalt  }
0x83: {  	_ =	shalt  }
0x84: {  	_ =	shalt  }
0x85: {  	_ =	shalt  }
0x86: {  	_ =	shalt  }
0x87: {  	_ =	shalt  }
.Lfunc_end0:
.L_simem_size_0:
called_computation_lowered:
.L_overlay_start_0:
0x88: {  	s2 =	sld [smem:$0x3FD9]  }
0x89: {  	s3 =	sld [smem:$0x3FFE];
	_ =	sdelay $0x1  }
0x8a: {  	s1 =	srdreg.scid  }
0x8b: {  	s0 =	sand.u32 $0x1, s1  }
0x8c: {  	s17 =	sshll.u32 s0, $0xA;
	s2 =	sadd.s32 s3, s2  }
0x8d: {  	s2 =	sadd.s32 s2, s17  }
0x8e: {  	[smem:$0x3FBD] =	sst s2  }
0x8f: {  	_ = 	snop  }
0x90: {  	s2 =	sld [smem:$0x3FC8];
	(tm) =	ssettm $0x1  }
0x91: {  	s18 =	sld [smem:$0x3FFB];
	_ =	sdelay $0x3  }
0x92: {  	_ =	strace s18  }
0x93: {  	s3 =	sld [smem:$0x3FFC];
	_ =	sdelay $0x3  }
0x94: {  	_ =	strace s3  }
0x95: {  	s3 =	sld [smem:$0x3FFD];
	_ =	sdelay $0x3  }
0x96: {  	_ =	strace s3  }
0x97: {  	_ =	strace $0x8FFFFFFF  }
0x98: {  	s19 =	sld [smem:$0x3FDB];
	_ =	sdelay $0x1  }
0x99: {  	s4 =	simm.s32 $_scs_section_size  }
0x9a: {  	s5 =	simm.s32 $_size__tile_overlayer_lowered;
	s6 =	simm.s32 $_tile_overlayer_lowered  }
0x9b: {  	s22 =	simm.s32 $0x1BFF;
	s21 =	sshll.u32 s6, $0x1;
	s3 =	sadd.s32 s4, s19  }
0x9c: {  	s7 =	simm.s32 $0x0;
	s20 =	sshll.u32 s5, $0x1;
	s5 =	sadd.s32 s21, s3  }
0x9d: {  	[timem:s7], [sflag:s22] =	dma.local [hbm:s5], s20  }
0x9e: {  	_ =	swait.ge [sflag:s22], s20  }
0x9f: {  	s4 =	ssub.s32 $0x0, s20;
	[sflag:s22] =	ssyncset.done $0x0  }
0xa0: {  	[sflag:s22] =	ssyncadd.s32 s4;
	_ =	sdelay $0x1  }
0xa1: {  	s23 =	simm.s32 $0x1B8B  }
0xa2: {  	_ =	swait.ge [sflag:s23], $0x1  }
0xa3: {  	[sflag:s23] =	ssyncset.done $0x0  }
0xa4: {  	s25 =	simm.s32 $0x1B8E;
	s24 =	sld [smem:$0x3FFE];
	[sflag:s23] =	ssyncadd.s32 $0xFFFFFFFF  }
0xa5: {  	s26 =	simm.s32 $execute0_lowered;
	[smem:$0x3FD2] =	sst s25  }
0xa6: {  	s5 =	sshll.u32 s26, $0x1;
	_ =	strace $0x80000046;
	[dreg:$0x1] =	wrdreg $0xFFFFFFFF  }
0xa7: {  	s28 =	simm.s32 $_size_execute0_lowered;
	s3 =	sadd.s32 s3, s5;
	[dreg:$0x0] =	wrdreg $0x0  }
0xa8: {  	s5 =	sshll.u32 s28, $0x1;
	[dreg:$0x2] =	wrdreg s3  }
0xa9: {  	[dreg:$0x3] =	wrdreg s5  }
0xaa: {  	[dreg:$0x4] =	wrdreg $0xC0  }
0xab: {  	_ =	task [dreg:s7], $0x5FFFF  }
0xac: {  	[dreg:$0x1] =	wrdreg $0xFFFFFFFF  }
0xad: {  	[dreg:$0x0] =	wrdreg $0x60  }
0xae: {  	[dreg:$0x2] =	wrdreg s24  }
0xaf: {  	[dreg:$0x3] =	wrdreg s2  }
0xb0: {  	[dreg:$0x4] =	wrdreg $0x9  }
0xb1: {  	_ =	task.clear_ibuf [dreg:s7], $0x5FFFF;
	_ =	strace $0x90000046  }
0xb2: {  	s29 =	simm.s32 $0x9;
	_ =	strace $0x80000048  }
0xb3: {  	_ =	swait.ge [sflag:s29], $0x1  }
0xb4: {  	[sflag:s29] =	ssyncadd.s32 $0xFFFFFFFF  }
0xb5: {  	_ =	strace $0x90000048  }
0xb6: {  	_ =	sfence  }
0xb7: {  	s30 =	sld [smem:$0x0];
	_ =	sdelay $0x2  }
0xb8: {  	s31 =	sshll.u32 s1, $0xD;
	s1 =	sshrl.u32 s1, $0x2  }
0xb9: {  	s3 =	sand.u32 $0x4000, s31;
	s1 =	sadd.s32 s1, s30  }
0xba: {  	s0 =	sor.u32 s3, s0;
	s1 =	sshll.u32 s1, $0x11  }
0xbb: {  	s0 =	sor.u32 s1, s0  }
0xbc: {  	s0 =	sadd.s32 $0x8F2B, s0  }
0xbd: {  	[sflag:s0] =	ssyncadd.remote.s32 $0x1  }
0xbe: {  	_ =	sfence.sel $0xFFFF  }
0xbf: {  	[dreg:$0x0] =	wrdreg $0xFFFFFFFF;
	(pc) =	sbr.abs _section_cstart, $3  }
0xc0: {  	[dreg:$0x1] =	wrdreg $0xFFFFFFFF  }
0xc1: {  	_ =	task.clear_ibuf [dreg:s7], $0x2FFFF;
	_ =	strace $0x9FFFFFFF  }
0xc2: {  	(tm) =	ssettm $0x7FFFFFFF  }
0xc3: {  	_ =	shalt  }
tec
execute0_lowered:
.L_overlay_start_1:
0x0: {  	(tag) =	ssettag $0x1  }
0x1: {  	s6 =	rddreg [dreg:$0x0]  }
0x2: {  	s2 =	rddreg [dreg:$0x1];
	s1 =	stileid.u32  }
0x3: {  	s0 =	rddreg [dreg:$0x2];
	s4 =	srdreg.scid;
	s3 =	simm.s32 $0x0  }
0x4: {  	s12 =	simm.s32 $0x400;
	s13 =	simm.s32 $0x1000;
	s14 =	simm.s32 $0x100  }
0x5: {  	s15 =	simm.s32 $0x80;
	s16 =	simm.s32 $0x4100;
	s17 =	simm.s32 $0x1  }
0x6: {  	s18 =	simm.s32 $0x3;
	s19 =	simm.s32 $0x2;
	s20 =	simm.s32 $0x4  }
0x7: {  	s21 =	simm.s32 $0x8100;
	s22 =	simm.s32 $0x5;
	s23 =	simm.s32 $0x0  }
0x8: {  	s5 =	sshll.u32 s1, $0x1;
	s7 =	sand.u32 $0x1, s4;
	[smem:$0x7FF] =	sst s3  }
0x9: {  	s8 =	sshrl.u32 s1, $0x1;
	s26 =	sand.u32 $0x2, s5;
	_ =	strace $0x80000047  }
0xa: {  	s9 =	sshll.u32 s8, $0x12;
	s5 =	sadd.s32 $0x1A00, s6;
	s11 =	sshll.u32 s8, $0x15  }
0xb: {  	s29 =	sshll.u32 s8, $0xC;
	s4 =	sor.u32 s7, s26;
	s7 =	ssub.s32 $0x2, s7  }
0xc: {  	s30 =	sshll.u32 s8, $0x9;
	s4 =	sshll.u32 s4, $0xA;
	s10 =	sshrl.u32 s7, $0x1  }
0xd: {  	s8 =	sor.u32 $0x100, s29;
	s9 =	sor.u32 s9, s4;
	s10 =	ssub.s32 s7, s10  }
0xe: {  	s28 =	sor.u32 s11, s4;
	s11 =	sor.u32 $0x80, s29;
	s9 =	sshrl.u32 s9, $0x3  }
0xf: {  	s31 =	sshrl.u32 s28, $0x3;
	s10 =	smax.u32 s10, $0x1;
	s9 =	sadd.s32 s9, s6  }
0x10: {  	v0 =	vimm.f32 $0.0e+00;
	s6 =	sadd.s32 s2, s30;
	s7 =	sadd.s32 s5, s31;
	s9 =	sadd.s32 $0x201A00, s9  }
.LBB2_1:
0x11: {  	[tilespmem:s3], [sflag:$0x1] =	stream.linear.gather [hbm4b:s6+s3], $0x80, $0x38;
	[tilespmem:$0x18100] =	vst v63  }
0x12: {  	s25 =	simm.s32 $0x0;
	s24 =	simm.s32 $0x200  }
0x13: {  	[tilespmem:s14], [sflag:$0x3] =	stream.strided.gather [hbm4b:s7+s12], $0x4000, s13, s12, $0x38;
	[tilespmem:$0x18100] =	vst v63  }
.LBB2_2:
0x14: {  	p0 =	sne.s32 s24, $0x3FE00;
	[tilespmem:s25+$0x8170] =	vst v0  }
0x15: {  	[tilespmem:s25+$0x8100] =	vst v0  }
0x16: {  	[tilespmem:s25+$0x8110] =	vst v0  }
.Ltmp0:
0x17: {  	[tilespmem:s25+$0x8120] =	vst v0;
	(pc) =	sbr.rel @p0 .LBB2_2-.Ltmp0, $4  }
0x18: {  	[tilespmem:s25+$0x8130] =	vst v0  }
0x19: {  	[tilespmem:s25+$0x8140] =	vst v0  }
0x1a: {  	[tilespmem:s25+$0x8150] =	vst v0  }
0x1b: {  	[tilespmem:s25+$0x8160] =	vst v0;
	s25 =	sshra.s32 s24, $0x2;
	s24 =	sadd.s32 $0x200, s24  }
0x1c: {  	[tilespmem:s25+$0x8170] =	vst v0  }
0x1d: {  	[tilespmem:s25+$0x8100] =	vst v0  }
0x1e: {  	[tilespmem:s25+$0x8110] =	vst v0  }
0x1f: {  	[tilespmem:s25+$0x8120] =	vst v0  }
0x20: {  	[tilespmem:s25+$0x8130] =	vst v0  }
0x21: {  	[tilespmem:s25+$0x8140] =	vst v0  }
0x22: {  	[tilespmem:s25+$0x8150] =	vst v0  }
0x23: {  	s24 =	simm.s32 $0x0;
	[tilespmem:s25+$0x8160] =	vst v0;
	s25 =	simm.s32 $0x0  }
.LBB2_4:
0x24: {  	s26 =	sshll.u32 s25, $0x8  }
0x25: {  	s28 =	sor.u32 s11, s26  }
0x26: {  	s29 =	sshrl.u32 s28, $0x3;
	s28 =	sshll.u32 s28, $0x9  }
0x27: {  	s29 =	sadd.s32 s2, s29;
	s28 =	sor.u32 s4, s28  }
0x28: {  	[tilespmem:s15], [sflag:$0x2] =	stream.linear.gather [hbm4b:s29+s24], $0x80, $0x38;
	[tilespmem:$0x18100] =	vst v63  }
0x29: {  	s28 =	sshrl.u32 s28, $0x3  }
0x2a: {  	s28 =	sadd.s32 s5, s28  }
0x2b: {  	[tilespmem:s16], [sflag:$0x4] =	stream.strided.gather [hbm4b:s28+s12], $0x4000, s13, s12, $0x38;
	[tilespmem:$0x18100] =	vst v63  }
0x2c: {  	_ =	swait.ge [sflag:s17], $0x80  }
0x2d: {  	[sflag:s17] =	ssyncset.done $0x0  }
0x2e: {  	[sflag:s17] =	ssyncadd.s32 $0xFFFFFF80  }
0x2f: {  	_ =	swait.ge [sflag:s18], $0x4000  }
0x30: {  	[sflag:s18] =	ssyncset.done $0x0  }
0x31: {  	s29 =	simm.s32 $0x0;
	s28 =	simm.s32 $0x500;
	[sflag:s18] =	ssyncadd.s32 $0xFFFFC000  }
.LBB2_5:
0x32: {  	s30 =	sshra.s32 s29, $0x2  }
0x33: {  	v1 =	vld [tilespmem:s30+$0x0];
	_ =	sdelay $0x4  }
0x34: {  	v1 =	vshll.u32 v1, $0x9  }
0x35: {  	v1 =	vshra.s32 v1, $0x2  }
0x36: {  	(v2sf) =	vpush v1, $0x0;
	_ =	sdelay $0xa  }
0x37: {  	v2 =	vld [tilespmem:s28+$0xFFFFFC00];
	_ =	sdelay $0x3  }
0x38: {  	s31 =	spop (v2sf)  }
0x39: {  	[tilespmem:s31+$0x8100] =	vst.add.f32.msk $0xffff, v2  }
0x3a: {  	v2 =	vld [tilespmem:s28+$0xFFFFFC10];
	_ =	sdelay $0x4  }
0x3b: {  	[tilespmem:s31+$0x8110] =	vst.add.f32.msk $0xffff, v2  }
0x3c: {  	v2 =	vld [tilespmem:s28+$0xFFFFFC20];
	_ =	sdelay $0x4  }
0x3d: {  	[tilespmem:s31+$0x8120] =	vst.add.f32.msk $0xffff, v2  }
0x3e: {  	v2 =	vld [tilespmem:s28+$0xFFFFFC30];
	_ =	sdelay $0x4  }
0x3f: {  	[tilespmem:s31+$0x8130] =	vst.add.f32.msk $0xffff, v2  }
0x40: {  	v2 =	vld [tilespmem:s28+$0xFFFFFC40];
	_ =	sdelay $0x4  }
0x41: {  	[tilespmem:s31+$0x8140] =	vst.add.f32.msk $0xffff, v2  }
0x42: {  	v2 =	vld [tilespmem:s28+$0xFFFFFC50];
	_ =	sdelay $0x4  }
0x43: {  	[tilespmem:s31+$0x8150] =	vst.add.f32.msk $0xffff, v2  }
0x44: {  	v2 =	vld [tilespmem:s28+$0xFFFFFC60]  }
0x45: {  	(v2sf) =	vpush v1, $0x1;
	_ =	sdelay $0x3  }
0x46: {  	[tilespmem:s31+$0x8160] =	vst.add.f32.msk $0xffff, v2  }
0x47: {  	v2 =	vld [tilespmem:s28+$0xFFFFFC70];
	_ =	sdelay $0x4  }
0x48: {  	[tilespmem:s31+$0x8170] =	vst.add.f32.msk $0xffff, v2  }
0x49: {  	v2 =	vld [tilespmem:s28+$0xFFFFFC80];
	_ =	sdelay $0x3  }
0x4a: {  	s31 =	spop (v2sf)  }
0x4b: {  	[tilespmem:s31+$0x8100] =	vst.add.f32.msk $0xffff, v2  }
0x4c: {  	v2 =	vld [tilespmem:s28+$0xFFFFFC90];
	_ =	sdelay $0x4  }
0x4d: {  	[tilespmem:s31+$0x8110] =	vst.add.f32.msk $0xffff, v2  }
0x4e: {  	v2 =	vld [tilespmem:s28+$0xFFFFFCA0];
	_ =	sdelay $0x4  }
0x4f: {  	[tilespmem:s31+$0x8120] =	vst.add.f32.msk $0xffff, v2  }
0x50: {  	v2 =	vld [tilespmem:s28+$0xFFFFFCB0];
	_ =	sdelay $0x4  }
0x51: {  	[tilespmem:s31+$0x8130] =	vst.add.f32.msk $0xffff, v2  }
0x52: {  	v2 =	vld [tilespmem:s28+$0xFFFFFCC0];
	_ =	sdelay $0x4  }
0x53: {  	[tilespmem:s31+$0x8140] =	vst.add.f32.msk $0xffff, v2  }
0x54: {  	v2 =	vld [tilespmem:s28+$0xFFFFFCD0];
	_ =	sdelay $0x4  }
0x55: {  	[tilespmem:s31+$0x8150] =	vst.add.f32.msk $0xffff, v2  }
0x56: {  	v2 =	vld [tilespmem:s28+$0xFFFFFCE0]  }
0x57: {  	(v2sf) =	vpush v1, $0x2;
	_ =	sdelay $0x3  }
0x58: {  	[tilespmem:s31+$0x8160] =	vst.add.f32.msk $0xffff, v2  }
0x59: {  	v2 =	vld [tilespmem:s28+$0xFFFFFCF0];
	_ =	sdelay $0x4  }
0x5a: {  	[tilespmem:s31+$0x8170] =	vst.add.f32.msk $0xffff, v2  }
0x5b: {  	v2 =	vld [tilespmem:s28+$0xFFFFFD00];
	_ =	sdelay $0x3  }
0x5c: {  	s31 =	spop (v2sf)  }
0x5d: {  	[tilespmem:s31+$0x8100] =	vst.add.f32.msk $0xffff, v2  }
0x5e: {  	v2 =	vld [tilespmem:s28+$0xFFFFFD10];
	_ =	sdelay $0x4  }
0x5f: {  	[tilespmem:s31+$0x8110] =	vst.add.f32.msk $0xffff, v2  }
0x60: {  	v2 =	vld [tilespmem:s28+$0xFFFFFD20];
	_ =	sdelay $0x4  }
0x61: {  	[tilespmem:s31+$0x8120] =	vst.add.f32.msk $0xffff, v2  }
0x62: {  	v2 =	vld [tilespmem:s28+$0xFFFFFD30];
	_ =	sdelay $0x4  }
0x63: {  	[tilespmem:s31+$0x8130] =	vst.add.f32.msk $0xffff, v2  }
0x64: {  	v2 =	vld [tilespmem:s28+$0xFFFFFD40];
	_ =	sdelay $0x4  }
0x65: {  	[tilespmem:s31+$0x8140] =	vst.add.f32.msk $0xffff, v2  }
0x66: {  	v2 =	vld [tilespmem:s28+$0xFFFFFD50];
	_ =	sdelay $0x4  }
0x67: {  	[tilespmem:s31+$0x8150] =	vst.add.f32.msk $0xffff, v2  }
0x68: {  	v2 =	vld [tilespmem:s28+$0xFFFFFD60]  }
0x69: {  	(v2sf) =	vpush v1, $0x3;
	_ =	sdelay $0x3  }
0x6a: {  	[tilespmem:s31+$0x8160] =	vst.add.f32.msk $0xffff, v2  }
0x6b: {  	v2 =	vld [tilespmem:s28+$0xFFFFFD70];
	_ =	sdelay $0x4  }
0x6c: {  	[tilespmem:s31+$0x8170] =	vst.add.f32.msk $0xffff, v2  }
0x6d: {  	v2 =	vld [tilespmem:s28+$0xFFFFFD80];
	_ =	sdelay $0x3  }
0x6e: {  	s31 =	spop (v2sf)  }
0x6f: {  	[tilespmem:s31+$0x8100] =	vst.add.f32.msk $0xffff, v2  }
0x70: {  	v2 =	vld [tilespmem:s28+$0xFFFFFD90];
	_ =	sdelay $0x4  }
0x71: {  	[tilespmem:s31+$0x8110] =	vst.add.f32.msk $0xffff, v2  }
0x72: {  	v2 =	vld [tilespmem:s28+$0xFFFFFDA0];
	_ =	sdelay $0x4  }
0x73: {  	[tilespmem:s31+$0x8120] =	vst.add.f32.msk $0xffff, v2  }
0x74: {  	v2 =	vld [tilespmem:s28+$0xFFFFFDB0];
	_ =	sdelay $0x4  }
0x75: {  	[tilespmem:s31+$0x8130] =	vst.add.f32.msk $0xffff, v2  }
0x76: {  	v2 =	vld [tilespmem:s28+$0xFFFFFDC0];
	_ =	sdelay $0x4  }
0x77: {  	[tilespmem:s31+$0x8140] =	vst.add.f32.msk $0xffff, v2  }
0x78: {  	v2 =	vld [tilespmem:s28+$0xFFFFFDD0];
	_ =	sdelay $0x4  }
0x79: {  	[tilespmem:s31+$0x8150] =	vst.add.f32.msk $0xffff, v2  }
0x7a: {  	v2 =	vld [tilespmem:s28+$0xFFFFFDE0]  }
0x7b: {  	(v2sf) =	vpush v1, $0x4;
	_ =	sdelay $0x3  }
0x7c: {  	[tilespmem:s31+$0x8160] =	vst.add.f32.msk $0xffff, v2  }
0x7d: {  	v2 =	vld [tilespmem:s28+$0xFFFFFDF0];
	_ =	sdelay $0x4  }
0x7e: {  	[tilespmem:s31+$0x8170] =	vst.add.f32.msk $0xffff, v2  }
0x7f: {  	v2 =	vld [tilespmem:s28+$0xFFFFFE00];
	_ =	sdelay $0x3  }
0x80: {  	s31 =	spop (v2sf)  }
0x81: {  	[tilespmem:s31+$0x8100] =	vst.add.f32.msk $0xffff, v2  }
0x82: {  	v2 =	vld [tilespmem:s28+$0xFFFFFE10];
	_ =	sdelay $0x4  }
0x83: {  	[tilespmem:s31+$0x8110] =	vst.add.f32.msk $0xffff, v2  }
0x84: {  	v2 =	vld [tilespmem:s28+$0xFFFFFE20];
	_ =	sdelay $0x4  }
0x85: {  	[tilespmem:s31+$0x8120] =	vst.add.f32.msk $0xffff, v2  }
0x86: {  	v2 =	vld [tilespmem:s28+$0xFFFFFE30];
	_ =	sdelay $0x4  }
0x87: {  	[tilespmem:s31+$0x8130] =	vst.add.f32.msk $0xffff, v2  }
0x88: {  	v2 =	vld [tilespmem:s28+$0xFFFFFE40];
	_ =	sdelay $0x4  }
0x89: {  	[tilespmem:s31+$0x8140] =	vst.add.f32.msk $0xffff, v2  }
0x8a: {  	v2 =	vld [tilespmem:s28+$0xFFFFFE50];
	_ =	sdelay $0x4  }
0x8b: {  	[tilespmem:s31+$0x8150] =	vst.add.f32.msk $0xffff, v2  }
0x8c: {  	v2 =	vld [tilespmem:s28+$0xFFFFFE60]  }
0x8d: {  	(v2sf) =	vpush v1, $0x5;
	_ =	sdelay $0x3  }
0x8e: {  	[tilespmem:s31+$0x8160] =	vst.add.f32.msk $0xffff, v2  }
0x8f: {  	v2 =	vld [tilespmem:s28+$0xFFFFFE70];
	_ =	sdelay $0x4  }
0x90: {  	[tilespmem:s31+$0x8170] =	vst.add.f32.msk $0xffff, v2  }
0x91: {  	v2 =	vld [tilespmem:s28+$0xFFFFFE80];
	_ =	sdelay $0x3  }
0x92: {  	s31 =	spop (v2sf)  }
0x93: {  	[tilespmem:s31+$0x8100] =	vst.add.f32.msk $0xffff, v2  }
0x94: {  	v2 =	vld [tilespmem:s28+$0xFFFFFE90];
	_ =	sdelay $0x4  }
0x95: {  	[tilespmem:s31+$0x8110] =	vst.add.f32.msk $0xffff, v2  }
0x96: {  	v2 =	vld [tilespmem:s28+$0xFFFFFEA0];
	_ =	sdelay $0x4  }
0x97: {  	[tilespmem:s31+$0x8120] =	vst.add.f32.msk $0xffff, v2  }
0x98: {  	v2 =	vld [tilespmem:s28+$0xFFFFFEB0];
	_ =	sdelay $0x4  }
0x99: {  	[tilespmem:s31+$0x8130] =	vst.add.f32.msk $0xffff, v2  }
0x9a: {  	v2 =	vld [tilespmem:s28+$0xFFFFFEC0];
	_ =	sdelay $0x4  }
0x9b: {  	[tilespmem:s31+$0x8140] =	vst.add.f32.msk $0xffff, v2  }
0x9c: {  	v2 =	vld [tilespmem:s28+$0xFFFFFED0];
	_ =	sdelay $0x4  }
0x9d: {  	[tilespmem:s31+$0x8150] =	vst.add.f32.msk $0xffff, v2  }
0x9e: {  	v2 =	vld [tilespmem:s28+$0xFFFFFEE0]  }
0x9f: {  	(v2sf) =	vpush v1, $0x6;
	_ =	sdelay $0x3  }
0xa0: {  	[tilespmem:s31+$0x8160] =	vst.add.f32.msk $0xffff, v2  }
0xa1: {  	v2 =	vld [tilespmem:s28+$0xFFFFFEF0];
	_ =	sdelay $0x4  }
0xa2: {  	[tilespmem:s31+$0x8170] =	vst.add.f32.msk $0xffff, v2  }
0xa3: {  	v2 =	vld [tilespmem:s28+$0xFFFFFF00];
	_ =	sdelay $0x3  }
0xa4: {  	s31 =	spop (v2sf)  }
0xa5: {  	[tilespmem:s31+$0x8100] =	vst.add.f32.msk $0xffff, v2  }
0xa6: {  	v2 =	vld [tilespmem:s28+$0xFFFFFF10];
	_ =	sdelay $0x4  }
0xa7: {  	[tilespmem:s31+$0x8110] =	vst.add.f32.msk $0xffff, v2  }
0xa8: {  	v2 =	vld [tilespmem:s28+$0xFFFFFF20];
	_ =	sdelay $0x4  }
0xa9: {  	[tilespmem:s31+$0x8120] =	vst.add.f32.msk $0xffff, v2  }
0xaa: {  	v2 =	vld [tilespmem:s28+$0xFFFFFF30];
	_ =	sdelay $0x4  }
0xab: {  	[tilespmem:s31+$0x8130] =	vst.add.f32.msk $0xffff, v2  }
0xac: {  	v2 =	vld [tilespmem:s28+$0xFFFFFF40];
	_ =	sdelay $0x4  }
0xad: {  	[tilespmem:s31+$0x8140] =	vst.add.f32.msk $0xffff, v2  }
0xae: {  	v2 =	vld [tilespmem:s28+$0xFFFFFF50];
	_ =	sdelay $0x4  }
0xaf: {  	[tilespmem:s31+$0x8150] =	vst.add.f32.msk $0xffff, v2  }
0xb0: {  	v2 =	vld [tilespmem:s28+$0xFFFFFF60]  }
0xb1: {  	(v2sf) =	vpush v1, $0x7;
	_ =	sdelay $0x3  }
0xb2: {  	[tilespmem:s31+$0x8160] =	vst.add.f32.msk $0xffff, v2  }
0xb3: {  	v2 =	vld [tilespmem:s28+$0xFFFFFF70];
	_ =	sdelay $0x4  }
0xb4: {  	[tilespmem:s31+$0x8170] =	vst.add.f32.msk $0xffff, v2  }
0xb5: {  	v2 =	vld [tilespmem:s28+$0xFFFFFF80];
	_ =	sdelay $0x3  }
0xb6: {  	s31 =	spop (v2sf)  }
0xb7: {  	[tilespmem:s31+$0x8100] =	vst.add.f32.msk $0xffff, v2  }
0xb8: {  	v2 =	vld [tilespmem:s28+$0xFFFFFF90];
	_ =	sdelay $0x4  }
0xb9: {  	[tilespmem:s31+$0x8110] =	vst.add.f32.msk $0xffff, v2  }
0xba: {  	v2 =	vld [tilespmem:s28+$0xFFFFFFA0];
	_ =	sdelay $0x4  }
0xbb: {  	[tilespmem:s31+$0x8120] =	vst.add.f32.msk $0xffff, v2  }
0xbc: {  	v2 =	vld [tilespmem:s28+$0xFFFFFFB0];
	_ =	sdelay $0x4  }
0xbd: {  	[tilespmem:s31+$0x8130] =	vst.add.f32.msk $0xffff, v2  }
0xbe: {  	v2 =	vld [tilespmem:s28+$0xFFFFFFC0];
	_ =	sdelay $0x4  }
0xbf: {  	[tilespmem:s31+$0x8140] =	vst.add.f32.msk $0xffff, v2  }
0xc0: {  	v2 =	vld [tilespmem:s28+$0xFFFFFFD0];
	_ =	sdelay $0x4  }
0xc1: {  	[tilespmem:s31+$0x8150] =	vst.add.f32.msk $0xffff, v2  }
0xc2: {  	v2 =	vld [tilespmem:s28+$0xFFFFFFE0]  }
0xc3: {  	(v2sf) =	vpush v1, $0x8;
	_ =	sdelay $0x3  }
0xc4: {  	[tilespmem:s31+$0x8160] =	vst.add.f32.msk $0xffff, v2  }
0xc5: {  	v2 =	vld [tilespmem:s28+$0xFFFFFFF0];
	_ =	sdelay $0x4  }
0xc6: {  	[tilespmem:s31+$0x8170] =	vst.add.f32.msk $0xffff, v2  }
0xc7: {  	v2 =	vld [tilespmem:s28+$0x0];
	_ =	sdelay $0x3  }
0xc8: {  	s31 =	spop (v2sf)  }
0xc9: {  	[tilespmem:s31+$0x8100] =	vst.add.f32.msk $0xffff, v2  }
0xca: {  	v2 =	vld [tilespmem:s28+$0x10];
	_ =	sdelay $0x4  }
0xcb: {  	[tilespmem:s31+$0x8110] =	vst.add.f32.msk $0xffff, v2  }
0xcc: {  	v2 =	vld [tilespmem:s28+$0x20];
	_ =	sdelay $0x4  }
0xcd: {  	[tilespmem:s31+$0x8120] =	vst.add.f32.msk $0xffff, v2  }
0xce: {  	v2 =	vld [tilespmem:s28+$0x30];
	_ =	sdelay $0x4  }
0xcf: {  	[tilespmem:s31+$0x8130] =	vst.add.f32.msk $0xffff, v2  }
0xd0: {  	v2 =	vld [tilespmem:s28+$0x40];
	_ =	sdelay $0x4  }
0xd1: {  	[tilespmem:s31+$0x8140] =	vst.add.f32.msk $0xffff, v2  }
0xd2: {  	v2 =	vld [tilespmem:s28+$0x50];
	_ =	sdelay $0x4  }
0xd3: {  	[tilespmem:s31+$0x8150] =	vst.add.f32.msk $0xffff, v2  }
0xd4: {  	v2 =	vld [tilespmem:s28+$0x60]  }
0xd5: {  	(v2sf) =	vpush v1, $0x9;
	_ =	sdelay $0x3  }
0xd6: {  	[tilespmem:s31+$0x8160] =	vst.add.f32.msk $0xffff, v2  }
0xd7: {  	v2 =	vld [tilespmem:s28+$0x70];
	_ =	sdelay $0x4  }
0xd8: {  	[tilespmem:s31+$0x8170] =	vst.add.f32.msk $0xffff, v2  }
0xd9: {  	v2 =	vld [tilespmem:s28+$0x80];
	_ =	sdelay $0x3  }
0xda: {  	s31 =	spop (v2sf)  }
0xdb: {  	[tilespmem:s31+$0x8100] =	vst.add.f32.msk $0xffff, v2  }
0xdc: {  	v2 =	vld [tilespmem:s28+$0x90];
	_ =	sdelay $0x4  }
0xdd: {  	[tilespmem:s31+$0x8110] =	vst.add.f32.msk $0xffff, v2  }
0xde: {  	v2 =	vld [tilespmem:s28+$0xA0];
	_ =	sdelay $0x4  }
0xdf: {  	[tilespmem:s31+$0x8120] =	vst.add.f32.msk $0xffff, v2  }
0xe0: {  	v2 =	vld [tilespmem:s28+$0xB0];
	_ =	sdelay $0x4  }
0xe1: {  	[tilespmem:s31+$0x8130] =	vst.add.f32.msk $0xffff, v2  }
0xe2: {  	v2 =	vld [tilespmem:s28+$0xC0];
	_ =	sdelay $0x4  }
0xe3: {  	[tilespmem:s31+$0x8140] =	vst.add.f32.msk $0xffff, v2  }
0xe4: {  	v2 =	vld [tilespmem:s28+$0xD0];
	_ =	sdelay $0x4  }
0xe5: {  	[tilespmem:s31+$0x8150] =	vst.add.f32.msk $0xffff, v2  }
0xe6: {  	v2 =	vld [tilespmem:s28+$0xE0]  }
0xe7: {  	(v2sf) =	vpush v1, $0xA;
	_ =	sdelay $0x3  }
0xe8: {  	[tilespmem:s31+$0x8160] =	vst.add.f32.msk $0xffff, v2  }
0xe9: {  	v2 =	vld [tilespmem:s28+$0xF0];
	_ =	sdelay $0x4  }
0xea: {  	[tilespmem:s31+$0x8170] =	vst.add.f32.msk $0xffff, v2  }
0xeb: {  	v2 =	vld [tilespmem:s28+$0x100];
	_ =	sdelay $0x3  }
0xec: {  	s31 =	spop (v2sf)  }
0xed: {  	[tilespmem:s31+$0x8100] =	vst.add.f32.msk $0xffff, v2  }
0xee: {  	v2 =	vld [tilespmem:s28+$0x110];
	_ =	sdelay $0x4  }
0xef: {  	[tilespmem:s31+$0x8110] =	vst.add.f32.msk $0xffff, v2  }
0xf0: {  	v2 =	vld [tilespmem:s28+$0x120];
	_ =	sdelay $0x4  }
0xf1: {  	[tilespmem:s31+$0x8120] =	vst.add.f32.msk $0xffff, v2  }
0xf2: {  	v2 =	vld [tilespmem:s28+$0x130];
	_ =	sdelay $0x4  }
0xf3: {  	[tilespmem:s31+$0x8130] =	vst.add.f32.msk $0xffff, v2  }
0xf4: {  	v2 =	vld [tilespmem:s28+$0x140];
	_ =	sdelay $0x4  }
0xf5: {  	[tilespmem:s31+$0x8140] =	vst.add.f32.msk $0xffff, v2  }
0xf6: {  	v2 =	vld [tilespmem:s28+$0x150];
	_ =	sdelay $0x4  }
0xf7: {  	[tilespmem:s31+$0x8150] =	vst.add.f32.msk $0xffff, v2  }
0xf8: {  	v2 =	vld [tilespmem:s28+$0x160]  }
0xf9: {  	(v2sf) =	vpush v1, $0xB;
	_ =	sdelay $0x3  }
0xfa: {  	[tilespmem:s31+$0x8160] =	vst.add.f32.msk $0xffff, v2  }
0xfb: {  	v2 =	vld [tilespmem:s28+$0x170];
	_ =	sdelay $0x4  }
0xfc: {  	[tilespmem:s31+$0x8170] =	vst.add.f32.msk $0xffff, v2  }
0xfd: {  	v2 =	vld [tilespmem:s28+$0x180];
	_ =	sdelay $0x3  }
0xfe: {  	s31 =	spop (v2sf)  }
0xff: {  	[tilespmem:s31+$0x8100] =	vst.add.f32.msk $0xffff, v2  }
0x100: {  	v2 =	vld [tilespmem:s28+$0x190];
	_ =	sdelay $0x4  }
0x101: {  	[tilespmem:s31+$0x8110] =	vst.add.f32.msk $0xffff, v2  }
0x102: {  	v2 =	vld [tilespmem:s28+$0x1A0];
	_ =	sdelay $0x4  }
0x103: {  	[tilespmem:s31+$0x8120] =	vst.add.f32.msk $0xffff, v2  }
0x104: {  	v2 =	vld [tilespmem:s28+$0x1B0];
	_ =	sdelay $0x4  }
0x105: {  	[tilespmem:s31+$0x8130] =	vst.add.f32.msk $0xffff, v2  }
0x106: {  	v2 =	vld [tilespmem:s28+$0x1C0];
	_ =	sdelay $0x4  }
0x107: {  	[tilespmem:s31+$0x8140] =	vst.add.f32.msk $0xffff, v2  }
0x108: {  	v2 =	vld [tilespmem:s28+$0x1D0];
	_ =	sdelay $0x4  }
0x109: {  	[tilespmem:s31+$0x8150] =	vst.add.f32.msk $0xffff, v2  }
0x10a: {  	v2 =	vld [tilespmem:s28+$0x1E0]  }
0x10b: {  	(v2sf) =	vpush v1, $0xC;
	_ =	sdelay $0x3  }
0x10c: {  	[tilespmem:s31+$0x8160] =	vst.add.f32.msk $0xffff, v2  }
0x10d: {  	v2 =	vld [tilespmem:s28+$0x1F0];
	_ =	sdelay $0x4  }
0x10e: {  	[tilespmem:s31+$0x8170] =	vst.add.f32.msk $0xffff, v2  }
0x10f: {  	v2 =	vld [tilespmem:s28+$0x200];
	_ =	sdelay $0x3  }
0x110: {  	s31 =	spop (v2sf)  }
0x111: {  	[tilespmem:s31+$0x8100] =	vst.add.f32.msk $0xffff, v2  }
0x112: {  	v2 =	vld [tilespmem:s28+$0x210];
	_ =	sdelay $0x4  }
0x113: {  	[tilespmem:s31+$0x8110] =	vst.add.f32.msk $0xffff, v2  }
0x114: {  	v2 =	vld [tilespmem:s28+$0x220];
	_ =	sdelay $0x4  }
0x115: {  	[tilespmem:s31+$0x8120] =	vst.add.f32.msk $0xffff, v2  }
0x116: {  	v2 =	vld [tilespmem:s28+$0x230];
	_ =	sdelay $0x4  }
0x117: {  	[tilespmem:s31+$0x8130] =	vst.add.f32.msk $0xffff, v2  }
0x118: {  	v2 =	vld [tilespmem:s28+$0x240];
	_ =	sdelay $0x4  }
0x119: {  	[tilespmem:s31+$0x8140] =	vst.add.f32.msk $0xffff, v2  }
0x11a: {  	v2 =	vld [tilespmem:s28+$0x250];
	_ =	sdelay $0x4  }
0x11b: {  	[tilespmem:s31+$0x8150] =	vst.add.f32.msk $0xffff, v2  }
0x11c: {  	v2 =	vld [tilespmem:s28+$0x260]  }
0x11d: {  	(v2sf) =	vpush v1, $0xD;
	_ =	sdelay $0x3  }
0x11e: {  	[tilespmem:s31+$0x8160] =	vst.add.f32.msk $0xffff, v2  }
0x11f: {  	v2 =	vld [tilespmem:s28+$0x270];
	_ =	sdelay $0x4  }
0x120: {  	[tilespmem:s31+$0x8170] =	vst.add.f32.msk $0xffff, v2  }
0x121: {  	v2 =	vld [tilespmem:s28+$0x280];
	_ =	sdelay $0x3  }
0x122: {  	s31 =	spop (v2sf)  }
0x123: {  	[tilespmem:s31+$0x8100] =	vst.add.f32.msk $0xffff, v2  }
0x124: {  	v2 =	vld [tilespmem:s28+$0x290];
	_ =	sdelay $0x4  }
0x125: {  	[tilespmem:s31+$0x8110] =	vst.add.f32.msk $0xffff, v2  }
0x126: {  	v2 =	vld [tilespmem:s28+$0x2A0];
	_ =	sdelay $0x4  }
0x127: {  	[tilespmem:s31+$0x8120] =	vst.add.f32.msk $0xffff, v2  }
0x128: {  	v2 =	vld [tilespmem:s28+$0x2B0];
	_ =	sdelay $0x4  }
0x129: {  	[tilespmem:s31+$0x8130] =	vst.add.f32.msk $0xffff, v2  }
0x12a: {  	v2 =	vld [tilespmem:s28+$0x2C0];
	_ =	sdelay $0x4  }
0x12b: {  	[tilespmem:s31+$0x8140] =	vst.add.f32.msk $0xffff, v2  }
0x12c: {  	v2 =	vld [tilespmem:s28+$0x2D0];
	_ =	sdelay $0x4  }
0x12d: {  	[tilespmem:s31+$0x8150] =	vst.add.f32.msk $0xffff, v2  }
0x12e: {  	v2 =	vld [tilespmem:s28+$0x2E0]  }
0x12f: {  	(v2sf) =	vpush v1, $0xE;
	_ =	sdelay $0x3  }
0x130: {  	[tilespmem:s31+$0x8160] =	vst.add.f32.msk $0xffff, v2  }
0x131: {  	v2 =	vld [tilespmem:s28+$0x2F0];
	_ =	sdelay $0x4  }
0x132: {  	[tilespmem:s31+$0x8170] =	vst.add.f32.msk $0xffff, v2  }
0x133: {  	v2 =	vld [tilespmem:s28+$0x300];
	_ =	sdelay $0x3  }
0x134: {  	s31 =	spop (v2sf)  }
0x135: {  	[tilespmem:s31+$0x8100] =	vst.add.f32.msk $0xffff, v2  }
0x136: {  	v2 =	vld [tilespmem:s28+$0x310];
	_ =	sdelay $0x4  }
0x137: {  	[tilespmem:s31+$0x8110] =	vst.add.f32.msk $0xffff, v2  }
0x138: {  	v2 =	vld [tilespmem:s28+$0x320];
	_ =	sdelay $0x4  }
0x139: {  	[tilespmem:s31+$0x8120] =	vst.add.f32.msk $0xffff, v2  }
0x13a: {  	v2 =	vld [tilespmem:s28+$0x330];
	_ =	sdelay $0x4  }
0x13b: {  	[tilespmem:s31+$0x8130] =	vst.add.f32.msk $0xffff, v2  }
0x13c: {  	v2 =	vld [tilespmem:s28+$0x340];
	_ =	sdelay $0x4  }
0x13d: {  	[tilespmem:s31+$0x8140] =	vst.add.f32.msk $0xffff, v2  }
0x13e: {  	v2 =	vld [tilespmem:s28+$0x350];
	_ =	sdelay $0x4  }
0x13f: {  	[tilespmem:s31+$0x8150] =	vst.add.f32.msk $0xffff, v2  }
0x140: {  	v2 =	vld [tilespmem:s28+$0x360]  }
0x141: {  	(v2sf) =	vpush v1, $0xF;
	_ =	sdelay $0x3  }
0x142: {  	[tilespmem:s31+$0x8160] =	vst.add.f32.msk $0xffff, v2  }
0x143: {  	v1 =	vld [tilespmem:s28+$0x370];
	_ =	sdelay $0x4  }
0x144: {  	[tilespmem:s31+$0x8170] =	vst.add.f32.msk $0xffff, v1  }
0x145: {  	v1 =	vld [tilespmem:s28+$0x380];
	_ =	sdelay $0x3  }
0x146: {  	s31 =	spop (v2sf)  }
0x147: {  	[tilespmem:s31+$0x8100] =	vst.add.f32.msk $0xffff, v1  }
0x148: {  	v1 =	vld [tilespmem:s28+$0x390];
	_ =	sdelay $0x4  }
0x149: {  	[tilespmem:s31+$0x8110] =	vst.add.f32.msk $0xffff, v1  }
0x14a: {  	v1 =	vld [tilespmem:s28+$0x3A0];
	_ =	sdelay $0x4  }
0x14b: {  	[tilespmem:s31+$0x8120] =	vst.add.f32.msk $0xffff, v1  }
0x14c: {  	v1 =	vld [tilespmem:s28+$0x3B0];
	_ =	sdelay $0x4  }
0x14d: {  	[tilespmem:s31+$0x8130] =	vst.add.f32.msk $0xffff, v1  }
0x14e: {  	v1 =	vld [tilespmem:s28+$0x3C0];
	_ =	sdelay $0x4  }
0x14f: {  	[tilespmem:s31+$0x8140] =	vst.add.f32.msk $0xffff, v1  }
0x150: {  	v1 =	vld [tilespmem:s28+$0x3D0];
	_ =	sdelay $0x4  }
0x151: {  	[tilespmem:s31+$0x8150] =	vst.add.f32.msk $0xffff, v1  }
0x152: {  	v1 =	vld [tilespmem:s28+$0x3E0];
	_ =	sdelay $0x4  }
0x153: {  	[tilespmem:s31+$0x8160] =	vst.add.f32.msk $0xffff, v1  }
0x154: {  	p0 =	sne.s32 s29, $0x1C0;
	v1 =	vld [tilespmem:s28+$0x3F0]  }
.Ltmp1:
0x155: {  	_ = 	snop;
	(pc) =	sbr.rel @p0 .LBB2_5-.Ltmp1, $2  }
0x156: {  	_ =	sdelay $0x2  }
0x157: {  	s29 =	sadd.s32 $0x40, s29;
	s28 =	sadd.s32 $0x800, s28;
	[tilespmem:s31+$0x8170] =	vst.add.f32.msk $0xffff, v1  }
0x158: {  	p0 =	seq.s32 s25, $0xF  }
0x159: {  	s26 =	sadd.s32 @!p0 s26, s8  }
0x15a: {  	s28 =	sshrl.u32 @!p0 s26, $0x3;
	s26 =	sshll.u32 @!p0 s26, $0x9  }
0x15b: {  	s29 =	simm.s32 @!p0 $0x0;
	s28 =	sadd.s32 @!p0 s2, s28;
	s26 =	sor.u32 @!p0 s4, s26  }
0x15c: {  	[tilespmem:s29], [sflag:$0x1] =	stream.linear.gather @!p0 [hbm4b:s28+s29], $0x80, $0x38;
	[tilespmem:$0x18100] =	vst v63  }
0x15d: {  	s30 =	simm.s32 @!p0 $0x100;
	s26 =	sshrl.u32 @!p0 s26, $0x3  }
0x15e: {  	s28 =	simm.s32 @!p0 $0x400;
	s29 =	simm.s32 @!p0 $0x1000;
	s26 =	sadd.s32 @!p0 s5, s26  }
0x15f: {  	[tilespmem:s30], [sflag:$0x3] =	stream.strided.gather @!p0 [hbm4b:s26+s28], $0x4000, s29, s28, $0x38;
	[tilespmem:$0x18100] =	vst v63  }
0x160: {  	_ =	swait.ge [sflag:s19], $0x80  }
0x161: {  	[sflag:s19] =	ssyncset.done $0x0  }
0x162: {  	[sflag:s19] =	ssyncadd.s32 $0xFFFFFF80  }
0x163: {  	_ =	swait.ge [sflag:s20], $0x4000  }
0x164: {  	[sflag:s20] =	ssyncset.done $0x0  }
0x165: {  	s26 =	simm.s32 $0x0;
	s28 =	simm.s32 $0x4500;
	[sflag:s20] =	ssyncadd.s32 $0xFFFFC000  }
.LBB2_7:
0x166: {  	s29 =	sshra.s32 s26, $0x2  }
0x167: {  	v1 =	vld [tilespmem:s29+$0x80];
	_ =	sdelay $0x4  }
0x168: {  	v1 =	vshll.u32 v1, $0x9  }
0x169: {  	v1 =	vshra.s32 v1, $0x2  }
0x16a: {  	(v2sf) =	vpush v1, $0x0;
	_ =	sdelay $0xa  }
0x16b: {  	v2 =	vld [tilespmem:s28+$0xFFFFFC00];
	_ =	sdelay $0x3  }
0x16c: {  	s30 =	spop (v2sf)  }
0x16d: {  	[tilespmem:s30+$0x8100] =	vst.add.f32.msk $0xffff, v2  }
0x16e: {  	v2 =	vld [tilespmem:s28+$0xFFFFFC10];
	_ =	sdelay $0x4  }
0x16f: {  	[tilespmem:s30+$0x8110] =	vst.add.f32.msk $0xffff, v2  }
0x170: {  	v2 =	vld [tilespmem:s28+$0xFFFFFC20];
	_ =	sdelay $0x4  }
0x171: {  	[tilespmem:s30+$0x8120] =	vst.add.f32.msk $0xffff, v2  }
0x172: {  	v2 =	vld [tilespmem:s28+$0xFFFFFC30];
	_ =	sdelay $0x4  }
0x173: {  	[tilespmem:s30+$0x8130] =	vst.add.f32.msk $0xffff, v2  }
0x174: {  	v2 =	vld [tilespmem:s28+$0xFFFFFC40];
	_ =	sdelay $0x4  }
0x175: {  	[tilespmem:s30+$0x8140] =	vst.add.f32.msk $0xffff, v2  }
0x176: {  	v2 =	vld [tilespmem:s28+$0xFFFFFC50];
	_ =	sdelay $0x4  }
0x177: {  	[tilespmem:s30+$0x8150] =	vst.add.f32.msk $0xffff, v2  }
0x178: {  	v2 =	vld [tilespmem:s28+$0xFFFFFC60]  }
0x179: {  	(v2sf) =	vpush v1, $0x1;
	_ =	sdelay $0x3  }
0x17a: {  	[tilespmem:s30+$0x8160] =	vst.add.f32.msk $0xffff, v2  }
0x17b: {  	v2 =	vld [tilespmem:s28+$0xFFFFFC70];
	_ =	sdelay $0x4  }
0x17c: {  	[tilespmem:s30+$0x8170] =	vst.add.f32.msk $0xffff, v2  }
0x17d: {  	v2 =	vld [tilespmem:s28+$0xFFFFFC80];
	_ =	sdelay $0x3  }
0x17e: {  	s31 =	spop (v2sf)  }
0x17f: {  	[tilespmem:s31+$0x8100] =	vst.add.f32.msk $0xffff, v2  }
0x180: {  	v2 =	vld [tilespmem:s28+$0xFFFFFC90];
	_ =	sdelay $0x4  }
0x181: {  	[tilespmem:s31+$0x8110] =	vst.add.f32.msk $0xffff, v2  }
0x182: {  	v2 =	vld [tilespmem:s28+$0xFFFFFCA0];
	_ =	sdelay $0x4  }
0x183: {  	[tilespmem:s31+$0x8120] =	vst.add.f32.msk $0xffff, v2  }
0x184: {  	v2 =	vld [tilespmem:s28+$0xFFFFFCB0];
	_ =	sdelay $0x4  }
0x185: {  	[tilespmem:s31+$0x8130] =	vst.add.f32.msk $0xffff, v2  }
0x186: {  	v2 =	vld [tilespmem:s28+$0xFFFFFCC0];
	_ =	sdelay $0x4  }
0x187: {  	[tilespmem:s31+$0x8140] =	vst.add.f32.msk $0xffff, v2  }
0x188: {  	v2 =	vld [tilespmem:s28+$0xFFFFFCD0];
	_ =	sdelay $0x4  }
0x189: {  	[tilespmem:s31+$0x8150] =	vst.add.f32.msk $0xffff, v2  }
0x18a: {  	v2 =	vld [tilespmem:s28+$0xFFFFFCE0]  }
0x18b: {  	(v2sf) =	vpush v1, $0x2;
	_ =	sdelay $0x3  }
0x18c: {  	[tilespmem:s31+$0x8160] =	vst.add.f32.msk $0xffff, v2  }
0x18d: {  	v2 =	vld [tilespmem:s28+$0xFFFFFCF0];
	_ =	sdelay $0x4  }
0x18e: {  	[tilespmem:s31+$0x8170] =	vst.add.f32.msk $0xffff, v2  }
0x18f: {  	v2 =	vld [tilespmem:s28+$0xFFFFFD00];
	_ =	sdelay $0x3  }
0x190: {  	s30 =	spop (v2sf)  }
0x191: {  	[tilespmem:s30+$0x8100] =	vst.add.f32.msk $0xffff, v2  }
0x192: {  	v2 =	vld [tilespmem:s28+$0xFFFFFD10];
	_ =	sdelay $0x4  }
0x193: {  	[tilespmem:s30+$0x8110] =	vst.add.f32.msk $0xffff, v2  }
0x194: {  	v2 =	vld [tilespmem:s28+$0xFFFFFD20];
	_ =	sdelay $0x4  }
0x195: {  	[tilespmem:s30+$0x8120] =	vst.add.f32.msk $0xffff, v2  }
0x196: {  	v2 =	vld [tilespmem:s28+$0xFFFFFD30];
	_ =	sdelay $0x4  }
0x197: {  	[tilespmem:s30+$0x8130] =	vst.add.f32.msk $0xffff, v2  }
0x198: {  	v2 =	vld [tilespmem:s28+$0xFFFFFD40];
	_ =	sdelay $0x4  }
0x199: {  	[tilespmem:s30+$0x8140] =	vst.add.f32.msk $0xffff, v2  }
0x19a: {  	v2 =	vld [tilespmem:s28+$0xFFFFFD50];
	_ =	sdelay $0x4  }
0x19b: {  	[tilespmem:s30+$0x8150] =	vst.add.f32.msk $0xffff, v2  }
0x19c: {  	v2 =	vld [tilespmem:s28+$0xFFFFFD60]  }
0x19d: {  	(v2sf) =	vpush v1, $0x3;
	_ =	sdelay $0x3  }
0x19e: {  	[tilespmem:s30+$0x8160] =	vst.add.f32.msk $0xffff, v2  }
0x19f: {  	v2 =	vld [tilespmem:s28+$0xFFFFFD70];
	_ =	sdelay $0x4  }
0x1a0: {  	[tilespmem:s30+$0x8170] =	vst.add.f32.msk $0xffff, v2  }
0x1a1: {  	v2 =	vld [tilespmem:s28+$0xFFFFFD80];
	_ =	sdelay $0x3  }
0x1a2: {  	s31 =	spop (v2sf)  }
0x1a3: {  	[tilespmem:s31+$0x8100] =	vst.add.f32.msk $0xffff, v2  }
0x1a4: {  	v2 =	vld [tilespmem:s28+$0xFFFFFD90];
	_ =	sdelay $0x4  }
0x1a5: {  	[tilespmem:s31+$0x8110] =	vst.add.f32.msk $0xffff, v2  }
0x1a6: {  	v2 =	vld [tilespmem:s28+$0xFFFFFDA0];
	_ =	sdelay $0x4  }
0x1a7: {  	[tilespmem:s31+$0x8120] =	vst.add.f32.msk $0xffff, v2  }
0x1a8: {  	v2 =	vld [tilespmem:s28+$0xFFFFFDB0];
	_ =	sdelay $0x4  }
0x1a9: {  	[tilespmem:s31+$0x8130] =	vst.add.f32.msk $0xffff, v2  }
0x1aa: {  	v2 =	vld [tilespmem:s28+$0xFFFFFDC0];
	_ =	sdelay $0x4  }
0x1ab: {  	[tilespmem:s31+$0x8140] =	vst.add.f32.msk $0xffff, v2  }
0x1ac: {  	v2 =	vld [tilespmem:s28+$0xFFFFFDD0];
	_ =	sdelay $0x4  }
0x1ad: {  	[tilespmem:s31+$0x8150] =	vst.add.f32.msk $0xffff, v2  }
0x1ae: {  	v2 =	vld [tilespmem:s28+$0xFFFFFDE0]  }
0x1af: {  	(v2sf) =	vpush v1, $0x4;
	_ =	sdelay $0x3  }
0x1b0: {  	[tilespmem:s31+$0x8160] =	vst.add.f32.msk $0xffff, v2  }
0x1b1: {  	v2 =	vld [tilespmem:s28+$0xFFFFFDF0];
	_ =	sdelay $0x4  }
0x1b2: {  	[tilespmem:s31+$0x8170] =	vst.add.f32.msk $0xffff, v2  }
0x1b3: {  	v2 =	vld [tilespmem:s28+$0xFFFFFE00];
	_ =	sdelay $0x3  }
0x1b4: {  	s30 =	spop (v2sf)  }
0x1b5: {  	[tilespmem:s30+$0x8100] =	vst.add.f32.msk $0xffff, v2  }
0x1b6: {  	v2 =	vld [tilespmem:s28+$0xFFFFFE10];
	_ =	sdelay $0x4  }
0x1b7: {  	[tilespmem:s30+$0x8110] =	vst.add.f32.msk $0xffff, v2  }
0x1b8: {  	v2 =	vld [tilespmem:s28+$0xFFFFFE20];
	_ =	sdelay $0x4  }
0x1b9: {  	[tilespmem:s30+$0x8120] =	vst.add.f32.msk $0xffff, v2  }
0x1ba: {  	v2 =	vld [tilespmem:s28+$0xFFFFFE30];
	_ =	sdelay $0x4  }
0x1bb: {  	[tilespmem:s30+$0x8130] =	vst.add.f32.msk $0xffff, v2  }
0x1bc: {  	v2 =	vld [tilespmem:s28+$0xFFFFFE40];
	_ =	sdelay $0x4  }
0x1bd: {  	[tilespmem:s30+$0x8140] =	vst.add.f32.msk $0xffff, v2  }
0x1be: {  	v2 =	vld [tilespmem:s28+$0xFFFFFE50];
	_ =	sdelay $0x4  }
0x1bf: {  	[tilespmem:s30+$0x8150] =	vst.add.f32.msk $0xffff, v2  }
0x1c0: {  	v2 =	vld [tilespmem:s28+$0xFFFFFE60]  }
0x1c1: {  	(v2sf) =	vpush v1, $0x5;
	_ =	sdelay $0x3  }
0x1c2: {  	[tilespmem:s30+$0x8160] =	vst.add.f32.msk $0xffff, v2  }
0x1c3: {  	v2 =	vld [tilespmem:s28+$0xFFFFFE70];
	_ =	sdelay $0x4  }
0x1c4: {  	[tilespmem:s30+$0x8170] =	vst.add.f32.msk $0xffff, v2  }
0x1c5: {  	v2 =	vld [tilespmem:s28+$0xFFFFFE80];
	_ =	sdelay $0x3  }
0x1c6: {  	s31 =	spop (v2sf)  }
0x1c7: {  	[tilespmem:s31+$0x8100] =	vst.add.f32.msk $0xffff, v2  }
0x1c8: {  	v2 =	vld [tilespmem:s28+$0xFFFFFE90];
	_ =	sdelay $0x4  }
0x1c9: {  	[tilespmem:s31+$0x8110] =	vst.add.f32.msk $0xffff, v2  }
0x1ca: {  	v2 =	vld [tilespmem:s28+$0xFFFFFEA0];
	_ =	sdelay $0x4  }
0x1cb: {  	[tilespmem:s31+$0x8120] =	vst.add.f32.msk $0xffff, v2  }
0x1cc: {  	v2 =	vld [tilespmem:s28+$0xFFFFFEB0];
	_ =	sdelay $0x4  }
0x1cd: {  	[tilespmem:s31+$0x8130] =	vst.add.f32.msk $0xffff, v2  }
0x1ce: {  	v2 =	vld [tilespmem:s28+$0xFFFFFEC0];
	_ =	sdelay $0x4  }
0x1cf: {  	[tilespmem:s31+$0x8140] =	vst.add.f32.msk $0xffff, v2  }
0x1d0: {  	v2 =	vld [tilespmem:s28+$0xFFFFFED0];
	_ =	sdelay $0x4  }
0x1d1: {  	[tilespmem:s31+$0x8150] =	vst.add.f32.msk $0xffff, v2  }
0x1d2: {  	v2 =	vld [tilespmem:s28+$0xFFFFFEE0]  }
0x1d3: {  	(v2sf) =	vpush v1, $0x6;
	_ =	sdelay $0x3  }
0x1d4: {  	[tilespmem:s31+$0x8160] =	vst.add.f32.msk $0xffff, v2  }
0x1d5: {  	v2 =	vld [tilespmem:s28+$0xFFFFFEF0];
	_ =	sdelay $0x4  }
0x1d6: {  	[tilespmem:s31+$0x8170] =	vst.add.f32.msk $0xffff, v2  }
0x1d7: {  	v2 =	vld [tilespmem:s28+$0xFFFFFF00];
	_ =	sdelay $0x3  }
0x1d8: {  	s30 =	spop (v2sf)  }
0x1d9: {  	[tilespmem:s30+$0x8100] =	vst.add.f32.msk $0xffff, v2  }
0x1da: {  	v2 =	vld [tilespmem:s28+$0xFFFFFF10];
	_ =	sdelay $0x4  }
0x1db: {  	[tilespmem:s30+$0x8110] =	vst.add.f32.msk $0xffff, v2  }
0x1dc: {  	v2 =	vld [tilespmem:s28+$0xFFFFFF20];
	_ =	sdelay $0x4  }
0x1dd: {  	[tilespmem:s30+$0x8120] =	vst.add.f32.msk $0xffff, v2  }
0x1de: {  	v2 =	vld [tilespmem:s28+$0xFFFFFF30];
	_ =	sdelay $0x4  }
0x1df: {  	[tilespmem:s30+$0x8130] =	vst.add.f32.msk $0xffff, v2  }
0x1e0: {  	v2 =	vld [tilespmem:s28+$0xFFFFFF40];
	_ =	sdelay $0x4  }
0x1e1: {  	[tilespmem:s30+$0x8140] =	vst.add.f32.msk $0xffff, v2  }
0x1e2: {  	v2 =	vld [tilespmem:s28+$0xFFFFFF50];
	_ =	sdelay $0x4  }
0x1e3: {  	[tilespmem:s30+$0x8150] =	vst.add.f32.msk $0xffff, v2  }
0x1e4: {  	v2 =	vld [tilespmem:s28+$0xFFFFFF60]  }
0x1e5: {  	(v2sf) =	vpush v1, $0x7;
	_ =	sdelay $0x3  }
0x1e6: {  	[tilespmem:s30+$0x8160] =	vst.add.f32.msk $0xffff, v2  }
0x1e7: {  	v2 =	vld [tilespmem:s28+$0xFFFFFF70];
	_ =	sdelay $0x4  }
0x1e8: {  	[tilespmem:s30+$0x8170] =	vst.add.f32.msk $0xffff, v2  }
0x1e9: {  	v2 =	vld [tilespmem:s28+$0xFFFFFF80];
	_ =	sdelay $0x3  }
0x1ea: {  	s31 =	spop (v2sf)  }
0x1eb: {  	[tilespmem:s31+$0x8100] =	vst.add.f32.msk $0xffff, v2  }
0x1ec: {  	v2 =	vld [tilespmem:s28+$0xFFFFFF90];
	_ =	sdelay $0x4  }
0x1ed: {  	[tilespmem:s31+$0x8110] =	vst.add.f32.msk $0xffff, v2  }
0x1ee: {  	v2 =	vld [tilespmem:s28+$0xFFFFFFA0];
	_ =	sdelay $0x4  }
0x1ef: {  	[tilespmem:s31+$0x8120] =	vst.add.f32.msk $0xffff, v2  }
0x1f0: {  	v2 =	vld [tilespmem:s28+$0xFFFFFFB0];
	_ =	sdelay $0x4  }
0x1f1: {  	[tilespmem:s31+$0x8130] =	vst.add.f32.msk $0xffff, v2  }
0x1f2: {  	v2 =	vld [tilespmem:s28+$0xFFFFFFC0];
	_ =	sdelay $0x4  }
0x1f3: {  	[tilespmem:s31+$0x8140] =	vst.add.f32.msk $0xffff, v2  }
0x1f4: {  	v2 =	vld [tilespmem:s28+$0xFFFFFFD0];
	_ =	sdelay $0x4  }
0x1f5: {  	[tilespmem:s31+$0x8150] =	vst.add.f32.msk $0xffff, v2  }
0x1f6: {  	v2 =	vld [tilespmem:s28+$0xFFFFFFE0]  }
0x1f7: {  	(v2sf) =	vpush v1, $0x8;
	_ =	sdelay $0x3  }
0x1f8: {  	[tilespmem:s31+$0x8160] =	vst.add.f32.msk $0xffff, v2  }
0x1f9: {  	v2 =	vld [tilespmem:s28+$0xFFFFFFF0];
	_ =	sdelay $0x4  }
0x1fa: {  	[tilespmem:s31+$0x8170] =	vst.add.f32.msk $0xffff, v2  }
0x1fb: {  	v2 =	vld [tilespmem:s28+$0x0];
	_ =	sdelay $0x3  }
0x1fc: {  	s30 =	spop (v2sf)  }
0x1fd: {  	[tilespmem:s30+$0x8100] =	vst.add.f32.msk $0xffff, v2  }
0x1fe: {  	v2 =	vld [tilespmem:s28+$0x10];
	_ =	sdelay $0x4  }
0x1ff: {  	[tilespmem:s30+$0x8110] =	vst.add.f32.msk $0xffff, v2  }
0x200: {  	v2 =	vld [tilespmem:s28+$0x20];
	_ =	sdelay $0x4  }
0x201: {  	[tilespmem:s30+$0x8120] =	vst.add.f32.msk $0xffff, v2  }
0x202: {  	v2 =	vld [tilespmem:s28+$0x30];
	_ =	sdelay $0x4  }
0x203: {  	[tilespmem:s30+$0x8130] =	vst.add.f32.msk $0xffff, v2  }
0x204: {  	v2 =	vld [tilespmem:s28+$0x40];
	_ =	sdelay $0x4  }
0x205: {  	[tilespmem:s30+$0x8140] =	vst.add.f32.msk $0xffff, v2  }
0x206: {  	v2 =	vld [tilespmem:s28+$0x50];
	_ =	sdelay $0x4  }
0x207: {  	[tilespmem:s30+$0x8150] =	vst.add.f32.msk $0xffff, v2  }
0x208: {  	v2 =	vld [tilespmem:s28+$0x60]  }
0x209: {  	(v2sf) =	vpush v1, $0x9;
	_ =	sdelay $0x3  }
0x20a: {  	[tilespmem:s30+$0x8160] =	vst.add.f32.msk $0xffff, v2  }
0x20b: {  	v2 =	vld [tilespmem:s28+$0x70];
	_ =	sdelay $0x4  }
0x20c: {  	[tilespmem:s30+$0x8170] =	vst.add.f32.msk $0xffff, v2  }
0x20d: {  	v2 =	vld [tilespmem:s28+$0x80];
	_ =	sdelay $0x3  }
0x20e: {  	s31 =	spop (v2sf)  }
0x20f: {  	[tilespmem:s31+$0x8100] =	vst.add.f32.msk $0xffff, v2  }
0x210: {  	v2 =	vld [tilespmem:s28+$0x90];
	_ =	sdelay $0x4  }
0x211: {  	[tilespmem:s31+$0x8110] =	vst.add.f32.msk $0xffff, v2  }
0x212: {  	v2 =	vld [tilespmem:s28+$0xA0];
	_ =	sdelay $0x4  }
0x213: {  	[tilespmem:s31+$0x8120] =	vst.add.f32.msk $0xffff, v2  }
0x214: {  	v2 =	vld [tilespmem:s28+$0xB0];
	_ =	sdelay $0x4  }
0x215: {  	[tilespmem:s31+$0x8130] =	vst.add.f32.msk $0xffff, v2  }
0x216: {  	v2 =	vld [tilespmem:s28+$0xC0];
	_ =	sdelay $0x4  }
0x217: {  	[tilespmem:s31+$0x8140] =	vst.add.f32.msk $0xffff, v2  }
0x218: {  	v2 =	vld [tilespmem:s28+$0xD0];
	_ =	sdelay $0x4  }
0x219: {  	[tilespmem:s31+$0x8150] =	vst.add.f32.msk $0xffff, v2  }
0x21a: {  	v2 =	vld [tilespmem:s28+$0xE0]  }
0x21b: {  	(v2sf) =	vpush v1, $0xA;
	_ =	sdelay $0x3  }
0x21c: {  	[tilespmem:s31+$0x8160] =	vst.add.f32.msk $0xffff, v2  }
0x21d: {  	v2 =	vld [tilespmem:s28+$0xF0];
	_ =	sdelay $0x4  }
0x21e: {  	[tilespmem:s31+$0x8170] =	vst.add.f32.msk $0xffff, v2  }
0x21f: {  	v2 =	vld [tilespmem:s28+$0x100];
	_ =	sdelay $0x3  }
0x220: {  	s30 =	spop (v2sf)  }
0x221: {  	[tilespmem:s30+$0x8100] =	vst.add.f32.msk $0xffff, v2  }
0x222: {  	v2 =	vld [tilespmem:s28+$0x110];
	_ =	sdelay $0x4  }
0x223: {  	[tilespmem:s30+$0x8110] =	vst.add.f32.msk $0xffff, v2  }
0x224: {  	v2 =	vld [tilespmem:s28+$0x120];
	_ =	sdelay $0x4  }
0x225: {  	[tilespmem:s30+$0x8120] =	vst.add.f32.msk $0xffff, v2  }
0x226: {  	v2 =	vld [tilespmem:s28+$0x130];
	_ =	sdelay $0x4  }
0x227: {  	[tilespmem:s30+$0x8130] =	vst.add.f32.msk $0xffff, v2  }
0x228: {  	v2 =	vld [tilespmem:s28+$0x140];
	_ =	sdelay $0x4  }
0x229: {  	[tilespmem:s30+$0x8140] =	vst.add.f32.msk $0xffff, v2  }
0x22a: {  	v2 =	vld [tilespmem:s28+$0x150];
	_ =	sdelay $0x4  }
0x22b: {  	[tilespmem:s30+$0x8150] =	vst.add.f32.msk $0xffff, v2  }
0x22c: {  	v2 =	vld [tilespmem:s28+$0x160]  }
0x22d: {  	(v2sf) =	vpush v1, $0xB;
	_ =	sdelay $0x3  }
0x22e: {  	[tilespmem:s30+$0x8160] =	vst.add.f32.msk $0xffff, v2  }
0x22f: {  	v2 =	vld [tilespmem:s28+$0x170];
	_ =	sdelay $0x4  }
0x230: {  	[tilespmem:s30+$0x8170] =	vst.add.f32.msk $0xffff, v2  }
0x231: {  	v2 =	vld [tilespmem:s28+$0x180];
	_ =	sdelay $0x3  }
0x232: {  	s31 =	spop (v2sf)  }
0x233: {  	[tilespmem:s31+$0x8100] =	vst.add.f32.msk $0xffff, v2  }
0x234: {  	v2 =	vld [tilespmem:s28+$0x190];
	_ =	sdelay $0x4  }
0x235: {  	[tilespmem:s31+$0x8110] =	vst.add.f32.msk $0xffff, v2  }
0x236: {  	v2 =	vld [tilespmem:s28+$0x1A0];
	_ =	sdelay $0x4  }
0x237: {  	[tilespmem:s31+$0x8120] =	vst.add.f32.msk $0xffff, v2  }
0x238: {  	v2 =	vld [tilespmem:s28+$0x1B0];
	_ =	sdelay $0x4  }
0x239: {  	[tilespmem:s31+$0x8130] =	vst.add.f32.msk $0xffff, v2  }
0x23a: {  	v2 =	vld [tilespmem:s28+$0x1C0];
	_ =	sdelay $0x4  }
0x23b: {  	[tilespmem:s31+$0x8140] =	vst.add.f32.msk $0xffff, v2  }
0x23c: {  	v2 =	vld [tilespmem:s28+$0x1D0];
	_ =	sdelay $0x4  }
0x23d: {  	[tilespmem:s31+$0x8150] =	vst.add.f32.msk $0xffff, v2  }
0x23e: {  	v2 =	vld [tilespmem:s28+$0x1E0]  }
0x23f: {  	(v2sf) =	vpush v1, $0xC;
	_ =	sdelay $0x3  }
0x240: {  	[tilespmem:s31+$0x8160] =	vst.add.f32.msk $0xffff, v2  }
0x241: {  	v2 =	vld [tilespmem:s28+$0x1F0];
	_ =	sdelay $0x4  }
0x242: {  	[tilespmem:s31+$0x8170] =	vst.add.f32.msk $0xffff, v2  }
0x243: {  	v2 =	vld [tilespmem:s28+$0x200];
	_ =	sdelay $0x3  }
0x244: {  	s30 =	spop (v2sf)  }
0x245: {  	[tilespmem:s30+$0x8100] =	vst.add.f32.msk $0xffff, v2  }
0x246: {  	v2 =	vld [tilespmem:s28+$0x210];
	_ =	sdelay $0x4  }
0x247: {  	[tilespmem:s30+$0x8110] =	vst.add.f32.msk $0xffff, v2  }
0x248: {  	v2 =	vld [tilespmem:s28+$0x220];
	_ =	sdelay $0x4  }
0x249: {  	[tilespmem:s30+$0x8120] =	vst.add.f32.msk $0xffff, v2  }
0x24a: {  	v2 =	vld [tilespmem:s28+$0x230];
	_ =	sdelay $0x4  }
0x24b: {  	[tilespmem:s30+$0x8130] =	vst.add.f32.msk $0xffff, v2  }
0x24c: {  	v2 =	vld [tilespmem:s28+$0x240];
	_ =	sdelay $0x4  }
0x24d: {  	[tilespmem:s30+$0x8140] =	vst.add.f32.msk $0xffff, v2  }
0x24e: {  	v2 =	vld [tilespmem:s28+$0x250];
	_ =	sdelay $0x4  }
0x24f: {  	[tilespmem:s30+$0x8150] =	vst.add.f32.msk $0xffff, v2  }
0x250: {  	v2 =	vld [tilespmem:s28+$0x260]  }
0x251: {  	(v2sf) =	vpush v1, $0xD;
	_ =	sdelay $0x3  }
0x252: {  	[tilespmem:s30+$0x8160] =	vst.add.f32.msk $0xffff, v2  }
0x253: {  	v2 =	vld [tilespmem:s28+$0x270];
	_ =	sdelay $0x4  }
0x254: {  	[tilespmem:s30+$0x8170] =	vst.add.f32.msk $0xffff, v2  }
0x255: {  	v2 =	vld [tilespmem:s28+$0x280];
	_ =	sdelay $0x3  }
0x256: {  	s31 =	spop (v2sf)  }
0x257: {  	[tilespmem:s31+$0x8100] =	vst.add.f32.msk $0xffff, v2  }
0x258: {  	v2 =	vld [tilespmem:s28+$0x290];
	_ =	sdelay $0x4  }
0x259: {  	[tilespmem:s31+$0x8110] =	vst.add.f32.msk $0xffff, v2  }
0x25a: {  	v2 =	vld [tilespmem:s28+$0x2A0];
	_ =	sdelay $0x4  }
0x25b: {  	[tilespmem:s31+$0x8120] =	vst.add.f32.msk $0xffff, v2  }
0x25c: {  	v2 =	vld [tilespmem:s28+$0x2B0];
	_ =	sdelay $0x4  }
0x25d: {  	[tilespmem:s31+$0x8130] =	vst.add.f32.msk $0xffff, v2  }
0x25e: {  	v2 =	vld [tilespmem:s28+$0x2C0];
	_ =	sdelay $0x4  }
0x25f: {  	[tilespmem:s31+$0x8140] =	vst.add.f32.msk $0xffff, v2  }
0x260: {  	v2 =	vld [tilespmem:s28+$0x2D0];
	_ =	sdelay $0x4  }
0x261: {  	[tilespmem:s31+$0x8150] =	vst.add.f32.msk $0xffff, v2  }
0x262: {  	v2 =	vld [tilespmem:s28+$0x2E0]  }
0x263: {  	(v2sf) =	vpush v1, $0xE;
	_ =	sdelay $0x3  }
0x264: {  	[tilespmem:s31+$0x8160] =	vst.add.f32.msk $0xffff, v2  }
0x265: {  	v2 =	vld [tilespmem:s28+$0x2F0];
	_ =	sdelay $0x4  }
0x266: {  	[tilespmem:s31+$0x8170] =	vst.add.f32.msk $0xffff, v2  }
0x267: {  	v2 =	vld [tilespmem:s28+$0x300];
	_ =	sdelay $0x3  }
0x268: {  	s30 =	spop (v2sf)  }
0x269: {  	[tilespmem:s30+$0x8100] =	vst.add.f32.msk $0xffff, v2  }
0x26a: {  	v2 =	vld [tilespmem:s28+$0x310];
	_ =	sdelay $0x4  }
0x26b: {  	[tilespmem:s30+$0x8110] =	vst.add.f32.msk $0xffff, v2  }
0x26c: {  	v2 =	vld [tilespmem:s28+$0x320];
	_ =	sdelay $0x4  }
0x26d: {  	[tilespmem:s30+$0x8120] =	vst.add.f32.msk $0xffff, v2  }
0x26e: {  	v2 =	vld [tilespmem:s28+$0x330];
	_ =	sdelay $0x4  }
0x26f: {  	[tilespmem:s30+$0x8130] =	vst.add.f32.msk $0xffff, v2  }
0x270: {  	v2 =	vld [tilespmem:s28+$0x340];
	_ =	sdelay $0x4  }
0x271: {  	[tilespmem:s30+$0x8140] =	vst.add.f32.msk $0xffff, v2  }
0x272: {  	v2 =	vld [tilespmem:s28+$0x350];
	_ =	sdelay $0x4  }
0x273: {  	[tilespmem:s30+$0x8150] =	vst.add.f32.msk $0xffff, v2  }
0x274: {  	v2 =	vld [tilespmem:s28+$0x360]  }
0x275: {  	(v2sf) =	vpush v1, $0xF;
	_ =	sdelay $0x3  }
0x276: {  	[tilespmem:s30+$0x8160] =	vst.add.f32.msk $0xffff, v2  }
0x277: {  	v1 =	vld [tilespmem:s28+$0x370];
	_ =	sdelay $0x4  }
0x278: {  	[tilespmem:s30+$0x8170] =	vst.add.f32.msk $0xffff, v1  }
0x279: {  	v1 =	vld [tilespmem:s28+$0x380];
	_ =	sdelay $0x3  }
0x27a: {  	s31 =	spop (v2sf)  }
0x27b: {  	[tilespmem:s31+$0x8100] =	vst.add.f32.msk $0xffff, v1  }
0x27c: {  	v1 =	vld [tilespmem:s28+$0x390];
	_ =	sdelay $0x4  }
0x27d: {  	[tilespmem:s31+$0x8110] =	vst.add.f32.msk $0xffff, v1  }
0x27e: {  	v1 =	vld [tilespmem:s28+$0x3A0];
	_ =	sdelay $0x4  }
0x27f: {  	[tilespmem:s31+$0x8120] =	vst.add.f32.msk $0xffff, v1  }
0x280: {  	v1 =	vld [tilespmem:s28+$0x3B0];
	_ =	sdelay $0x4  }
0x281: {  	[tilespmem:s31+$0x8130] =	vst.add.f32.msk $0xffff, v1  }
0x282: {  	v1 =	vld [tilespmem:s28+$0x3C0];
	_ =	sdelay $0x4  }
0x283: {  	[tilespmem:s31+$0x8140] =	vst.add.f32.msk $0xffff, v1  }
0x284: {  	v1 =	vld [tilespmem:s28+$0x3D0];
	_ =	sdelay $0x4  }
0x285: {  	[tilespmem:s31+$0x8150] =	vst.add.f32.msk $0xffff, v1  }
0x286: {  	v1 =	vld [tilespmem:s28+$0x3E0];
	_ =	sdelay $0x4  }
0x287: {  	[tilespmem:s31+$0x8160] =	vst.add.f32.msk $0xffff, v1  }
0x288: {  	p0 =	sne.s32 s26, $0x1C0;
	v1 =	vld [tilespmem:s28+$0x3F0]  }
.Ltmp2:
0x289: {  	_ = 	snop;
	(pc) =	sbr.rel @p0 .LBB2_7-.Ltmp2, $2  }
0x28a: {  	_ =	sdelay $0x2  }
0x28b: {  	s26 =	sadd.s32 $0x40, s26;
	s28 =	sadd.s32 $0x800, s28;
	[tilespmem:s31+$0x8170] =	vst.add.f32.msk $0xffff, v1  }
0x28c: {  	s25 =	sadd.s32 $0x1, s25  }
0x28d: {  	p0 =	sne.s32 s25, $0x10  }
.Ltmp3:
0x28e: {  	_ = 	snop;
	(pc) =	sbr.rel @p0 .LBB2_4-.Ltmp3, $1  }
0x28f: {  	_ =	sdelay $0x3  }
0x290: {  	s23 =	sadd.s32 $0x1, s23  }
0x291: {  	p0 =	sne.s32 s23, s10  }
.Ltmp4:
0x292: {  	_ = 	snop;
	(pc) =	sbr.rel @p0 .LBB2_1-.Ltmp4, $4  }
0x293: {  	[hbm4b:s9+s12] =	stream.strided.scatter [tilespmem:s21], [sflag:$0x5], $0x10000, s13, s12, $0x38;
	[tilespmem:$0x18100] =	vst v63  }
0x294: {  	_ =	swait.ge [sflag:s22], $0x10000  }
0x295: {  	[sflag:s22] =	ssyncset.done $0x0  }
0x296: {  	[sflag:s22] =	ssyncadd.s32 $0xFFFF0000  }
0x297: {  	_ =	sfence.sel $0x180000  }
0x298: {  	[bflag:$0x0] =	sbarrier.arrive $0xFFFF  }
0x299: {  	p0 =	sne.s32 s1, $0x0;
	_ =	strace $0x90000047  }
0x29a: {  	s0 =	sadd.s32 @!p0 $0x100000, s0;
	[bflag:$0x2] =	sbarrier.arrive $0xFFFF  }
0x29b: {  	[sflag:s0] =	ssyncadd.tile.s32 @!p0 $0x1;
	_ =	shalt  }
.Lfunc_end2:
_tile_overlayer_lowered:
.L_overlay_start_2:
0x29c: {  	(tag) =	ssettag $0x2  }
0x29d: {  	s0 =	rddreg [dreg:$0x0];
	s2 =	stileid.u32  }
0x29e: {  	s1 =	rddreg [dreg:$0x1];
	p0 =	sne.s32 s2, $0x0  }
0x29f: {  	s3 =	rddreg [dreg:$0x2];
	[bflag:$0x3] =	sbarrier.arrive $0xFFFF;
	s2 =	simm.s32 @!p0 $0x1C05  }
0x2a0: {  	[timem:s3], [sflag:s2] =	dma.local @!p0 [hbm:s0], s1  }
0x2a1: {  	s0 =	simm.s32 @!p0 $0x5  }
0x2a2: {  	_ =	swait.ge @!p0 [sflag:s0], s1  }
0x2a3: {  	s1 =	ssub.s32 @!p0 $0x0, s1;
	[sflag:s0] =	ssyncset.done @!p0 $0x0  }
0x2a4: {  	[sflag:s0] =	ssyncadd.s32 @!p0 s1  }
0x2a5: {  	[bflag:$0x3] =	sbarrier.arrive $0xFFFF  }
0x2a6: {  	_ =	shalt  }

</sc_bundles>
